<compile_context>
chip_gen: v7x
topology: tpu7x:2x2x1
jax: 0.10.2.dev20260603
libtpu: 0.0.44.dev20260713+nightly
codegen_flags: <defaults>
</compile_context>

<pallas_src>
import functools

import jax
import jax.numpy as jnp
from jax import lax
from jax.experimental import pallas as pl
from jax.experimental.pallas import tpu as pltpu
from jax.experimental.pallas import tpu_sc as plsc

N = 10000
E = 160000
D = 256
DH = D // 2

NC = 2
NS = 16
CHUNK = 128

N_PAD = 10240
ROWS_PER_TILE = N_PAD // NS
ROW_CHUNKS = ROWS_PER_TILE // CHUNK

E_PAD = 163840
NCHUNKS = E_PAD // CHUNK
CHUNKS_PER_TILE = NCHUNKS // NS
DEG_CHUNKS_PER_TILE = NCHUNKS // (NC * NS)

R = 1024
GRID = N_PAD // R

_mesh = plsc.VectorSubcoreMesh(core_axis_name="c", subcore_axis_name="s")


@functools.partial(
    pl.kernel,
    out_type=jax.ShapeDtypeStruct((NC * NS, N_PAD), jnp.float32),
    mesh=_mesh,
    scratch_types=[
        pltpu.VMEM((DEG_CHUNKS_PER_TILE, CHUNK), jnp.int32),
        pltpu.VMEM((N_PAD,), jnp.float32),
    ],
    compiler_params=pltpu.CompilerParams(needs_layout_passes=False),
)
def _sc_degree(dst_hbm, out_hbm, idx_v, hist_v):
    c = lax.axis_index("c")
    s = lax.axis_index("s")
    wid = c * NS + s

    pltpu.sync_copy(dst_hbm.at[pl.ds(wid * DEG_CHUNKS_PER_TILE, DEG_CHUNKS_PER_TILE)], idx_v)

    zeros16 = jnp.zeros((16,), jnp.float32)

    def zbody(i, carry):
        for v in range(8):
            hist_v[pl.ds((i * 8 + v) * 16, 16)] = zeros16
        return carry

    lax.fori_loop(0, N_PAD // 128, zbody, 0)

    ones16 = jnp.full((16,), 1.0, jnp.float32)

    def body(j, carry):
        for v in range(8):
            idx = idx_v[j, pl.ds(v * 16, 16)]
            plsc.addupdate_scatter(hist_v, [idx], ones16)
        return carry

    lax.fori_loop(0, DEG_CHUNKS_PER_TILE, body, 0)

    pltpu.sync_copy(hist_v, out_hbm.at[wid])


GC = 40
GROUPS = CHUNKS_PER_TILE // GC
GPAIRS = GC // 2


@functools.partial(
    pl.kernel,
    out_type=jax.ShapeDtypeStruct((NC * N_PAD, DH), jnp.float32),
    mesh=_mesh,
    scratch_types=[
        pltpu.VMEM((GC, CHUNK), jnp.int32),
        pltpu.VMEM((GC, CHUNK), jnp.int32),
        pltpu.VMEM((2, CHUNK, DH), jnp.float32),
        pltpu.VMEM_SHARED((N_PAD, DH), jnp.float32),
        pltpu.SemaphoreType.DMA,
        pltpu.SemaphoreType.DMA,
    ],
    compiler_params=pltpu.CompilerParams(needs_layout_passes=False),
)
def _sc_propagate(p_hbm, src_hbm, dst_hbm, out_hbm,
                  src_v, dst_v, gbuf, acc, sem0, sem1):
    c = lax.axis_index("c")
    s = lax.axis_index("s")
    base_chunk = s * CHUNKS_PER_TILE

    zeros16 = jnp.zeros((16,), jnp.float32)

    def zbody(i, carry):
        for v in range(8):
            gbuf[0, i, pl.ds(v * 16, 16)] = zeros16
        return carry

    lax.fori_loop(0, CHUNK, zbody, 0)
    for k in range(ROW_CHUNKS):
        pltpu.sync_copy(gbuf.at[0], acc.at[pl.ds(s * ROWS_PER_TILE + k * CHUNK, CHUNK)])
    plsc.subcore_barrier()

    for g in range(GROUPS):
        pltpu.sync_copy(src_hbm.at[c, pl.ds(base_chunk + g * GC, GC)], src_v)
        pltpu.sync_copy(dst_hbm.at[pl.ds(base_chunk + g * GC, GC)], dst_v)
        pltpu.async_copy(p_hbm.at[src_v.at[0]], gbuf.at[0], sem0)

        def body(jj, carry):
            j0 = 2 * jj
            j1 = j0 + 1
            pltpu.async_copy(p_hbm.at[src_v.at[j1]], gbuf.at[1], sem1)
            pltpu.make_async_copy(p_hbm.at[src_v.at[j0]], gbuf.at[0], sem0).wait()
            pltpu.sync_copy(gbuf.at[0], acc.at[dst_v.at[j0]], add=True)

            @pl.when(jj < GPAIRS - 1)
            def _():
                pltpu.async_copy(p_hbm.at[src_v.at[j0 + 2]], gbuf.at[0], sem0)

            pltpu.make_async_copy(p_hbm.at[src_v.at[j1]], gbuf.at[1], sem1).wait()
            pltpu.sync_copy(gbuf.at[1], acc.at[dst_v.at[j1]], add=True)
            return carry

        lax.fori_loop(0, GPAIRS, body, 0)
    plsc.subcore_barrier()

    sems = (sem0, sem1)
    for k in range(ROW_CHUNKS):
        rows = s * ROWS_PER_TILE + k * CHUNK
        b = k % 2
        if k >= 2:
            prows = s * ROWS_PER_TILE + (k - 2) * CHUNK
            pltpu.make_async_copy(
                gbuf.at[b], out_hbm.at[pl.ds(c * N_PAD + prows, CHUNK)], sems[b]).wait()
        pltpu.sync_copy(acc.at[pl.ds(rows, CHUNK)], gbuf.at[b])
        pltpu.async_copy(gbuf.at[b], out_hbm.at[pl.ds(c * N_PAD + rows, CHUNK)], sems[b])
    for k in range(ROW_CHUNKS - 2, ROW_CHUNKS):
        rows = s * ROWS_PER_TILE + k * CHUNK
        pltpu.make_async_copy(
            gbuf.at[k % 2], out_hbm.at[pl.ds(c * N_PAD + rows, CHUNK)], sems[k % 2]).wait()


def _dinv_of(hist_blk):
    deg = jnp.sum(hist_blk, axis=0) + 1.0
    return 1.0 / jnp.sqrt(deg)


def _ln(z, g, b):
    mu = jnp.mean(z, axis=-1, keepdims=True)
    var = jnp.mean((z - mu) ** 2, axis=-1, keepdims=True)
    return (z - mu) / jnp.sqrt(var + 1e-5) * g + b


def _tc1_body(hist_ref, x_ref, g_ref, b_ref, out_ref, dinv_ref):
    dinv = _dinv_of(hist_ref[...])
    dinv_ref[...] = dinv[None, :]
    p = _ln(x_ref[...], g_ref[...], b_ref[...]) * dinv[:, None]
    out_ref[...] = jnp.stack([p[:, :DH], p[:, DH:]], axis=0)


def _tc2_body(dinv_ref, s_ref, p_ref, W_ref, b_ref, g2_ref, be2_ref, out_ref):
    dinv = dinv_ref[0, :]
    sv = s_ref[...]
    pv = p_ref[...]
    t = jnp.concatenate([sv[0] + pv[0], sv[1] + pv[1]], axis=1) * dinv[:, None]
    h = jnp.dot(t, W_ref[...], preferred_element_type=jnp.float32) + b_ref[...]
    p2 = _ln(h, g2_ref[...], be2_ref[...]) * dinv[:, None]
    out_ref[...] = jnp.stack([p2[:, :DH], p2[:, DH:]], axis=0)


def _tc3_body(dinv_ref, s_ref, p_ref, W_ref, b_ref, out_ref):
    dinv = dinv_ref[0, :]
    sv = s_ref[...]
    pv = p_ref[...]
    t = jnp.concatenate([sv[0] + pv[0], sv[1] + pv[1]], axis=1) * dinv[:, None]
    out_ref[...] = jnp.dot(t, W_ref[...], preferred_element_type=jnp.float32) + b_ref[...]


_hist_spec = pl.BlockSpec((NC * NS, R), lambda i: (0, i))
_dinv_spec = pl.BlockSpec((1, R), lambda i: (0, i))
_row_spec = pl.BlockSpec((R, D), lambda i: (i, 0))
_half_spec = pl.BlockSpec((2, R, DH), lambda i: (0, i, 0))
_vec_spec = pl.BlockSpec((1, D), lambda i: (0, 0))
_mat_spec = pl.BlockSpec((D, D), lambda i: (0, 0))

_p_shape = jax.ShapeDtypeStruct((2, N_PAD, DH), jnp.float32)

_tc1 = pl.pallas_call(
    _tc1_body, grid=(GRID,),
    in_specs=[_hist_spec, _row_spec, _vec_spec, _vec_spec],
    out_specs=(_half_spec, _dinv_spec),
    out_shape=(_p_shape, jax.ShapeDtypeStruct((1, N_PAD), jnp.float32)))

_tc2 = pl.pallas_call(
    _tc2_body, grid=(GRID,),
    in_specs=[_dinv_spec, _half_spec, _half_spec, _mat_spec, _vec_spec,
              _vec_spec, _vec_spec],
    out_specs=_half_spec, out_shape=_p_shape)

_tc3 = pl.pallas_call(
    _tc3_body, grid=(GRID,),
    in_specs=[_dinv_spec, _half_spec, _half_spec, _mat_spec, _vec_spec],
    out_specs=_row_spec,
    out_shape=jax.ShapeDtypeStruct((N_PAD, D), jnp.float32))


@jax.jit
def _run(x, edge_index, ln1_gamma, ln1_beta, W1, b1, ln2_gamma, ln2_beta, W2, b2):
    src = edge_index[0].astype(jnp.int32)
    dst = edge_index[1].astype(jnp.int32)
    pad = E_PAD - E
    pad_src = jnp.arange(pad, dtype=jnp.int32) % N
    pad_dst = N + jnp.arange(pad, dtype=jnp.int32) % (N_PAD - N)
    src_p = jnp.concatenate([src, pad_src]).reshape(NCHUNKS, CHUNK)
    dst_p = jnp.concatenate([dst, pad_dst]).reshape(NCHUNKS, CHUNK)
    src3 = jnp.stack([src_p, src_p + N_PAD], axis=0)

    x_p = jnp.pad(x, ((0, N_PAD - N), (0, 0)))
    g1 = ln1_gamma.reshape(1, D)
    be1 = ln1_beta.reshape(1, D)
    g2 = ln2_gamma.reshape(1, D)
    be2 = ln2_beta.reshape(1, D)
    b1r = b1.reshape(1, D)
    b2r = b2.reshape(1, D)

    hist = _sc_degree(dst_p)

    p1, dinv = _tc1(hist, x_p, g1, be1)
    s1 = _sc_propagate(p1.reshape(NC * N_PAD, DH), src3, dst_p)
    p2 = _tc2(dinv, s1.reshape(2, N_PAD, DH), p1, W1, b1r, g2, be2)
    s2 = _sc_propagate(p2.reshape(NC * N_PAD, DH), src3, dst_p)
    out = _tc3(dinv, s2.reshape(2, N_PAD, DH), p2, W2, b2r)
    return out[:N]


def kernel(x, edge_index, ln1_gamma, ln1_beta, W1, b1, ln2_gamma, ln2_beta, W2, b2):
    return _run(x, edge_index, ln1_gamma, ln1_beta, W1, b1,
                ln2_gamma, ln2_beta, W2, b2)

# --- scband reference (transcript-rebuilt; emitter-appended) ---
"""Pipeline reference for scband-gnnsingle-forward-12850542149836 (READ-ONLY COPY).

The authoritative reference and input builder live on the scoring server;
editing this copy changes nothing except your own understanding.
"""

import jax, jax.numpy as jnp
import numpy as np

N = 10000
E = 160000
D = 256

def layer_norm(x, gamma, beta, eps=1e-5):
    mu = jnp.mean(x, axis=-1, keepdims=True)
    var = jnp.mean((x - mu) ** 2, axis=-1, keepdims=True)
    return (x - mu) / jnp.sqrt(var + eps) * gamma + beta

def gcn_conv(x, edge_index, W, b):
    # PyG-style GCNConv: linear transform, add self-loops, symmetric-normalized scatter-add
    n = x.shape[0]
    h = x @ W
    loop = jnp.arange(n, dtype=edge_index.dtype)
    src = jnp.concatenate([edge_index[0], loop])
    dst = jnp.concatenate([edge_index[1], loop])
    deg = jnp.zeros((n,), dtype=h.dtype).at[dst].add(1.0)
    dinv = jnp.where(deg > 0, 1.0 / jnp.sqrt(deg), 0.0)
    norm = dinv[src] * dinv[dst]
    msg = h[src] * norm[:, None]
    out = jnp.zeros((n, h.shape[1]), dtype=h.dtype).at[dst].add(msg)
    return out + b

def setup_inputs(seed: int = 0) -> dict:
    key = jax.random.key(seed)
    ks = jax.random.split(key, 8)
    x = jax.random.normal(ks[0], (N, D), dtype=jnp.float32)
    edge_index = jax.random.randint(ks[1], (2, E), 0, N, dtype=jnp.int64)
    ln1_gamma = jnp.ones((D,), dtype=jnp.float32)
    ln1_beta = jnp.zeros((D,), dtype=jnp.float32)
    W1 = jax.random.normal(ks[2], (D, D), dtype=jnp.float32) * (1.0 / np.sqrt(D))
    b1 = jnp.zeros((D,), dtype=jnp.float32)
    ln2_gamma = jnp.ones((D,), dtype=jnp.float32)
    ln2_beta = jnp.zeros((D,), dtype=jnp.float32)
    W2 = jax.random.normal(ks[3], (D, D), dtype=jnp.float32) * (1.0 / np.sqrt(D))
    b2 = jnp.zeros((D,), dtype=jnp.float32)
    return {"x": x, "edge_index": edge_index,
            "ln1_gamma": ln1_gamma, "ln1_beta": ln1_beta, "W1": W1, "b1": b1,
            "ln2_gamma": ln2_gamma, "ln2_beta": ln2_beta, "W2": W2, "b2": b2}

def reference(x, edge_index, ln1_gamma, ln1_beta, W1, b1, ln2_gamma, ln2_beta, W2, b2):
    # layer 1: LayerNormalization -> GCNConv
    h = layer_norm(x, ln1_gamma, ln1_beta)
    h = gcn_conv(h, edge_index, W1, b1)
    # layer 2: LayerNormalization -> GCNConv
    h = layer_norm(h, ln2_gamma, ln2_beta)
    h = gcn_conv(h, edge_index, W2, b2)
    return h

if __name__ == "__main__":
    import jax
    _d = setup_inputs()
    print(jax.jit(kernel)(*tuple(_d.values())))

</pallas_src>

<mosaic_0001>
#map = affine_map<(d0, d1) -> (0, 0)>
module attributes {stable_mosaic.version = 14 : i64} {
  func.func @_sc_degree(%arg0: i32, %arg1: i32, %arg2: memref<1280x128xi32, #tpu.memory_space<hbm>>, %arg3: memref<32x10240xf32, #tpu.memory_space<hbm>>, %arg4: memref<40x128xi32, #tpu.memory_space<vmem>>, %arg5: memref<10240xf32, #tpu.memory_space<vmem>>) attributes {dimension_semantics = [#tpu.dimension_semantics<core_parallel>, #tpu.dimension_semantics<subcore_parallel>], iteration_bounds = array<i64: 2, 16>, scalar_prefetch = 0 : i64, scratch_operands = 2 : i64, tpu.core_type = #tpu.core_type<sc_vector_subcore>, window_params = [{transform_indices = #map}, {transform_indices = #map}]} {
    %mul3A = arith.constant 16 : i32
    %mul3A_0 = arith.muli %arg0, %mul3A : i32
    %add3A = arith.addi %mul3A_0, %arg1 : i32
    %mul3A_1 = arith.constant 40 : i32
    %mul3A_2 = arith.muli %add3A, %mul3A_1 : i32
    "tpu.region"() ({
      %run_scoped3A = tpu.sem_alloc : memref<!tpu.dma_semaphore, #tpu.memory_space<semaphore_mem>>
      %dma_start3A = arith.constant 0 : i32
      %dma_start3A_17 = tpu.memref_slice %arg2[%mul3A_2, %dma_start3A] : memref<1280x128xi32, #tpu.memory_space<hbm>> -> memref<40x128xi32, #tpu.memory_space<hbm>>
      %dma_start3A_18 = arith.constant 0 : i32
      %dma_start3A_19 = tpu.memref_slice %arg2[%mul3A_2, %dma_start3A_18] : memref<1280x128xi32, #tpu.memory_space<hbm>> -> memref<40x128xi32, #tpu.memory_space<hbm>>
      tpu.enqueue_dma source(%dma_start3A_19 : memref<40x128xi32, #tpu.memory_space<hbm>>) target(%arg4 : memref<40x128xi32, #tpu.memory_space<vmem>>) target_semaphore(%run_scoped3A : memref<!tpu.dma_semaphore, #tpu.memory_space<semaphore_mem>>)
      %dma_wait3A = arith.constant 0 : i32
      %dma_wait3A_20 = tpu.memref_slice %arg2[%mul3A_2, %dma_wait3A] : memref<1280x128xi32, #tpu.memory_space<hbm>> -> memref<40x128xi32, #tpu.memory_space<hbm>>
      %dma_wait3A_21 = arith.constant 0 : i32
      %dma_wait3A_22 = tpu.memref_slice %arg2[%mul3A_2, %dma_wait3A_21] : memref<1280x128xi32, #tpu.memory_space<hbm>> -> memref<40x128xi32, #tpu.memory_space<hbm>>
      tpu.wait_dma2 semaphore(%run_scoped3A : memref<!tpu.dma_semaphore, #tpu.memory_space<semaphore_mem>>) src(%dma_wait3A_22 : memref<40x128xi32, #tpu.memory_space<hbm>>) dst(%arg4 : memref<40x128xi32, #tpu.memory_space<vmem>>)
      tpu.yield
    }) : () -> ()
    %broadcast_in_dim3A = arith.constant 0.000000e+00 : f32
    %broadcast_in_dim3A_3 = vector.broadcast %broadcast_in_dim3A : f32 to vector<16xf32>
    %scan3A = arith.constant 0 : i32
    %scan3A_4 = arith.constant 0 : i32
    %scan3A_5 = arith.constant 80 : i32
    %scan3A_6 = arith.addi %scan3A_4, %scan3A_5 : i32
    %scan3A_7 = arith.constant 1 : i32
    scf.for %scan3A_17 = %scan3A_4 to %scan3A_6 step %scan3A_7  : i32 {
      %mul3A_18 = arith.constant 8 : i32
      %mul3A_19 = arith.muli %scan3A_17, %mul3A_18 : i32
      %add3A_20 = arith.constant 0 : i32
      %add3A_21 = arith.addi %mul3A_19, %add3A_20 : i32
      %mul3A_22 = arith.constant 16 : i32
      %mul3A_23 = arith.muli %add3A_21, %mul3A_22 : i32
      %swap3A = arith.index_cast %mul3A_23 : i32 to index
      %swap3A_24 = tpu.vector_load %arg5[%swap3A] {strides = array<i32>} : memref<10240xf32, #tpu.memory_space<vmem>>, vector<16xf32>,
      tpu.vector_store %arg5[%swap3A], %broadcast_in_dim3A_3 {strides = array<i32>} : memref<10240xf32, #tpu.memory_space<vmem>>, vector<16xf32>,
      %mul3A_25 = arith.constant 8 : i32
      %mul3A_26 = arith.muli %scan3A_17, %mul3A_25 : i32
      %add3A_27 = arith.constant 1 : i32
      %add3A_28 = arith.addi %mul3A_26, %add3A_27 : i32
      %mul3A_29 = arith.constant 16 : i32
      %mul3A_30 = arith.muli %add3A_28, %mul3A_29 : i32
      %swap3A_31 = arith.index_cast %mul3A_30 : i32 to index
      %swap3A_32 = tpu.vector_load %arg5[%swap3A_31] {strides = array<i32>} : memref<10240xf32, #tpu.memory_space<vmem>>, vector<16xf32>,
      tpu.vector_store %arg5[%swap3A_31], %broadcast_in_dim3A_3 {strides = array<i32>} : memref<10240xf32, #tpu.memory_space<vmem>>, vector<16xf32>,
      %mul3A_33 = arith.constant 8 : i32
      %mul3A_34 = arith.muli %scan3A_17, %mul3A_33 : i32
      %add3A_35 = arith.constant 2 : i32
      %add3A_36 = arith.addi %mul3A_34, %add3A_35 : i32
      %mul3A_37 = arith.constant 16 : i32
      %mul3A_38 = arith.muli %add3A_36, %mul3A_37 : i32
      %swap3A_39 = arith.index_cast %mul3A_38 : i32 to index
      %swap3A_40 = tpu.vector_load %arg5[%swap3A_39] {strides = array<i32>} : memref<10240xf32, #tpu.memory_space<vmem>>, vector<16xf32>,
      tpu.vector_store %arg5[%swap3A_39], %broadcast_in_dim3A_3 {strides = array<i32>} : memref<10240xf32, #tpu.memory_space<vmem>>, vector<16xf32>,
      %mul3A_41 = arith.constant 8 : i32
      %mul3A_42 = arith.muli %scan3A_17, %mul3A_41 : i32
      %add3A_43 = arith.constant 3 : i32
      %add3A_44 = arith.addi %mul3A_42, %add3A_43 : i32
      %mul3A_45 = arith.constant 16 : i32
      %mul3A_46 = arith.muli %add3A_44, %mul3A_45 : i32
      %swap3A_47 = arith.index_cast %mul3A_46 : i32 to index
      %swap3A_48 = tpu.vector_load %arg5[%swap3A_47] {strides = array<i32>} : memref<10240xf32, #tpu.memory_space<vmem>>, vector<16xf32>,
      tpu.vector_store %arg5[%swap3A_47], %broadcast_in_dim3A_3 {strides = array<i32>} : memref<10240xf32, #tpu.memory_space<vmem>>, vector<16xf32>,
      %mul3A_49 = arith.constant 8 : i32
      %mul3A_50 = arith.muli %scan3A_17, %mul3A_49 : i32
      %add3A_51 = arith.constant 4 : i32
      %add3A_52 = arith.addi %mul3A_50, %add3A_51 : i32
      %mul3A_53 = arith.constant 16 : i32
      %mul3A_54 = arith.muli %add3A_52, %mul3A_53 : i32
      %swap3A_55 = arith.index_cast %mul3A_54 : i32 to index
      %swap3A_56 = tpu.vector_load %arg5[%swap3A_55] {strides = array<i32>} : memref<10240xf32, #tpu.memory_space<vmem>>, vector<16xf32>,
      tpu.vector_store %arg5[%swap3A_55], %broadcast_in_dim3A_3 {strides = array<i32>} : memref<10240xf32, #tpu.memory_space<vmem>>, vector<16xf32>,
      %mul3A_57 = arith.constant 8 : i32
      %mul3A_58 = arith.muli %scan3A_17, %mul3A_57 : i32
      %add3A_59 = arith.constant 5 : i32
      %add3A_60 = arith.addi %mul3A_58, %add3A_59 : i32
      %mul3A_61 = arith.constant 16 : i32
      %mul3A_62 = arith.muli %add3A_60, %mul3A_61 : i32
      %swap3A_63 = arith.index_cast %mul3A_62 : i32 to index
      %swap3A_64 = tpu.vector_load %arg5[%swap3A_63] {strides = array<i32>} : memref<10240xf32, #tpu.memory_space<vmem>>, vector<16xf32>,
      tpu.vector_store %arg5[%swap3A_63], %broadcast_in_dim3A_3 {strides = array<i32>} : memref<10240xf32, #tpu.memory_space<vmem>>, vector<16xf32>,
      %mul3A_65 = arith.constant 8 : i32
      %mul3A_66 = arith.muli %scan3A_17, %mul3A_65 : i32
      %add3A_67 = arith.constant 6 : i32
      %add3A_68 = arith.addi %mul3A_66, %add3A_67 : i32
      %mul3A_69 = arith.constant 16 : i32
      %mul3A_70 = arith.muli %add3A_68, %mul3A_69 : i32
      %swap3A_71 = arith.index_cast %mul3A_70 : i32 to index
      %swap3A_72 = tpu.vector_load %arg5[%swap3A_71] {strides = array<i32>} : memref<10240xf32, #tpu.memory_space<vmem>>, vector<16xf32>,
      tpu.vector_store %arg5[%swap3A_71], %broadcast_in_dim3A_3 {strides = array<i32>} : memref<10240xf32, #tpu.memory_space<vmem>>, vector<16xf32>,
      %mul3A_73 = arith.constant 8 : i32
      %mul3A_74 = arith.muli %scan3A_17, %mul3A_73 : i32
      %add3A_75 = arith.constant 7 : i32
      %add3A_76 = arith.addi %mul3A_74, %add3A_75 : i32
      %mul3A_77 = arith.constant 16 : i32
      %mul3A_78 = arith.muli %add3A_76, %mul3A_77 : i32
      %swap3A_79 = arith.index_cast %mul3A_78 : i32 to index
      %swap3A_80 = tpu.vector_load %arg5[%swap3A_79] {strides = array<i32>} : memref<10240xf32, #tpu.memory_space<vmem>>, vector<16xf32>,
      tpu.vector_store %arg5[%swap3A_79], %broadcast_in_dim3A_3 {strides = array<i32>} : memref<10240xf32, #tpu.memory_space<vmem>>, vector<16xf32>,
    }
    %scan3A_8 = arith.constant 80 : i32
    %broadcast_in_dim3A_9 = arith.constant 1.000000e+00 : f32
    %broadcast_in_dim3A_10 = vector.broadcast %broadcast_in_dim3A_9 : f32 to vector<16xf32>
    %scan3A_11 = arith.constant 0 : i32
    %scan3A_12 = arith.constant 0 : i32
    %scan3A_13 = arith.constant 40 : i32
    %scan3A_14 = arith.addi %scan3A_12, %scan3A_13 : i32
    %scan3A_15 = arith.constant 1 : i32
    scf.for %scan3A_17 = %scan3A_12 to %scan3A_14 step %scan3A_15  : i32 {
      %get3A = arith.index_cast %scan3A_17 : i32 to index
      %get3A_18 = arith.constant 0 : index
      %get3A_19 = tpu.vector_load %arg4[%get3A, %get3A_18] {strides = array<i32>} : memref<40x128xi32, #tpu.memory_space<vmem>>, vector<16xi32>,
      tpu.vector_store_idx %arg5[%get3A_19], %broadcast_in_dim3A_10 {add = true} : memref<10240xf32, #tpu.memory_space<vmem>>[vector<16xi32>], vector<16xf32>,
      %get3A_20 = arith.index_cast %scan3A_17 : i32 to index
      %get3A_21 = arith.constant 16 : index
      %get3A_22 = tpu.vector_load %arg4[%get3A_20, %get3A_21] {strides = array<i32>} : memref<40x128xi32, #tpu.memory_space<vmem>>, vector<16xi32>,
      tpu.vector_store_idx %arg5[%get3A_22], %broadcast_in_dim3A_10 {add = true} : memref<10240xf32, #tpu.memory_space<vmem>>[vector<16xi32>], vector<16xf32>,
      %get3A_23 = arith.index_cast %scan3A_17 : i32 to index
      %get3A_24 = arith.constant 32 : index
      %get3A_25 = tpu.vector_load %arg4[%get3A_23, %get3A_24] {strides = array<i32>} : memref<40x128xi32, #tpu.memory_space<vmem>>, vector<16xi32>,
      tpu.vector_store_idx %arg5[%get3A_25], %broadcast_in_dim3A_10 {add = true} : memref<10240xf32, #tpu.memory_space<vmem>>[vector<16xi32>], vector<16xf32>,
      %get3A_26 = arith.index_cast %scan3A_17 : i32 to index
      %get3A_27 = arith.constant 48 : index
      %get3A_28 = tpu.vector_load %arg4[%get3A_26, %get3A_27] {strides = array<i32>} : memref<40x128xi32, #tpu.memory_space<vmem>>, vector<16xi32>,
      tpu.vector_store_idx %arg5[%get3A_28], %broadcast_in_dim3A_10 {add = true} : memref<10240xf32, #tpu.memory_space<vmem>>[vector<16xi32>], vector<16xf32>,
      %get3A_29 = arith.index_cast %scan3A_17 : i32 to index
      %get3A_30 = arith.constant 64 : index
      %get3A_31 = tpu.vector_load %arg4[%get3A_29, %get3A_30] {strides = array<i32>} : memref<40x128xi32, #tpu.memory_space<vmem>>, vector<16xi32>,
      tpu.vector_store_idx %arg5[%get3A_31], %broadcast_in_dim3A_10 {add = true} : memref<10240xf32, #tpu.memory_space<vmem>>[vector<16xi32>], vector<16xf32>,
      %get3A_32 = arith.index_cast %scan3A_17 : i32 to index
      %get3A_33 = arith.constant 80 : index
      %get3A_34 = tpu.vector_load %arg4[%get3A_32, %get3A_33] {strides = array<i32>} : memref<40x128xi32, #tpu.memory_space<vmem>>, vector<16xi32>,
      tpu.vector_store_idx %arg5[%get3A_34], %broadcast_in_dim3A_10 {add = true} : memref<10240xf32, #tpu.memory_space<vmem>>[vector<16xi32>], vector<16xf32>,
      %get3A_35 = arith.index_cast %scan3A_17 : i32 to index
      %get3A_36 = arith.constant 96 : index
      %get3A_37 = tpu.vector_load %arg4[%get3A_35, %get3A_36] {strides = array<i32>} : memref<40x128xi32, #tpu.memory_space<vmem>>, vector<16xi32>,
      tpu.vector_store_idx %arg5[%get3A_37], %broadcast_in_dim3A_10 {add = true} : memref<10240xf32, #tpu.memory_space<vmem>>[vector<16xi32>], vector<16xf32>,
      %get3A_38 = arith.index_cast %scan3A_17 : i32 to index
      %get3A_39 = arith.constant 112 : index
      %get3A_40 = tpu.vector_load %arg4[%get3A_38, %get3A_39] {strides = array<i32>} : memref<40x128xi32, #tpu.memory_space<vmem>>, vector<16xi32>,
      tpu.vector_store_idx %arg5[%get3A_40], %broadcast_in_dim3A_10 {add = true} : memref<10240xf32, #tpu.memory_space<vmem>>[vector<16xi32>], vector<16xf32>,
    }
    %scan3A_16 = arith.constant 40 : i32
    "tpu.region"() ({
      %run_scoped3A = tpu.sem_alloc : memref<!tpu.dma_semaphore, #tpu.memory_space<semaphore_mem>>
      %dma_start3A = arith.constant 0 : i32
      %dma_start3A_17 = tpu.memref_slice %arg3[%add3A, %dma_start3A] : memref<32x10240xf32, #tpu.memory_space<hbm>> -> memref<1x10240xf32, #tpu.memory_space<hbm>>
      %dma_start3A_18 = tpu.memref_squeeze %dma_start3A_17 : memref<1x10240xf32, #tpu.memory_space<hbm>> -> memref<10240xf32, #tpu.memory_space<hbm>>
      %dma_start3A_19 = arith.constant 0 : i32
      %dma_start3A_20 = tpu.memref_slice %arg3[%add3A, %dma_start3A_19] : memref<32x10240xf32, #tpu.memory_space<hbm>> -> memref<1x10240xf32, #tpu.memory_space<hbm>>
      %dma_start3A_21 = tpu.memref_squeeze %dma_start3A_20 : memref<1x10240xf32, #tpu.memory_space<hbm>> -> memref<10240xf32, #tpu.memory_space<hbm>>
      tpu.enqueue_dma source(%arg5 : memref<10240xf32, #tpu.memory_space<vmem>>) target(%dma_start3A_21 : memref<10240xf32, #tpu.memory_space<hbm>>) target_semaphore(%run_scoped3A : memref<!tpu.dma_semaphore, #tpu.memory_space<semaphore_mem>>)
      %dma_wait3A = arith.constant 0 : i32
      %dma_wait3A_22 = tpu.memref_slice %arg3[%add3A, %dma_wait3A] : memref<32x10240xf32, #tpu.memory_space<hbm>> -> memref<1x10240xf32, #tpu.memory_space<hbm>>
      %dma_wait3A_23 = tpu.memref_squeeze %dma_wait3A_22 : memref<1x10240xf32, #tpu.memory_space<hbm>> -> memref<10240xf32, #tpu.memory_space<hbm>>
      %dma_wait3A_24 = arith.constant 0 : i32
      %dma_wait3A_25 = tpu.memref_slice %arg3[%add3A, %dma_wait3A_24] : memref<32x10240xf32, #tpu.memory_space<hbm>> -> memref<1x10240xf32, #tpu.memory_space<hbm>>
      %dma_wait3A_26 = tpu.memref_squeeze %dma_wait3A_25 : memref<1x10240xf32, #tpu.memory_space<hbm>> -> memref<10240xf32, #tpu.memory_space<hbm>>
      tpu.wait_dma2 semaphore(%run_scoped3A : memref<!tpu.dma_semaphore, #tpu.memory_space<semaphore_mem>>) src(%arg5 : memref<10240xf32, #tpu.memory_space<vmem>>) dst(%dma_wait3A_26 : memref<10240xf32, #tpu.memory_space<hbm>>)
      tpu.yield
    }) : () -> ()
    return
  }
}

#map = affine_map<(d0, d1) -> (0, 0)>
#map1 = affine_map<(d0, d1) -> (0, 0, 0)>
module attributes {stable_mosaic.version = 14 : i64} {
  func.func @_sc_propagate(%arg0: i32, %arg1: i32, %arg2: memref<20480x128xf32, #tpu.memory_space<hbm>>, %arg3: memref<2x1280x128xi32, #tpu.memory_space<hbm>>, %arg4: memref<1280x128xi32, #tpu.memory_space<hbm>>, %arg5: memref<20480x128xf32, #tpu.memory_space<hbm>>, %arg6: memref<40x128xi32, #tpu.memory_space<vmem>>, %arg7: memref<40x128xi32, #tpu.memory_space<vmem>>, %arg8: memref<2x128x128xf32, #tpu.memory_space<vmem>>, %arg9: memref<10240x128xf32, #tpu.memory_space<vmem_shared>>, %arg10: memref<!tpu.dma_semaphore, #tpu.memory_space<semaphore_mem>>, %arg11: memref<!tpu.dma_semaphore, #tpu.memory_space<semaphore_mem>>) attributes {dimension_semantics = [#tpu.dimension_semantics<core_parallel>, #tpu.dimension_semantics<subcore_parallel>], iteration_bounds = array<i64: 2, 16>, scalar_prefetch = 0 : i64, scratch_operands = 6 : i64, tpu.core_type = #tpu.core_type<sc_vector_subcore>, window_params = [{transform_indices = #map}, {transform_indices = #map1}, {transform_indices = #map}, {transform_indices = #map}]} {
    %mul3A = arith.constant 80 : i32
    %mul3A_0 = arith.muli %arg1, %mul3A : i32
    %broadcast_in_dim3A = arith.constant 0.000000e+00 : f32
    %broadcast_in_dim3A_1 = vector.broadcast %broadcast_in_dim3A : f32 to vector<16xf32>
    %scan3A = arith.constant 0 : i32
    %scan3A_2 = arith.constant 0 : i32
    %scan3A_3 = arith.constant 128 : i32
    %scan3A_4 = arith.addi %scan3A_2, %scan3A_3 : i32
    %scan3A_5 = arith.constant 1 : i32
    scf.for %scan3A_278 = %scan3A_2 to %scan3A_4 step %scan3A_5  : i32 {
      %swap3A = arith.constant 0 : i32
      %swap3A_279 = arith.index_cast %swap3A : i32 to index
      %swap3A_280 = arith.index_cast %scan3A_278 : i32 to index
      %swap3A_281 = arith.constant 0 : index
      %swap3A_282 = tpu.vector_load %arg8[%swap3A_279, %swap3A_280, %swap3A_281] {strides = array<i32>} : memref<2x128x128xf32, #tpu.memory_space<vmem>>, vector<16xf32>,
      tpu.vector_store %arg8[%swap3A_279, %swap3A_280, %swap3A_281], %broadcast_in_dim3A_1 {strides = array<i32>} : memref<2x128x128xf32, #tpu.memory_space<vmem>>, vector<16xf32>,
      %swap3A_283 = arith.constant 0 : i32
      %swap3A_284 = arith.index_cast %swap3A_283 : i32 to index
      %swap3A_285 = arith.index_cast %scan3A_278 : i32 to index
      %swap3A_286 = arith.constant 16 : index
      %swap3A_287 = tpu.vector_load %arg8[%swap3A_284, %swap3A_285, %swap3A_286] {strides = array<i32>} : memref<2x128x128xf32, #tpu.memory_space<vmem>>, vector<16xf32>,
      tpu.vector_store %arg8[%swap3A_284, %swap3A_285, %swap3A_286], %broadcast_in_dim3A_1 {strides = array<i32>} : memref<2x128x128xf32, #tpu.memory_space<vmem>>, vector<16xf32>,
      %swap3A_288 = arith.constant 0 : i32
      %swap3A_289 = arith.index_cast %swap3A_288 : i32 to index
      %swap3A_290 = arith.index_cast %scan3A_278 : i32 to index
      %swap3A_291 = arith.constant 32 : index
      %swap3A_292 = tpu.vector_load %arg8[%swap3A_289, %swap3A_290, %swap3A_291] {strides = array<i32>} : memref<2x128x128xf32, #tpu.memory_space<vmem>>, vector<16xf32>,
      tpu.vector_store %arg8[%swap3A_289, %swap3A_290, %swap3A_291], %broadcast_in_dim3A_1 {strides = array<i32>} : memref<2x128x128xf32, #tpu.memory_space<vmem>>, vector<16xf32>,
      %swap3A_293 = arith.constant 0 : i32
      %swap3A_294 = arith.index_cast %swap3A_293 : i32 to index
      %swap3A_295 = arith.index_cast %scan3A_278 : i32 to index
      %swap3A_296 = arith.constant 48 : index
      %swap3A_297 = tpu.vector_load %arg8[%swap3A_294, %swap3A_295, %swap3A_296] {strides = array<i32>} : memref<2x128x128xf32, #tpu.memory_space<vmem>>, vector<16xf32>,
      tpu.vector_store %arg8[%swap3A_294, %swap3A_295, %swap3A_296], %broadcast_in_dim3A_1 {strides = array<i32>} : memref<2x128x128xf32, #tpu.memory_space<vmem>>, vector<16xf32>,
      %swap3A_298 = arith.constant 0 : i32
      %swap3A_299 = arith.index_cast %swap3A_298 : i32 to index
      %swap3A_300 = arith.index_cast %scan3A_278 : i32 to index
      %swap3A_301 = arith.constant 64 : index
      %swap3A_302 = tpu.vector_load %arg8[%swap3A_299, %swap3A_300, %swap3A_301] {strides = array<i32>} : memref<2x128x128xf32, #tpu.memory_space<vmem>>, vector<16xf32>,
      tpu.vector_store %arg8[%swap3A_299, %swap3A_300, %swap3A_301], %broadcast_in_dim3A_1 {strides = array<i32>} : memref<2x128x128xf32, #tpu.memory_space<vmem>>, vector<16xf32>,
      %swap3A_303 = arith.constant 0 : i32
      %swap3A_304 = arith.index_cast %swap3A_303 : i32 to index
      %swap3A_305 = arith.index_cast %scan3A_278 : i32 to index
      %swap3A_306 = arith.constant 80 : index
      %swap3A_307 = tpu.vector_load %arg8[%swap3A_304, %swap3A_305, %swap3A_306] {strides = array<i32>} : memref<2x128x128xf32, #tpu.memory_space<vmem>>, vector<16xf32>,
      tpu.vector_store %arg8[%swap3A_304, %swap3A_305, %swap3A_306], %broadcast_in_dim3A_1 {strides = array<i32>} : memref<2x128x128xf32, #tpu.memory_space<vmem>>, vector<16xf32>,
      %swap3A_308 = arith.constant 0 : i32
      %swap3A_309 = arith.index_cast %swap3A_308 : i32 to index
      %swap3A_310 = arith.index_cast %scan3A_278 : i32 to index
      %swap3A_311 = arith.constant 96 : index
      %swap3A_312 = tpu.vector_load %arg8[%swap3A_309, %swap3A_310, %swap3A_311] {strides = array<i32>} : memref<2x128x128xf32, #tpu.memory_space<vmem>>, vector<16xf32>,
      tpu.vector_store %arg8[%swap3A_309, %swap3A_310, %swap3A_311], %broadcast_in_dim3A_1 {strides = array<i32>} : memref<2x128x128xf32, #tpu.memory_space<vmem>>, vector<16xf32>,
      %swap3A_313 = arith.constant 0 : i32
      %swap3A_314 = arith.index_cast %swap3A_313 : i32 to index
      %swap3A_315 = arith.index_cast %scan3A_278 : i32 to index
      %swap3A_316 = arith.constant 112 : index
      %swap3A_317 = tpu.vector_load %arg8[%swap3A_314, %swap3A_315, %swap3A_316] {strides = array<i32>} : memref<2x128x128xf32, #tpu.memory_space<vmem>>, vector<16xf32>,
      tpu.vector_store %arg8[%swap3A_314, %swap3A_315, %swap3A_316], %broadcast_in_dim3A_1 {strides = array<i32>} : memref<2x128x128xf32, #tpu.memory_space<vmem>>, vector<16xf32>,
    }
    %scan3A_6 = arith.constant 128 : i32
    %mul3A_7 = arith.constant 640 : i32
    %mul3A_8 = arith.muli %arg1, %mul3A_7 : i32
    %add3A = arith.constant 0 : i32
    %add3A_9 = arith.addi %mul3A_8, %add3A : i32
    %run_scoped3A = arith.constant 0 : i32
    "tpu.region"() ({
      %run_scoped3A_278 = tpu.sem_alloc : memref<!tpu.dma_semaphore, #tpu.memory_space<semaphore_mem>>
      %dma_start3A_279 = arith.constant 0 : i32
      %dma_start3A_280 = arith.constant 0 : i32
      %dma_start3A_281 = tpu.memref_slice %arg8[%run_scoped3A, %dma_start3A_279, %dma_start3A_280] : memref<2x128x128xf32, #tpu.memory_space<vmem>> -> memref<1x128x128xf32, #tpu.memory_space<vmem>>
      %dma_start3A_282 = tpu.memref_squeeze %dma_start3A_281 : memref<1x128x128xf32, #tpu.memory_space<vmem>> -> memref<128x128xf32, #tpu.memory_space<vmem>>
      %dma_start3A_283 = arith.constant 0 : i32
      %dma_start3A_284 = tpu.memref_slice %arg9[%add3A_9, %dma_start3A_283] : memref<10240x128xf32, #tpu.memory_space<vmem_shared>> -> memref<128x128xf32, #tpu.memory_space<vmem_shared>>
      %dma_start3A_285 = arith.constant 0 : i32
      %dma_start3A_286 = tpu.memref_slice %arg9[%add3A_9, %dma_start3A_285] : memref<10240x128xf32, #tpu.memory_space<vmem_shared>> -> memref<128x128xf32, #tpu.memory_space<vmem_shared>>
      %dma_start3A_287 = arith.constant 0 : i32
      %dma_start3A_288 = arith.constant 0 : i32
      %dma_start3A_289 = tpu.memref_slice %arg8[%run_scoped3A, %dma_start3A_287, %dma_start3A_288] : memref<2x128x128xf32, #tpu.memory_space<vmem>> -> memref<1x128x128xf32, #tpu.memory_space<vmem>>
      %dma_start3A_290 = tpu.memref_squeeze %dma_start3A_289 : memref<1x128x128xf32, #tpu.memory_space<vmem>> -> memref<128x128xf32, #tpu.memory_space<vmem>>
      tpu.enqueue_dma source(%dma_start3A_290 : memref<128x128xf32, #tpu.memory_space<vmem>>) target(%dma_start3A_286 : memref<128x128xf32, #tpu.memory_space<vmem_shared>>) target_semaphore(%run_scoped3A_278 : memref<!tpu.dma_semaphore, #tpu.memory_space<semaphore_mem>>)
      %dma_wait3A_291 = arith.constant 0 : i32
      %dma_wait3A_292 = arith.constant 0 : i32
      %dma_wait3A_293 = tpu.memref_slice %arg8[%run_scoped3A, %dma_wait3A_291, %dma_wait3A_292] : memref<2x128x128xf32, #tpu.memory_space<vmem>> -> memref<1x128x128xf32, #tpu.memory_space<vmem>>
      %dma_wait3A_294 = tpu.memref_squeeze %dma_wait3A_293 : memref<1x128x128xf32, #tpu.memory_space<vmem>> -> memref<128x128xf32, #tpu.memory_space<vmem>>
      %dma_wait3A_295 = arith.constant 0 : i32
      %dma_wait3A_296 = tpu.memref_slice %arg9[%add3A_9, %dma_wait3A_295] : memref<10240x128xf32, #tpu.memory_space<vmem_shared>> -> memref<128x128xf32, #tpu.memory_space<vmem_shared>>
      %dma_wait3A_297 = arith.constant 0 : i32
      %dma_wait3A_298 = tpu.memref_slice %arg9[%add3A_9, %dma_wait3A_297] : memref<10240x128xf32, #tpu.memory_space<vmem_shared>> -> memref<128x128xf32, #tpu.memory_space<vmem_shared>>
      %dma_wait3A_299 = arith.constant 0 : i32
      %dma_wait3A_300 = arith.constant 0 : i32
      %dma_wait3A_301 = tpu.memref_slice %arg8[%run_scoped3A, %dma_wait3A_299, %dma_wait3A_300] : memref<2x128x128xf32, #tpu.memory_space<vmem>> -> memref<1x128x128xf32, #tpu.memory_space<vmem>>
      %dma_wait3A_302 = tpu.memref_squeeze %dma_wait3A_301 : memref<1x128x128xf32, #tpu.memory_space<vmem>> -> memref<128x128xf32, #tpu.memory_space<vmem>>
      tpu.wait_dma2 semaphore(%run_scoped3A_278 : memref<!tpu.dma_semaphore, #tpu.memory_space<semaphore_mem>>) src(%dma_wait3A_302 : memref<128x128xf32, #tpu.memory_space<vmem>>) dst(%dma_wait3A_298 : memref<128x128xf32, #tpu.memory_space<vmem_shared>>)
      tpu.yield
    }) : () -> ()
    %mul3A_10 = arith.constant 640 : i32
    %mul3A_11 = arith.muli %arg1, %mul3A_10 : i32
    %add3A_12 = arith.constant 128 : i32
    %add3A_13 = arith.addi %mul3A_11, %add3A_12 : i32
    %run_scoped3A_14 = arith.constant 0 : i32
    "tpu.region"() ({
      %run_scoped3A_278 = tpu.sem_alloc : memref<!tpu.dma_semaphore, #tpu.memory_space<semaphore_mem>>
      %dma_start3A_279 = arith.constant 0 : i32
      %dma_start3A_280 = arith.constant 0 : i32
      %dma_start3A_281 = tpu.memref_slice %arg8[%run_scoped3A_14, %dma_start3A_279, %dma_start3A_280] : memref<2x128x128xf32, #tpu.memory_space<vmem>> -> memref<1x128x128xf32, #tpu.memory_space<vmem>>
      %dma_start3A_282 = tpu.memref_squeeze %dma_start3A_281 : memref<1x128x128xf32, #tpu.memory_space<vmem>> -> memref<128x128xf32, #tpu.memory_space<vmem>>
      %dma_start3A_283 = arith.constant 0 : i32
      %dma_start3A_284 = tpu.memref_slice %arg9[%add3A_13, %dma_start3A_283] : memref<10240x128xf32, #tpu.memory_space<vmem_shared>> -> memref<128x128xf32, #tpu.memory_space<vmem_shared>>
      %dma_start3A_285 = arith.constant 0 : i32
      %dma_start3A_286 = tpu.memref_slice %arg9[%add3A_13, %dma_start3A_285] : memref<10240x128xf32, #tpu.memory_space<vmem_shared>> -> memref<128x128xf32, #tpu.memory_space<vmem_shared>>
      %dma_start3A_287 = arith.constant 0 : i32
      %dma_start3A_288 = arith.constant 0 : i32
      %dma_start3A_289 = tpu.memref_slice %arg8[%run_scoped3A_14, %dma_start3A_287, %dma_start3A_288] : memref<2x128x128xf32, #tpu.memory_space<vmem>> -> memref<1x128x128xf32, #tpu.memory_space<vmem>>
      %dma_start3A_290 = tpu.memref_squeeze %dma_start3A_289 : memref<1x128x128xf32, #tpu.memory_space<vmem>> -> memref<128x128xf32, #tpu.memory_space<vmem>>
      tpu.enqueue_dma source(%dma_start3A_290 : memref<128x128xf32, #tpu.memory_space<vmem>>) target(%dma_start3A_286 : memref<128x128xf32, #tpu.memory_space<vmem_shared>>) target_semaphore(%run_scoped3A_278 : memref<!tpu.dma_semaphore, #tpu.memory_space<semaphore_mem>>)
      %dma_wait3A_291 = arith.constant 0 : i32
      %dma_wait3A_292 = arith.constant 0 : i32
      %dma_wait3A_293 = tpu.memref_slice %arg8[%run_scoped3A_14, %dma_wait3A_291, %dma_wait3A_292] : memref<2x128x128xf32, #tpu.memory_space<vmem>> -> memref<1x128x128xf32, #tpu.memory_space<vmem>>
      %dma_wait3A_294 = tpu.memref_squeeze %dma_wait3A_293 : memref<1x128x128xf32, #tpu.memory_space<vmem>> -> memref<128x128xf32, #tpu.memory_space<vmem>>
      %dma_wait3A_295 = arith.constant 0 : i32
      %dma_wait3A_296 = tpu.memref_slice %arg9[%add3A_13, %dma_wait3A_295] : memref<10240x128xf32, #tpu.memory_space<vmem_shared>> -> memref<128x128xf32, #tpu.memory_space<vmem_shared>>
      %dma_wait3A_297 = arith.constant 0 : i32
      %dma_wait3A_298 = tpu.memref_slice %arg9[%add3A_13, %dma_wait3A_297] : memref<10240x128xf32, #tpu.memory_space<vmem_shared>> -> memref<128x128xf32, #tpu.memory_space<vmem_shared>>
      %dma_wait3A_299 = arith.constant 0 : i32
      %dma_wait3A_300 = arith.constant 0 : i32
      %dma_wait3A_301 = tpu.memref_slice %arg8[%run_scoped3A_14, %dma_wait3A_299, %dma_wait3A_300] : memref<2x128x128xf32, #tpu.memory_space<vmem>> -> memref<1x128x128xf32, #tpu.memory_space<vmem>>
      %dma_wait3A_302 = tpu.memref_squeeze %dma_wait3A_301 : memref<1x128x128xf32, #tpu.memory_space<vmem>> -> memref<128x128xf32, #tpu.memory_space<vmem>>
      tpu.wait_dma2 semaphore(%run_scoped3A_278 : memref<!tpu.dma_semaphore, #tpu.memory_space<semaphore_mem>>) src(%dma_wait3A_302 : memref<128x128xf32, #tpu.memory_space<vmem>>) dst(%dma_wait3A_298 : memref<128x128xf32, #tpu.memory_space<vmem_shared>>)
      tpu.yield
    }) : () -> ()
    %mul3A_15 = arith.constant 640 : i32
    %mul3A_16 = arith.muli %arg1, %mul3A_15 : i32
    %add3A_17 = arith.constant 256 : i32
    %add3A_18 = arith.addi %mul3A_16, %add3A_17 : i32
    %run_scoped3A_19 = arith.constant 0 : i32
    "tpu.region"() ({
      %run_scoped3A_278 = tpu.sem_alloc : memref<!tpu.dma_semaphore, #tpu.memory_space<semaphore_mem>>
      %dma_start3A_279 = arith.constant 0 : i32
      %dma_start3A_280 = arith.constant 0 : i32
      %dma_start3A_281 = tpu.memref_slice %arg8[%run_scoped3A_19, %dma_start3A_279, %dma_start3A_280] : memref<2x128x128xf32, #tpu.memory_space<vmem>> -> memref<1x128x128xf32, #tpu.memory_space<vmem>>
      %dma_start3A_282 = tpu.memref_squeeze %dma_start3A_281 : memref<1x128x128xf32, #tpu.memory_space<vmem>> -> memref<128x128xf32, #tpu.memory_space<vmem>>
      %dma_start3A_283 = arith.constant 0 : i32
      %dma_start3A_284 = tpu.memref_slice %arg9[%add3A_18, %dma_start3A_283] : memref<10240x128xf32, #tpu.memory_space<vmem_shared>> -> memref<128x128xf32, #tpu.memory_space<vmem_shared>>
      %dma_start3A_285 = arith.constant 0 : i32
      %dma_start3A_286 = tpu.memref_slice %arg9[%add3A_18, %dma_start3A_285] : memref<10240x128xf32, #tpu.memory_space<vmem_shared>> -> memref<128x128xf32, #tpu.memory_space<vmem_shared>>
      %dma_start3A_287 = arith.constant 0 : i32
      %dma_start3A_288 = arith.constant 0 : i32
      %dma_start3A_289 = tpu.memref_slice %arg8[%run_scoped3A_19, %dma_start3A_287, %dma_start3A_288] : memref<2x128x128xf32, #tpu.memory_space<vmem>> -> memref<1x128x128xf32, #tpu.memory_space<vmem>>
      %dma_start3A_290 = tpu.memref_squeeze %dma_start3A_289 : memref<1x128x128xf32, #tpu.memory_space<vmem>> -> memref<128x128xf32, #tpu.memory_space<vmem>>
      tpu.enqueue_dma source(%dma_start3A_290 : memref<128x128xf32, #tpu.memory_space<vmem>>) target(%dma_start3A_286 : memref<128x128xf32, #tpu.memory_space<vmem_shared>>) target_semaphore(%run_scoped3A_278 : memref<!tpu.dma_semaphore, #tpu.memory_space<semaphore_mem>>)
      %dma_wait3A_291 = arith.constant 0 : i32
      %dma_wait3A_292 = arith.constant 0 : i32
      %dma_wait3A_293 = tpu.memref_slice %arg8[%run_scoped3A_19, %dma_wait3A_291, %dma_wait3A_292] : memref<2x128x128xf32, #tpu.memory_space<vmem>> -> memref<1x128x128xf32, #tpu.memory_space<vmem>>
      %dma_wait3A_294 = tpu.memref_squeeze %dma_wait3A_293 : memref<1x128x128xf32, #tpu.memory_space<vmem>> -> memref<128x128xf32, #tpu.memory_space<vmem>>
      %dma_wait3A_295 = arith.constant 0 : i32
      %dma_wait3A_296 = tpu.memref_slice %arg9[%add3A_18, %dma_wait3A_295] : memref<10240x128xf32, #tpu.memory_space<vmem_shared>> -> memref<128x128xf32, #tpu.memory_space<vmem_shared>>
      %dma_wait3A_297 = arith.constant 0 : i32
      %dma_wait3A_298 = tpu.memref_slice %arg9[%add3A_18, %dma_wait3A_297] : memref<10240x128xf32, #tpu.memory_space<vmem_shared>> -> memref<128x128xf32, #tpu.memory_space<vmem_shared>>
      %dma_wait3A_299 = arith.constant 0 : i32
      %dma_wait3A_300 = arith.constant 0 : i32
      %dma_wait3A_301 = tpu.memref_slice %arg8[%run_scoped3A_19, %dma_wait3A_299, %dma_wait3A_300] : memref<2x128x128xf32, #tpu.memory_space<vmem>> -> memref<1x128x128xf32, #tpu.memory_space<vmem>>
      %dma_wait3A_302 = tpu.memref_squeeze %dma_wait3A_301 : memref<1x128x128xf32, #tpu.memory_space<vmem>> -> memref<128x128xf32, #tpu.memory_space<vmem>>
      tpu.wait_dma2 semaphore(%run_scoped3A_278 : memref<!tpu.dma_semaphore, #tpu.memory_space<semaphore_mem>>) src(%dma_wait3A_302 : memref<128x128xf32, #tpu.memory_space<vmem>>) dst(%dma_wait3A_298 : memref<128x128xf32, #tpu.memory_space<vmem_shared>>)
      tpu.yield
    }) : () -> ()
    %mul3A_20 = arith.constant 640 : i32
    %mul3A_21 = arith.muli %arg1, %mul3A_20 : i32
    %add3A_22 = arith.constant 384 : i32
    %add3A_23 = arith.addi %mul3A_21, %add3A_22 : i32
    %run_scoped3A_24 = arith.constant 0 : i32
    "tpu.region"() ({
      %run_scoped3A_278 = tpu.sem_alloc : memref<!tpu.dma_semaphore, #tpu.memory_space<semaphore_mem>>
      %dma_start3A_279 = arith.constant 0 : i32
      %dma_start3A_280 = arith.constant 0 : i32
      %dma_start3A_281 = tpu.memref_slice %arg8[%run_scoped3A_24, %dma_start3A_279, %dma_start3A_280] : memref<2x128x128xf32, #tpu.memory_space<vmem>> -> memref<1x128x128xf32, #tpu.memory_space<vmem>>
      %dma_start3A_282 = tpu.memref_squeeze %dma_start3A_281 : memref<1x128x128xf32, #tpu.memory_space<vmem>> -> memref<128x128xf32, #tpu.memory_space<vmem>>
      %dma_start3A_283 = arith.constant 0 : i32
      %dma_start3A_284 = tpu.memref_slice %arg9[%add3A_23, %dma_start3A_283] : memref<10240x128xf32, #tpu.memory_space<vmem_shared>> -> memref<128x128xf32, #tpu.memory_space<vmem_shared>>
      %dma_start3A_285 = arith.constant 0 : i32
      %dma_start3A_286 = tpu.memref_slice %arg9[%add3A_23, %dma_start3A_285] : memref<10240x128xf32, #tpu.memory_space<vmem_shared>> -> memref<128x128xf32, #tpu.memory_space<vmem_shared>>
      %dma_start3A_287 = arith.constant 0 : i32
      %dma_start3A_288 = arith.constant 0 : i32
      %dma_start3A_289 = tpu.memref_slice %arg8[%run_scoped3A_24, %dma_start3A_287, %dma_start3A_288] : memref<2x128x128xf32, #tpu.memory_space<vmem>> -> memref<1x128x128xf32, #tpu.memory_space<vmem>>
      %dma_start3A_290 = tpu.memref_squeeze %dma_start3A_289 : memref<1x128x128xf32, #tpu.memory_space<vmem>> -> memref<128x128xf32, #tpu.memory_space<vmem>>
      tpu.enqueue_dma source(%dma_start3A_290 : memref<128x128xf32, #tpu.memory_space<vmem>>) target(%dma_start3A_286 : memref<128x128xf32, #tpu.memory_space<vmem_shared>>) target_semaphore(%run_scoped3A_278 : memref<!tpu.dma_semaphore, #tpu.memory_space<semaphore_mem>>)
      %dma_wait3A_291 = arith.constant 0 : i32
      %dma_wait3A_292 = arith.constant 0 : i32
      %dma_wait3A_293 = tpu.memref_slice %arg8[%run_scoped3A_24, %dma_wait3A_291, %dma_wait3A_292] : memref<2x128x128xf32, #tpu.memory_space<vmem>> -> memref<1x128x128xf32, #tpu.memory_space<vmem>>
      %dma_wait3A_294 = tpu.memref_squeeze %dma_wait3A_293 : memref<1x128x128xf32, #tpu.memory_space<vmem>> -> memref<128x128xf32, #tpu.memory_space<vmem>>
      %dma_wait3A_295 = arith.constant 0 : i32
      %dma_wait3A_296 = tpu.memref_slice %arg9[%add3A_23, %dma_wait3A_295] : memref<10240x128xf32, #tpu.memory_space<vmem_shared>> -> memref<128x128xf32, #tpu.memory_space<vmem_shared>>
      %dma_wait3A_297 = arith.constant 0 : i32
      %dma_wait3A_298 = tpu.memref_slice %arg9[%add3A_23, %dma_wait3A_297] : memref<10240x128xf32, #tpu.memory_space<vmem_shared>> -> memref<128x128xf32, #tpu.memory_space<vmem_shared>>
      %dma_wait3A_299 = arith.constant 0 : i32
      %dma_wait3A_300 = arith.constant 0 : i32
      %dma_wait3A_301 = tpu.memref_slice %arg8[%run_scoped3A_24, %dma_wait3A_299, %dma_wait3A_300] : memref<2x128x128xf32, #tpu.memory_space<vmem>> -> memref<1x128x128xf32, #tpu.memory_space<vmem>>
      %dma_wait3A_302 = tpu.memref_squeeze %dma_wait3A_301 : memref<1x128x128xf32, #tpu.memory_space<vmem>> -> memref<128x128xf32, #tpu.memory_space<vmem>>
      tpu.wait_dma2 semaphore(%run_scoped3A_278 : memref<!tpu.dma_semaphore, #tpu.memory_space<semaphore_mem>>) src(%dma_wait3A_302 : memref<128x128xf32, #tpu.memory_space<vmem>>) dst(%dma_wait3A_298 : memref<128x128xf32, #tpu.memory_space<vmem_shared>>)
      tpu.yield
    }) : () -> ()
    %mul3A_25 = arith.constant 640 : i32
    %mul3A_26 = arith.muli %arg1, %mul3A_25 : i32
    %add3A_27 = arith.constant 512 : i32
    %add3A_28 = arith.addi %mul3A_26, %add3A_27 : i32
    %run_scoped3A_29 = arith.constant 0 : i32
    "tpu.region"() ({
      %run_scoped3A_278 = tpu.sem_alloc : memref<!tpu.dma_semaphore, #tpu.memory_space<semaphore_mem>>
      %dma_start3A_279 = arith.constant 0 : i32
      %dma_start3A_280 = arith.constant 0 : i32
      %dma_start3A_281 = tpu.memref_slice %arg8[%run_scoped3A_29, %dma_start3A_279, %dma_start3A_280] : memref<2x128x128xf32, #tpu.memory_space<vmem>> -> memref<1x128x128xf32, #tpu.memory_space<vmem>>
      %dma_start3A_282 = tpu.memref_squeeze %dma_start3A_281 : memref<1x128x128xf32, #tpu.memory_space<vmem>> -> memref<128x128xf32, #tpu.memory_space<vmem>>
      %dma_start3A_283 = arith.constant 0 : i32
      %dma_start3A_284 = tpu.memref_slice %arg9[%add3A_28, %dma_start3A_283] : memref<10240x128xf32, #tpu.memory_space<vmem_shared>> -> memref<128x128xf32, #tpu.memory_space<vmem_shared>>
      %dma_start3A_285 = arith.constant 0 : i32
      %dma_start3A_286 = tpu.memref_slice %arg9[%add3A_28, %dma_start3A_285] : memref<10240x128xf32, #tpu.memory_space<vmem_shared>> -> memref<128x128xf32, #tpu.memory_space<vmem_shared>>
      %dma_start3A_287 = arith.constant 0 : i32
      %dma_start3A_288 = arith.constant 0 : i32
      %dma_start3A_289 = tpu.memref_slice %arg8[%run_scoped3A_29, %dma_start3A_287, %dma_start3A_288] : memref<2x128x128xf32, #tpu.memory_space<vmem>> -> memref<1x128x128xf32, #tpu.memory_space<vmem>>
      %dma_start3A_290 = tpu.memref_squeeze %dma_start3A_289 : memref<1x128x128xf32, #tpu.memory_space<vmem>> -> memref<128x128xf32, #tpu.memory_space<vmem>>
      tpu.enqueue_dma source(%dma_start3A_290 : memref<128x128xf32, #tpu.memory_space<vmem>>) target(%dma_start3A_286 : memref<128x128xf32, #tpu.memory_space<vmem_shared>>) target_semaphore(%run_scoped3A_278 : memref<!tpu.dma_semaphore, #tpu.memory_space<semaphore_mem>>)
      %dma_wait3A_291 = arith.constant 0 : i32
      %dma_wait3A_292 = arith.constant 0 : i32
      %dma_wait3A_293 = tpu.memref_slice %arg8[%run_scoped3A_29, %dma_wait3A_291, %dma_wait3A_292] : memref<2x128x128xf32, #tpu.memory_space<vmem>> -> memref<1x128x128xf32, #tpu.memory_space<vmem>>
      %dma_wait3A_294 = tpu.memref_squeeze %dma_wait3A_293 : memref<1x128x128xf32, #tpu.memory_space<vmem>> -> memref<128x128xf32, #tpu.memory_space<vmem>>
      %dma_wait3A_295 = arith.constant 0 : i32
      %dma_wait3A_296 = tpu.memref_slice %arg9[%add3A_28, %dma_wait3A_295] : memref<10240x128xf32, #tpu.memory_space<vmem_shared>> -> memref<128x128xf32, #tpu.memory_space<vmem_shared>>
      %dma_wait3A_297 = arith.constant 0 : i32
      %dma_wait3A_298 = tpu.memref_slice %arg9[%add3A_28, %dma_wait3A_297] : memref<10240x128xf32, #tpu.memory_space<vmem_shared>> -> memref<128x128xf32, #tpu.memory_space<vmem_shared>>
      %dma_wait3A_299 = arith.constant 0 : i32
      %dma_wait3A_300 = arith.constant 0 : i32
      %dma_wait3A_301 = tpu.memref_slice %arg8[%run_scoped3A_29, %dma_wait3A_299, %dma_wait3A_300] : memref<2x128x128xf32, #tpu.memory_space<vmem>> -> memref<1x128x128xf32, #tpu.memory_space<vmem>>
      %dma_wait3A_302 = tpu.memref_squeeze %dma_wait3A_301 : memref<1x128x128xf32, #tpu.memory_space<vmem>> -> memref<128x128xf32, #tpu.memory_space<vmem>>
      tpu.wait_dma2 semaphore(%run_scoped3A_278 : memref<!tpu.dma_semaphore, #tpu.memory_space<semaphore_mem>>) src(%dma_wait3A_302 : memref<128x128xf32, #tpu.memory_space<vmem>>) dst(%dma_wait3A_298 : memref<128x128xf32, #tpu.memory_space<vmem_shared>>)
      tpu.yield
    }) : () -> ()
    %barrier3A = arith.constant 0 : index
    tpu.barrier barrier_id(%barrier3A)
    %add3A_30 = arith.constant 0 : i32
    %add3A_31 = arith.addi %mul3A_0, %add3A_30 : i32
    "tpu.region"() ({
      %run_scoped3A_278 = tpu.sem_alloc : memref<!tpu.dma_semaphore, #tpu.memory_space<semaphore_mem>>
      %dma_start3A_279 = arith.constant 0 : i32
      %dma_start3A_280 = tpu.memref_slice %arg3[%arg0, %add3A_31, %dma_start3A_279] : memref<2x1280x128xi32, #tpu.memory_space<hbm>> -> memref<1x40x128xi32, #tpu.memory_space<hbm>>
      %dma_start3A_281 = tpu.memref_squeeze %dma_start3A_280 : memref<1x40x128xi32, #tpu.memory_space<hbm>> -> memref<40x128xi32, #tpu.memory_space<hbm>>
      %dma_start3A_282 = arith.constant 0 : i32
      %dma_start3A_283 = tpu.memref_slice %arg3[%arg0, %add3A_31, %dma_start3A_282] : memref<2x1280x128xi32, #tpu.memory_space<hbm>> -> memref<1x40x128xi32, #tpu.memory_space<hbm>>
      %dma_start3A_284 = tpu.memref_squeeze %dma_start3A_283 : memref<1x40x128xi32, #tpu.memory_space<hbm>> -> memref<40x128xi32, #tpu.memory_space<hbm>>
      tpu.enqueue_dma source(%dma_start3A_284 : memref<40x128xi32, #tpu.memory_space<hbm>>) target(%arg6 : memref<40x128xi32, #tpu.memory_space<vmem>>) target_semaphore(%run_scoped3A_278 : memref<!tpu.dma_semaphore, #tpu.memory_space<semaphore_mem>>)
      %dma_wait3A_285 = arith.constant 0 : i32
      %dma_wait3A_286 = tpu.memref_slice %arg3[%arg0, %add3A_31, %dma_wait3A_285] : memref<2x1280x128xi32, #tpu.memory_space<hbm>> -> memref<1x40x128xi32, #tpu.memory_space<hbm>>
      %dma_wait3A_287 = tpu.memref_squeeze %dma_wait3A_286 : memref<1x40x128xi32, #tpu.memory_space<hbm>> -> memref<40x128xi32, #tpu.memory_space<hbm>>
      %dma_wait3A_288 = arith.constant 0 : i32
      %dma_wait3A_289 = tpu.memref_slice %arg3[%arg0, %add3A_31, %dma_wait3A_288] : memref<2x1280x128xi32, #tpu.memory_space<hbm>> -> memref<1x40x128xi32, #tpu.memory_space<hbm>>
      %dma_wait3A_290 = tpu.memref_squeeze %dma_wait3A_289 : memref<1x40x128xi32, #tpu.memory_space<hbm>> -> memref<40x128xi32, #tpu.memory_space<hbm>>
      tpu.wait_dma2 semaphore(%run_scoped3A_278 : memref<!tpu.dma_semaphore, #tpu.memory_space<semaphore_mem>>) src(%dma_wait3A_290 : memref<40x128xi32, #tpu.memory_space<hbm>>) dst(%arg6 : memref<40x128xi32, #tpu.memory_space<vmem>>)
      tpu.yield
    }) : () -> ()
    %add3A_32 = arith.constant 0 : i32
    %add3A_33 = arith.addi %mul3A_0, %add3A_32 : i32
    "tpu.region"() ({
      %run_scoped3A_278 = tpu.sem_alloc : memref<!tpu.dma_semaphore, #tpu.memory_space<semaphore_mem>>
      %dma_start3A_279 = arith.constant 0 : i32
      %dma_start3A_280 = tpu.memref_slice %arg4[%add3A_33, %dma_start3A_279] : memref<1280x128xi32, #tpu.memory_space<hbm>> -> memref<40x128xi32, #tpu.memory_space<hbm>>
      %dma_start3A_281 = arith.constant 0 : i32
      %dma_start3A_282 = tpu.memref_slice %arg4[%add3A_33, %dma_start3A_281] : memref<1280x128xi32, #tpu.memory_space<hbm>> -> memref<40x128xi32, #tpu.memory_space<hbm>>
      tpu.enqueue_dma source(%dma_start3A_282 : memref<40x128xi32, #tpu.memory_space<hbm>>) target(%arg7 : memref<40x128xi32, #tpu.memory_space<vmem>>) target_semaphore(%run_scoped3A_278 : memref<!tpu.dma_semaphore, #tpu.memory_space<semaphore_mem>>)
      %dma_wait3A_283 = arith.constant 0 : i32
      %dma_wait3A_284 = tpu.memref_slice %arg4[%add3A_33, %dma_wait3A_283] : memref<1280x128xi32, #tpu.memory_space<hbm>> -> memref<40x128xi32, #tpu.memory_space<hbm>>
      %dma_wait3A_285 = arith.constant 0 : i32
      %dma_wait3A_286 = tpu.memref_slice %arg4[%add3A_33, %dma_wait3A_285] : memref<1280x128xi32, #tpu.memory_space<hbm>> -> memref<40x128xi32, #tpu.memory_space<hbm>>
      tpu.wait_dma2 semaphore(%run_scoped3A_278 : memref<!tpu.dma_semaphore, #tpu.memory_space<semaphore_mem>>) src(%dma_wait3A_286 : memref<40x128xi32, #tpu.memory_space<hbm>>) dst(%arg7 : memref<40x128xi32, #tpu.memory_space<vmem>>)
      tpu.yield
    }) : () -> ()
    %dma_start3A = arith.constant 0 : i32
    %dma_start3A_34 = arith.constant 0 : i32
    %dma_start3A_35 = arith.constant 0 : i32
    %dma_start3A_36 = arith.constant 0 : i32
    %dma_start3A_37 = tpu.memref_slice %arg8[%dma_start3A_34, %dma_start3A_35, %dma_start3A_36] : memref<2x128x128xf32, #tpu.memory_space<vmem>> -> memref<1x128x128xf32, #tpu.memory_space<vmem>>
    %dma_start3A_38 = tpu.memref_squeeze %dma_start3A_37 : memref<1x128x128xf32, #tpu.memory_space<vmem>> -> memref<128x128xf32, #tpu.memory_space<vmem>>
    %dma_start3A_39 = arith.constant 0 : i32
    %dma_start3A_40 = tpu.memref_slice %arg6[%dma_start3A, %dma_start3A_39] : memref<40x128xi32, #tpu.memory_space<vmem>> -> memref<1x128xi32, #tpu.memory_space<vmem>>
    %dma_start3A_41 = tpu.memref_squeeze %dma_start3A_40 : memref<1x128xi32, #tpu.memory_space<vmem>> -> memref<128xi32, #tpu.memory_space<vmem>>
    %dma_start3A_42 = arith.constant 0 : i32
    %dma_start3A_43 = arith.constant 0 : i32
    %dma_start3A_44 = tpu.memref_slice %arg2[%dma_start3A_42, %dma_start3A_43] : memref<20480x128xf32, #tpu.memory_space<hbm>> -> memref<20480x128xf32, #tpu.memory_space<hbm>>
    tpu.enqueue_indirect_dma source(%dma_start3A_44 : memref<20480x128xf32, #tpu.memory_space<hbm>>) target(%dma_start3A_38 : memref<128x128xf32, #tpu.memory_space<vmem>>) offsets(%dma_start3A_41 : memref<128xi32, #tpu.memory_space<vmem>>) semaphore(%arg10 : memref<!tpu.dma_semaphore, #tpu.memory_space<semaphore_mem>>)
    %scan3A_45 = arith.constant 0 : i32
    %scan3A_46 = arith.constant 0 : i32
    %scan3A_47 = arith.constant 20 : i32
    %scan3A_48 = arith.addi %scan3A_46, %scan3A_47 : i32
    %scan3A_49 = arith.constant 1 : i32
    scf.for %scan3A_278 = %scan3A_46 to %scan3A_48 step %scan3A_49  : i32 {
      %mul3A_279 = arith.constant 2 : i32
      %mul3A_280 = arith.muli %mul3A_279, %scan3A_278 : i32
      %add3A_281 = arith.constant 1 : i32
      %add3A_282 = arith.addi %mul3A_280, %add3A_281 : i32
      %dma_start3A_283 = arith.constant 1 : i32
      %dma_start3A_284 = arith.constant 0 : i32
      %dma_start3A_285 = arith.constant 0 : i32
      %dma_start3A_286 = tpu.memref_slice %arg8[%dma_start3A_283, %dma_start3A_284, %dma_start3A_285] : memref<2x128x128xf32, #tpu.memory_space<vmem>> -> memref<1x128x128xf32, #tpu.memory_space<vmem>>
      %dma_start3A_287 = tpu.memref_squeeze %dma_start3A_286 : memref<1x128x128xf32, #tpu.memory_space<vmem>> -> memref<128x128xf32, #tpu.memory_space<vmem>>
      %dma_start3A_288 = arith.constant 0 : i32
      %dma_start3A_289 = tpu.memref_slice %arg6[%add3A_282, %dma_start3A_288] : memref<40x128xi32, #tpu.memory_space<vmem>> -> memref<1x128xi32, #tpu.memory_space<vmem>>
      %dma_start3A_290 = tpu.memref_squeeze %dma_start3A_289 : memref<1x128xi32, #tpu.memory_space<vmem>> -> memref<128xi32, #tpu.memory_space<vmem>>
      %dma_start3A_291 = arith.constant 0 : i32
      %dma_start3A_292 = arith.constant 0 : i32
      %dma_start3A_293 = tpu.memref_slice %arg2[%dma_start3A_291, %dma_start3A_292] : memref<20480x128xf32, #tpu.memory_space<hbm>> -> memref<20480x128xf32, #tpu.memory_space<hbm>>
      tpu.enqueue_indirect_dma source(%dma_start3A_293 : memref<20480x128xf32, #tpu.memory_space<hbm>>) target(%dma_start3A_287 : memref<128x128xf32, #tpu.memory_space<vmem>>) offsets(%dma_start3A_290 : memref<128xi32, #tpu.memory_space<vmem>>) semaphore(%arg11 : memref<!tpu.dma_semaphore, #tpu.memory_space<semaphore_mem>>)
      %dma_wait3A_294 = arith.constant 0 : i32
      %dma_wait3A_295 = arith.constant 0 : i32
      %dma_wait3A_296 = arith.constant 0 : i32
      %dma_wait3A_297 = tpu.memref_slice %arg8[%dma_wait3A_294, %dma_wait3A_295, %dma_wait3A_296] : memref<2x128x128xf32, #tpu.memory_space<vmem>> -> memref<1x128x128xf32, #tpu.memory_space<vmem>>
      %dma_wait3A_298 = tpu.memref_squeeze %dma_wait3A_297 : memref<1x128x128xf32, #tpu.memory_space<vmem>> -> memref<128x128xf32, #tpu.memory_space<vmem>>
      %dma_wait3A_299 = arith.constant 0 : i32
      %dma_wait3A_300 = tpu.memref_slice %arg6[%mul3A_280, %dma_wait3A_299] : memref<40x128xi32, #tpu.memory_space<vmem>> -> memref<1x128xi32, #tpu.memory_space<vmem>>
      %dma_wait3A_301 = tpu.memref_squeeze %dma_wait3A_300 : memref<1x128xi32, #tpu.memory_space<vmem>> -> memref<128xi32, #tpu.memory_space<vmem>>
      %dma_wait3A_302 = arith.constant 0 : i32
      %dma_wait3A_303 = arith.constant 0 : i32
      %dma_wait3A_304 = tpu.memref_slice %arg2[%dma_wait3A_302, %dma_wait3A_303] : memref<20480x128xf32, #tpu.memory_space<hbm>> -> memref<20480x128xf32, #tpu.memory_space<hbm>>
      tpu.wait_indirect_dma semaphore(%arg10 : memref<!tpu.dma_semaphore, #tpu.memory_space<semaphore_mem>>) src(%dma_wait3A_304 : memref<20480x128xf32, #tpu.memory_space<hbm>>) dst(%dma_wait3A_298 : memref<128x128xf32, #tpu.memory_space<vmem>>)
      %run_scoped3A_305 = arith.constant 0 : i32
      "tpu.region"() ({
        %run_scoped3A_320 = tpu.sem_alloc : memref<!tpu.dma_semaphore, #tpu.memory_space<semaphore_mem>>
        %dma_start3A_321 = arith.constant 0 : i32
        %dma_start3A_322 = arith.constant 0 : i32
        %dma_start3A_323 = tpu.memref_slice %arg8[%run_scoped3A_305, %dma_start3A_321, %dma_start3A_322] : memref<2x128x128xf32, #tpu.memory_space<vmem>> -> memref<1x128x128xf32, #tpu.memory_space<vmem>>
        %dma_start3A_324 = tpu.memref_squeeze %dma_start3A_323 : memref<1x128x128xf32, #tpu.memory_space<vmem>> -> memref<128x128xf32, #tpu.memory_space<vmem>>
        %dma_start3A_325 = arith.constant 0 : i32
        %dma_start3A_326 = tpu.memref_slice %arg7[%mul3A_280, %dma_start3A_325] : memref<40x128xi32, #tpu.memory_space<vmem>> -> memref<1x128xi32, #tpu.memory_space<vmem>>
        %dma_start3A_327 = tpu.memref_squeeze %dma_start3A_326 : memref<1x128xi32, #tpu.memory_space<vmem>> -> memref<128xi32, #tpu.memory_space<vmem>>
        %dma_start3A_328 = arith.constant 0 : i32
        %dma_start3A_329 = arith.constant 0 : i32
        %dma_start3A_330 = tpu.memref_slice %arg9[%dma_start3A_328, %dma_start3A_329] : memref<10240x128xf32, #tpu.memory_space<vmem_shared>> -> memref<10240x128xf32, #tpu.memory_space<vmem_shared>>
        tpu.enqueue_indirect_dma source(%dma_start3A_324 : memref<128x128xf32, #tpu.memory_space<vmem>>) target(%dma_start3A_330 : memref<10240x128xf32, #tpu.memory_space<vmem_shared>>) offsets(%dma_start3A_327 : memref<128xi32, #tpu.memory_space<vmem>>) semaphore(%run_scoped3A_320 : memref<!tpu.dma_semaphore, #tpu.memory_space<semaphore_mem>>) {add = true}
        %dma_wait3A_331 = arith.constant 0 : i32
        %dma_wait3A_332 = arith.constant 0 : i32
        %dma_wait3A_333 = tpu.memref_slice %arg8[%run_scoped3A_305, %dma_wait3A_331, %dma_wait3A_332] : memref<2x128x128xf32, #tpu.memory_space<vmem>> -> memref<1x128x128xf32, #tpu.memory_space<vmem>>
        %dma_wait3A_334 = tpu.memref_squeeze %dma_wait3A_333 : memref<1x128x128xf32, #tpu.memory_space<vmem>> -> memref<128x128xf32, #tpu.memory_space<vmem>>
        %dma_wait3A_335 = arith.constant 0 : i32
        %dma_wait3A_336 = tpu.memref_slice %arg7[%mul3A_280, %dma_wait3A_335] : memref<40x128xi32, #tpu.memory_space<vmem>> -> memref<1x128xi32, #tpu.memory_space<vmem>>
        %dma_wait3A_337 = tpu.memref_squeeze %dma_wait3A_336 : memref<1x128xi32, #tpu.memory_space<vmem>> -> memref<128xi32, #tpu.memory_space<vmem>>
        %dma_wait3A_338 = arith.constant 0 : i32
        %dma_wait3A_339 = arith.constant 0 : i32
        %dma_wait3A_340 = tpu.memref_slice %arg9[%dma_wait3A_338, %dma_wait3A_339] : memref<10240x128xf32, #tpu.memory_space<vmem_shared>> -> memref<10240x128xf32, #tpu.memory_space<vmem_shared>>
        tpu.wait_indirect_dma semaphore(%run_scoped3A_320 : memref<!tpu.dma_semaphore, #tpu.memory_space<semaphore_mem>>) src(%dma_wait3A_334 : memref<128x128xf32, #tpu.memory_space<vmem>>) dst(%dma_wait3A_340 : memref<10240x128xf32, #tpu.memory_space<vmem_shared>>)
        tpu.yield
      }) : () -> ()
      %lt3A = arith.constant 19 : i32
      %lt3A_306 = arith.cmpi slt, %scan3A_278, %lt3A : i32
      %convert_element_type3A = arith.extui %lt3A_306 : i1 to i32
      %cond3A = arith.constant 0 : i32
      %cond3A_307 = arith.cmpi ne, %convert_element_type3A, %cond3A : i32
      scf.if %cond3A_307 {
        %add3A_320 = arith.constant 2 : i32
        %add3A_321 = arith.addi %mul3A_280, %add3A_320 : i32
        %dma_start3A_322 = arith.constant 0 : i32
        %dma_start3A_323 = arith.constant 0 : i32
        %dma_start3A_324 = arith.constant 0 : i32
        %dma_start3A_325 = tpu.memref_slice %arg8[%dma_start3A_322, %dma_start3A_323, %dma_start3A_324] : memref<2x128x128xf32, #tpu.memory_space<vmem>> -> memref<1x128x128xf32, #tpu.memory_space<vmem>>
        %dma_start3A_326 = tpu.memref_squeeze %dma_start3A_325 : memref<1x128x128xf32, #tpu.memory_space<vmem>> -> memref<128x128xf32, #tpu.memory_space<vmem>>
        %dma_start3A_327 = arith.constant 0 : i32
        %dma_start3A_328 = tpu.memref_slice %arg6[%add3A_321, %dma_start3A_327] : memref<40x128xi32, #tpu.memory_space<vmem>> -> memref<1x128xi32, #tpu.memory_space<vmem>>
        %dma_start3A_329 = tpu.memref_squeeze %dma_start3A_328 : memref<1x128xi32, #tpu.memory_space<vmem>> -> memref<128xi32, #tpu.memory_space<vmem>>
        %dma_start3A_330 = arith.constant 0 : i32
        %dma_start3A_331 = arith.constant 0 : i32
        %dma_start3A_332 = tpu.memref_slice %arg2[%dma_start3A_330, %dma_start3A_331] : memref<20480x128xf32, #tpu.memory_space<hbm>> -> memref<20480x128xf32, #tpu.memory_space<hbm>>
        tpu.enqueue_indirect_dma source(%dma_start3A_332 : memref<20480x128xf32, #tpu.memory_space<hbm>>) target(%dma_start3A_326 : memref<128x128xf32, #tpu.memory_space<vmem>>) offsets(%dma_start3A_329 : memref<128xi32, #tpu.memory_space<vmem>>) semaphore(%arg10 : memref<!tpu.dma_semaphore, #tpu.memory_space<semaphore_mem>>)
      } else {
      }
      %dma_wait3A_308 = arith.constant 1 : i32
      %dma_wait3A_309 = arith.constant 0 : i32
      %dma_wait3A_310 = arith.constant 0 : i32
      %dma_wait3A_311 = tpu.memref_slice %arg8[%dma_wait3A_308, %dma_wait3A_309, %dma_wait3A_310] : memref<2x128x128xf32, #tpu.memory_space<vmem>> -> memref<1x128x128xf32, #tpu.memory_space<vmem>>
      %dma_wait3A_312 = tpu.memref_squeeze %dma_wait3A_311 : memref<1x128x128xf32, #tpu.memory_space<vmem>> -> memref<128x128xf32, #tpu.memory_space<vmem>>
      %dma_wait3A_313 = arith.constant 0 : i32
      %dma_wait3A_314 = tpu.memref_slice %arg6[%add3A_282, %dma_wait3A_313] : memref<40x128xi32, #tpu.memory_space<vmem>> -> memref<1x128xi32, #tpu.memory_space<vmem>>
      %dma_wait3A_315 = tpu.memref_squeeze %dma_wait3A_314 : memref<1x128xi32, #tpu.memory_space<vmem>> -> memref<128xi32, #tpu.memory_space<vmem>>
      %dma_wait3A_316 = arith.constant 0 : i32
      %dma_wait3A_317 = arith.constant 0 : i32
      %dma_wait3A_318 = tpu.memref_slice %arg2[%dma_wait3A_316, %dma_wait3A_317] : memref<20480x128xf32, #tpu.memory_space<hbm>> -> memref<20480x128xf32, #tpu.memory_space<hbm>>
      tpu.wait_indirect_dma semaphore(%arg11 : memref<!tpu.dma_semaphore, #tpu.memory_space<semaphore_mem>>) src(%dma_wait3A_318 : memref<20480x128xf32, #tpu.memory_space<hbm>>) dst(%dma_wait3A_312 : memref<128x128xf32, #tpu.memory_space<vmem>>)
      %run_scoped3A_319 = arith.constant 1 : i32
      "tpu.region"() ({
        %run_scoped3A_320 = tpu.sem_alloc : memref<!tpu.dma_semaphore, #tpu.memory_space<semaphore_mem>>
        %dma_start3A_321 = arith.constant 0 : i32
        %dma_start3A_322 = arith.constant 0 : i32
        %dma_start3A_323 = tpu.memref_slice %arg8[%run_scoped3A_319, %dma_start3A_321, %dma_start3A_322] : memref<2x128x128xf32, #tpu.memory_space<vmem>> -> memref<1x128x128xf32, #tpu.memory_space<vmem>>
        %dma_start3A_324 = tpu.memref_squeeze %dma_start3A_323 : memref<1x128x128xf32, #tpu.memory_space<vmem>> -> memref<128x128xf32, #tpu.memory_space<vmem>>
        %dma_start3A_325 = arith.constant 0 : i32
        %dma_start3A_326 = tpu.memref_slice %arg7[%add3A_282, %dma_start3A_325] : memref<40x128xi32, #tpu.memory_space<vmem>> -> memref<1x128xi32, #tpu.memory_space<vmem>>
        %dma_start3A_327 = tpu.memref_squeeze %dma_start3A_326 : memref<1x128xi32, #tpu.memory_space<vmem>> -> memref<128xi32, #tpu.memory_space<vmem>>
        %dma_start3A_328 = arith.constant 0 : i32
        %dma_start3A_329 = arith.constant 0 : i32
        %dma_start3A_330 = tpu.memref_slice %arg9[%dma_start3A_328, %dma_start3A_329] : memref<10240x128xf32, #tpu.memory_space<vmem_shared>> -> memref<10240x128xf32, #tpu.memory_space<vmem_shared>>
        tpu.enqueue_indirect_dma source(%dma_start3A_324 : memref<128x128xf32, #tpu.memory_space<vmem>>) target(%dma_start3A_330 : memref<10240x128xf32, #tpu.memory_space<vmem_shared>>) offsets(%dma_start3A_327 : memref<128xi32, #tpu.memory_space<vmem>>) semaphore(%run_scoped3A_320 : memref<!tpu.dma_semaphore, #tpu.memory_space<semaphore_mem>>) {add = true}
        %dma_wait3A_331 = arith.constant 0 : i32
        %dma_wait3A_332 = arith.constant 0 : i32
        %dma_wait3A_333 = tpu.memref_slice %arg8[%run_scoped3A_319, %dma_wait3A_331, %dma_wait3A_332] : memref<2x128x128xf32, #tpu.memory_space<vmem>> -> memref<1x128x128xf32, #tpu.memory_space<vmem>>
        %dma_wait3A_334 = tpu.memref_squeeze %dma_wait3A_333 : memref<1x128x128xf32, #tpu.memory_space<vmem>> -> memref<128x128xf32, #tpu.memory_space<vmem>>
        %dma_wait3A_335 = arith.constant 0 : i32
        %dma_wait3A_336 = tpu.memref_slice %arg7[%add3A_282, %dma_wait3A_335] : memref<40x128xi32, #tpu.memory_space<vmem>> -> memref<1x128xi32, #tpu.memory_space<vmem>>
        %dma_wait3A_337 = tpu.memref_squeeze %dma_wait3A_336 : memref<1x128xi32, #tpu.memory_space<vmem>> -> memref<128xi32, #tpu.memory_space<vmem>>
        %dma_wait3A_338 = arith.constant 0 : i32
        %dma_wait3A_339 = arith.constant 0 : i32
        %dma_wait3A_340 = tpu.memref_slice %arg9[%dma_wait3A_338, %dma_wait3A_339] : memref<10240x128xf32, #tpu.memory_space<vmem_shared>> -> memref<10240x128xf32, #tpu.memory_space<vmem_shared>>
        tpu.wait_indirect_dma semaphore(%run_scoped3A_320 : memref<!tpu.dma_semaphore, #tpu.memory_space<semaphore_mem>>) src(%dma_wait3A_334 : memref<128x128xf32, #tpu.memory_space<vmem>>) dst(%dma_wait3A_340 : memref<10240x128xf32, #tpu.memory_space<vmem_shared>>)
        tpu.yield
      }) : () -> ()
    }
    %scan3A_50 = arith.constant 20 : i32
    %add3A_51 = arith.constant 40 : i32
    %add3A_52 = arith.addi %mul3A_0, %add3A_51 : i32
    "tpu.region"() ({
      %run_scoped3A_278 = tpu.sem_alloc : memref<!tpu.dma_semaphore, #tpu.memory_space<semaphore_mem>>
      %dma_start3A_279 = arith.constant 0 : i32
      %dma_start3A_280 = tpu.memref_slice %arg3[%arg0, %add3A_52, %dma_start3A_279] : memref<2x1280x128xi32, #tpu.memory_space<hbm>> -> memref<1x40x128xi32, #tpu.memory_space<hbm>>
      %dma_start3A_281 = tpu.memref_squeeze %dma_start3A_280 : memref<1x40x128xi32, #tpu.memory_space<hbm>> -> memref<40x128xi32, #tpu.memory_space<hbm>>
      %dma_start3A_282 = arith.constant 0 : i32
      %dma_start3A_283 = tpu.memref_slice %arg3[%arg0, %add3A_52, %dma_start3A_282] : memref<2x1280x128xi32, #tpu.memory_space<hbm>> -> memref<1x40x128xi32, #tpu.memory_space<hbm>>
      %dma_start3A_284 = tpu.memref_squeeze %dma_start3A_283 : memref<1x40x128xi32, #tpu.memory_space<hbm>> -> memref<40x128xi32, #tpu.memory_space<hbm>>
      tpu.enqueue_dma source(%dma_start3A_284 : memref<40x128xi32, #tpu.memory_space<hbm>>) target(%arg6 : memref<40x128xi32, #tpu.memory_space<vmem>>) target_semaphore(%run_scoped3A_278 : memref<!tpu.dma_semaphore, #tpu.memory_space<semaphore_mem>>)
      %dma_wait3A_285 = arith.constant 0 : i32
      %dma_wait3A_286 = tpu.memref_slice %arg3[%arg0, %add3A_52, %dma_wait3A_285] : memref<2x1280x128xi32, #tpu.memory_space<hbm>> -> memref<1x40x128xi32, #tpu.memory_space<hbm>>
      %dma_wait3A_287 = tpu.memref_squeeze %dma_wait3A_286 : memref<1x40x128xi32, #tpu.memory_space<hbm>> -> memref<40x128xi32, #tpu.memory_space<hbm>>
      %dma_wait3A_288 = arith.constant 0 : i32
      %dma_wait3A_289 = tpu.memref_slice %arg3[%arg0, %add3A_52, %dma_wait3A_288] : memref<2x1280x128xi32, #tpu.memory_space<hbm>> -> memref<1x40x128xi32, #tpu.memory_space<hbm>>
      %dma_wait3A_290 = tpu.memref_squeeze %dma_wait3A_289 : memref<1x40x128xi32, #tpu.memory_space<hbm>> -> memref<40x128xi32, #tpu.memory_space<hbm>>
      tpu.wait_dma2 semaphore(%run_scoped3A_278 : memref<!tpu.dma_semaphore, #tpu.memory_space<semaphore_mem>>) src(%dma_wait3A_290 : memref<40x128xi32, #tpu.memory_space<hbm>>) dst(%arg6 : memref<40x128xi32, #tpu.memory_space<vmem>>)
      tpu.yield
    }) : () -> ()
    %add3A_53 = arith.constant 40 : i32
    %add3A_54 = arith.addi %mul3A_0, %add3A_53 : i32
    "tpu.region"() ({
      %run_scoped3A_278 = tpu.sem_alloc : memref<!tpu.dma_semaphore, #tpu.memory_space<semaphore_mem>>
      %dma_start3A_279 = arith.constant 0 : i32
      %dma_start3A_280 = tpu.memref_slice %arg4[%add3A_54, %dma_start3A_279] : memref<1280x128xi32, #tpu.memory_space<hbm>> -> memref<40x128xi32, #tpu.memory_space<hbm>>
      %dma_start3A_281 = arith.constant 0 : i32
      %dma_start3A_282 = tpu.memref_slice %arg4[%add3A_54, %dma_start3A_281] : memref<1280x128xi32, #tpu.memory_space<hbm>> -> memref<40x128xi32, #tpu.memory_space<hbm>>
      tpu.enqueue_dma source(%dma_start3A_282 : memref<40x128xi32, #tpu.memory_space<hbm>>) target(%arg7 : memref<40x128xi32, #tpu.memory_space<vmem>>) target_semaphore(%run_scoped3A_278 : memref<!tpu.dma_semaphore, #tpu.memory_space<semaphore_mem>>)
      %dma_wait3A_283 = arith.constant 0 : i32
      %dma_wait3A_284 = tpu.memref_slice %arg4[%add3A_54, %dma_wait3A_283] : memref<1280x128xi32, #tpu.memory_space<hbm>> -> memref<40x128xi32, #tpu.memory_space<hbm>>
      %dma_wait3A_285 = arith.constant 0 : i32
      %dma_wait3A_286 = tpu.memref_slice %arg4[%add3A_54, %dma_wait3A_285] : memref<1280x128xi32, #tpu.memory_space<hbm>> -> memref<40x128xi32, #tpu.memory_space<hbm>>
      tpu.wait_dma2 semaphore(%run_scoped3A_278 : memref<!tpu.dma_semaphore, #tpu.memory_space<semaphore_mem>>) src(%dma_wait3A_286 : memref<40x128xi32, #tpu.memory_space<hbm>>) dst(%arg7 : memref<40x128xi32, #tpu.memory_space<vmem>>)
      tpu.yield
    }) : () -> ()
    %dma_start3A_55 = arith.constant 0 : i32
    %dma_start3A_56 = arith.constant 0 : i32
    %dma_start3A_57 = arith.constant 0 : i32
    %dma_start3A_58 = arith.constant 0 : i32
    %dma_start3A_59 = tpu.memref_slice %arg8[%dma_start3A_56, %dma_start3A_57, %dma_start3A_58] : memref<2x128x128xf32, #tpu.memory_space<vmem>> -> memref<1x128x128xf32, #tpu.memory_space<vmem>>
    %dma_start3A_60 = tpu.memref_squeeze %dma_start3A_59 : memref<1x128x128xf32, #tpu.memory_space<vmem>> -> memref<128x128xf32, #tpu.memory_space<vmem>>
    %dma_start3A_61 = arith.constant 0 : i32
    %dma_start3A_62 = tpu.memref_slice %arg6[%dma_start3A_55, %dma_start3A_61] : memref<40x128xi32, #tpu.memory_space<vmem>> -> memref<1x128xi32, #tpu.memory_space<vmem>>
    %dma_start3A_63 = tpu.memref_squeeze %dma_start3A_62 : memref<1x128xi32, #tpu.memory_space<vmem>> -> memref<128xi32, #tpu.memory_space<vmem>>
    %dma_start3A_64 = arith.constant 0 : i32
    %dma_start3A_65 = arith.constant 0 : i32
    %dma_start3A_66 = tpu.memref_slice %arg2[%dma_start3A_64, %dma_start3A_65] : memref<20480x128xf32, #tpu.memory_space<hbm>> -> memref<20480x128xf32, #tpu.memory_space<hbm>>
    tpu.enqueue_indirect_dma source(%dma_start3A_66 : memref<20480x128xf32, #tpu.memory_space<hbm>>) target(%dma_start3A_60 : memref<128x128xf32, #tpu.memory_space<vmem>>) offsets(%dma_start3A_63 : memref<128xi32, #tpu.memory_space<vmem>>) semaphore(%arg10 : memref<!tpu.dma_semaphore, #tpu.memory_space<semaphore_mem>>)
    %scan3A_67 = arith.constant 0 : i32
    %scan3A_68 = arith.constant 0 : i32
    %scan3A_69 = arith.constant 20 : i32
    %scan3A_70 = arith.addi %scan3A_68, %scan3A_69 : i32
    %scan3A_71 = arith.constant 1 : i32
    scf.for %scan3A_278 = %scan3A_68 to %scan3A_70 step %scan3A_71  : i32 {
      %mul3A_279 = arith.constant 2 : i32
      %mul3A_280 = arith.muli %mul3A_279, %scan3A_278 : i32
      %add3A_281 = arith.constant 1 : i32
      %add3A_282 = arith.addi %mul3A_280, %add3A_281 : i32
      %dma_start3A_283 = arith.constant 1 : i32
      %dma_start3A_284 = arith.constant 0 : i32
      %dma_start3A_285 = arith.constant 0 : i32
      %dma_start3A_286 = tpu.memref_slice %arg8[%dma_start3A_283, %dma_start3A_284, %dma_start3A_285] : memref<2x128x128xf32, #tpu.memory_space<vmem>> -> memref<1x128x128xf32, #tpu.memory_space<vmem>>
      %dma_start3A_287 = tpu.memref_squeeze %dma_start3A_286 : memref<1x128x128xf32, #tpu.memory_space<vmem>> -> memref<128x128xf32, #tpu.memory_space<vmem>>
      %dma_start3A_288 = arith.constant 0 : i32
      %dma_start3A_289 = tpu.memref_slice %arg6[%add3A_282, %dma_start3A_288] : memref<40x128xi32, #tpu.memory_space<vmem>> -> memref<1x128xi32, #tpu.memory_space<vmem>>
      %dma_start3A_290 = tpu.memref_squeeze %dma_start3A_289 : memref<1x128xi32, #tpu.memory_space<vmem>> -> memref<128xi32, #tpu.memory_space<vmem>>
      %dma_start3A_291 = arith.constant 0 : i32
      %dma_start3A_292 = arith.constant 0 : i32
      %dma_start3A_293 = tpu.memref_slice %arg2[%dma_start3A_291, %dma_start3A_292] : memref<20480x128xf32, #tpu.memory_space<hbm>> -> memref<20480x128xf32, #tpu.memory_space<hbm>>
      tpu.enqueue_indirect_dma source(%dma_start3A_293 : memref<20480x128xf32, #tpu.memory_space<hbm>>) target(%dma_start3A_287 : memref<128x128xf32, #tpu.memory_space<vmem>>) offsets(%dma_start3A_290 : memref<128xi32, #tpu.memory_space<vmem>>) semaphore(%arg11 : memref<!tpu.dma_semaphore, #tpu.memory_space<semaphore_mem>>)
      %dma_wait3A_294 = arith.constant 0 : i32
      %dma_wait3A_295 = arith.constant 0 : i32
      %dma_wait3A_296 = arith.constant 0 : i32
      %dma_wait3A_297 = tpu.memref_slice %arg8[%dma_wait3A_294, %dma_wait3A_295, %dma_wait3A_296] : memref<2x128x128xf32, #tpu.memory_space<vmem>> -> memref<1x128x128xf32, #tpu.memory_space<vmem>>
      %dma_wait3A_298 = tpu.memref_squeeze %dma_wait3A_297 : memref<1x128x128xf32, #tpu.memory_space<vmem>> -> memref<128x128xf32, #tpu.memory_space<vmem>>
      %dma_wait3A_299 = arith.constant 0 : i32
      %dma_wait3A_300 = tpu.memref_slice %arg6[%mul3A_280, %dma_wait3A_299] : memref<40x128xi32, #tpu.memory_space<vmem>> -> memref<1x128xi32, #tpu.memory_space<vmem>>
      %dma_wait3A_301 = tpu.memref_squeeze %dma_wait3A_300 : memref<1x128xi32, #tpu.memory_space<vmem>> -> memref<128xi32, #tpu.memory_space<vmem>>
      %dma_wait3A_302 = arith.constant 0 : i32
      %dma_wait3A_303 = arith.constant 0 : i32
      %dma_wait3A_304 = tpu.memref_slice %arg2[%dma_wait3A_302, %dma_wait3A_303] : memref<20480x128xf32, #tpu.memory_space<hbm>> -> memref<20480x128xf32, #tpu.memory_space<hbm>>
      tpu.wait_indirect_dma semaphore(%arg10 : memref<!tpu.dma_semaphore, #tpu.memory_space<semaphore_mem>>) src(%dma_wait3A_304 : memref<20480x128xf32, #tpu.memory_space<hbm>>) dst(%dma_wait3A_298 : memref<128x128xf32, #tpu.memory_space<vmem>>)
      %run_scoped3A_305 = arith.constant 0 : i32
      "tpu.region"() ({
        %run_scoped3A_320 = tpu.sem_alloc : memref<!tpu.dma_semaphore, #tpu.memory_space<semaphore_mem>>
        %dma_start3A_321 = arith.constant 0 : i32
        %dma_start3A_322 = arith.constant 0 : i32
        %dma_start3A_323 = tpu.memref_slice %arg8[%run_scoped3A_305, %dma_start3A_321, %dma_start3A_322] : memref<2x128x128xf32, #tpu.memory_space<vmem>> -> memref<1x128x128xf32, #tpu.memory_space<vmem>>
        %dma_start3A_324 = tpu.memref_squeeze %dma_start3A_323 : memref<1x128x128xf32, #tpu.memory_space<vmem>> -> memref<128x128xf32, #tpu.memory_space<vmem>>
        %dma_start3A_325 = arith.constant 0 : i32
        %dma_start3A_326 = tpu.memref_slice %arg7[%mul3A_280, %dma_start3A_325] : memref<40x128xi32, #tpu.memory_space<vmem>> -> memref<1x128xi32, #tpu.memory_space<vmem>>
        %dma_start3A_327 = tpu.memref_squeeze %dma_start3A_326 : memref<1x128xi32, #tpu.memory_space<vmem>> -> memref<128xi32, #tpu.memory_space<vmem>>
        %dma_start3A_328 = arith.constant 0 : i32
        %dma_start3A_329 = arith.constant 0 : i32
        %dma_start3A_330 = tpu.memref_slice %arg9[%dma_start3A_328, %dma_start3A_329] : memref<10240x128xf32, #tpu.memory_space<vmem_shared>> -> memref<10240x128xf32, #tpu.memory_space<vmem_shared>>
        tpu.enqueue_indirect_dma source(%dma_start3A_324 : memref<128x128xf32, #tpu.memory_space<vmem>>) target(%dma_start3A_330 : memref<10240x128xf32, #tpu.memory_space<vmem_shared>>) offsets(%dma_start3A_327 : memref<128xi32, #tpu.memory_space<vmem>>) semaphore(%run_scoped3A_320 : memref<!tpu.dma_semaphore, #tpu.memory_space<semaphore_mem>>) {add = true}
        %dma_wait3A_331 = arith.constant 0 : i32
        %dma_wait3A_332 = arith.constant 0 : i32
        %dma_wait3A_333 = tpu.memref_slice %arg8[%run_scoped3A_305, %dma_wait3A_331, %dma_wait3A_332] : memref<2x128x128xf32, #tpu.memory_space<vmem>> -> memref<1x128x128xf32, #tpu.memory_space<vmem>>
        %dma_wait3A_334 = tpu.memref_squeeze %dma_wait3A_333 : memref<1x128x128xf32, #tpu.memory_space<vmem>> -> memref<128x128xf32, #tpu.memory_space<vmem>>
        %dma_wait3A_335 = arith.constant 0 : i32
        %dma_wait3A_336 = tpu.memref_slice %arg7[%mul3A_280, %dma_wait3A_335] : memref<40x128xi32, #tpu.memory_space<vmem>> -> memref<1x128xi32, #tpu.memory_space<vmem>>
        %dma_wait3A_337 = tpu.memref_squeeze %dma_wait3A_336 : memref<1x128xi32, #tpu.memory_space<vmem>> -> memref<128xi32, #tpu.memory_space<vmem>>
        %dma_wait3A_338 = arith.constant 0 : i32
        %dma_wait3A_339 = arith.constant 0 : i32
        %dma_wait3A_340 = tpu.memref_slice %arg9[%dma_wait3A_338, %dma_wait3A_339] : memref<10240x128xf32, #tpu.memory_space<vmem_shared>> -> memref<10240x128xf32, #tpu.memory_space<vmem_shared>>
        tpu.wait_indirect_dma semaphore(%run_scoped3A_320 : memref<!tpu.dma_semaphore, #tpu.memory_space<semaphore_mem>>) src(%dma_wait3A_334 : memref<128x128xf32, #tpu.memory_space<vmem>>) dst(%dma_wait3A_340 : memref<10240x128xf32, #tpu.memory_space<vmem_shared>>)
        tpu.yield
      }) : () -> ()
      %lt3A = arith.constant 19 : i32
      %lt3A_306 = arith.cmpi slt, %scan3A_278, %lt3A : i32
      %convert_element_type3A = arith.extui %lt3A_306 : i1 to i32
      %cond3A = arith.constant 0 : i32
      %cond3A_307 = arith.cmpi ne, %convert_element_type3A, %cond3A : i32
      scf.if %cond3A_307 {
        %add3A_320 = arith.constant 2 : i32
        %add3A_321 = arith.addi %mul3A_280, %add3A_320 : i32
        %dma_start3A_322 = arith.constant 0 : i32
        %dma_start3A_323 = arith.constant 0 : i32
        %dma_start3A_324 = arith.constant 0 : i32
        %dma_start3A_325 = tpu.memref_slice %arg8[%dma_start3A_322, %dma_start3A_323, %dma_start3A_324] : memref<2x128x128xf32, #tpu.memory_space<vmem>> -> memref<1x128x128xf32, #tpu.memory_space<vmem>>
        %dma_start3A_326 = tpu.memref_squeeze %dma_start3A_325 : memref<1x128x128xf32, #tpu.memory_space<vmem>> -> memref<128x128xf32, #tpu.memory_space<vmem>>
        %dma_start3A_327 = arith.constant 0 : i32
        %dma_start3A_328 = tpu.memref_slice %arg6[%add3A_321, %dma_start3A_327] : memref<40x128xi32, #tpu.memory_space<vmem>> -> memref<1x128xi32, #tpu.memory_space<vmem>>
        %dma_start3A_329 = tpu.memref_squeeze %dma_start3A_328 : memref<1x128xi32, #tpu.memory_space<vmem>> -> memref<128xi32, #tpu.memory_space<vmem>>
        %dma_start3A_330 = arith.constant 0 : i32
        %dma_start3A_331 = arith.constant 0 : i32
        %dma_start3A_332 = tpu.memref_slice %arg2[%dma_start3A_330, %dma_start3A_331] : memref<20480x128xf32, #tpu.memory_space<hbm>> -> memref<20480x128xf32, #tpu.memory_space<hbm>>
        tpu.enqueue_indirect_dma source(%dma_start3A_332 : memref<20480x128xf32, #tpu.memory_space<hbm>>) target(%dma_start3A_326 : memref<128x128xf32, #tpu.memory_space<vmem>>) offsets(%dma_start3A_329 : memref<128xi32, #tpu.memory_space<vmem>>) semaphore(%arg10 : memref<!tpu.dma_semaphore, #tpu.memory_space<semaphore_mem>>)
      } else {
      }
      %dma_wait3A_308 = arith.constant 1 : i32
      %dma_wait3A_309 = arith.constant 0 : i32
      %dma_wait3A_310 = arith.constant 0 : i32
      %dma_wait3A_311 = tpu.memref_slice %arg8[%dma_wait3A_308, %dma_wait3A_309, %dma_wait3A_310] : memref<2x128x128xf32, #tpu.memory_space<vmem>> -> memref<1x128x128xf32, #tpu.memory_space<vmem>>
      %dma_wait3A_312 = tpu.memref_squeeze %dma_wait3A_311 : memref<1x128x128xf32, #tpu.memory_space<vmem>> -> memref<128x128xf32, #tpu.memory_space<vmem>>
      %dma_wait3A_313 = arith.constant 0 : i32
      %dma_wait3A_314 = tpu.memref_slice %arg6[%add3A_282, %dma_wait3A_313] : memref<40x128xi32, #tpu.memory_space<vmem>> -> memref<1x128xi32, #tpu.memory_space<vmem>>
      %dma_wait3A_315 = tpu.memref_squeeze %dma_wait3A_314 : memref<1x128xi32, #tpu.memory_space<vmem>> -> memref<128xi32, #tpu.memory_space<vmem>>
      %dma_wait3A_316 = arith.constant 0 : i32
      %dma_wait3A_317 = arith.constant 0 : i32
      %dma_wait3A_318 = tpu.memref_slice %arg2[%dma_wait3A_316, %dma_wait3A_317] : memref<20480x128xf32, #tpu.memory_space<hbm>> -> memref<20480x128xf32, #tpu.memory_space<hbm>>
      tpu.wait_indirect_dma semaphore(%arg11 : memref<!tpu.dma_semaphore, #tpu.memory_space<semaphore_mem>>) src(%dma_wait3A_318 : memref<20480x128xf32, #tpu.memory_space<hbm>>) dst(%dma_wait3A_312 : memref<128x128xf32, #tpu.memory_space<vmem>>)
      %run_scoped3A_319 = arith.constant 1 : i32
      "tpu.region"() ({
        %run_scoped3A_320 = tpu.sem_alloc : memref<!tpu.dma_semaphore, #tpu.memory_space<semaphore_mem>>
        %dma_start3A_321 = arith.constant 0 : i32
        %dma_start3A_322 = arith.constant 0 : i32
        %dma_start3A_323 = tpu.memref_slice %arg8[%run_scoped3A_319, %dma_start3A_321, %dma_start3A_322] : memref<2x128x128xf32, #tpu.memory_space<vmem>> -> memref<1x128x128xf32, #tpu.memory_space<vmem>>
        %dma_start3A_324 = tpu.memref_squeeze %dma_start3A_323 : memref<1x128x128xf32, #tpu.memory_space<vmem>> -> memref<128x128xf32, #tpu.memory_space<vmem>>
        %dma_start3A_325 = arith.constant 0 : i32
        %dma_start3A_326 = tpu.memref_slice %arg7[%add3A_282, %dma_start3A_325] : memref<40x128xi32, #tpu.memory_space<vmem>> -> memref<1x128xi32, #tpu.memory_space<vmem>>
        %dma_start3A_327 = tpu.memref_squeeze %dma_start3A_326 : memref<1x128xi32, #tpu.memory_space<vmem>> -> memref<128xi32, #tpu.memory_space<vmem>>
        %dma_start3A_328 = arith.constant 0 : i32
        %dma_start3A_329 = arith.constant 0 : i32
        %dma_start3A_330 = tpu.memref_slice %arg9[%dma_start3A_328, %dma_start3A_329] : memref<10240x128xf32, #tpu.memory_space<vmem_shared>> -> memref<10240x128xf32, #tpu.memory_space<vmem_shared>>
        tpu.enqueue_indirect_dma source(%dma_start3A_324 : memref<128x128xf32, #tpu.memory_space<vmem>>) target(%dma_start3A_330 : memref<10240x128xf32, #tpu.memory_space<vmem_shared>>) offsets(%dma_start3A_327 : memref<128xi32, #tpu.memory_space<vmem>>) semaphore(%run_scoped3A_320 : memref<!tpu.dma_semaphore, #tpu.memory_space<semaphore_mem>>) {add = true}
        %dma_wait3A_331 = arith.constant 0 : i32
        %dma_wait3A_332 = arith.constant 0 : i32
        %dma_wait3A_333 = tpu.memref_slice %arg8[%run_scoped3A_319, %dma_wait3A_331, %dma_wait3A_332] : memref<2x128x128xf32, #tpu.memory_space<vmem>> -> memref<1x128x128xf32, #tpu.memory_space<vmem>>
        %dma_wait3A_334 = tpu.memref_squeeze %dma_wait3A_333 : memref<1x128x128xf32, #tpu.memory_space<vmem>> -> memref<128x128xf32, #tpu.memory_space<vmem>>
        %dma_wait3A_335 = arith.constant 0 : i32
        %dma_wait3A_336 = tpu.memref_slice %arg7[%add3A_282, %dma_wait3A_335] : memref<40x128xi32, #tpu.memory_space<vmem>> -> memref<1x128xi32, #tpu.memory_space<vmem>>
        %dma_wait3A_337 = tpu.memref_squeeze %dma_wait3A_336 : memref<1x128xi32, #tpu.memory_space<vmem>> -> memref<128xi32, #tpu.memory_space<vmem>>
        %dma_wait3A_338 = arith.constant 0 : i32
        %dma_wait3A_339 = arith.constant 0 : i32
        %dma_wait3A_340 = tpu.memref_slice %arg9[%dma_wait3A_338, %dma_wait3A_339] : memref<10240x128xf32, #tpu.memory_space<vmem_shared>> -> memref<10240x128xf32, #tpu.memory_space<vmem_shared>>
        tpu.wait_indirect_dma semaphore(%run_scoped3A_320 : memref<!tpu.dma_semaphore, #tpu.memory_space<semaphore_mem>>) src(%dma_wait3A_334 : memref<128x128xf32, #tpu.memory_space<vmem>>) dst(%dma_wait3A_340 : memref<10240x128xf32, #tpu.memory_space<vmem_shared>>)
        tpu.yield
      }) : () -> ()
    }
    %scan3A_72 = arith.constant 20 : i32
    %barrier3A_73 = arith.constant 0 : index
    tpu.barrier barrier_id(%barrier3A_73)
    %mul3A_74 = arith.constant 640 : i32
    %mul3A_75 = arith.muli %arg1, %mul3A_74 : i32
    %add3A_76 = arith.constant 0 : i32
    %add3A_77 = arith.addi %mul3A_75, %add3A_76 : i32
    %run_scoped3A_78 = arith.constant 0 : i32
    "tpu.region"() ({
      %run_scoped3A_278 = tpu.sem_alloc : memref<!tpu.dma_semaphore, #tpu.memory_space<semaphore_mem>>
      %dma_start3A_279 = arith.constant 0 : i32
      %dma_start3A_280 = arith.constant 0 : i32
      %dma_start3A_281 = tpu.memref_slice %arg8[%run_scoped3A_78, %dma_start3A_279, %dma_start3A_280] : memref<2x128x128xf32, #tpu.memory_space<vmem>> -> memref<1x128x128xf32, #tpu.memory_space<vmem>>
      %dma_start3A_282 = tpu.memref_squeeze %dma_start3A_281 : memref<1x128x128xf32, #tpu.memory_space<vmem>> -> memref<128x128xf32, #tpu.memory_space<vmem>>
      %dma_start3A_283 = arith.constant 0 : i32
      %dma_start3A_284 = tpu.memref_slice %arg9[%add3A_77, %dma_start3A_283] : memref<10240x128xf32, #tpu.memory_space<vmem_shared>> -> memref<128x128xf32, #tpu.memory_space<vmem_shared>>
      %dma_start3A_285 = arith.constant 0 : i32
      %dma_start3A_286 = arith.constant 0 : i32
      %dma_start3A_287 = tpu.memref_slice %arg8[%run_scoped3A_78, %dma_start3A_285, %dma_start3A_286] : memref<2x128x128xf32, #tpu.memory_space<vmem>> -> memref<1x128x128xf32, #tpu.memory_space<vmem>>
      %dma_start3A_288 = tpu.memref_squeeze %dma_start3A_287 : memref<1x128x128xf32, #tpu.memory_space<vmem>> -> memref<128x128xf32, #tpu.memory_space<vmem>>
      %dma_start3A_289 = arith.constant 0 : i32
      %dma_start3A_290 = tpu.memref_slice %arg9[%add3A_77, %dma_start3A_289] : memref<10240x128xf32, #tpu.memory_space<vmem_shared>> -> memref<128x128xf32, #tpu.memory_space<vmem_shared>>
      tpu.enqueue_dma source(%dma_start3A_290 : memref<128x128xf32, #tpu.memory_space<vmem_shared>>) target(%dma_start3A_288 : memref<128x128xf32, #tpu.memory_space<vmem>>) target_semaphore(%run_scoped3A_278 : memref<!tpu.dma_semaphore, #tpu.memory_space<semaphore_mem>>)
      %dma_wait3A_291 = arith.constant 0 : i32
      %dma_wait3A_292 = arith.constant 0 : i32
      %dma_wait3A_293 = tpu.memref_slice %arg8[%run_scoped3A_78, %dma_wait3A_291, %dma_wait3A_292] : memref<2x128x128xf32, #tpu.memory_space<vmem>> -> memref<1x128x128xf32, #tpu.memory_space<vmem>>
      %dma_wait3A_294 = tpu.memref_squeeze %dma_wait3A_293 : memref<1x128x128xf32, #tpu.memory_space<vmem>> -> memref<128x128xf32, #tpu.memory_space<vmem>>
      %dma_wait3A_295 = arith.constant 0 : i32
      %dma_wait3A_296 = tpu.memref_slice %arg9[%add3A_77, %dma_wait3A_295] : memref<10240x128xf32, #tpu.memory_space<vmem_shared>> -> memref<128x128xf32, #tpu.memory_space<vmem_shared>>
      %dma_wait3A_297 = arith.constant 0 : i32
      %dma_wait3A_298 = arith.constant 0 : i32
      %dma_wait3A_299 = tpu.memref_slice %arg8[%run_scoped3A_78, %dma_wait3A_297, %dma_wait3A_298] : memref<2x128x128xf32, #tpu.memory_space<vmem>> -> memref<1x128x128xf32, #tpu.memory_space<vmem>>
      %dma_wait3A_300 = tpu.memref_squeeze %dma_wait3A_299 : memref<1x128x128xf32, #tpu.memory_space<vmem>> -> memref<128x128xf32, #tpu.memory_space<vmem>>
      %dma_wait3A_301 = arith.constant 0 : i32
      %dma_wait3A_302 = tpu.memref_slice %arg9[%add3A_77, %dma_wait3A_301] : memref<10240x128xf32, #tpu.memory_space<vmem_shared>> -> memref<128x128xf32, #tpu.memory_space<vmem_shared>>
      tpu.wait_dma2 semaphore(%run_scoped3A_278 : memref<!tpu.dma_semaphore, #tpu.memory_space<semaphore_mem>>) src(%dma_wait3A_302 : memref<128x128xf32, #tpu.memory_space<vmem_shared>>) dst(%dma_wait3A_300 : memref<128x128xf32, #tpu.memory_space<vmem>>)
      tpu.yield
    }) : () -> ()
    %mul3A_79 = arith.constant 10240 : i32
    %mul3A_80 = arith.muli %arg0, %mul3A_79 : i32
    %add3A_81 = arith.addi %mul3A_80, %add3A_77 : i32
    %dma_start3A_82 = arith.constant 0 : i32
    %dma_start3A_83 = arith.constant 0 : i32
    %dma_start3A_84 = arith.constant 0 : i32
    %dma_start3A_85 = tpu.memref_slice %arg8[%dma_start3A_82, %dma_start3A_83, %dma_start3A_84] : memref<2x128x128xf32, #tpu.memory_space<vmem>> -> memref<1x128x128xf32, #tpu.memory_space<vmem>>
    %dma_start3A_86 = tpu.memref_squeeze %dma_start3A_85 : memref<1x128x128xf32, #tpu.memory_space<vmem>> -> memref<128x128xf32, #tpu.memory_space<vmem>>
    %dma_start3A_87 = arith.constant 0 : i32
    %dma_start3A_88 = tpu.memref_slice %arg5[%add3A_81, %dma_start3A_87] : memref<20480x128xf32, #tpu.memory_space<hbm>> -> memref<128x128xf32, #tpu.memory_space<hbm>>
    %dma_start3A_89 = arith.constant 0 : i32
    %dma_start3A_90 = tpu.memref_slice %arg5[%add3A_81, %dma_start3A_89] : memref<20480x128xf32, #tpu.memory_space<hbm>> -> memref<128x128xf32, #tpu.memory_space<hbm>>
    %dma_start3A_91 = arith.constant 0 : i32
    %dma_start3A_92 = arith.constant 0 : i32
    %dma_start3A_93 = tpu.memref_slice %arg8[%dma_start3A_82, %dma_start3A_91, %dma_start3A_92] : memref<2x128x128xf32, #tpu.memory_space<vmem>> -> memref<1x128x128xf32, #tpu.memory_space<vmem>>
    %dma_start3A_94 = tpu.memref_squeeze %dma_start3A_93 : memref<1x128x128xf32, #tpu.memory_space<vmem>> -> memref<128x128xf32, #tpu.memory_space<vmem>>
    tpu.enqueue_dma source(%dma_start3A_94 : memref<128x128xf32, #tpu.memory_space<vmem>>) target(%dma_start3A_90 : memref<128x128xf32, #tpu.memory_space<hbm>>) target_semaphore(%arg10 : memref<!tpu.dma_semaphore, #tpu.memory_space<semaphore_mem>>)
    %mul3A_95 = arith.constant 640 : i32
    %mul3A_96 = arith.muli %arg1, %mul3A_95 : i32
    %add3A_97 = arith.constant 128 : i32
    %add3A_98 = arith.addi %mul3A_96, %add3A_97 : i32
    %run_scoped3A_99 = arith.constant 1 : i32
    "tpu.region"() ({
      %run_scoped3A_278 = tpu.sem_alloc : memref<!tpu.dma_semaphore, #tpu.memory_space<semaphore_mem>>
      %dma_start3A_279 = arith.constant 0 : i32
      %dma_start3A_280 = arith.constant 0 : i32
      %dma_start3A_281 = tpu.memref_slice %arg8[%run_scoped3A_99, %dma_start3A_279, %dma_start3A_280] : memref<2x128x128xf32, #tpu.memory_space<vmem>> -> memref<1x128x128xf32, #tpu.memory_space<vmem>>
      %dma_start3A_282 = tpu.memref_squeeze %dma_start3A_281 : memref<1x128x128xf32, #tpu.memory_space<vmem>> -> memref<128x128xf32, #tpu.memory_space<vmem>>
      %dma_start3A_283 = arith.constant 0 : i32
      %dma_start3A_284 = tpu.memref_slice %arg9[%add3A_98, %dma_start3A_283] : memref<10240x128xf32, #tpu.memory_space<vmem_shared>> -> memref<128x128xf32, #tpu.memory_space<vmem_shared>>
      %dma_start3A_285 = arith.constant 0 : i32
      %dma_start3A_286 = arith.constant 0 : i32
      %dma_start3A_287 = tpu.memref_slice %arg8[%run_scoped3A_99, %dma_start3A_285, %dma_start3A_286] : memref<2x128x128xf32, #tpu.memory_space<vmem>> -> memref<1x128x128xf32, #tpu.memory_space<vmem>>
      %dma_start3A_288 = tpu.memref_squeeze %dma_start3A_287 : memref<1x128x128xf32, #tpu.memory_space<vmem>> -> memref<128x128xf32, #tpu.memory_space<vmem>>
      %dma_start3A_289 = arith.constant 0 : i32
      %dma_start3A_290 = tpu.memref_slice %arg9[%add3A_98, %dma_start3A_289] : memref<10240x128xf32, #tpu.memory_space<vmem_shared>> -> memref<128x128xf32, #tpu.memory_space<vmem_shared>>
      tpu.enqueue_dma source(%dma_start3A_290 : memref<128x128xf32, #tpu.memory_space<vmem_shared>>) target(%dma_start3A_288 : memref<128x128xf32, #tpu.memory_space<vmem>>) target_semaphore(%run_scoped3A_278 : memref<!tpu.dma_semaphore, #tpu.memory_space<semaphore_mem>>)
      %dma_wait3A_291 = arith.constant 0 : i32
      %dma_wait3A_292 = arith.constant 0 : i32
      %dma_wait3A_293 = tpu.memref_slice %arg8[%run_scoped3A_99, %dma_wait3A_291, %dma_wait3A_292] : memref<2x128x128xf32, #tpu.memory_space<vmem>> -> memref<1x128x128xf32, #tpu.memory_space<vmem>>
      %dma_wait3A_294 = tpu.memref_squeeze %dma_wait3A_293 : memref<1x128x128xf32, #tpu.memory_space<vmem>> -> memref<128x128xf32, #tpu.memory_space<vmem>>
      %dma_wait3A_295 = arith.constant 0 : i32
      %dma_wait3A_296 = tpu.memref_slice %arg9[%add3A_98, %dma_wait3A_295] : memref<10240x128xf32, #tpu.memory_space<vmem_shared>> -> memref<128x128xf32, #tpu.memory_space<vmem_shared>>
      %dma_wait3A_297 = arith.constant 0 : i32
      %dma_wait3A_298 = arith.constant 0 : i32
      %dma_wait3A_299 = tpu.memref_slice %arg8[%run_scoped3A_99, %dma_wait3A_297, %dma_wait3A_298] : memref<2x128x128xf32, #tpu.memory_space<vmem>> -> memref<1x128x128xf32, #tpu.memory_space<vmem>>
      %dma_wait3A_300 = tpu.memref_squeeze %dma_wait3A_299 : memref<1x128x128xf32, #tpu.memory_space<vmem>> -> memref<128x128xf32, #tpu.memory_space<vmem>>
      %dma_wait3A_301 = arith.constant 0 : i32
      %dma_wait3A_302 = tpu.memref_slice %arg9[%add3A_98, %dma_wait3A_301] : memref<10240x128xf32, #tpu.memory_space<vmem_shared>> -> memref<128x128xf32, #tpu.memory_space<vmem_shared>>
      tpu.wait_dma2 semaphore(%run_scoped3A_278 : memref<!tpu.dma_semaphore, #tpu.memory_space<semaphore_mem>>) src(%dma_wait3A_302 : memref<128x128xf32, #tpu.memory_space<vmem_shared>>) dst(%dma_wait3A_300 : memref<128x128xf32, #tpu.memory_space<vmem>>)
      tpu.yield
    }) : () -> ()
    %mul3A_100 = arith.constant 10240 : i32
    %mul3A_101 = arith.muli %arg0, %mul3A_100 : i32
    %add3A_102 = arith.addi %mul3A_101, %add3A_98 : i32
    %dma_start3A_103 = arith.constant 1 : i32
    %dma_start3A_104 = arith.constant 0 : i32
    %dma_start3A_105 = arith.constant 0 : i32
    %dma_start3A_106 = tpu.memref_slice %arg8[%dma_start3A_103, %dma_start3A_104, %dma_start3A_105] : memref<2x128x128xf32, #tpu.memory_space<vmem>> -> memref<1x128x128xf32, #tpu.memory_space<vmem>>
    %dma_start3A_107 = tpu.memref_squeeze %dma_start3A_106 : memref<1x128x128xf32, #tpu.memory_space<vmem>> -> memref<128x128xf32, #tpu.memory_space<vmem>>
    %dma_start3A_108 = arith.constant 0 : i32
    %dma_start3A_109 = tpu.memref_slice %arg5[%add3A_102, %dma_start3A_108] : memref<20480x128xf32, #tpu.memory_space<hbm>> -> memref<128x128xf32, #tpu.memory_space<hbm>>
    %dma_start3A_110 = arith.constant 0 : i32
    %dma_start3A_111 = tpu.memref_slice %arg5[%add3A_102, %dma_start3A_110] : memref<20480x128xf32, #tpu.memory_space<hbm>> -> memref<128x128xf32, #tpu.memory_space<hbm>>
    %dma_start3A_112 = arith.constant 0 : i32
    %dma_start3A_113 = arith.constant 0 : i32
    %dma_start3A_114 = tpu.memref_slice %arg8[%dma_start3A_103, %dma_start3A_112, %dma_start3A_113] : memref<2x128x128xf32, #tpu.memory_space<vmem>> -> memref<1x128x128xf32, #tpu.memory_space<vmem>>
    %dma_start3A_115 = tpu.memref_squeeze %dma_start3A_114 : memref<1x128x128xf32, #tpu.memory_space<vmem>> -> memref<128x128xf32, #tpu.memory_space<vmem>>
    tpu.enqueue_dma source(%dma_start3A_115 : memref<128x128xf32, #tpu.memory_space<vmem>>) target(%dma_start3A_111 : memref<128x128xf32, #tpu.memory_space<hbm>>) target_semaphore(%arg11 : memref<!tpu.dma_semaphore, #tpu.memory_space<semaphore_mem>>)
    %mul3A_116 = arith.constant 640 : i32
    %mul3A_117 = arith.muli %arg1, %mul3A_116 : i32
    %add3A_118 = arith.constant 256 : i32
    %add3A_119 = arith.addi %mul3A_117, %add3A_118 : i32
    %mul3A_120 = arith.constant 640 : i32
    %mul3A_121 = arith.muli %arg1, %mul3A_120 : i32
    %add3A_122 = arith.constant 0 : i32
    %add3A_123 = arith.addi %mul3A_121, %add3A_122 : i32
    %mul3A_124 = arith.constant 10240 : i32
    %mul3A_125 = arith.muli %arg0, %mul3A_124 : i32
    %add3A_126 = arith.addi %mul3A_125, %add3A_123 : i32
    %dma_wait3A = arith.constant 0 : i32
    %dma_wait3A_127 = arith.constant 0 : i32
    %dma_wait3A_128 = arith.constant 0 : i32
    %dma_wait3A_129 = tpu.memref_slice %arg8[%dma_wait3A, %dma_wait3A_127, %dma_wait3A_128] : memref<2x128x128xf32, #tpu.memory_space<vmem>> -> memref<1x128x128xf32, #tpu.memory_space<vmem>>
    %dma_wait3A_130 = tpu.memref_squeeze %dma_wait3A_129 : memref<1x128x128xf32, #tpu.memory_space<vmem>> -> memref<128x128xf32, #tpu.memory_space<vmem>>
    %dma_wait3A_131 = arith.constant 0 : i32
    %dma_wait3A_132 = tpu.memref_slice %arg5[%add3A_126, %dma_wait3A_131] : memref<20480x128xf32, #tpu.memory_space<hbm>> -> memref<128x128xf32, #tpu.memory_space<hbm>>
    %dma_wait3A_133 = arith.constant 0 : i32
    %dma_wait3A_134 = tpu.memref_slice %arg5[%add3A_126, %dma_wait3A_133] : memref<20480x128xf32, #tpu.memory_space<hbm>> -> memref<128x128xf32, #tpu.memory_space<hbm>>
    %dma_wait3A_135 = arith.constant 0 : i32
    %dma_wait3A_136 = arith.constant 0 : i32
    %dma_wait3A_137 = tpu.memref_slice %arg8[%dma_wait3A, %dma_wait3A_135, %dma_wait3A_136] : memref<2x128x128xf32, #tpu.memory_space<vmem>> -> memref<1x128x128xf32, #tpu.memory_space<vmem>>
    %dma_wait3A_138 = tpu.memref_squeeze %dma_wait3A_137 : memref<1x128x128xf32, #tpu.memory_space<vmem>> -> memref<128x128xf32, #tpu.memory_space<vmem>>
    tpu.wait_dma2 semaphore(%arg10 : memref<!tpu.dma_semaphore, #tpu.memory_space<semaphore_mem>>) src(%dma_wait3A_138 : memref<128x128xf32, #tpu.memory_space<vmem>>) dst(%dma_wait3A_134 : memref<128x128xf32, #tpu.memory_space<hbm>>)
    %run_scoped3A_139 = arith.constant 0 : i32
    "tpu.region"() ({
      %run_scoped3A_278 = tpu.sem_alloc : memref<!tpu.dma_semaphore, #tpu.memory_space<semaphore_mem>>
      %dma_start3A_279 = arith.constant 0 : i32
      %dma_start3A_280 = arith.constant 0 : i32
      %dma_start3A_281 = tpu.memref_slice %arg8[%run_scoped3A_139, %dma_start3A_279, %dma_start3A_280] : memref<2x128x128xf32, #tpu.memory_space<vmem>> -> memref<1x128x128xf32, #tpu.memory_space<vmem>>
      %dma_start3A_282 = tpu.memref_squeeze %dma_start3A_281 : memref<1x128x128xf32, #tpu.memory_space<vmem>> -> memref<128x128xf32, #tpu.memory_space<vmem>>
      %dma_start3A_283 = arith.constant 0 : i32
      %dma_start3A_284 = tpu.memref_slice %arg9[%add3A_119, %dma_start3A_283] : memref<10240x128xf32, #tpu.memory_space<vmem_shared>> -> memref<128x128xf32, #tpu.memory_space<vmem_shared>>
      %dma_start3A_285 = arith.constant 0 : i32
      %dma_start3A_286 = arith.constant 0 : i32
      %dma_start3A_287 = tpu.memref_slice %arg8[%run_scoped3A_139, %dma_start3A_285, %dma_start3A_286] : memref<2x128x128xf32, #tpu.memory_space<vmem>> -> memref<1x128x128xf32, #tpu.memory_space<vmem>>
      %dma_start3A_288 = tpu.memref_squeeze %dma_start3A_287 : memref<1x128x128xf32, #tpu.memory_space<vmem>> -> memref<128x128xf32, #tpu.memory_space<vmem>>
      %dma_start3A_289 = arith.constant 0 : i32
      %dma_start3A_290 = tpu.memref_slice %arg9[%add3A_119, %dma_start3A_289] : memref<10240x128xf32, #tpu.memory_space<vmem_shared>> -> memref<128x128xf32, #tpu.memory_space<vmem_shared>>
      tpu.enqueue_dma source(%dma_start3A_290 : memref<128x128xf32, #tpu.memory_space<vmem_shared>>) target(%dma_start3A_288 : memref<128x128xf32, #tpu.memory_space<vmem>>) target_semaphore(%run_scoped3A_278 : memref<!tpu.dma_semaphore, #tpu.memory_space<semaphore_mem>>)
      %dma_wait3A_291 = arith.constant 0 : i32
      %dma_wait3A_292 = arith.constant 0 : i32
      %dma_wait3A_293 = tpu.memref_slice %arg8[%run_scoped3A_139, %dma_wait3A_291, %dma_wait3A_292] : memref<2x128x128xf32, #tpu.memory_space<vmem>> -> memref<1x128x128xf32, #tpu.memory_space<vmem>>
      %dma_wait3A_294 = tpu.memref_squeeze %dma_wait3A_293 : memref<1x128x128xf32, #tpu.memory_space<vmem>> -> memref<128x128xf32, #tpu.memory_space<vmem>>
      %dma_wait3A_295 = arith.constant 0 : i32
      %dma_wait3A_296 = tpu.memref_slice %arg9[%add3A_119, %dma_wait3A_295] : memref<10240x128xf32, #tpu.memory_space<vmem_shared>> -> memref<128x128xf32, #tpu.memory_space<vmem_shared>>
      %dma_wait3A_297 = arith.constant 0 : i32
      %dma_wait3A_298 = arith.constant 0 : i32
      %dma_wait3A_299 = tpu.memref_slice %arg8[%run_scoped3A_139, %dma_wait3A_297, %dma_wait3A_298] : memref<2x128x128xf32, #tpu.memory_space<vmem>> -> memref<1x128x128xf32, #tpu.memory_space<vmem>>
      %dma_wait3A_300 = tpu.memref_squeeze %dma_wait3A_299 : memref<1x128x128xf32, #tpu.memory_space<vmem>> -> memref<128x128xf32, #tpu.memory_space<vmem>>
      %dma_wait3A_301 = arith.constant 0 : i32
      %dma_wait3A_302 = tpu.memref_slice %arg9[%add3A_119, %dma_wait3A_301] : memref<10240x128xf32, #tpu.memory_space<vmem_shared>> -> memref<128x128xf32, #tpu.memory_space<vmem_shared>>
      tpu.wait_dma2 semaphore(%run_scoped3A_278 : memref<!tpu.dma_semaphore, #tpu.memory_space<semaphore_mem>>) src(%dma_wait3A_302 : memref<128x128xf32, #tpu.memory_space<vmem_shared>>) dst(%dma_wait3A_300 : memref<128x128xf32, #tpu.memory_space<vmem>>)
      tpu.yield
    }) : () -> ()
    %mul3A_140 = arith.constant 10240 : i32
    %mul3A_141 = arith.muli %arg0, %mul3A_140 : i32
    %add3A_142 = arith.addi %mul3A_141, %add3A_119 : i32
    %dma_start3A_143 = arith.constant 0 : i32
    %dma_start3A_144 = arith.constant 0 : i32
    %dma_start3A_145 = arith.constant 0 : i32
    %dma_start3A_146 = tpu.memref_slice %arg8[%dma_start3A_143, %dma_start3A_144, %dma_start3A_145] : memref<2x128x128xf32, #tpu.memory_space<vmem>> -> memref<1x128x128xf32, #tpu.memory_space<vmem>>
    %dma_start3A_147 = tpu.memref_squeeze %dma_start3A_146 : memref<1x128x128xf32, #tpu.memory_space<vmem>> -> memref<128x128xf32, #tpu.memory_space<vmem>>
    %dma_start3A_148 = arith.constant 0 : i32
    %dma_start3A_149 = tpu.memref_slice %arg5[%add3A_142, %dma_start3A_148] : memref<20480x128xf32, #tpu.memory_space<hbm>> -> memref<128x128xf32, #tpu.memory_space<hbm>>
    %dma_start3A_150 = arith.constant 0 : i32
    %dma_start3A_151 = tpu.memref_slice %arg5[%add3A_142, %dma_start3A_150] : memref<20480x128xf32, #tpu.memory_space<hbm>> -> memref<128x128xf32, #tpu.memory_space<hbm>>
    %dma_start3A_152 = arith.constant 0 : i32
    %dma_start3A_153 = arith.constant 0 : i32
    %dma_start3A_154 = tpu.memref_slice %arg8[%dma_start3A_143, %dma_start3A_152, %dma_start3A_153] : memref<2x128x128xf32, #tpu.memory_space<vmem>> -> memref<1x128x128xf32, #tpu.memory_space<vmem>>
    %dma_start3A_155 = tpu.memref_squeeze %dma_start3A_154 : memref<1x128x128xf32, #tpu.memory_space<vmem>> -> memref<128x128xf32, #tpu.memory_space<vmem>>
    tpu.enqueue_dma source(%dma_start3A_155 : memref<128x128xf32, #tpu.memory_space<vmem>>) target(%dma_start3A_151 : memref<128x128xf32, #tpu.memory_space<hbm>>) target_semaphore(%arg10 : memref<!tpu.dma_semaphore, #tpu.memory_space<semaphore_mem>>)
    %mul3A_156 = arith.constant 640 : i32
    %mul3A_157 = arith.muli %arg1, %mul3A_156 : i32
    %add3A_158 = arith.constant 384 : i32
    %add3A_159 = arith.addi %mul3A_157, %add3A_158 : i32
    %mul3A_160 = arith.constant 640 : i32
    %mul3A_161 = arith.muli %arg1, %mul3A_160 : i32
    %add3A_162 = arith.constant 128 : i32
    %add3A_163 = arith.addi %mul3A_161, %add3A_162 : i32
    %mul3A_164 = arith.constant 10240 : i32
    %mul3A_165 = arith.muli %arg0, %mul3A_164 : i32
    %add3A_166 = arith.addi %mul3A_165, %add3A_163 : i32
    %dma_wait3A_167 = arith.constant 1 : i32
    %dma_wait3A_168 = arith.constant 0 : i32
    %dma_wait3A_169 = arith.constant 0 : i32
    %dma_wait3A_170 = tpu.memref_slice %arg8[%dma_wait3A_167, %dma_wait3A_168, %dma_wait3A_169] : memref<2x128x128xf32, #tpu.memory_space<vmem>> -> memref<1x128x128xf32, #tpu.memory_space<vmem>>
    %dma_wait3A_171 = tpu.memref_squeeze %dma_wait3A_170 : memref<1x128x128xf32, #tpu.memory_space<vmem>> -> memref<128x128xf32, #tpu.memory_space<vmem>>
    %dma_wait3A_172 = arith.constant 0 : i32
    %dma_wait3A_173 = tpu.memref_slice %arg5[%add3A_166, %dma_wait3A_172] : memref<20480x128xf32, #tpu.memory_space<hbm>> -> memref<128x128xf32, #tpu.memory_space<hbm>>
    %dma_wait3A_174 = arith.constant 0 : i32
    %dma_wait3A_175 = tpu.memref_slice %arg5[%add3A_166, %dma_wait3A_174] : memref<20480x128xf32, #tpu.memory_space<hbm>> -> memref<128x128xf32, #tpu.memory_space<hbm>>
    %dma_wait3A_176 = arith.constant 0 : i32
    %dma_wait3A_177 = arith.constant 0 : i32
    %dma_wait3A_178 = tpu.memref_slice %arg8[%dma_wait3A_167, %dma_wait3A_176, %dma_wait3A_177] : memref<2x128x128xf32, #tpu.memory_space<vmem>> -> memref<1x128x128xf32, #tpu.memory_space<vmem>>
    %dma_wait3A_179 = tpu.memref_squeeze %dma_wait3A_178 : memref<1x128x128xf32, #tpu.memory_space<vmem>> -> memref<128x128xf32, #tpu.memory_space<vmem>>
    tpu.wait_dma2 semaphore(%arg11 : memref<!tpu.dma_semaphore, #tpu.memory_space<semaphore_mem>>) src(%dma_wait3A_179 : memref<128x128xf32, #tpu.memory_space<vmem>>) dst(%dma_wait3A_175 : memref<128x128xf32, #tpu.memory_space<hbm>>)
    %run_scoped3A_180 = arith.constant 1 : i32
    "tpu.region"() ({
      %run_scoped3A_278 = tpu.sem_alloc : memref<!tpu.dma_semaphore, #tpu.memory_space<semaphore_mem>>
      %dma_start3A_279 = arith.constant 0 : i32
      %dma_start3A_280 = arith.constant 0 : i32
      %dma_start3A_281 = tpu.memref_slice %arg8[%run_scoped3A_180, %dma_start3A_279, %dma_start3A_280] : memref<2x128x128xf32, #tpu.memory_space<vmem>> -> memref<1x128x128xf32, #tpu.memory_space<vmem>>
      %dma_start3A_282 = tpu.memref_squeeze %dma_start3A_281 : memref<1x128x128xf32, #tpu.memory_space<vmem>> -> memref<128x128xf32, #tpu.memory_space<vmem>>
      %dma_start3A_283 = arith.constant 0 : i32
      %dma_start3A_284 = tpu.memref_slice %arg9[%add3A_159, %dma_start3A_283] : memref<10240x128xf32, #tpu.memory_space<vmem_shared>> -> memref<128x128xf32, #tpu.memory_space<vmem_shared>>
      %dma_start3A_285 = arith.constant 0 : i32
      %dma_start3A_286 = arith.constant 0 : i32
      %dma_start3A_287 = tpu.memref_slice %arg8[%run_scoped3A_180, %dma_start3A_285, %dma_start3A_286] : memref<2x128x128xf32, #tpu.memory_space<vmem>> -> memref<1x128x128xf32, #tpu.memory_space<vmem>>
      %dma_start3A_288 = tpu.memref_squeeze %dma_start3A_287 : memref<1x128x128xf32, #tpu.memory_space<vmem>> -> memref<128x128xf32, #tpu.memory_space<vmem>>
      %dma_start3A_289 = arith.constant 0 : i32
      %dma_start3A_290 = tpu.memref_slice %arg9[%add3A_159, %dma_start3A_289] : memref<10240x128xf32, #tpu.memory_space<vmem_shared>> -> memref<128x128xf32, #tpu.memory_space<vmem_shared>>
      tpu.enqueue_dma source(%dma_start3A_290 : memref<128x128xf32, #tpu.memory_space<vmem_shared>>) target(%dma_start3A_288 : memref<128x128xf32, #tpu.memory_space<vmem>>) target_semaphore(%run_scoped3A_278 : memref<!tpu.dma_semaphore, #tpu.memory_space<semaphore_mem>>)
      %dma_wait3A_291 = arith.constant 0 : i32
      %dma_wait3A_292 = arith.constant 0 : i32
      %dma_wait3A_293 = tpu.memref_slice %arg8[%run_scoped3A_180, %dma_wait3A_291, %dma_wait3A_292] : memref<2x128x128xf32, #tpu.memory_space<vmem>> -> memref<1x128x128xf32, #tpu.memory_space<vmem>>
      %dma_wait3A_294 = tpu.memref_squeeze %dma_wait3A_293 : memref<1x128x128xf32, #tpu.memory_space<vmem>> -> memref<128x128xf32, #tpu.memory_space<vmem>>
      %dma_wait3A_295 = arith.constant 0 : i32
      %dma_wait3A_296 = tpu.memref_slice %arg9[%add3A_159, %dma_wait3A_295] : memref<10240x128xf32, #tpu.memory_space<vmem_shared>> -> memref<128x128xf32, #tpu.memory_space<vmem_shared>>
      %dma_wait3A_297 = arith.constant 0 : i32
      %dma_wait3A_298 = arith.constant 0 : i32
      %dma_wait3A_299 = tpu.memref_slice %arg8[%run_scoped3A_180, %dma_wait3A_297, %dma_wait3A_298] : memref<2x128x128xf32, #tpu.memory_space<vmem>> -> memref<1x128x128xf32, #tpu.memory_space<vmem>>
      %dma_wait3A_300 = tpu.memref_squeeze %dma_wait3A_299 : memref<1x128x128xf32, #tpu.memory_space<vmem>> -> memref<128x128xf32, #tpu.memory_space<vmem>>
      %dma_wait3A_301 = arith.constant 0 : i32
      %dma_wait3A_302 = tpu.memref_slice %arg9[%add3A_159, %dma_wait3A_301] : memref<10240x128xf32, #tpu.memory_space<vmem_shared>> -> memref<128x128xf32, #tpu.memory_space<vmem_shared>>
      tpu.wait_dma2 semaphore(%run_scoped3A_278 : memref<!tpu.dma_semaphore, #tpu.memory_space<semaphore_mem>>) src(%dma_wait3A_302 : memref<128x128xf32, #tpu.memory_space<vmem_shared>>) dst(%dma_wait3A_300 : memref<128x128xf32, #tpu.memory_space<vmem>>)
      tpu.yield
    }) : () -> ()
    %mul3A_181 = arith.constant 10240 : i32
    %mul3A_182 = arith.muli %arg0, %mul3A_181 : i32
    %add3A_183 = arith.addi %mul3A_182, %add3A_159 : i32
    %dma_start3A_184 = arith.constant 1 : i32
    %dma_start3A_185 = arith.constant 0 : i32
    %dma_start3A_186 = arith.constant 0 : i32
    %dma_start3A_187 = tpu.memref_slice %arg8[%dma_start3A_184, %dma_start3A_185, %dma_start3A_186] : memref<2x128x128xf32, #tpu.memory_space<vmem>> -> memref<1x128x128xf32, #tpu.memory_space<vmem>>
    %dma_start3A_188 = tpu.memref_squeeze %dma_start3A_187 : memref<1x128x128xf32, #tpu.memory_space<vmem>> -> memref<128x128xf32, #tpu.memory_space<vmem>>
    %dma_start3A_189 = arith.constant 0 : i32
    %dma_start3A_190 = tpu.memref_slice %arg5[%add3A_183, %dma_start3A_189] : memref<20480x128xf32, #tpu.memory_space<hbm>> -> memref<128x128xf32, #tpu.memory_space<hbm>>
    %dma_start3A_191 = arith.constant 0 : i32
    %dma_start3A_192 = tpu.memref_slice %arg5[%add3A_183, %dma_start3A_191] : memref<20480x128xf32, #tpu.memory_space<hbm>> -> memref<128x128xf32, #tpu.memory_space<hbm>>
    %dma_start3A_193 = arith.constant 0 : i32
    %dma_start3A_194 = arith.constant 0 : i32
    %dma_start3A_195 = tpu.memref_slice %arg8[%dma_start3A_184, %dma_start3A_193, %dma_start3A_194] : memref<2x128x128xf32, #tpu.memory_space<vmem>> -> memref<1x128x128xf32, #tpu.memory_space<vmem>>
    %dma_start3A_196 = tpu.memref_squeeze %dma_start3A_195 : memref<1x128x128xf32, #tpu.memory_space<vmem>> -> memref<128x128xf32, #tpu.memory_space<vmem>>
    tpu.enqueue_dma source(%dma_start3A_196 : memref<128x128xf32, #tpu.memory_space<vmem>>) target(%dma_start3A_192 : memref<128x128xf32, #tpu.memory_space<hbm>>) target_semaphore(%arg11 : memref<!tpu.dma_semaphore, #tpu.memory_space<semaphore_mem>>)
    %mul3A_197 = arith.constant 640 : i32
    %mul3A_198 = arith.muli %arg1, %mul3A_197 : i32
    %add3A_199 = arith.constant 512 : i32
    %add3A_200 = arith.addi %mul3A_198, %add3A_199 : i32
    %mul3A_201 = arith.constant 640 : i32
    %mul3A_202 = arith.muli %arg1, %mul3A_201 : i32
    %add3A_203 = arith.constant 256 : i32
    %add3A_204 = arith.addi %mul3A_202, %add3A_203 : i32
    %mul3A_205 = arith.constant 10240 : i32
    %mul3A_206 = arith.muli %arg0, %mul3A_205 : i32
    %add3A_207 = arith.addi %mul3A_206, %add3A_204 : i32
    %dma_wait3A_208 = arith.constant 0 : i32
    %dma_wait3A_209 = arith.constant 0 : i32
    %dma_wait3A_210 = arith.constant 0 : i32
    %dma_wait3A_211 = tpu.memref_slice %arg8[%dma_wait3A_208, %dma_wait3A_209, %dma_wait3A_210] : memref<2x128x128xf32, #tpu.memory_space<vmem>> -> memref<1x128x128xf32, #tpu.memory_space<vmem>>
    %dma_wait3A_212 = tpu.memref_squeeze %dma_wait3A_211 : memref<1x128x128xf32, #tpu.memory_space<vmem>> -> memref<128x128xf32, #tpu.memory_space<vmem>>
    %dma_wait3A_213 = arith.constant 0 : i32
    %dma_wait3A_214 = tpu.memref_slice %arg5[%add3A_207, %dma_wait3A_213] : memref<20480x128xf32, #tpu.memory_space<hbm>> -> memref<128x128xf32, #tpu.memory_space<hbm>>
    %dma_wait3A_215 = arith.constant 0 : i32
    %dma_wait3A_216 = tpu.memref_slice %arg5[%add3A_207, %dma_wait3A_215] : memref<20480x128xf32, #tpu.memory_space<hbm>> -> memref<128x128xf32, #tpu.memory_space<hbm>>
    %dma_wait3A_217 = arith.constant 0 : i32
    %dma_wait3A_218 = arith.constant 0 : i32
    %dma_wait3A_219 = tpu.memref_slice %arg8[%dma_wait3A_208, %dma_wait3A_217, %dma_wait3A_218] : memref<2x128x128xf32, #tpu.memory_space<vmem>> -> memref<1x128x128xf32, #tpu.memory_space<vmem>>
    %dma_wait3A_220 = tpu.memref_squeeze %dma_wait3A_219 : memref<1x128x128xf32, #tpu.memory_space<vmem>> -> memref<128x128xf32, #tpu.memory_space<vmem>>
    tpu.wait_dma2 semaphore(%arg10 : memref<!tpu.dma_semaphore, #tpu.memory_space<semaphore_mem>>) src(%dma_wait3A_220 : memref<128x128xf32, #tpu.memory_space<vmem>>) dst(%dma_wait3A_216 : memref<128x128xf32, #tpu.memory_space<hbm>>)
    %run_scoped3A_221 = arith.constant 0 : i32
    "tpu.region"() ({
      %run_scoped3A_278 = tpu.sem_alloc : memref<!tpu.dma_semaphore, #tpu.memory_space<semaphore_mem>>
      %dma_start3A_279 = arith.constant 0 : i32
      %dma_start3A_280 = arith.constant 0 : i32
      %dma_start3A_281 = tpu.memref_slice %arg8[%run_scoped3A_221, %dma_start3A_279, %dma_start3A_280] : memref<2x128x128xf32, #tpu.memory_space<vmem>> -> memref<1x128x128xf32, #tpu.memory_space<vmem>>
      %dma_start3A_282 = tpu.memref_squeeze %dma_start3A_281 : memref<1x128x128xf32, #tpu.memory_space<vmem>> -> memref<128x128xf32, #tpu.memory_space<vmem>>
      %dma_start3A_283 = arith.constant 0 : i32
      %dma_start3A_284 = tpu.memref_slice %arg9[%add3A_200, %dma_start3A_283] : memref<10240x128xf32, #tpu.memory_space<vmem_shared>> -> memref<128x128xf32, #tpu.memory_space<vmem_shared>>
      %dma_start3A_285 = arith.constant 0 : i32
      %dma_start3A_286 = arith.constant 0 : i32
      %dma_start3A_287 = tpu.memref_slice %arg8[%run_scoped3A_221, %dma_start3A_285, %dma_start3A_286] : memref<2x128x128xf32, #tpu.memory_space<vmem>> -> memref<1x128x128xf32, #tpu.memory_space<vmem>>
      %dma_start3A_288 = tpu.memref_squeeze %dma_start3A_287 : memref<1x128x128xf32, #tpu.memory_space<vmem>> -> memref<128x128xf32, #tpu.memory_space<vmem>>
      %dma_start3A_289 = arith.constant 0 : i32
      %dma_start3A_290 = tpu.memref_slice %arg9[%add3A_200, %dma_start3A_289] : memref<10240x128xf32, #tpu.memory_space<vmem_shared>> -> memref<128x128xf32, #tpu.memory_space<vmem_shared>>
      tpu.enqueue_dma source(%dma_start3A_290 : memref<128x128xf32, #tpu.memory_space<vmem_shared>>) target(%dma_start3A_288 : memref<128x128xf32, #tpu.memory_space<vmem>>) target_semaphore(%run_scoped3A_278 : memref<!tpu.dma_semaphore, #tpu.memory_space<semaphore_mem>>)
      %dma_wait3A_291 = arith.constant 0 : i32
      %dma_wait3A_292 = arith.constant 0 : i32
      %dma_wait3A_293 = tpu.memref_slice %arg8[%run_scoped3A_221, %dma_wait3A_291, %dma_wait3A_292] : memref<2x128x128xf32, #tpu.memory_space<vmem>> -> memref<1x128x128xf32, #tpu.memory_space<vmem>>
      %dma_wait3A_294 = tpu.memref_squeeze %dma_wait3A_293 : memref<1x128x128xf32, #tpu.memory_space<vmem>> -> memref<128x128xf32, #tpu.memory_space<vmem>>
      %dma_wait3A_295 = arith.constant 0 : i32
      %dma_wait3A_296 = tpu.memref_slice %arg9[%add3A_200, %dma_wait3A_295] : memref<10240x128xf32, #tpu.memory_space<vmem_shared>> -> memref<128x128xf32, #tpu.memory_space<vmem_shared>>
      %dma_wait3A_297 = arith.constant 0 : i32
      %dma_wait3A_298 = arith.constant 0 : i32
      %dma_wait3A_299 = tpu.memref_slice %arg8[%run_scoped3A_221, %dma_wait3A_297, %dma_wait3A_298] : memref<2x128x128xf32, #tpu.memory_space<vmem>> -> memref<1x128x128xf32, #tpu.memory_space<vmem>>
      %dma_wait3A_300 = tpu.memref_squeeze %dma_wait3A_299 : memref<1x128x128xf32, #tpu.memory_space<vmem>> -> memref<128x128xf32, #tpu.memory_space<vmem>>
      %dma_wait3A_301 = arith.constant 0 : i32
      %dma_wait3A_302 = tpu.memref_slice %arg9[%add3A_200, %dma_wait3A_301] : memref<10240x128xf32, #tpu.memory_space<vmem_shared>> -> memref<128x128xf32, #tpu.memory_space<vmem_shared>>
      tpu.wait_dma2 semaphore(%run_scoped3A_278 : memref<!tpu.dma_semaphore, #tpu.memory_space<semaphore_mem>>) src(%dma_wait3A_302 : memref<128x128xf32, #tpu.memory_space<vmem_shared>>) dst(%dma_wait3A_300 : memref<128x128xf32, #tpu.memory_space<vmem>>)
      tpu.yield
    }) : () -> ()
    %mul3A_222 = arith.constant 10240 : i32
    %mul3A_223 = arith.muli %arg0, %mul3A_222 : i32
    %add3A_224 = arith.addi %mul3A_223, %add3A_200 : i32
    %dma_start3A_225 = arith.constant 0 : i32
    %dma_start3A_226 = arith.constant 0 : i32
    %dma_start3A_227 = arith.constant 0 : i32
    %dma_start3A_228 = tpu.memref_slice %arg8[%dma_start3A_225, %dma_start3A_226, %dma_start3A_227] : memref<2x128x128xf32, #tpu.memory_space<vmem>> -> memref<1x128x128xf32, #tpu.memory_space<vmem>>
    %dma_start3A_229 = tpu.memref_squeeze %dma_start3A_228 : memref<1x128x128xf32, #tpu.memory_space<vmem>> -> memref<128x128xf32, #tpu.memory_space<vmem>>
    %dma_start3A_230 = arith.constant 0 : i32
    %dma_start3A_231 = tpu.memref_slice %arg5[%add3A_224, %dma_start3A_230] : memref<20480x128xf32, #tpu.memory_space<hbm>> -> memref<128x128xf32, #tpu.memory_space<hbm>>
    %dma_start3A_232 = arith.constant 0 : i32
    %dma_start3A_233 = tpu.memref_slice %arg5[%add3A_224, %dma_start3A_232] : memref<20480x128xf32, #tpu.memory_space<hbm>> -> memref<128x128xf32, #tpu.memory_space<hbm>>
    %dma_start3A_234 = arith.constant 0 : i32
    %dma_start3A_235 = arith.constant 0 : i32
    %dma_start3A_236 = tpu.memref_slice %arg8[%dma_start3A_225, %dma_start3A_234, %dma_start3A_235] : memref<2x128x128xf32, #tpu.memory_space<vmem>> -> memref<1x128x128xf32, #tpu.memory_space<vmem>>
    %dma_start3A_237 = tpu.memref_squeeze %dma_start3A_236 : memref<1x128x128xf32, #tpu.memory_space<vmem>> -> memref<128x128xf32, #tpu.memory_space<vmem>>
    tpu.enqueue_dma source(%dma_start3A_237 : memref<128x128xf32, #tpu.memory_space<vmem>>) target(%dma_start3A_233 : memref<128x128xf32, #tpu.memory_space<hbm>>) target_semaphore(%arg10 : memref<!tpu.dma_semaphore, #tpu.memory_space<semaphore_mem>>)
    %mul3A_238 = arith.constant 640 : i32
    %mul3A_239 = arith.muli %arg1, %mul3A_238 : i32
    %add3A_240 = arith.constant 384 : i32
    %add3A_241 = arith.addi %mul3A_239, %add3A_240 : i32
    %mul3A_242 = arith.constant 10240 : i32
    %mul3A_243 = arith.muli %arg0, %mul3A_242 : i32
    %add3A_244 = arith.addi %mul3A_243, %add3A_241 : i32
    %dma_wait3A_245 = arith.constant 1 : i32
    %dma_wait3A_246 = arith.constant 0 : i32
    %dma_wait3A_247 = arith.constant 0 : i32
    %dma_wait3A_248 = tpu.memref_slice %arg8[%dma_wait3A_245, %dma_wait3A_246, %dma_wait3A_247] : memref<2x128x128xf32, #tpu.memory_space<vmem>> -> memref<1x128x128xf32, #tpu.memory_space<vmem>>
    %dma_wait3A_249 = tpu.memref_squeeze %dma_wait3A_248 : memref<1x128x128xf32, #tpu.memory_space<vmem>> -> memref<128x128xf32, #tpu.memory_space<vmem>>
    %dma_wait3A_250 = arith.constant 0 : i32
    %dma_wait3A_251 = tpu.memref_slice %arg5[%add3A_244, %dma_wait3A_250] : memref<20480x128xf32, #tpu.memory_space<hbm>> -> memref<128x128xf32, #tpu.memory_space<hbm>>
    %dma_wait3A_252 = arith.constant 0 : i32
    %dma_wait3A_253 = tpu.memref_slice %arg5[%add3A_244, %dma_wait3A_252] : memref<20480x128xf32, #tpu.memory_space<hbm>> -> memref<128x128xf32, #tpu.memory_space<hbm>>
    %dma_wait3A_254 = arith.constant 0 : i32
    %dma_wait3A_255 = arith.constant 0 : i32
    %dma_wait3A_256 = tpu.memref_slice %arg8[%dma_wait3A_245, %dma_wait3A_254, %dma_wait3A_255] : memref<2x128x128xf32, #tpu.memory_space<vmem>> -> memref<1x128x128xf32, #tpu.memory_space<vmem>>
    %dma_wait3A_257 = tpu.memref_squeeze %dma_wait3A_256 : memref<1x128x128xf32, #tpu.memory_space<vmem>> -> memref<128x128xf32, #tpu.memory_space<vmem>>
    tpu.wait_dma2 semaphore(%arg11 : memref<!tpu.dma_semaphore, #tpu.memory_space<semaphore_mem>>) src(%dma_wait3A_257 : memref<128x128xf32, #tpu.memory_space<vmem>>) dst(%dma_wait3A_253 : memref<128x128xf32, #tpu.memory_space<hbm>>)
    %mul3A_258 = arith.constant 640 : i32
    %mul3A_259 = arith.muli %arg1, %mul3A_258 : i32
    %add3A_260 = arith.constant 512 : i32
    %add3A_261 = arith.addi %mul3A_259, %add3A_260 : i32
    %mul3A_262 = arith.constant 10240 : i32
    %mul3A_263 = arith.muli %arg0, %mul3A_262 : i32
    %add3A_264 = arith.addi %mul3A_263, %add3A_261 : i32
    %dma_wait3A_265 = arith.constant 0 : i32
    %dma_wait3A_266 = arith.constant 0 : i32
    %dma_wait3A_267 = arith.constant 0 : i32
    %dma_wait3A_268 = tpu.memref_slice %arg8[%dma_wait3A_265, %dma_wait3A_266, %dma_wait3A_267] : memref<2x128x128xf32, #tpu.memory_space<vmem>> -> memref<1x128x128xf32, #tpu.memory_space<vmem>>
    %dma_wait3A_269 = tpu.memref_squeeze %dma_wait3A_268 : memref<1x128x128xf32, #tpu.memory_space<vmem>> -> memref<128x128xf32, #tpu.memory_space<vmem>>
    %dma_wait3A_270 = arith.constant 0 : i32
    %dma_wait3A_271 = tpu.memref_slice %arg5[%add3A_264, %dma_wait3A_270] : memref<20480x128xf32, #tpu.memory_space<hbm>> -> memref<128x128xf32, #tpu.memory_space<hbm>>
    %dma_wait3A_272 = arith.constant 0 : i32
    %dma_wait3A_273 = tpu.memref_slice %arg5[%add3A_264, %dma_wait3A_272] : memref<20480x128xf32, #tpu.memory_space<hbm>> -> memref<128x128xf32, #tpu.memory_space<hbm>>
    %dma_wait3A_274 = arith.constant 0 : i32
    %dma_wait3A_275 = arith.constant 0 : i32
    %dma_wait3A_276 = tpu.memref_slice %arg8[%dma_wait3A_265, %dma_wait3A_274, %dma_wait3A_275] : memref<2x128x128xf32, #tpu.memory_space<vmem>> -> memref<1x128x128xf32, #tpu.memory_space<vmem>>
    %dma_wait3A_277 = tpu.memref_squeeze %dma_wait3A_276 : memref<1x128x128xf32, #tpu.memory_space<vmem>> -> memref<128x128xf32, #tpu.memory_space<vmem>>
    tpu.wait_dma2 semaphore(%arg10 : memref<!tpu.dma_semaphore, #tpu.memory_space<semaphore_mem>>) src(%dma_wait3A_277 : memref<128x128xf32, #tpu.memory_space<vmem>>) dst(%dma_wait3A_273 : memref<128x128xf32, #tpu.memory_space<hbm>>)
    return
  }
}

#map = affine_map<(d0, d1) -> (0, 0)>
#map1 = affine_map<(d0, d1) -> (0, 0, 0)>
module attributes {stable_mosaic.version = 14 : i64} {
  func.func @_sc_propagate(%arg0: i32, %arg1: i32, %arg2: memref<20480x128xf32, #tpu.memory_space<hbm>>, %arg3: memref<2x1280x128xi32, #tpu.memory_space<hbm>>, %arg4: memref<1280x128xi32, #tpu.memory_space<hbm>>, %arg5: memref<20480x128xf32, #tpu.memory_space<hbm>>, %arg6: memref<40x128xi32, #tpu.memory_space<vmem>>, %arg7: memref<40x128xi32, #tpu.memory_space<vmem>>, %arg8: memref<2x128x128xf32, #tpu.memory_space<vmem>>, %arg9: memref<10240x128xf32, #tpu.memory_space<vmem_shared>>, %arg10: memref<!tpu.dma_semaphore, #tpu.memory_space<semaphore_mem>>, %arg11: memref<!tpu.dma_semaphore, #tpu.memory_space<semaphore_mem>>) attributes {dimension_semantics = [#tpu.dimension_semantics<core_parallel>, #tpu.dimension_semantics<subcore_parallel>], iteration_bounds = array<i64: 2, 16>, scalar_prefetch = 0 : i64, scratch_operands = 6 : i64, tpu.core_type = #tpu.core_type<sc_vector_subcore>, window_params = [{transform_indices = #map}, {transform_indices = #map1}, {transform_indices = #map}, {transform_indices = #map}]} {
    %mul3A = arith.constant 80 : i32
    %mul3A_0 = arith.muli %arg1, %mul3A : i32
    %broadcast_in_dim3A = arith.constant 0.000000e+00 : f32
    %broadcast_in_dim3A_1 = vector.broadcast %broadcast_in_dim3A : f32 to vector<16xf32>
    %scan3A = arith.constant 0 : i32
    %scan3A_2 = arith.constant 0 : i32
    %scan3A_3 = arith.constant 128 : i32
    %scan3A_4 = arith.addi %scan3A_2, %scan3A_3 : i32
    %scan3A_5 = arith.constant 1 : i32
    scf.for %scan3A_278 = %scan3A_2 to %scan3A_4 step %scan3A_5  : i32 {
      %swap3A = arith.constant 0 : i32
      %swap3A_279 = arith.index_cast %swap3A : i32 to index
      %swap3A_280 = arith.index_cast %scan3A_278 : i32 to index
      %swap3A_281 = arith.constant 0 : index
      %swap3A_282 = tpu.vector_load %arg8[%swap3A_279, %swap3A_280, %swap3A_281] {strides = array<i32>} : memref<2x128x128xf32, #tpu.memory_space<vmem>>, vector<16xf32>,
      tpu.vector_store %arg8[%swap3A_279, %swap3A_280, %swap3A_281], %broadcast_in_dim3A_1 {strides = array<i32>} : memref<2x128x128xf32, #tpu.memory_space<vmem>>, vector<16xf32>,
      %swap3A_283 = arith.constant 0 : i32
      %swap3A_284 = arith.index_cast %swap3A_283 : i32 to index
      %swap3A_285 = arith.index_cast %scan3A_278 : i32 to index
      %swap3A_286 = arith.constant 16 : index
      %swap3A_287 = tpu.vector_load %arg8[%swap3A_284, %swap3A_285, %swap3A_286] {strides = array<i32>} : memref<2x128x128xf32, #tpu.memory_space<vmem>>, vector<16xf32>,
      tpu.vector_store %arg8[%swap3A_284, %swap3A_285, %swap3A_286], %broadcast_in_dim3A_1 {strides = array<i32>} : memref<2x128x128xf32, #tpu.memory_space<vmem>>, vector<16xf32>,
      %swap3A_288 = arith.constant 0 : i32
      %swap3A_289 = arith.index_cast %swap3A_288 : i32 to index
      %swap3A_290 = arith.index_cast %scan3A_278 : i32 to index
      %swap3A_291 = arith.constant 32 : index
      %swap3A_292 = tpu.vector_load %arg8[%swap3A_289, %swap3A_290, %swap3A_291] {strides = array<i32>} : memref<2x128x128xf32, #tpu.memory_space<vmem>>, vector<16xf32>,
      tpu.vector_store %arg8[%swap3A_289, %swap3A_290, %swap3A_291], %broadcast_in_dim3A_1 {strides = array<i32>} : memref<2x128x128xf32, #tpu.memory_space<vmem>>, vector<16xf32>,
      %swap3A_293 = arith.constant 0 : i32
      %swap3A_294 = arith.index_cast %swap3A_293 : i32 to index
      %swap3A_295 = arith.index_cast %scan3A_278 : i32 to index
      %swap3A_296 = arith.constant 48 : index
      %swap3A_297 = tpu.vector_load %arg8[%swap3A_294, %swap3A_295, %swap3A_296] {strides = array<i32>} : memref<2x128x128xf32, #tpu.memory_space<vmem>>, vector<16xf32>,
      tpu.vector_store %arg8[%swap3A_294, %swap3A_295, %swap3A_296], %broadcast_in_dim3A_1 {strides = array<i32>} : memref<2x128x128xf32, #tpu.memory_space<vmem>>, vector<16xf32>,
      %swap3A_298 = arith.constant 0 : i32
      %swap3A_299 = arith.index_cast %swap3A_298 : i32 to index
      %swap3A_300 = arith.index_cast %scan3A_278 : i32 to index
      %swap3A_301 = arith.constant 64 : index
      %swap3A_302 = tpu.vector_load %arg8[%swap3A_299, %swap3A_300, %swap3A_301] {strides = array<i32>} : memref<2x128x128xf32, #tpu.memory_space<vmem>>, vector<16xf32>,
      tpu.vector_store %arg8[%swap3A_299, %swap3A_300, %swap3A_301], %broadcast_in_dim3A_1 {strides = array<i32>} : memref<2x128x128xf32, #tpu.memory_space<vmem>>, vector<16xf32>,
      %swap3A_303 = arith.constant 0 : i32
      %swap3A_304 = arith.index_cast %swap3A_303 : i32 to index
      %swap3A_305 = arith.index_cast %scan3A_278 : i32 to index
      %swap3A_306 = arith.constant 80 : index
      %swap3A_307 = tpu.vector_load %arg8[%swap3A_304, %swap3A_305, %swap3A_306] {strides = array<i32>} : memref<2x128x128xf32, #tpu.memory_space<vmem>>, vector<16xf32>,
      tpu.vector_store %arg8[%swap3A_304, %swap3A_305, %swap3A_306], %broadcast_in_dim3A_1 {strides = array<i32>} : memref<2x128x128xf32, #tpu.memory_space<vmem>>, vector<16xf32>,
      %swap3A_308 = arith.constant 0 : i32
      %swap3A_309 = arith.index_cast %swap3A_308 : i32 to index
      %swap3A_310 = arith.index_cast %scan3A_278 : i32 to index
      %swap3A_311 = arith.constant 96 : index
      %swap3A_312 = tpu.vector_load %arg8[%swap3A_309, %swap3A_310, %swap3A_311] {strides = array<i32>} : memref<2x128x128xf32, #tpu.memory_space<vmem>>, vector<16xf32>,
      tpu.vector_store %arg8[%swap3A_309, %swap3A_310, %swap3A_311], %broadcast_in_dim3A_1 {strides = array<i32>} : memref<2x128x128xf32, #tpu.memory_space<vmem>>, vector<16xf32>,
      %swap3A_313 = arith.constant 0 : i32
      %swap3A_314 = arith.index_cast %swap3A_313 : i32 to index
      %swap3A_315 = arith.index_cast %scan3A_278 : i32 to index
      %swap3A_316 = arith.constant 112 : index
      %swap3A_317 = tpu.vector_load %arg8[%swap3A_314, %swap3A_315, %swap3A_316] {strides = array<i32>} : memref<2x128x128xf32, #tpu.memory_space<vmem>>, vector<16xf32>,
      tpu.vector_store %arg8[%swap3A_314, %swap3A_315, %swap3A_316], %broadcast_in_dim3A_1 {strides = array<i32>} : memref<2x128x128xf32, #tpu.memory_space<vmem>>, vector<16xf32>,
    }
    %scan3A_6 = arith.constant 128 : i32
    %mul3A_7 = arith.constant 640 : i32
    %mul3A_8 = arith.muli %arg1, %mul3A_7 : i32
    %add3A = arith.constant 0 : i32
    %add3A_9 = arith.addi %mul3A_8, %add3A : i32
    %run_scoped3A = arith.constant 0 : i32
    "tpu.region"() ({
      %run_scoped3A_278 = tpu.sem_alloc : memref<!tpu.dma_semaphore, #tpu.memory_space<semaphore_mem>>
      %dma_start3A_279 = arith.constant 0 : i32
      %dma_start3A_280 = arith.constant 0 : i32
      %dma_start3A_281 = tpu.memref_slice %arg8[%run_scoped3A, %dma_start3A_279, %dma_start3A_280] : memref<2x128x128xf32, #tpu.memory_space<vmem>> -> memref<1x128x128xf32, #tpu.memory_space<vmem>>
      %dma_start3A_282 = tpu.memref_squeeze %dma_start3A_281 : memref<1x128x128xf32, #tpu.memory_space<vmem>> -> memref<128x128xf32, #tpu.memory_space<vmem>>
      %dma_start3A_283 = arith.constant 0 : i32
      %dma_start3A_284 = tpu.memref_slice %arg9[%add3A_9, %dma_start3A_283] : memref<10240x128xf32, #tpu.memory_space<vmem_shared>> -> memref<128x128xf32, #tpu.memory_space<vmem_shared>>
      %dma_start3A_285 = arith.constant 0 : i32
      %dma_start3A_286 = tpu.memref_slice %arg9[%add3A_9, %dma_start3A_285] : memref<10240x128xf32, #tpu.memory_space<vmem_shared>> -> memref<128x128xf32, #tpu.memory_space<vmem_shared>>
      %dma_start3A_287 = arith.constant 0 : i32
      %dma_start3A_288 = arith.constant 0 : i32
      %dma_start3A_289 = tpu.memref_slice %arg8[%run_scoped3A, %dma_start3A_287, %dma_start3A_288] : memref<2x128x128xf32, #tpu.memory_space<vmem>> -> memref<1x128x128xf32, #tpu.memory_space<vmem>>
      %dma_start3A_290 = tpu.memref_squeeze %dma_start3A_289 : memref<1x128x128xf32, #tpu.memory_space<vmem>> -> memref<128x128xf32, #tpu.memory_space<vmem>>
      tpu.enqueue_dma source(%dma_start3A_290 : memref<128x128xf32, #tpu.memory_space<vmem>>) target(%dma_start3A_286 : memref<128x128xf32, #tpu.memory_space<vmem_shared>>) target_semaphore(%run_scoped3A_278 : memref<!tpu.dma_semaphore, #tpu.memory_space<semaphore_mem>>)
      %dma_wait3A_291 = arith.constant 0 : i32
      %dma_wait3A_292 = arith.constant 0 : i32
      %dma_wait3A_293 = tpu.memref_slice %arg8[%run_scoped3A, %dma_wait3A_291, %dma_wait3A_292] : memref<2x128x128xf32, #tpu.memory_space<vmem>> -> memref<1x128x128xf32, #tpu.memory_space<vmem>>
      %dma_wait3A_294 = tpu.memref_squeeze %dma_wait3A_293 : memref<1x128x128xf32, #tpu.memory_space<vmem>> -> memref<128x128xf32, #tpu.memory_space<vmem>>
      %dma_wait3A_295 = arith.constant 0 : i32
      %dma_wait3A_296 = tpu.memref_slice %arg9[%add3A_9, %dma_wait3A_295] : memref<10240x128xf32, #tpu.memory_space<vmem_shared>> -> memref<128x128xf32, #tpu.memory_space<vmem_shared>>
      %dma_wait3A_297 = arith.constant 0 : i32
      %dma_wait3A_298 = tpu.memref_slice %arg9[%add3A_9, %dma_wait3A_297] : memref<10240x128xf32, #tpu.memory_space<vmem_shared>> -> memref<128x128xf32, #tpu.memory_space<vmem_shared>>
      %dma_wait3A_299 = arith.constant 0 : i32
      %dma_wait3A_300 = arith.constant 0 : i32
      %dma_wait3A_301 = tpu.memref_slice %arg8[%run_scoped3A, %dma_wait3A_299, %dma_wait3A_300] : memref<2x128x128xf32, #tpu.memory_space<vmem>> -> memref<1x128x128xf32, #tpu.memory_space<vmem>>
      %dma_wait3A_302 = tpu.memref_squeeze %dma_wait3A_301 : memref<1x128x128xf32, #tpu.memory_space<vmem>> -> memref<128x128xf32, #tpu.memory_space<vmem>>
      tpu.wait_dma2 semaphore(%run_scoped3A_278 : memref<!tpu.dma_semaphore, #tpu.memory_space<semaphore_mem>>) src(%dma_wait3A_302 : memref<128x128xf32, #tpu.memory_space<vmem>>) dst(%dma_wait3A_298 : memref<128x128xf32, #tpu.memory_space<vmem_shared>>)
      tpu.yield
    }) : () -> ()
    %mul3A_10 = arith.constant 640 : i32
    %mul3A_11 = arith.muli %arg1, %mul3A_10 : i32
    %add3A_12 = arith.constant 128 : i32
    %add3A_13 = arith.addi %mul3A_11, %add3A_12 : i32
    %run_scoped3A_14 = arith.constant 0 : i32
    "tpu.region"() ({
      %run_scoped3A_278 = tpu.sem_alloc : memref<!tpu.dma_semaphore, #tpu.memory_space<semaphore_mem>>
      %dma_start3A_279 = arith.constant 0 : i32
      %dma_start3A_280 = arith.constant 0 : i32
      %dma_start3A_281 = tpu.memref_slice %arg8[%run_scoped3A_14, %dma_start3A_279, %dma_start3A_280] : memref<2x128x128xf32, #tpu.memory_space<vmem>> -> memref<1x128x128xf32, #tpu.memory_space<vmem>>
      %dma_start3A_282 = tpu.memref_squeeze %dma_start3A_281 : memref<1x128x128xf32, #tpu.memory_space<vmem>> -> memref<128x128xf32, #tpu.memory_space<vmem>>
      %dma_start3A_283 = arith.constant 0 : i32
      %dma_start3A_284 = tpu.memref_slice %arg9[%add3A_13, %dma_start3A_283] : memref<10240x128xf32, #tpu.memory_space<vmem_shared>> -> memref<128x128xf32, #tpu.memory_space<vmem_shared>>
      %dma_start3A_285 = arith.constant 0 : i32
      %dma_start3A_286 = tpu.memref_slice %arg9[%add3A_13, %dma_start3A_285] : memref<10240x128xf32, #tpu.memory_space<vmem_shared>> -> memref<128x128xf32, #tpu.memory_space<vmem_shared>>
      %dma_start3A_287 = arith.constant 0 : i32
      %dma_start3A_288 = arith.constant 0 : i32
      %dma_start3A_289 = tpu.memref_slice %arg8[%run_scoped3A_14, %dma_start3A_287, %dma_start3A_288] : memref<2x128x128xf32, #tpu.memory_space<vmem>> -> memref<1x128x128xf32, #tpu.memory_space<vmem>>
      %dma_start3A_290 = tpu.memref_squeeze %dma_start3A_289 : memref<1x128x128xf32, #tpu.memory_space<vmem>> -> memref<128x128xf32, #tpu.memory_space<vmem>>
      tpu.enqueue_dma source(%dma_start3A_290 : memref<128x128xf32, #tpu.memory_space<vmem>>) target(%dma_start3A_286 : memref<128x128xf32, #tpu.memory_space<vmem_shared>>) target_semaphore(%run_scoped3A_278 : memref<!tpu.dma_semaphore, #tpu.memory_space<semaphore_mem>>)
      %dma_wait3A_291 = arith.constant 0 : i32
      %dma_wait3A_292 = arith.constant 0 : i32
      %dma_wait3A_293 = tpu.memref_slice %arg8[%run_scoped3A_14, %dma_wait3A_291, %dma_wait3A_292] : memref<2x128x128xf32, #tpu.memory_space<vmem>> -> memref<1x128x128xf32, #tpu.memory_space<vmem>>
      %dma_wait3A_294 = tpu.memref_squeeze %dma_wait3A_293 : memref<1x128x128xf32, #tpu.memory_space<vmem>> -> memref<128x128xf32, #tpu.memory_space<vmem>>
      %dma_wait3A_295 = arith.constant 0 : i32
      %dma_wait3A_296 = tpu.memref_slice %arg9[%add3A_13, %dma_wait3A_295] : memref<10240x128xf32, #tpu.memory_space<vmem_shared>> -> memref<128x128xf32, #tpu.memory_space<vmem_shared>>
      %dma_wait3A_297 = arith.constant 0 : i32
      %dma_wait3A_298 = tpu.memref_slice %arg9[%add3A_13, %dma_wait3A_297] : memref<10240x128xf32, #tpu.memory_space<vmem_shared>> -> memref<128x128xf32, #tpu.memory_space<vmem_shared>>
      %dma_wait3A_299 = arith.constant 0 : i32
      %dma_wait3A_300 = arith.constant 0 : i32
      %dma_wait3A_301 = tpu.memref_slice %arg8[%run_scoped3A_14, %dma_wait3A_299, %dma_wait3A_300] : memref<2x128x128xf32, #tpu.memory_space<vmem>> -> memref<1x128x128xf32, #tpu.memory_space<vmem>>
      %dma_wait3A_302 = tpu.memref_squeeze %dma_wait3A_301 : memref<1x128x128xf32, #tpu.memory_space<vmem>> -> memref<128x128xf32, #tpu.memory_space<vmem>>
      tpu.wait_dma2 semaphore(%run_scoped3A_278 : memref<!tpu.dma_semaphore, #tpu.memory_space<semaphore_mem>>) src(%dma_wait3A_302 : memref<128x128xf32, #tpu.memory_space<vmem>>) dst(%dma_wait3A_298 : memref<128x128xf32, #tpu.memory_space<vmem_shared>>)
      tpu.yield
    }) : () -> ()
    %mul3A_15 = arith.constant 640 : i32
    %mul3A_16 = arith.muli %arg1, %mul3A_15 : i32
    %add3A_17 = arith.constant 256 : i32
    %add3A_18 = arith.addi %mul3A_16, %add3A_17 : i32
    %run_scoped3A_19 = arith.constant 0 : i32
    "tpu.region"() ({
      %run_scoped3A_278 = tpu.sem_alloc : memref<!tpu.dma_semaphore, #tpu.memory_space<semaphore_mem>>
      %dma_start3A_279 = arith.constant 0 : i32
      %dma_start3A_280 = arith.constant 0 : i32
      %dma_start3A_281 = tpu.memref_slice %arg8[%run_scoped3A_19, %dma_start3A_279, %dma_start3A_280] : memref<2x128x128xf32, #tpu.memory_space<vmem>> -> memref<1x128x128xf32, #tpu.memory_space<vmem>>
      %dma_start3A_282 = tpu.memref_squeeze %dma_start3A_281 : memref<1x128x128xf32, #tpu.memory_space<vmem>> -> memref<128x128xf32, #tpu.memory_space<vmem>>
      %dma_start3A_283 = arith.constant 0 : i32
      %dma_start3A_284 = tpu.memref_slice %arg9[%add3A_18, %dma_start3A_283] : memref<10240x128xf32, #tpu.memory_space<vmem_shared>> -> memref<128x128xf32, #tpu.memory_space<vmem_shared>>
      %dma_start3A_285 = arith.constant 0 : i32
      %dma_start3A_286 = tpu.memref_slice %arg9[%add3A_18, %dma_start3A_285] : memref<10240x128xf32, #tpu.memory_space<vmem_shared>> -> memref<128x128xf32, #tpu.memory_space<vmem_shared>>
      %dma_start3A_287 = arith.constant 0 : i32
      %dma_start3A_288 = arith.constant 0 : i32
      %dma_start3A_289 = tpu.memref_slice %arg8[%run_scoped3A_19, %dma_start3A_287, %dma_start3A_288] : memref<2x128x128xf32, #tpu.memory_space<vmem>> -> memref<1x128x128xf32, #tpu.memory_space<vmem>>
      %dma_start3A_290 = tpu.memref_squeeze %dma_start3A_289 : memref<1x128x128xf32, #tpu.memory_space<vmem>> -> memref<128x128xf32, #tpu.memory_space<vmem>>
      tpu.enqueue_dma source(%dma_start3A_290 : memref<128x128xf32, #tpu.memory_space<vmem>>) target(%dma_start3A_286 : memref<128x128xf32, #tpu.memory_space<vmem_shared>>) target_semaphore(%run_scoped3A_278 : memref<!tpu.dma_semaphore, #tpu.memory_space<semaphore_mem>>)
      %dma_wait3A_291 = arith.constant 0 : i32
      %dma_wait3A_292 = arith.constant 0 : i32
      %dma_wait3A_293 = tpu.memref_slice %arg8[%run_scoped3A_19, %dma_wait3A_291, %dma_wait3A_292] : memref<2x128x128xf32, #tpu.memory_space<vmem>> -> memref<1x128x128xf32, #tpu.memory_space<vmem>>
      %dma_wait3A_294 = tpu.memref_squeeze %dma_wait3A_293 : memref<1x128x128xf32, #tpu.memory_space<vmem>> -> memref<128x128xf32, #tpu.memory_space<vmem>>
      %dma_wait3A_295 = arith.constant 0 : i32
      %dma_wait3A_296 = tpu.memref_slice %arg9[%add3A_18, %dma_wait3A_295] : memref<10240x128xf32, #tpu.memory_space<vmem_shared>> -> memref<128x128xf32, #tpu.memory_space<vmem_shared>>
      %dma_wait3A_297 = arith.constant 0 : i32
      %dma_wait3A_298 = tpu.memref_slice %arg9[%add3A_18, %dma_wait3A_297] : memref<10240x128xf32, #tpu.memory_space<vmem_shared>> -> memref<128x128xf32, #tpu.memory_space<vmem_shared>>
      %dma_wait3A_299 = arith.constant 0 : i32
      %dma_wait3A_300 = arith.constant 0 : i32
      %dma_wait3A_301 = tpu.memref_slice %arg8[%run_scoped3A_19, %dma_wait3A_299, %dma_wait3A_300] : memref<2x128x128xf32, #tpu.memory_space<vmem>> -> memref<1x128x128xf32, #tpu.memory_space<vmem>>
      %dma_wait3A_302 = tpu.memref_squeeze %dma_wait3A_301 : memref<1x128x128xf32, #tpu.memory_space<vmem>> -> memref<128x128xf32, #tpu.memory_space<vmem>>
      tpu.wait_dma2 semaphore(%run_scoped3A_278 : memref<!tpu.dma_semaphore, #tpu.memory_space<semaphore_mem>>) src(%dma_wait3A_302 : memref<128x128xf32, #tpu.memory_space<vmem>>) dst(%dma_wait3A_298 : memref<128x128xf32, #tpu.memory_space<vmem_shared>>)
      tpu.yield
    }) : () -> ()
    %mul3A_20 = arith.constant 640 : i32
    %mul3A_21 = arith.muli %arg1, %mul3A_20 : i32
    %add3A_22 = arith.constant 384 : i32
    %add3A_23 = arith.addi %mul3A_21, %add3A_22 : i32
    %run_scoped3A_24 = arith.constant 0 : i32
    "tpu.region"() ({
      %run_scoped3A_278 = tpu.sem_alloc : memref<!tpu.dma_semaphore, #tpu.memory_space<semaphore_mem>>
      %dma_start3A_279 = arith.constant 0 : i32
      %dma_start3A_280 = arith.constant 0 : i32
      %dma_start3A_281 = tpu.memref_slice %arg8[%run_scoped3A_24, %dma_start3A_279, %dma_start3A_280] : memref<2x128x128xf32, #tpu.memory_space<vmem>> -> memref<1x128x128xf32, #tpu.memory_space<vmem>>
      %dma_start3A_282 = tpu.memref_squeeze %dma_start3A_281 : memref<1x128x128xf32, #tpu.memory_space<vmem>> -> memref<128x128xf32, #tpu.memory_space<vmem>>
      %dma_start3A_283 = arith.constant 0 : i32
      %dma_start3A_284 = tpu.memref_slice %arg9[%add3A_23, %dma_start3A_283] : memref<10240x128xf32, #tpu.memory_space<vmem_shared>> -> memref<128x128xf32, #tpu.memory_space<vmem_shared>>
      %dma_start3A_285 = arith.constant 0 : i32
      %dma_start3A_286 = tpu.memref_slice %arg9[%add3A_23, %dma_start3A_285] : memref<10240x128xf32, #tpu.memory_space<vmem_shared>> -> memref<128x128xf32, #tpu.memory_space<vmem_shared>>
      %dma_start3A_287 = arith.constant 0 : i32
      %dma_start3A_288 = arith.constant 0 : i32
      %dma_start3A_289 = tpu.memref_slice %arg8[%run_scoped3A_24, %dma_start3A_287, %dma_start3A_288] : memref<2x128x128xf32, #tpu.memory_space<vmem>> -> memref<1x128x128xf32, #tpu.memory_space<vmem>>
      %dma_start3A_290 = tpu.memref_squeeze %dma_start3A_289 : memref<1x128x128xf32, #tpu.memory_space<vmem>> -> memref<128x128xf32, #tpu.memory_space<vmem>>
      tpu.enqueue_dma source(%dma_start3A_290 : memref<128x128xf32, #tpu.memory_space<vmem>>) target(%dma_start3A_286 : memref<128x128xf32, #tpu.memory_space<vmem_shared>>) target_semaphore(%run_scoped3A_278 : memref<!tpu.dma_semaphore, #tpu.memory_space<semaphore_mem>>)
      %dma_wait3A_291 = arith.constant 0 : i32
      %dma_wait3A_292 = arith.constant 0 : i32
      %dma_wait3A_293 = tpu.memref_slice %arg8[%run_scoped3A_24, %dma_wait3A_291, %dma_wait3A_292] : memref<2x128x128xf32, #tpu.memory_space<vmem>> -> memref<1x128x128xf32, #tpu.memory_space<vmem>>
      %dma_wait3A_294 = tpu.memref_squeeze %dma_wait3A_293 : memref<1x128x128xf32, #tpu.memory_space<vmem>> -> memref<128x128xf32, #tpu.memory_space<vmem>>
      %dma_wait3A_295 = arith.constant 0 : i32
      %dma_wait3A_296 = tpu.memref_slice %arg9[%add3A_23, %dma_wait3A_295] : memref<10240x128xf32, #tpu.memory_space<vmem_shared>> -> memref<128x128xf32, #tpu.memory_space<vmem_shared>>
      %dma_wait3A_297 = arith.constant 0 : i32
      %dma_wait3A_298 = tpu.memref_slice %arg9[%add3A_23, %dma_wait3A_297] : memref<10240x128xf32, #tpu.memory_space<vmem_shared>> -> memref<128x128xf32, #tpu.memory_space<vmem_shared>>
      %dma_wait3A_299 = arith.constant 0 : i32
      %dma_wait3A_300 = arith.constant 0 : i32
      %dma_wait3A_301 = tpu.memref_slice %arg8[%run_scoped3A_24, %dma_wait3A_299, %dma_wait3A_300] : memref<2x128x128xf32, #tpu.memory_space<vmem>> -> memref<1x128x128xf32, #tpu.memory_space<vmem>>
      %dma_wait3A_302 = tpu.memref_squeeze %dma_wait3A_301 : memref<1x128x128xf32, #tpu.memory_space<vmem>> -> memref<128x128xf32, #tpu.memory_space<vmem>>
      tpu.wait_dma2 semaphore(%run_scoped3A_278 : memref<!tpu.dma_semaphore, #tpu.memory_space<semaphore_mem>>) src(%dma_wait3A_302 : memref<128x128xf32, #tpu.memory_space<vmem>>) dst(%dma_wait3A_298 : memref<128x128xf32, #tpu.memory_space<vmem_shared>>)
      tpu.yield
    }) : () -> ()
    %mul3A_25 = arith.constant 640 : i32
    %mul3A_26 = arith.muli %arg1, %mul3A_25 : i32
    %add3A_27 = arith.constant 512 : i32
    %add3A_28 = arith.addi %mul3A_26, %add3A_27 : i32
    %run_scoped3A_29 = arith.constant 0 : i32
    "tpu.region"() ({
      %run_scoped3A_278 = tpu.sem_alloc : memref<!tpu.dma_semaphore, #tpu.memory_space<semaphore_mem>>
      %dma_start3A_279 = arith.constant 0 : i32
      %dma_start3A_280 = arith.constant 0 : i32
      %dma_start3A_281 = tpu.memref_slice %arg8[%run_scoped3A_29, %dma_start3A_279, %dma_start3A_280] : memref<2x128x128xf32, #tpu.memory_space<vmem>> -> memref<1x128x128xf32, #tpu.memory_space<vmem>>
      %dma_start3A_282 = tpu.memref_squeeze %dma_start3A_281 : memref<1x128x128xf32, #tpu.memory_space<vmem>> -> memref<128x128xf32, #tpu.memory_space<vmem>>
      %dma_start3A_283 = arith.constant 0 : i32
      %dma_start3A_284 = tpu.memref_slice %arg9[%add3A_28, %dma_start3A_283] : memref<10240x128xf32, #tpu.memory_space<vmem_shared>> -> memref<128x128xf32, #tpu.memory_space<vmem_shared>>
      %dma_start3A_285 = arith.constant 0 : i32
      %dma_start3A_286 = tpu.memref_slice %arg9[%add3A_28, %dma_start3A_285] : memref<10240x128xf32, #tpu.memory_space<vmem_shared>> -> memref<128x128xf32, #tpu.memory_space<vmem_shared>>
      %dma_start3A_287 = arith.constant 0 : i32
      %dma_start3A_288 = arith.constant 0 : i32
      %dma_start3A_289 = tpu.memref_slice %arg8[%run_scoped3A_29, %dma_start3A_287, %dma_start3A_288] : memref<2x128x128xf32, #tpu.memory_space<vmem>> -> memref<1x128x128xf32, #tpu.memory_space<vmem>>
      %dma_start3A_290 = tpu.memref_squeeze %dma_start3A_289 : memref<1x128x128xf32, #tpu.memory_space<vmem>> -> memref<128x128xf32, #tpu.memory_space<vmem>>
      tpu.enqueue_dma source(%dma_start3A_290 : memref<128x128xf32, #tpu.memory_space<vmem>>) target(%dma_start3A_286 : memref<128x128xf32, #tpu.memory_space<vmem_shared>>) target_semaphore(%run_scoped3A_278 : memref<!tpu.dma_semaphore, #tpu.memory_space<semaphore_mem>>)
      %dma_wait3A_291 = arith.constant 0 : i32
      %dma_wait3A_292 = arith.constant 0 : i32
      %dma_wait3A_293 = tpu.memref_slice %arg8[%run_scoped3A_29, %dma_wait3A_291, %dma_wait3A_292] : memref<2x128x128xf32, #tpu.memory_space<vmem>> -> memref<1x128x128xf32, #tpu.memory_space<vmem>>
      %dma_wait3A_294 = tpu.memref_squeeze %dma_wait3A_293 : memref<1x128x128xf32, #tpu.memory_space<vmem>> -> memref<128x128xf32, #tpu.memory_space<vmem>>
      %dma_wait3A_295 = arith.constant 0 : i32
      %dma_wait3A_296 = tpu.memref_slice %arg9[%add3A_28, %dma_wait3A_295] : memref<10240x128xf32, #tpu.memory_space<vmem_shared>> -> memref<128x128xf32, #tpu.memory_space<vmem_shared>>
      %dma_wait3A_297 = arith.constant 0 : i32
      %dma_wait3A_298 = tpu.memref_slice %arg9[%add3A_28, %dma_wait3A_297] : memref<10240x128xf32, #tpu.memory_space<vmem_shared>> -> memref<128x128xf32, #tpu.memory_space<vmem_shared>>
      %dma_wait3A_299 = arith.constant 0 : i32
      %dma_wait3A_300 = arith.constant 0 : i32
      %dma_wait3A_301 = tpu.memref_slice %arg8[%run_scoped3A_29, %dma_wait3A_299, %dma_wait3A_300] : memref<2x128x128xf32, #tpu.memory_space<vmem>> -> memref<1x128x128xf32, #tpu.memory_space<vmem>>
      %dma_wait3A_302 = tpu.memref_squeeze %dma_wait3A_301 : memref<1x128x128xf32, #tpu.memory_space<vmem>> -> memref<128x128xf32, #tpu.memory_space<vmem>>
      tpu.wait_dma2 semaphore(%run_scoped3A_278 : memref<!tpu.dma_semaphore, #tpu.memory_space<semaphore_mem>>) src(%dma_wait3A_302 : memref<128x128xf32, #tpu.memory_space<vmem>>) dst(%dma_wait3A_298 : memref<128x128xf32, #tpu.memory_space<vmem_shared>>)
      tpu.yield
    }) : () -> ()
    %barrier3A = arith.constant 0 : index
    tpu.barrier barrier_id(%barrier3A)
    %add3A_30 = arith.constant 0 : i32
    %add3A_31 = arith.addi %mul3A_0, %add3A_30 : i32
    "tpu.region"() ({
      %run_scoped3A_278 = tpu.sem_alloc : memref<!tpu.dma_semaphore, #tpu.memory_space<semaphore_mem>>
      %dma_start3A_279 = arith.constant 0 : i32
      %dma_start3A_280 = tpu.memref_slice %arg3[%arg0, %add3A_31, %dma_start3A_279] : memref<2x1280x128xi32, #tpu.memory_space<hbm>> -> memref<1x40x128xi32, #tpu.memory_space<hbm>>
      %dma_start3A_281 = tpu.memref_squeeze %dma_start3A_280 : memref<1x40x128xi32, #tpu.memory_space<hbm>> -> memref<40x128xi32, #tpu.memory_space<hbm>>
      %dma_start3A_282 = arith.constant 0 : i32
      %dma_start3A_283 = tpu.memref_slice %arg3[%arg0, %add3A_31, %dma_start3A_282] : memref<2x1280x128xi32, #tpu.memory_space<hbm>> -> memref<1x40x128xi32, #tpu.memory_space<hbm>>
      %dma_start3A_284 = tpu.memref_squeeze %dma_start3A_283 : memref<1x40x128xi32, #tpu.memory_space<hbm>> -> memref<40x128xi32, #tpu.memory_space<hbm>>
      tpu.enqueue_dma source(%dma_start3A_284 : memref<40x128xi32, #tpu.memory_space<hbm>>) target(%arg6 : memref<40x128xi32, #tpu.memory_space<vmem>>) target_semaphore(%run_scoped3A_278 : memref<!tpu.dma_semaphore, #tpu.memory_space<semaphore_mem>>)
      %dma_wait3A_285 = arith.constant 0 : i32
      %dma_wait3A_286 = tpu.memref_slice %arg3[%arg0, %add3A_31, %dma_wait3A_285] : memref<2x1280x128xi32, #tpu.memory_space<hbm>> -> memref<1x40x128xi32, #tpu.memory_space<hbm>>
      %dma_wait3A_287 = tpu.memref_squeeze %dma_wait3A_286 : memref<1x40x128xi32, #tpu.memory_space<hbm>> -> memref<40x128xi32, #tpu.memory_space<hbm>>
      %dma_wait3A_288 = arith.constant 0 : i32
      %dma_wait3A_289 = tpu.memref_slice %arg3[%arg0, %add3A_31, %dma_wait3A_288] : memref<2x1280x128xi32, #tpu.memory_space<hbm>> -> memref<1x40x128xi32, #tpu.memory_space<hbm>>
      %dma_wait3A_290 = tpu.memref_squeeze %dma_wait3A_289 : memref<1x40x128xi32, #tpu.memory_space<hbm>> -> memref<40x128xi32, #tpu.memory_space<hbm>>
      tpu.wait_dma2 semaphore(%run_scoped3A_278 : memref<!tpu.dma_semaphore, #tpu.memory_space<semaphore_mem>>) src(%dma_wait3A_290 : memref<40x128xi32, #tpu.memory_space<hbm>>) dst(%arg6 : memref<40x128xi32, #tpu.memory_space<vmem>>)
      tpu.yield
    }) : () -> ()
    %add3A_32 = arith.constant 0 : i32
    %add3A_33 = arith.addi %mul3A_0, %add3A_32 : i32
    "tpu.region"() ({
      %run_scoped3A_278 = tpu.sem_alloc : memref<!tpu.dma_semaphore, #tpu.memory_space<semaphore_mem>>
      %dma_start3A_279 = arith.constant 0 : i32
      %dma_start3A_280 = tpu.memref_slice %arg4[%add3A_33, %dma_start3A_279] : memref<1280x128xi32, #tpu.memory_space<hbm>> -> memref<40x128xi32, #tpu.memory_space<hbm>>
      %dma_start3A_281 = arith.constant 0 : i32
      %dma_start3A_282 = tpu.memref_slice %arg4[%add3A_33, %dma_start3A_281] : memref<1280x128xi32, #tpu.memory_space<hbm>> -> memref<40x128xi32, #tpu.memory_space<hbm>>
      tpu.enqueue_dma source(%dma_start3A_282 : memref<40x128xi32, #tpu.memory_space<hbm>>) target(%arg7 : memref<40x128xi32, #tpu.memory_space<vmem>>) target_semaphore(%run_scoped3A_278 : memref<!tpu.dma_semaphore, #tpu.memory_space<semaphore_mem>>)
      %dma_wait3A_283 = arith.constant 0 : i32
      %dma_wait3A_284 = tpu.memref_slice %arg4[%add3A_33, %dma_wait3A_283] : memref<1280x128xi32, #tpu.memory_space<hbm>> -> memref<40x128xi32, #tpu.memory_space<hbm>>
      %dma_wait3A_285 = arith.constant 0 : i32
      %dma_wait3A_286 = tpu.memref_slice %arg4[%add3A_33, %dma_wait3A_285] : memref<1280x128xi32, #tpu.memory_space<hbm>> -> memref<40x128xi32, #tpu.memory_space<hbm>>
      tpu.wait_dma2 semaphore(%run_scoped3A_278 : memref<!tpu.dma_semaphore, #tpu.memory_space<semaphore_mem>>) src(%dma_wait3A_286 : memref<40x128xi32, #tpu.memory_space<hbm>>) dst(%arg7 : memref<40x128xi32, #tpu.memory_space<vmem>>)
      tpu.yield
    }) : () -> ()
    %dma_start3A = arith.constant 0 : i32
    %dma_start3A_34 = arith.constant 0 : i32
    %dma_start3A_35 = arith.constant 0 : i32
    %dma_start3A_36 = arith.constant 0 : i32
    %dma_start3A_37 = tpu.memref_slice %arg8[%dma_start3A_34, %dma_start3A_35, %dma_start3A_36] : memref<2x128x128xf32, #tpu.memory_space<vmem>> -> memref<1x128x128xf32, #tpu.memory_space<vmem>>
    %dma_start3A_38 = tpu.memref_squeeze %dma_start3A_37 : memref<1x128x128xf32, #tpu.memory_space<vmem>> -> memref<128x128xf32, #tpu.memory_space<vmem>>
    %dma_start3A_39 = arith.constant 0 : i32
    %dma_start3A_40 = tpu.memref_slice %arg6[%dma_start3A, %dma_start3A_39] : memref<40x128xi32, #tpu.memory_space<vmem>> -> memref<1x128xi32, #tpu.memory_space<vmem>>
    %dma_start3A_41 = tpu.memref_squeeze %dma_start3A_40 : memref<1x128xi32, #tpu.memory_space<vmem>> -> memref<128xi32, #tpu.memory_space<vmem>>
    %dma_start3A_42 = arith.constant 0 : i32
    %dma_start3A_43 = arith.constant 0 : i32
    %dma_start3A_44 = tpu.memref_slice %arg2[%dma_start3A_42, %dma_start3A_43] : memref<20480x128xf32, #tpu.memory_space<hbm>> -> memref<20480x128xf32, #tpu.memory_space<hbm>>
    tpu.enqueue_indirect_dma source(%dma_start3A_44 : memref<20480x128xf32, #tpu.memory_space<hbm>>) target(%dma_start3A_38 : memref<128x128xf32, #tpu.memory_space<vmem>>) offsets(%dma_start3A_41 : memref<128xi32, #tpu.memory_space<vmem>>) semaphore(%arg10 : memref<!tpu.dma_semaphore, #tpu.memory_space<semaphore_mem>>)
    %scan3A_45 = arith.constant 0 : i32
    %scan3A_46 = arith.constant 0 : i32
    %scan3A_47 = arith.constant 20 : i32
    %scan3A_48 = arith.addi %scan3A_46, %scan3A_47 : i32
    %scan3A_49 = arith.constant 1 : i32
    scf.for %scan3A_278 = %scan3A_46 to %scan3A_48 step %scan3A_49  : i32 {
      %mul3A_279 = arith.constant 2 : i32
      %mul3A_280 = arith.muli %mul3A_279, %scan3A_278 : i32
      %add3A_281 = arith.constant 1 : i32
      %add3A_282 = arith.addi %mul3A_280, %add3A_281 : i32
      %dma_start3A_283 = arith.constant 1 : i32
      %dma_start3A_284 = arith.constant 0 : i32
      %dma_start3A_285 = arith.constant 0 : i32
      %dma_start3A_286 = tpu.memref_slice %arg8[%dma_start3A_283, %dma_start3A_284, %dma_start3A_285] : memref<2x128x128xf32, #tpu.memory_space<vmem>> -> memref<1x128x128xf32, #tpu.memory_space<vmem>>
      %dma_start3A_287 = tpu.memref_squeeze %dma_start3A_286 : memref<1x128x128xf32, #tpu.memory_space<vmem>> -> memref<128x128xf32, #tpu.memory_space<vmem>>
      %dma_start3A_288 = arith.constant 0 : i32
      %dma_start3A_289 = tpu.memref_slice %arg6[%add3A_282, %dma_start3A_288] : memref<40x128xi32, #tpu.memory_space<vmem>> -> memref<1x128xi32, #tpu.memory_space<vmem>>
      %dma_start3A_290 = tpu.memref_squeeze %dma_start3A_289 : memref<1x128xi32, #tpu.memory_space<vmem>> -> memref<128xi32, #tpu.memory_space<vmem>>
      %dma_start3A_291 = arith.constant 0 : i32
      %dma_start3A_292 = arith.constant 0 : i32
      %dma_start3A_293 = tpu.memref_slice %arg2[%dma_start3A_291, %dma_start3A_292] : memref<20480x128xf32, #tpu.memory_space<hbm>> -> memref<20480x128xf32, #tpu.memory_space<hbm>>
      tpu.enqueue_indirect_dma source(%dma_start3A_293 : memref<20480x128xf32, #tpu.memory_space<hbm>>) target(%dma_start3A_287 : memref<128x128xf32, #tpu.memory_space<vmem>>) offsets(%dma_start3A_290 : memref<128xi32, #tpu.memory_space<vmem>>) semaphore(%arg11 : memref<!tpu.dma_semaphore, #tpu.memory_space<semaphore_mem>>)
      %dma_wait3A_294 = arith.constant 0 : i32
      %dma_wait3A_295 = arith.constant 0 : i32
      %dma_wait3A_296 = arith.constant 0 : i32
      %dma_wait3A_297 = tpu.memref_slice %arg8[%dma_wait3A_294, %dma_wait3A_295, %dma_wait3A_296] : memref<2x128x128xf32, #tpu.memory_space<vmem>> -> memref<1x128x128xf32, #tpu.memory_space<vmem>>
      %dma_wait3A_298 = tpu.memref_squeeze %dma_wait3A_297 : memref<1x128x128xf32, #tpu.memory_space<vmem>> -> memref<128x128xf32, #tpu.memory_space<vmem>>
      %dma_wait3A_299 = arith.constant 0 : i32
      %dma_wait3A_300 = tpu.memref_slice %arg6[%mul3A_280, %dma_wait3A_299] : memref<40x128xi32, #tpu.memory_space<vmem>> -> memref<1x128xi32, #tpu.memory_space<vmem>>
      %dma_wait3A_301 = tpu.memref_squeeze %dma_wait3A_300 : memref<1x128xi32, #tpu.memory_space<vmem>> -> memref<128xi32, #tpu.memory_space<vmem>>
      %dma_wait3A_302 = arith.constant 0 : i32
      %dma_wait3A_303 = arith.constant 0 : i32
      %dma_wait3A_304 = tpu.memref_slice %arg2[%dma_wait3A_302, %dma_wait3A_303] : memref<20480x128xf32, #tpu.memory_space<hbm>> -> memref<20480x128xf32, #tpu.memory_space<hbm>>
      tpu.wait_indirect_dma semaphore(%arg10 : memref<!tpu.dma_semaphore, #tpu.memory_space<semaphore_mem>>) src(%dma_wait3A_304 : memref<20480x128xf32, #tpu.memory_space<hbm>>) dst(%dma_wait3A_298 : memref<128x128xf32, #tpu.memory_space<vmem>>)
      %run_scoped3A_305 = arith.constant 0 : i32
      "tpu.region"() ({
        %run_scoped3A_320 = tpu.sem_alloc : memref<!tpu.dma_semaphore, #tpu.memory_space<semaphore_mem>>
        %dma_start3A_321 = arith.constant 0 : i32
        %dma_start3A_322 = arith.constant 0 : i32
        %dma_start3A_323 = tpu.memref_slice %arg8[%run_scoped3A_305, %dma_start3A_321, %dma_start3A_322] : memref<2x128x128xf32, #tpu.memory_space<vmem>> -> memref<1x128x128xf32, #tpu.memory_space<vmem>>
        %dma_start3A_324 = tpu.memref_squeeze %dma_start3A_323 : memref<1x128x128xf32, #tpu.memory_space<vmem>> -> memref<128x128xf32, #tpu.memory_space<vmem>>
        %dma_start3A_325 = arith.constant 0 : i32
        %dma_start3A_326 = tpu.memref_slice %arg7[%mul3A_280, %dma_start3A_325] : memref<40x128xi32, #tpu.memory_space<vmem>> -> memref<1x128xi32, #tpu.memory_space<vmem>>
        %dma_start3A_327 = tpu.memref_squeeze %dma_start3A_326 : memref<1x128xi32, #tpu.memory_space<vmem>> -> memref<128xi32, #tpu.memory_space<vmem>>
        %dma_start3A_328 = arith.constant 0 : i32
        %dma_start3A_329 = arith.constant 0 : i32
        %dma_start3A_330 = tpu.memref_slice %arg9[%dma_start3A_328, %dma_start3A_329] : memref<10240x128xf32, #tpu.memory_space<vmem_shared>> -> memref<10240x128xf32, #tpu.memory_space<vmem_shared>>
        tpu.enqueue_indirect_dma source(%dma_start3A_324 : memref<128x128xf32, #tpu.memory_space<vmem>>) target(%dma_start3A_330 : memref<10240x128xf32, #tpu.memory_space<vmem_shared>>) offsets(%dma_start3A_327 : memref<128xi32, #tpu.memory_space<vmem>>) semaphore(%run_scoped3A_320 : memref<!tpu.dma_semaphore, #tpu.memory_space<semaphore_mem>>) {add = true}
        %dma_wait3A_331 = arith.constant 0 : i32
        %dma_wait3A_332 = arith.constant 0 : i32
        %dma_wait3A_333 = tpu.memref_slice %arg8[%run_scoped3A_305, %dma_wait3A_331, %dma_wait3A_332] : memref<2x128x128xf32, #tpu.memory_space<vmem>> -> memref<1x128x128xf32, #tpu.memory_space<vmem>>
        %dma_wait3A_334 = tpu.memref_squeeze %dma_wait3A_333 : memref<1x128x128xf32, #tpu.memory_space<vmem>> -> memref<128x128xf32, #tpu.memory_space<vmem>>
        %dma_wait3A_335 = arith.constant 0 : i32
        %dma_wait3A_336 = tpu.memref_slice %arg7[%mul3A_280, %dma_wait3A_335] : memref<40x128xi32, #tpu.memory_space<vmem>> -> memref<1x128xi32, #tpu.memory_space<vmem>>
        %dma_wait3A_337 = tpu.memref_squeeze %dma_wait3A_336 : memref<1x128xi32, #tpu.memory_space<vmem>> -> memref<128xi32, #tpu.memory_space<vmem>>
        %dma_wait3A_338 = arith.constant 0 : i32
        %dma_wait3A_339 = arith.constant 0 : i32
        %dma_wait3A_340 = tpu.memref_slice %arg9[%dma_wait3A_338, %dma_wait3A_339] : memref<10240x128xf32, #tpu.memory_space<vmem_shared>> -> memref<10240x128xf32, #tpu.memory_space<vmem_shared>>
        tpu.wait_indirect_dma semaphore(%run_scoped3A_320 : memref<!tpu.dma_semaphore, #tpu.memory_space<semaphore_mem>>) src(%dma_wait3A_334 : memref<128x128xf32, #tpu.memory_space<vmem>>) dst(%dma_wait3A_340 : memref<10240x128xf32, #tpu.memory_space<vmem_shared>>)
        tpu.yield
      }) : () -> ()
      %lt3A = arith.constant 19 : i32
      %lt3A_306 = arith.cmpi slt, %scan3A_278, %lt3A : i32
      %convert_element_type3A = arith.extui %lt3A_306 : i1 to i32
      %cond3A = arith.constant 0 : i32
      %cond3A_307 = arith.cmpi ne, %convert_element_type3A, %cond3A : i32
      scf.if %cond3A_307 {
        %add3A_320 = arith.constant 2 : i32
        %add3A_321 = arith.addi %mul3A_280, %add3A_320 : i32
        %dma_start3A_322 = arith.constant 0 : i32
        %dma_start3A_323 = arith.constant 0 : i32
        %dma_start3A_324 = arith.constant 0 : i32
        %dma_start3A_325 = tpu.memref_slice %arg8[%dma_start3A_322, %dma_start3A_323, %dma_start3A_324] : memref<2x128x128xf32, #tpu.memory_space<vmem>> -> memref<1x128x128xf32, #tpu.memory_space<vmem>>
        %dma_start3A_326 = tpu.memref_squeeze %dma_start3A_325 : memref<1x128x128xf32, #tpu.memory_space<vmem>> -> memref<128x128xf32, #tpu.memory_space<vmem>>
        %dma_start3A_327 = arith.constant 0 : i32
        %dma_start3A_328 = tpu.memref_slice %arg6[%add3A_321, %dma_start3A_327] : memref<40x128xi32, #tpu.memory_space<vmem>> -> memref<1x128xi32, #tpu.memory_space<vmem>>
        %dma_start3A_329 = tpu.memref_squeeze %dma_start3A_328 : memref<1x128xi32, #tpu.memory_space<vmem>> -> memref<128xi32, #tpu.memory_space<vmem>>
        %dma_start3A_330 = arith.constant 0 : i32
        %dma_start3A_331 = arith.constant 0 : i32
        %dma_start3A_332 = tpu.memref_slice %arg2[%dma_start3A_330, %dma_start3A_331] : memref<20480x128xf32, #tpu.memory_space<hbm>> -> memref<20480x128xf32, #tpu.memory_space<hbm>>
        tpu.enqueue_indirect_dma source(%dma_start3A_332 : memref<20480x128xf32, #tpu.memory_space<hbm>>) target(%dma_start3A_326 : memref<128x128xf32, #tpu.memory_space<vmem>>) offsets(%dma_start3A_329 : memref<128xi32, #tpu.memory_space<vmem>>) semaphore(%arg10 : memref<!tpu.dma_semaphore, #tpu.memory_space<semaphore_mem>>)
      } else {
      }
      %dma_wait3A_308 = arith.constant 1 : i32
      %dma_wait3A_309 = arith.constant 0 : i32
      %dma_wait3A_310 = arith.constant 0 : i32
      %dma_wait3A_311 = tpu.memref_slice %arg8[%dma_wait3A_308, %dma_wait3A_309, %dma_wait3A_310] : memref<2x128x128xf32, #tpu.memory_space<vmem>> -> memref<1x128x128xf32, #tpu.memory_space<vmem>>
      %dma_wait3A_312 = tpu.memref_squeeze %dma_wait3A_311 : memref<1x128x128xf32, #tpu.memory_space<vmem>> -> memref<128x128xf32, #tpu.memory_space<vmem>>
      %dma_wait3A_313 = arith.constant 0 : i32
      %dma_wait3A_314 = tpu.memref_slice %arg6[%add3A_282, %dma_wait3A_313] : memref<40x128xi32, #tpu.memory_space<vmem>> -> memref<1x128xi32, #tpu.memory_space<vmem>>
      %dma_wait3A_315 = tpu.memref_squeeze %dma_wait3A_314 : memref<1x128xi32, #tpu.memory_space<vmem>> -> memref<128xi32, #tpu.memory_space<vmem>>
      %dma_wait3A_316 = arith.constant 0 : i32
      %dma_wait3A_317 = arith.constant 0 : i32
      %dma_wait3A_318 = tpu.memref_slice %arg2[%dma_wait3A_316, %dma_wait3A_317] : memref<20480x128xf32, #tpu.memory_space<hbm>> -> memref<20480x128xf32, #tpu.memory_space<hbm>>
      tpu.wait_indirect_dma semaphore(%arg11 : memref<!tpu.dma_semaphore, #tpu.memory_space<semaphore_mem>>) src(%dma_wait3A_318 : memref<20480x128xf32, #tpu.memory_space<hbm>>) dst(%dma_wait3A_312 : memref<128x128xf32, #tpu.memory_space<vmem>>)
      %run_scoped3A_319 = arith.constant 1 : i32
      "tpu.region"() ({
        %run_scoped3A_320 = tpu.sem_alloc : memref<!tpu.dma_semaphore, #tpu.memory_space<semaphore_mem>>
        %dma_start3A_321 = arith.constant 0 : i32
        %dma_start3A_322 = arith.constant 0 : i32
        %dma_start3A_323 = tpu.memref_slice %arg8[%run_scoped3A_319, %dma_start3A_321, %dma_start3A_322] : memref<2x128x128xf32, #tpu.memory_space<vmem>> -> memref<1x128x128xf32, #tpu.memory_space<vmem>>
        %dma_start3A_324 = tpu.memref_squeeze %dma_start3A_323 : memref<1x128x128xf32, #tpu.memory_space<vmem>> -> memref<128x128xf32, #tpu.memory_space<vmem>>
        %dma_start3A_325 = arith.constant 0 : i32
        %dma_start3A_326 = tpu.memref_slice %arg7[%add3A_282, %dma_start3A_325] : memref<40x128xi32, #tpu.memory_space<vmem>> -> memref<1x128xi32, #tpu.memory_space<vmem>>
        %dma_start3A_327 = tpu.memref_squeeze %dma_start3A_326 : memref<1x128xi32, #tpu.memory_space<vmem>> -> memref<128xi32, #tpu.memory_space<vmem>>
        %dma_start3A_328 = arith.constant 0 : i32
        %dma_start3A_329 = arith.constant 0 : i32
        %dma_start3A_330 = tpu.memref_slice %arg9[%dma_start3A_328, %dma_start3A_329] : memref<10240x128xf32, #tpu.memory_space<vmem_shared>> -> memref<10240x128xf32, #tpu.memory_space<vmem_shared>>
        tpu.enqueue_indirect_dma source(%dma_start3A_324 : memref<128x128xf32, #tpu.memory_space<vmem>>) target(%dma_start3A_330 : memref<10240x128xf32, #tpu.memory_space<vmem_shared>>) offsets(%dma_start3A_327 : memref<128xi32, #tpu.memory_space<vmem>>) semaphore(%run_scoped3A_320 : memref<!tpu.dma_semaphore, #tpu.memory_space<semaphore_mem>>) {add = true}
        %dma_wait3A_331 = arith.constant 0 : i32
        %dma_wait3A_332 = arith.constant 0 : i32
        %dma_wait3A_333 = tpu.memref_slice %arg8[%run_scoped3A_319, %dma_wait3A_331, %dma_wait3A_332] : memref<2x128x128xf32, #tpu.memory_space<vmem>> -> memref<1x128x128xf32, #tpu.memory_space<vmem>>
        %dma_wait3A_334 = tpu.memref_squeeze %dma_wait3A_333 : memref<1x128x128xf32, #tpu.memory_space<vmem>> -> memref<128x128xf32, #tpu.memory_space<vmem>>
        %dma_wait3A_335 = arith.constant 0 : i32
        %dma_wait3A_336 = tpu.memref_slice %arg7[%add3A_282, %dma_wait3A_335] : memref<40x128xi32, #tpu.memory_space<vmem>> -> memref<1x128xi32, #tpu.memory_space<vmem>>
        %dma_wait3A_337 = tpu.memref_squeeze %dma_wait3A_336 : memref<1x128xi32, #tpu.memory_space<vmem>> -> memref<128xi32, #tpu.memory_space<vmem>>
        %dma_wait3A_338 = arith.constant 0 : i32
        %dma_wait3A_339 = arith.constant 0 : i32
        %dma_wait3A_340 = tpu.memref_slice %arg9[%dma_wait3A_338, %dma_wait3A_339] : memref<10240x128xf32, #tpu.memory_space<vmem_shared>> -> memref<10240x128xf32, #tpu.memory_space<vmem_shared>>
        tpu.wait_indirect_dma semaphore(%run_scoped3A_320 : memref<!tpu.dma_semaphore, #tpu.memory_space<semaphore_mem>>) src(%dma_wait3A_334 : memref<128x128xf32, #tpu.memory_space<vmem>>) dst(%dma_wait3A_340 : memref<10240x128xf32, #tpu.memory_space<vmem_shared>>)
        tpu.yield
      }) : () -> ()
    }
    %scan3A_50 = arith.constant 20 : i32
    %add3A_51 = arith.constant 40 : i32
    %add3A_52 = arith.addi %mul3A_0, %add3A_51 : i32
    "tpu.region"() ({
      %run_scoped3A_278 = tpu.sem_alloc : memref<!tpu.dma_semaphore, #tpu.memory_space<semaphore_mem>>
      %dma_start3A_279 = arith.constant 0 : i32
      %dma_start3A_280 = tpu.memref_slice %arg3[%arg0, %add3A_52, %dma_start3A_279] : memref<2x1280x128xi32, #tpu.memory_space<hbm>> -> memref<1x40x128xi32, #tpu.memory_space<hbm>>
      %dma_start3A_281 = tpu.memref_squeeze %dma_start3A_280 : memref<1x40x128xi32, #tpu.memory_space<hbm>> -> memref<40x128xi32, #tpu.memory_space<hbm>>
      %dma_start3A_282 = arith.constant 0 : i32
      %dma_start3A_283 = tpu.memref_slice %arg3[%arg0, %add3A_52, %dma_start3A_282] : memref<2x1280x128xi32, #tpu.memory_space<hbm>> -> memref<1x40x128xi32, #tpu.memory_space<hbm>>
      %dma_start3A_284 = tpu.memref_squeeze %dma_start3A_283 : memref<1x40x128xi32, #tpu.memory_space<hbm>> -> memref<40x128xi32, #tpu.memory_space<hbm>>
      tpu.enqueue_dma source(%dma_start3A_284 : memref<40x128xi32, #tpu.memory_space<hbm>>) target(%arg6 : memref<40x128xi32, #tpu.memory_space<vmem>>) target_semaphore(%run_scoped3A_278 : memref<!tpu.dma_semaphore, #tpu.memory_space<semaphore_mem>>)
      %dma_wait3A_285 = arith.constant 0 : i32
      %dma_wait3A_286 = tpu.memref_slice %arg3[%arg0, %add3A_52, %dma_wait3A_285] : memref<2x1280x128xi32, #tpu.memory_space<hbm>> -> memref<1x40x128xi32, #tpu.memory_space<hbm>>
      %dma_wait3A_287 = tpu.memref_squeeze %dma_wait3A_286 : memref<1x40x128xi32, #tpu.memory_space<hbm>> -> memref<40x128xi32, #tpu.memory_space<hbm>>
      %dma_wait3A_288 = arith.constant 0 : i32
      %dma_wait3A_289 = tpu.memref_slice %arg3[%arg0, %add3A_52, %dma_wait3A_288] : memref<2x1280x128xi32, #tpu.memory_space<hbm>> -> memref<1x40x128xi32, #tpu.memory_space<hbm>>
      %dma_wait3A_290 = tpu.memref_squeeze %dma_wait3A_289 : memref<1x40x128xi32, #tpu.memory_space<hbm>> -> memref<40x128xi32, #tpu.memory_space<hbm>>
      tpu.wait_dma2 semaphore(%run_scoped3A_278 : memref<!tpu.dma_semaphore, #tpu.memory_space<semaphore_mem>>) src(%dma_wait3A_290 : memref<40x128xi32, #tpu.memory_space<hbm>>) dst(%arg6 : memref<40x128xi32, #tpu.memory_space<vmem>>)
      tpu.yield
    }) : () -> ()
    %add3A_53 = arith.constant 40 : i32
    %add3A_54 = arith.addi %mul3A_0, %add3A_53 : i32
    "tpu.region"() ({
      %run_scoped3A_278 = tpu.sem_alloc : memref<!tpu.dma_semaphore, #tpu.memory_space<semaphore_mem>>
      %dma_start3A_279 = arith.constant 0 : i32
      %dma_start3A_280 = tpu.memref_slice %arg4[%add3A_54, %dma_start3A_279] : memref<1280x128xi32, #tpu.memory_space<hbm>> -> memref<40x128xi32, #tpu.memory_space<hbm>>
      %dma_start3A_281 = arith.constant 0 : i32
      %dma_start3A_282 = tpu.memref_slice %arg4[%add3A_54, %dma_start3A_281] : memref<1280x128xi32, #tpu.memory_space<hbm>> -> memref<40x128xi32, #tpu.memory_space<hbm>>
      tpu.enqueue_dma source(%dma_start3A_282 : memref<40x128xi32, #tpu.memory_space<hbm>>) target(%arg7 : memref<40x128xi32, #tpu.memory_space<vmem>>) target_semaphore(%run_scoped3A_278 : memref<!tpu.dma_semaphore, #tpu.memory_space<semaphore_mem>>)
      %dma_wait3A_283 = arith.constant 0 : i32
      %dma_wait3A_284 = tpu.memref_slice %arg4[%add3A_54, %dma_wait3A_283] : memref<1280x128xi32, #tpu.memory_space<hbm>> -> memref<40x128xi32, #tpu.memory_space<hbm>>
      %dma_wait3A_285 = arith.constant 0 : i32
      %dma_wait3A_286 = tpu.memref_slice %arg4[%add3A_54, %dma_wait3A_285] : memref<1280x128xi32, #tpu.memory_space<hbm>> -> memref<40x128xi32, #tpu.memory_space<hbm>>
      tpu.wait_dma2 semaphore(%run_scoped3A_278 : memref<!tpu.dma_semaphore, #tpu.memory_space<semaphore_mem>>) src(%dma_wait3A_286 : memref<40x128xi32, #tpu.memory_space<hbm>>) dst(%arg7 : memref<40x128xi32, #tpu.memory_space<vmem>>)
      tpu.yield
    }) : () -> ()
    %dma_start3A_55 = arith.constant 0 : i32
    %dma_start3A_56 = arith.constant 0 : i32
    %dma_start3A_57 = arith.constant 0 : i32
    %dma_start3A_58 = arith.constant 0 : i32
    %dma_start3A_59 = tpu.memref_slice %arg8[%dma_start3A_56, %dma_start3A_57, %dma_start3A_58] : memref<2x128x128xf32, #tpu.memory_space<vmem>> -> memref<1x128x128xf32, #tpu.memory_space<vmem>>
    %dma_start3A_60 = tpu.memref_squeeze %dma_start3A_59 : memref<1x128x128xf32, #tpu.memory_space<vmem>> -> memref<128x128xf32, #tpu.memory_space<vmem>>
    %dma_start3A_61 = arith.constant 0 : i32
    %dma_start3A_62 = tpu.memref_slice %arg6[%dma_start3A_55, %dma_start3A_61] : memref<40x128xi32, #tpu.memory_space<vmem>> -> memref<1x128xi32, #tpu.memory_space<vmem>>
    %dma_start3A_63 = tpu.memref_squeeze %dma_start3A_62 : memref<1x128xi32, #tpu.memory_space<vmem>> -> memref<128xi32, #tpu.memory_space<vmem>>
    %dma_start3A_64 = arith.constant 0 : i32
    %dma_start3A_65 = arith.constant 0 : i32
    %dma_start3A_66 = tpu.memref_slice %arg2[%dma_start3A_64, %dma_start3A_65] : memref<20480x128xf32, #tpu.memory_space<hbm>> -> memref<20480x128xf32, #tpu.memory_space<hbm>>
    tpu.enqueue_indirect_dma source(%dma_start3A_66 : memref<20480x128xf32, #tpu.memory_space<hbm>>) target(%dma_start3A_60 : memref<128x128xf32, #tpu.memory_space<vmem>>) offsets(%dma_start3A_63 : memref<128xi32, #tpu.memory_space<vmem>>) semaphore(%arg10 : memref<!tpu.dma_semaphore, #tpu.memory_space<semaphore_mem>>)
    %scan3A_67 = arith.constant 0 : i32
    %scan3A_68 = arith.constant 0 : i32
    %scan3A_69 = arith.constant 20 : i32
    %scan3A_70 = arith.addi %scan3A_68, %scan3A_69 : i32
    %scan3A_71 = arith.constant 1 : i32
    scf.for %scan3A_278 = %scan3A_68 to %scan3A_70 step %scan3A_71  : i32 {
      %mul3A_279 = arith.constant 2 : i32
      %mul3A_280 = arith.muli %mul3A_279, %scan3A_278 : i32
      %add3A_281 = arith.constant 1 : i32
      %add3A_282 = arith.addi %mul3A_280, %add3A_281 : i32
      %dma_start3A_283 = arith.constant 1 : i32
      %dma_start3A_284 = arith.constant 0 : i32
      %dma_start3A_285 = arith.constant 0 : i32
      %dma_start3A_286 = tpu.memref_slice %arg8[%dma_start3A_283, %dma_start3A_284, %dma_start3A_285] : memref<2x128x128xf32, #tpu.memory_space<vmem>> -> memref<1x128x128xf32, #tpu.memory_space<vmem>>
      %dma_start3A_287 = tpu.memref_squeeze %dma_start3A_286 : memref<1x128x128xf32, #tpu.memory_space<vmem>> -> memref<128x128xf32, #tpu.memory_space<vmem>>
      %dma_start3A_288 = arith.constant 0 : i32
      %dma_start3A_289 = tpu.memref_slice %arg6[%add3A_282, %dma_start3A_288] : memref<40x128xi32, #tpu.memory_space<vmem>> -> memref<1x128xi32, #tpu.memory_space<vmem>>
      %dma_start3A_290 = tpu.memref_squeeze %dma_start3A_289 : memref<1x128xi32, #tpu.memory_space<vmem>> -> memref<128xi32, #tpu.memory_space<vmem>>
      %dma_start3A_291 = arith.constant 0 : i32
      %dma_start3A_292 = arith.constant 0 : i32
      %dma_start3A_293 = tpu.memref_slice %arg2[%dma_start3A_291, %dma_start3A_292] : memref<20480x128xf32, #tpu.memory_space<hbm>> -> memref<20480x128xf32, #tpu.memory_space<hbm>>
      tpu.enqueue_indirect_dma source(%dma_start3A_293 : memref<20480x128xf32, #tpu.memory_space<hbm>>) target(%dma_start3A_287 : memref<128x128xf32, #tpu.memory_space<vmem>>) offsets(%dma_start3A_290 : memref<128xi32, #tpu.memory_space<vmem>>) semaphore(%arg11 : memref<!tpu.dma_semaphore, #tpu.memory_space<semaphore_mem>>)
      %dma_wait3A_294 = arith.constant 0 : i32
      %dma_wait3A_295 = arith.constant 0 : i32
      %dma_wait3A_296 = arith.constant 0 : i32
      %dma_wait3A_297 = tpu.memref_slice %arg8[%dma_wait3A_294, %dma_wait3A_295, %dma_wait3A_296] : memref<2x128x128xf32, #tpu.memory_space<vmem>> -> memref<1x128x128xf32, #tpu.memory_space<vmem>>
      %dma_wait3A_298 = tpu.memref_squeeze %dma_wait3A_297 : memref<1x128x128xf32, #tpu.memory_space<vmem>> -> memref<128x128xf32, #tpu.memory_space<vmem>>
      %dma_wait3A_299 = arith.constant 0 : i32
      %dma_wait3A_300 = tpu.memref_slice %arg6[%mul3A_280, %dma_wait3A_299] : memref<40x128xi32, #tpu.memory_space<vmem>> -> memref<1x128xi32, #tpu.memory_space<vmem>>
      %dma_wait3A_301 = tpu.memref_squeeze %dma_wait3A_300 : memref<1x128xi32, #tpu.memory_space<vmem>> -> memref<128xi32, #tpu.memory_space<vmem>>
      %dma_wait3A_302 = arith.constant 0 : i32
      %dma_wait3A_303 = arith.constant 0 : i32
      %dma_wait3A_304 = tpu.memref_slice %arg2[%dma_wait3A_302, %dma_wait3A_303] : memref<20480x128xf32, #tpu.memory_space<hbm>> -> memref<20480x128xf32, #tpu.memory_space<hbm>>
      tpu.wait_indirect_dma semaphore(%arg10 : memref<!tpu.dma_semaphore, #tpu.memory_space<semaphore_mem>>) src(%dma_wait3A_304 : memref<20480x128xf32, #tpu.memory_space<hbm>>) dst(%dma_wait3A_298 : memref<128x128xf32, #tpu.memory_space<vmem>>)
      %run_scoped3A_305 = arith.constant 0 : i32
      "tpu.region"() ({
        %run_scoped3A_320 = tpu.sem_alloc : memref<!tpu.dma_semaphore, #tpu.memory_space<semaphore_mem>>
        %dma_start3A_321 = arith.constant 0 : i32
        %dma_start3A_322 = arith.constant 0 : i32
        %dma_start3A_323 = tpu.memref_slice %arg8[%run_scoped3A_305, %dma_start3A_321, %dma_start3A_322] : memref<2x128x128xf32, #tpu.memory_space<vmem>> -> memref<1x128x128xf32, #tpu.memory_space<vmem>>
        %dma_start3A_324 = tpu.memref_squeeze %dma_start3A_323 : memref<1x128x128xf32, #tpu.memory_space<vmem>> -> memref<128x128xf32, #tpu.memory_space<vmem>>
        %dma_start3A_325 = arith.constant 0 : i32
        %dma_start3A_326 = tpu.memref_slice %arg7[%mul3A_280, %dma_start3A_325] : memref<40x128xi32, #tpu.memory_space<vmem>> -> memref<1x128xi32, #tpu.memory_space<vmem>>
        %dma_start3A_327 = tpu.memref_squeeze %dma_start3A_326 : memref<1x128xi32, #tpu.memory_space<vmem>> -> memref<128xi32, #tpu.memory_space<vmem>>
        %dma_start3A_328 = arith.constant 0 : i32
        %dma_start3A_329 = arith.constant 0 : i32
        %dma_start3A_330 = tpu.memref_slice %arg9[%dma_start3A_328, %dma_start3A_329] : memref<10240x128xf32, #tpu.memory_space<vmem_shared>> -> memref<10240x128xf32, #tpu.memory_space<vmem_shared>>
        tpu.enqueue_indirect_dma source(%dma_start3A_324 : memref<128x128xf32, #tpu.memory_space<vmem>>) target(%dma_start3A_330 : memref<10240x128xf32, #tpu.memory_space<vmem_shared>>) offsets(%dma_start3A_327 : memref<128xi32, #tpu.memory_space<vmem>>) semaphore(%run_scoped3A_320 : memref<!tpu.dma_semaphore, #tpu.memory_space<semaphore_mem>>) {add = true}
        %dma_wait3A_331 = arith.constant 0 : i32
        %dma_wait3A_332 = arith.constant 0 : i32
        %dma_wait3A_333 = tpu.memref_slice %arg8[%run_scoped3A_305, %dma_wait3A_331, %dma_wait3A_332] : memref<2x128x128xf32, #tpu.memory_space<vmem>> -> memref<1x128x128xf32, #tpu.memory_space<vmem>>
        %dma_wait3A_334 = tpu.memref_squeeze %dma_wait3A_333 : memref<1x128x128xf32, #tpu.memory_space<vmem>> -> memref<128x128xf32, #tpu.memory_space<vmem>>
        %dma_wait3A_335 = arith.constant 0 : i32
        %dma_wait3A_336 = tpu.memref_slice %arg7[%mul3A_280, %dma_wait3A_335] : memref<40x128xi32, #tpu.memory_space<vmem>> -> memref<1x128xi32, #tpu.memory_space<vmem>>
        %dma_wait3A_337 = tpu.memref_squeeze %dma_wait3A_336 : memref<1x128xi32, #tpu.memory_space<vmem>> -> memref<128xi32, #tpu.memory_space<vmem>>
        %dma_wait3A_338 = arith.constant 0 : i32
        %dma_wait3A_339 = arith.constant 0 : i32
        %dma_wait3A_340 = tpu.memref_slice %arg9[%dma_wait3A_338, %dma_wait3A_339] : memref<10240x128xf32, #tpu.memory_space<vmem_shared>> -> memref<10240x128xf32, #tpu.memory_space<vmem_shared>>
        tpu.wait_indirect_dma semaphore(%run_scoped3A_320 : memref<!tpu.dma_semaphore, #tpu.memory_space<semaphore_mem>>) src(%dma_wait3A_334 : memref<128x128xf32, #tpu.memory_space<vmem>>) dst(%dma_wait3A_340 : memref<10240x128xf32, #tpu.memory_space<vmem_shared>>)
        tpu.yield
      }) : () -> ()
      %lt3A = arith.constant 19 : i32
      %lt3A_306 = arith.cmpi slt, %scan3A_278, %lt3A : i32
      %convert_element_type3A = arith.extui %lt3A_306 : i1 to i32
      %cond3A = arith.constant 0 : i32
      %cond3A_307 = arith.cmpi ne, %convert_element_type3A, %cond3A : i32
      scf.if %cond3A_307 {
        %add3A_320 = arith.constant 2 : i32
        %add3A_321 = arith.addi %mul3A_280, %add3A_320 : i32
        %dma_start3A_322 = arith.constant 0 : i32
        %dma_start3A_323 = arith.constant 0 : i32
        %dma_start3A_324 = arith.constant 0 : i32
        %dma_start3A_325 = tpu.memref_slice %arg8[%dma_start3A_322, %dma_start3A_323, %dma_start3A_324] : memref<2x128x128xf32, #tpu.memory_space<vmem>> -> memref<1x128x128xf32, #tpu.memory_space<vmem>>
        %dma_start3A_326 = tpu.memref_squeeze %dma_start3A_325 : memref<1x128x128xf32, #tpu.memory_space<vmem>> -> memref<128x128xf32, #tpu.memory_space<vmem>>
        %dma_start3A_327 = arith.constant 0 : i32
        %dma_start3A_328 = tpu.memref_slice %arg6[%add3A_321, %dma_start3A_327] : memref<40x128xi32, #tpu.memory_space<vmem>> -> memref<1x128xi32, #tpu.memory_space<vmem>>
        %dma_start3A_329 = tpu.memref_squeeze %dma_start3A_328 : memref<1x128xi32, #tpu.memory_space<vmem>> -> memref<128xi32, #tpu.memory_space<vmem>>
        %dma_start3A_330 = arith.constant 0 : i32
        %dma_start3A_331 = arith.constant 0 : i32
        %dma_start3A_332 = tpu.memref_slice %arg2[%dma_start3A_330, %dma_start3A_331] : memref<20480x128xf32, #tpu.memory_space<hbm>> -> memref<20480x128xf32, #tpu.memory_space<hbm>>
        tpu.enqueue_indirect_dma source(%dma_start3A_332 : memref<20480x128xf32, #tpu.memory_space<hbm>>) target(%dma_start3A_326 : memref<128x128xf32, #tpu.memory_space<vmem>>) offsets(%dma_start3A_329 : memref<128xi32, #tpu.memory_space<vmem>>) semaphore(%arg10 : memref<!tpu.dma_semaphore, #tpu.memory_space<semaphore_mem>>)
      } else {
      }
      %dma_wait3A_308 = arith.constant 1 : i32
      %dma_wait3A_309 = arith.constant 0 : i32
      %dma_wait3A_310 = arith.constant 0 : i32
      %dma_wait3A_311 = tpu.memref_slice %arg8[%dma_wait3A_308, %dma_wait3A_309, %dma_wait3A_310] : memref<2x128x128xf32, #tpu.memory_space<vmem>> -> memref<1x128x128xf32, #tpu.memory_space<vmem>>
      %dma_wait3A_312 = tpu.memref_squeeze %dma_wait3A_311 : memref<1x128x128xf32, #tpu.memory_space<vmem>> -> memref<128x128xf32, #tpu.memory_space<vmem>>
      %dma_wait3A_313 = arith.constant 0 : i32
      %dma_wait3A_314 = tpu.memref_slice %arg6[%add3A_282, %dma_wait3A_313] : memref<40x128xi32, #tpu.memory_space<vmem>> -> memref<1x128xi32, #tpu.memory_space<vmem>>
      %dma_wait3A_315 = tpu.memref_squeeze %dma_wait3A_314 : memref<1x128xi32, #tpu.memory_space<vmem>> -> memref<128xi32, #tpu.memory_space<vmem>>
      %dma_wait3A_316 = arith.constant 0 : i32
      %dma_wait3A_317 = arith.constant 0 : i32
      %dma_wait3A_318 = tpu.memref_slice %arg2[%dma_wait3A_316, %dma_wait3A_317] : memref<20480x128xf32, #tpu.memory_space<hbm>> -> memref<20480x128xf32, #tpu.memory_space<hbm>>
      tpu.wait_indirect_dma semaphore(%arg11 : memref<!tpu.dma_semaphore, #tpu.memory_space<semaphore_mem>>) src(%dma_wait3A_318 : memref<20480x128xf32, #tpu.memory_space<hbm>>) dst(%dma_wait3A_312 : memref<128x128xf32, #tpu.memory_space<vmem>>)
      %run_scoped3A_319 = arith.constant 1 : i32
      "tpu.region"() ({
        %run_scoped3A_320 = tpu.sem_alloc : memref<!tpu.dma_semaphore, #tpu.memory_space<semaphore_mem>>
        %dma_start3A_321 = arith.constant 0 : i32
        %dma_start3A_322 = arith.constant 0 : i32
        %dma_start3A_323 = tpu.memref_slice %arg8[%run_scoped3A_319, %dma_start3A_321, %dma_start3A_322] : memref<2x128x128xf32, #tpu.memory_space<vmem>> -> memref<1x128x128xf32, #tpu.memory_space<vmem>>
        %dma_start3A_324 = tpu.memref_squeeze %dma_start3A_323 : memref<1x128x128xf32, #tpu.memory_space<vmem>> -> memref<128x128xf32, #tpu.memory_space<vmem>>
        %dma_start3A_325 = arith.constant 0 : i32
        %dma_start3A_326 = tpu.memref_slice %arg7[%add3A_282, %dma_start3A_325] : memref<40x128xi32, #tpu.memory_space<vmem>> -> memref<1x128xi32, #tpu.memory_space<vmem>>
        %dma_start3A_327 = tpu.memref_squeeze %dma_start3A_326 : memref<1x128xi32, #tpu.memory_space<vmem>> -> memref<128xi32, #tpu.memory_space<vmem>>
        %dma_start3A_328 = arith.constant 0 : i32
        %dma_start3A_329 = arith.constant 0 : i32
        %dma_start3A_330 = tpu.memref_slice %arg9[%dma_start3A_328, %dma_start3A_329] : memref<10240x128xf32, #tpu.memory_space<vmem_shared>> -> memref<10240x128xf32, #tpu.memory_space<vmem_shared>>
        tpu.enqueue_indirect_dma source(%dma_start3A_324 : memref<128x128xf32, #tpu.memory_space<vmem>>) target(%dma_start3A_330 : memref<10240x128xf32, #tpu.memory_space<vmem_shared>>) offsets(%dma_start3A_327 : memref<128xi32, #tpu.memory_space<vmem>>) semaphore(%run_scoped3A_320 : memref<!tpu.dma_semaphore, #tpu.memory_space<semaphore_mem>>) {add = true}
        %dma_wait3A_331 = arith.constant 0 : i32
        %dma_wait3A_332 = arith.constant 0 : i32
        %dma_wait3A_333 = tpu.memref_slice %arg8[%run_scoped3A_319, %dma_wait3A_331, %dma_wait3A_332] : memref<2x128x128xf32, #tpu.memory_space<vmem>> -> memref<1x128x128xf32, #tpu.memory_space<vmem>>
        %dma_wait3A_334 = tpu.memref_squeeze %dma_wait3A_333 : memref<1x128x128xf32, #tpu.memory_space<vmem>> -> memref<128x128xf32, #tpu.memory_space<vmem>>
        %dma_wait3A_335 = arith.constant 0 : i32
        %dma_wait3A_336 = tpu.memref_slice %arg7[%add3A_282, %dma_wait3A_335] : memref<40x128xi32, #tpu.memory_space<vmem>> -> memref<1x128xi32, #tpu.memory_space<vmem>>
        %dma_wait3A_337 = tpu.memref_squeeze %dma_wait3A_336 : memref<1x128xi32, #tpu.memory_space<vmem>> -> memref<128xi32, #tpu.memory_space<vmem>>
        %dma_wait3A_338 = arith.constant 0 : i32
        %dma_wait3A_339 = arith.constant 0 : i32
        %dma_wait3A_340 = tpu.memref_slice %arg9[%dma_wait3A_338, %dma_wait3A_339] : memref<10240x128xf32, #tpu.memory_space<vmem_shared>> -> memref<10240x128xf32, #tpu.memory_space<vmem_shared>>
        tpu.wait_indirect_dma semaphore(%run_scoped3A_320 : memref<!tpu.dma_semaphore, #tpu.memory_space<semaphore_mem>>) src(%dma_wait3A_334 : memref<128x128xf32, #tpu.memory_space<vmem>>) dst(%dma_wait3A_340 : memref<10240x128xf32, #tpu.memory_space<vmem_shared>>)
        tpu.yield
      }) : () -> ()
    }
    %scan3A_72 = arith.constant 20 : i32
    %barrier3A_73 = arith.constant 0 : index
    tpu.barrier barrier_id(%barrier3A_73)
    %mul3A_74 = arith.constant 640 : i32
    %mul3A_75 = arith.muli %arg1, %mul3A_74 : i32
    %add3A_76 = arith.constant 0 : i32
    %add3A_77 = arith.addi %mul3A_75, %add3A_76 : i32
    %run_scoped3A_78 = arith.constant 0 : i32
    "tpu.region"() ({
      %run_scoped3A_278 = tpu.sem_alloc : memref<!tpu.dma_semaphore, #tpu.memory_space<semaphore_mem>>
      %dma_start3A_279 = arith.constant 0 : i32
      %dma_start3A_280 = arith.constant 0 : i32
      %dma_start3A_281 = tpu.memref_slice %arg8[%run_scoped3A_78, %dma_start3A_279, %dma_start3A_280] : memref<2x128x128xf32, #tpu.memory_space<vmem>> -> memref<1x128x128xf32, #tpu.memory_space<vmem>>
      %dma_start3A_282 = tpu.memref_squeeze %dma_start3A_281 : memref<1x128x128xf32, #tpu.memory_space<vmem>> -> memref<128x128xf32, #tpu.memory_space<vmem>>
      %dma_start3A_283 = arith.constant 0 : i32
      %dma_start3A_284 = tpu.memref_slice %arg9[%add3A_77, %dma_start3A_283] : memref<10240x128xf32, #tpu.memory_space<vmem_shared>> -> memref<128x128xf32, #tpu.memory_space<vmem_shared>>
      %dma_start3A_285 = arith.constant 0 : i32
      %dma_start3A_286 = arith.constant 0 : i32
      %dma_start3A_287 = tpu.memref_slice %arg8[%run_scoped3A_78, %dma_start3A_285, %dma_start3A_286] : memref<2x128x128xf32, #tpu.memory_space<vmem>> -> memref<1x128x128xf32, #tpu.memory_space<vmem>>
      %dma_start3A_288 = tpu.memref_squeeze %dma_start3A_287 : memref<1x128x128xf32, #tpu.memory_space<vmem>> -> memref<128x128xf32, #tpu.memory_space<vmem>>
      %dma_start3A_289 = arith.constant 0 : i32
      %dma_start3A_290 = tpu.memref_slice %arg9[%add3A_77, %dma_start3A_289] : memref<10240x128xf32, #tpu.memory_space<vmem_shared>> -> memref<128x128xf32, #tpu.memory_space<vmem_shared>>
      tpu.enqueue_dma source(%dma_start3A_290 : memref<128x128xf32, #tpu.memory_space<vmem_shared>>) target(%dma_start3A_288 : memref<128x128xf32, #tpu.memory_space<vmem>>) target_semaphore(%run_scoped3A_278 : memref<!tpu.dma_semaphore, #tpu.memory_space<semaphore_mem>>)
      %dma_wait3A_291 = arith.constant 0 : i32
      %dma_wait3A_292 = arith.constant 0 : i32
      %dma_wait3A_293 = tpu.memref_slice %arg8[%run_scoped3A_78, %dma_wait3A_291, %dma_wait3A_292] : memref<2x128x128xf32, #tpu.memory_space<vmem>> -> memref<1x128x128xf32, #tpu.memory_space<vmem>>
      %dma_wait3A_294 = tpu.memref_squeeze %dma_wait3A_293 : memref<1x128x128xf32, #tpu.memory_space<vmem>> -> memref<128x128xf32, #tpu.memory_space<vmem>>
      %dma_wait3A_295 = arith.constant 0 : i32
      %dma_wait3A_296 = tpu.memref_slice %arg9[%add3A_77, %dma_wait3A_295] : memref<10240x128xf32, #tpu.memory_space<vmem_shared>> -> memref<128x128xf32, #tpu.memory_space<vmem_shared>>
      %dma_wait3A_297 = arith.constant 0 : i32
      %dma_wait3A_298 = arith.constant 0 : i32
      %dma_wait3A_299 = tpu.memref_slice %arg8[%run_scoped3A_78, %dma_wait3A_297, %dma_wait3A_298] : memref<2x128x128xf32, #tpu.memory_space<vmem>> -> memref<1x128x128xf32, #tpu.memory_space<vmem>>
      %dma_wait3A_300 = tpu.memref_squeeze %dma_wait3A_299 : memref<1x128x128xf32, #tpu.memory_space<vmem>> -> memref<128x128xf32, #tpu.memory_space<vmem>>
      %dma_wait3A_301 = arith.constant 0 : i32
      %dma_wait3A_302 = tpu.memref_slice %arg9[%add3A_77, %dma_wait3A_301] : memref<10240x128xf32, #tpu.memory_space<vmem_shared>> -> memref<128x128xf32, #tpu.memory_space<vmem_shared>>
      tpu.wait_dma2 semaphore(%run_scoped3A_278 : memref<!tpu.dma_semaphore, #tpu.memory_space<semaphore_mem>>) src(%dma_wait3A_302 : memref<128x128xf32, #tpu.memory_space<vmem_shared>>) dst(%dma_wait3A_300 : memref<128x128xf32, #tpu.memory_space<vmem>>)
      tpu.yield
    }) : () -> ()
    %mul3A_79 = arith.constant 10240 : i32
    %mul3A_80 = arith.muli %arg0, %mul3A_79 : i32
    %add3A_81 = arith.addi %mul3A_80, %add3A_77 : i32
    %dma_start3A_82 = arith.constant 0 : i32
    %dma_start3A_83 = arith.constant 0 : i32
    %dma_start3A_84 = arith.constant 0 : i32
    %dma_start3A_85 = tpu.memref_slice %arg8[%dma_start3A_82, %dma_start3A_83, %dma_start3A_84] : memref<2x128x128xf32, #tpu.memory_space<vmem>> -> memref<1x128x128xf32, #tpu.memory_space<vmem>>
    %dma_start3A_86 = tpu.memref_squeeze %dma_start3A_85 : memref<1x128x128xf32, #tpu.memory_space<vmem>> -> memref<128x128xf32, #tpu.memory_space<vmem>>
    %dma_start3A_87 = arith.constant 0 : i32
    %dma_start3A_88 = tpu.memref_slice %arg5[%add3A_81, %dma_start3A_87] : memref<20480x128xf32, #tpu.memory_space<hbm>> -> memref<128x128xf32, #tpu.memory_space<hbm>>
    %dma_start3A_89 = arith.constant 0 : i32
    %dma_start3A_90 = tpu.memref_slice %arg5[%add3A_81, %dma_start3A_89] : memref<20480x128xf32, #tpu.memory_space<hbm>> -> memref<128x128xf32, #tpu.memory_space<hbm>>
    %dma_start3A_91 = arith.constant 0 : i32
    %dma_start3A_92 = arith.constant 0 : i32
    %dma_start3A_93 = tpu.memref_slice %arg8[%dma_start3A_82, %dma_start3A_91, %dma_start3A_92] : memref<2x128x128xf32, #tpu.memory_space<vmem>> -> memref<1x128x128xf32, #tpu.memory_space<vmem>>
    %dma_start3A_94 = tpu.memref_squeeze %dma_start3A_93 : memref<1x128x128xf32, #tpu.memory_space<vmem>> -> memref<128x128xf32, #tpu.memory_space<vmem>>
    tpu.enqueue_dma source(%dma_start3A_94 : memref<128x128xf32, #tpu.memory_space<vmem>>) target(%dma_start3A_90 : memref<128x128xf32, #tpu.memory_space<hbm>>) target_semaphore(%arg10 : memref<!tpu.dma_semaphore, #tpu.memory_space<semaphore_mem>>)
    %mul3A_95 = arith.constant 640 : i32
    %mul3A_96 = arith.muli %arg1, %mul3A_95 : i32
    %add3A_97 = arith.constant 128 : i32
    %add3A_98 = arith.addi %mul3A_96, %add3A_97 : i32
    %run_scoped3A_99 = arith.constant 1 : i32
    "tpu.region"() ({
      %run_scoped3A_278 = tpu.sem_alloc : memref<!tpu.dma_semaphore, #tpu.memory_space<semaphore_mem>>
      %dma_start3A_279 = arith.constant 0 : i32
      %dma_start3A_280 = arith.constant 0 : i32
      %dma_start3A_281 = tpu.memref_slice %arg8[%run_scoped3A_99, %dma_start3A_279, %dma_start3A_280] : memref<2x128x128xf32, #tpu.memory_space<vmem>> -> memref<1x128x128xf32, #tpu.memory_space<vmem>>
      %dma_start3A_282 = tpu.memref_squeeze %dma_start3A_281 : memref<1x128x128xf32, #tpu.memory_space<vmem>> -> memref<128x128xf32, #tpu.memory_space<vmem>>
      %dma_start3A_283 = arith.constant 0 : i32
      %dma_start3A_284 = tpu.memref_slice %arg9[%add3A_98, %dma_start3A_283] : memref<10240x128xf32, #tpu.memory_space<vmem_shared>> -> memref<128x128xf32, #tpu.memory_space<vmem_shared>>
      %dma_start3A_285 = arith.constant 0 : i32
      %dma_start3A_286 = arith.constant 0 : i32
      %dma_start3A_287 = tpu.memref_slice %arg8[%run_scoped3A_99, %dma_start3A_285, %dma_start3A_286] : memref<2x128x128xf32, #tpu.memory_space<vmem>> -> memref<1x128x128xf32, #tpu.memory_space<vmem>>
      %dma_start3A_288 = tpu.memref_squeeze %dma_start3A_287 : memref<1x128x128xf32, #tpu.memory_space<vmem>> -> memref<128x128xf32, #tpu.memory_space<vmem>>
      %dma_start3A_289 = arith.constant 0 : i32
      %dma_start3A_290 = tpu.memref_slice %arg9[%add3A_98, %dma_start3A_289] : memref<10240x128xf32, #tpu.memory_space<vmem_shared>> -> memref<128x128xf32, #tpu.memory_space<vmem_shared>>
      tpu.enqueue_dma source(%dma_start3A_290 : memref<128x128xf32, #tpu.memory_space<vmem_shared>>) target(%dma_start3A_288 : memref<128x128xf32, #tpu.memory_space<vmem>>) target_semaphore(%run_scoped3A_278 : memref<!tpu.dma_semaphore, #tpu.memory_space<semaphore_mem>>)
      %dma_wait3A_291 = arith.constant 0 : i32
      %dma_wait3A_292 = arith.constant 0 : i32
      %dma_wait3A_293 = tpu.memref_slice %arg8[%run_scoped3A_99, %dma_wait3A_291, %dma_wait3A_292] : memref<2x128x128xf32, #tpu.memory_space<vmem>> -> memref<1x128x128xf32, #tpu.memory_space<vmem>>
      %dma_wait3A_294 = tpu.memref_squeeze %dma_wait3A_293 : memref<1x128x128xf32, #tpu.memory_space<vmem>> -> memref<128x128xf32, #tpu.memory_space<vmem>>
      %dma_wait3A_295 = arith.constant 0 : i32
      %dma_wait3A_296 = tpu.memref_slice %arg9[%add3A_98, %dma_wait3A_295] : memref<10240x128xf32, #tpu.memory_space<vmem_shared>> -> memref<128x128xf32, #tpu.memory_space<vmem_shared>>
      %dma_wait3A_297 = arith.constant 0 : i32
      %dma_wait3A_298 = arith.constant 0 : i32
      %dma_wait3A_299 = tpu.memref_slice %arg8[%run_scoped3A_99, %dma_wait3A_297, %dma_wait3A_298] : memref<2x128x128xf32, #tpu.memory_space<vmem>> -> memref<1x128x128xf32, #tpu.memory_space<vmem>>
      %dma_wait3A_300 = tpu.memref_squeeze %dma_wait3A_299 : memref<1x128x128xf32, #tpu.memory_space<vmem>> -> memref<128x128xf32, #tpu.memory_space<vmem>>
      %dma_wait3A_301 = arith.constant 0 : i32
      %dma_wait3A_302 = tpu.memref_slice %arg9[%add3A_98, %dma_wait3A_301] : memref<10240x128xf32, #tpu.memory_space<vmem_shared>> -> memref<128x128xf32, #tpu.memory_space<vmem_shared>>
      tpu.wait_dma2 semaphore(%run_scoped3A_278 : memref<!tpu.dma_semaphore, #tpu.memory_space<semaphore_mem>>) src(%dma_wait3A_302 : memref<128x128xf32, #tpu.memory_space<vmem_shared>>) dst(%dma_wait3A_300 : memref<128x128xf32, #tpu.memory_space<vmem>>)
      tpu.yield
    }) : () -> ()
    %mul3A_100 = arith.constant 10240 : i32
    %mul3A_101 = arith.muli %arg0, %mul3A_100 : i32
    %add3A_102 = arith.addi %mul3A_101, %add3A_98 : i32
    %dma_start3A_103 = arith.constant 1 : i32
    %dma_start3A_104 = arith.constant 0 : i32
    %dma_start3A_105 = arith.constant 0 : i32
    %dma_start3A_106 = tpu.memref_slice %arg8[%dma_start3A_103, %dma_start3A_104, %dma_start3A_105] : memref<2x128x128xf32, #tpu.memory_space<vmem>> -> memref<1x128x128xf32, #tpu.memory_space<vmem>>
    %dma_start3A_107 = tpu.memref_squeeze %dma_start3A_106 : memref<1x128x128xf32, #tpu.memory_space<vmem>> -> memref<128x128xf32, #tpu.memory_space<vmem>>
    %dma_start3A_108 = arith.constant 0 : i32
    %dma_start3A_109 = tpu.memref_slice %arg5[%add3A_102, %dma_start3A_108] : memref<20480x128xf32, #tpu.memory_space<hbm>> -> memref<128x128xf32, #tpu.memory_space<hbm>>
    %dma_start3A_110 = arith.constant 0 : i32
    %dma_start3A_111 = tpu.memref_slice %arg5[%add3A_102, %dma_start3A_110] : memref<20480x128xf32, #tpu.memory_space<hbm>> -> memref<128x128xf32, #tpu.memory_space<hbm>>
    %dma_start3A_112 = arith.constant 0 : i32
    %dma_start3A_113 = arith.constant 0 : i32
    %dma_start3A_114 = tpu.memref_slice %arg8[%dma_start3A_103, %dma_start3A_112, %dma_start3A_113] : memref<2x128x128xf32, #tpu.memory_space<vmem>> -> memref<1x128x128xf32, #tpu.memory_space<vmem>>
    %dma_start3A_115 = tpu.memref_squeeze %dma_start3A_114 : memref<1x128x128xf32, #tpu.memory_space<vmem>> -> memref<128x128xf32, #tpu.memory_space<vmem>>
    tpu.enqueue_dma source(%dma_start3A_115 : memref<128x128xf32, #tpu.memory_space<vmem>>) target(%dma_start3A_111 : memref<128x128xf32, #tpu.memory_space<hbm>>) target_semaphore(%arg11 : memref<!tpu.dma_semaphore, #tpu.memory_space<semaphore_mem>>)
    %mul3A_116 = arith.constant 640 : i32
    %mul3A_117 = arith.muli %arg1, %mul3A_116 : i32
    %add3A_118 = arith.constant 256 : i32
    %add3A_119 = arith.addi %mul3A_117, %add3A_118 : i32
    %mul3A_120 = arith.constant 640 : i32
    %mul3A_121 = arith.muli %arg1, %mul3A_120 : i32
    %add3A_122 = arith.constant 0 : i32
    %add3A_123 = arith.addi %mul3A_121, %add3A_122 : i32
    %mul3A_124 = arith.constant 10240 : i32
    %mul3A_125 = arith.muli %arg0, %mul3A_124 : i32
    %add3A_126 = arith.addi %mul3A_125, %add3A_123 : i32
    %dma_wait3A = arith.constant 0 : i32
    %dma_wait3A_127 = arith.constant 0 : i32
    %dma_wait3A_128 = arith.constant 0 : i32
    %dma_wait3A_129 = tpu.memref_slice %arg8[%dma_wait3A, %dma_wait3A_127, %dma_wait3A_128] : memref<2x128x128xf32, #tpu.memory_space<vmem>> -> memref<1x128x128xf32, #tpu.memory_space<vmem>>
    %dma_wait3A_130 = tpu.memref_squeeze %dma_wait3A_129 : memref<1x128x128xf32, #tpu.memory_space<vmem>> -> memref<128x128xf32, #tpu.memory_space<vmem>>
    %dma_wait3A_131 = arith.constant 0 : i32
    %dma_wait3A_132 = tpu.memref_slice %arg5[%add3A_126, %dma_wait3A_131] : memref<20480x128xf32, #tpu.memory_space<hbm>> -> memref<128x128xf32, #tpu.memory_space<hbm>>
    %dma_wait3A_133 = arith.constant 0 : i32
    %dma_wait3A_134 = tpu.memref_slice %arg5[%add3A_126, %dma_wait3A_133] : memref<20480x128xf32, #tpu.memory_space<hbm>> -> memref<128x128xf32, #tpu.memory_space<hbm>>
    %dma_wait3A_135 = arith.constant 0 : i32
    %dma_wait3A_136 = arith.constant 0 : i32
    %dma_wait3A_137 = tpu.memref_slice %arg8[%dma_wait3A, %dma_wait3A_135, %dma_wait3A_136] : memref<2x128x128xf32, #tpu.memory_space<vmem>> -> memref<1x128x128xf32, #tpu.memory_space<vmem>>
    %dma_wait3A_138 = tpu.memref_squeeze %dma_wait3A_137 : memref<1x128x128xf32, #tpu.memory_space<vmem>> -> memref<128x128xf32, #tpu.memory_space<vmem>>
    tpu.wait_dma2 semaphore(%arg10 : memref<!tpu.dma_semaphore, #tpu.memory_space<semaphore_mem>>) src(%dma_wait3A_138 : memref<128x128xf32, #tpu.memory_space<vmem>>) dst(%dma_wait3A_134 : memref<128x128xf32, #tpu.memory_space<hbm>>)
    %run_scoped3A_139 = arith.constant 0 : i32
    "tpu.region"() ({
      %run_scoped3A_278 = tpu.sem_alloc : memref<!tpu.dma_semaphore, #tpu.memory_space<semaphore_mem>>
      %dma_start3A_279 = arith.constant 0 : i32
      %dma_start3A_280 = arith.constant 0 : i32
      %dma_start3A_281 = tpu.memref_slice %arg8[%run_scoped3A_139, %dma_start3A_279, %dma_start3A_280] : memref<2x128x128xf32, #tpu.memory_space<vmem>> -> memref<1x128x128xf32, #tpu.memory_space<vmem>>
      %dma_start3A_282 = tpu.memref_squeeze %dma_start3A_281 : memref<1x128x128xf32, #tpu.memory_space<vmem>> -> memref<128x128xf32, #tpu.memory_space<vmem>>
      %dma_start3A_283 = arith.constant 0 : i32
      %dma_start3A_284 = tpu.memref_slice %arg9[%add3A_119, %dma_start3A_283] : memref<10240x128xf32, #tpu.memory_space<vmem_shared>> -> memref<128x128xf32, #tpu.memory_space<vmem_shared>>
      %dma_start3A_285 = arith.constant 0 : i32
      %dma_start3A_286 = arith.constant 0 : i32
      %dma_start3A_287 = tpu.memref_slice %arg8[%run_scoped3A_139, %dma_start3A_285, %dma_start3A_286] : memref<2x128x128xf32, #tpu.memory_space<vmem>> -> memref<1x128x128xf32, #tpu.memory_space<vmem>>
      %dma_start3A_288 = tpu.memref_squeeze %dma_start3A_287 : memref<1x128x128xf32, #tpu.memory_space<vmem>> -> memref<128x128xf32, #tpu.memory_space<vmem>>
      %dma_start3A_289 = arith.constant 0 : i32
      %dma_start3A_290 = tpu.memref_slice %arg9[%add3A_119, %dma_start3A_289] : memref<10240x128xf32, #tpu.memory_space<vmem_shared>> -> memref<128x128xf32, #tpu.memory_space<vmem_shared>>
      tpu.enqueue_dma source(%dma_start3A_290 : memref<128x128xf32, #tpu.memory_space<vmem_shared>>) target(%dma_start3A_288 : memref<128x128xf32, #tpu.memory_space<vmem>>) target_semaphore(%run_scoped3A_278 : memref<!tpu.dma_semaphore, #tpu.memory_space<semaphore_mem>>)
      %dma_wait3A_291 = arith.constant 0 : i32
      %dma_wait3A_292 = arith.constant 0 : i32
      %dma_wait3A_293 = tpu.memref_slice %arg8[%run_scoped3A_139, %dma_wait3A_291, %dma_wait3A_292] : memref<2x128x128xf32, #tpu.memory_space<vmem>> -> memref<1x128x128xf32, #tpu.memory_space<vmem>>
      %dma_wait3A_294 = tpu.memref_squeeze %dma_wait3A_293 : memref<1x128x128xf32, #tpu.memory_space<vmem>> -> memref<128x128xf32, #tpu.memory_space<vmem>>
      %dma_wait3A_295 = arith.constant 0 : i32
      %dma_wait3A_296 = tpu.memref_slice %arg9[%add3A_119, %dma_wait3A_295] : memref<10240x128xf32, #tpu.memory_space<vmem_shared>> -> memref<128x128xf32, #tpu.memory_space<vmem_shared>>
      %dma_wait3A_297 = arith.constant 0 : i32
      %dma_wait3A_298 = arith.constant 0 : i32
      %dma_wait3A_299 = tpu.memref_slice %arg8[%run_scoped3A_139, %dma_wait3A_297, %dma_wait3A_298] : memref<2x128x128xf32, #tpu.memory_space<vmem>> -> memref<1x128x128xf32, #tpu.memory_space<vmem>>
      %dma_wait3A_300 = tpu.memref_squeeze %dma_wait3A_299 : memref<1x128x128xf32, #tpu.memory_space<vmem>> -> memref<128x128xf32, #tpu.memory_space<vmem>>
      %dma_wait3A_301 = arith.constant 0 : i32
      %dma_wait3A_302 = tpu.memref_slice %arg9[%add3A_119, %dma_wait3A_301] : memref<10240x128xf32, #tpu.memory_space<vmem_shared>> -> memref<128x128xf32, #tpu.memory_space<vmem_shared>>
      tpu.wait_dma2 semaphore(%run_scoped3A_278 : memref<!tpu.dma_semaphore, #tpu.memory_space<semaphore_mem>>) src(%dma_wait3A_302 : memref<128x128xf32, #tpu.memory_space<vmem_shared>>) dst(%dma_wait3A_300 : memref<128x128xf32, #tpu.memory_space<vmem>>)
      tpu.yield
    }) : () -> ()
    %mul3A_140 = arith.constant 10240 : i32
    %mul3A_141 = arith.muli %arg0, %mul3A_140 : i32
    %add3A_142 = arith.addi %mul3A_141, %add3A_119 : i32
    %dma_start3A_143 = arith.constant 0 : i32
    %dma_start3A_144 = arith.constant 0 : i32
    %dma_start3A_145 = arith.constant 0 : i32
    %dma_start3A_146 = tpu.memref_slice %arg8[%dma_start3A_143, %dma_start3A_144, %dma_start3A_145] : memref<2x128x128xf32, #tpu.memory_space<vmem>> -> memref<1x128x128xf32, #tpu.memory_space<vmem>>
    %dma_start3A_147 = tpu.memref_squeeze %dma_start3A_146 : memref<1x128x128xf32, #tpu.memory_space<vmem>> -> memref<128x128xf32, #tpu.memory_space<vmem>>
    %dma_start3A_148 = arith.constant 0 : i32
    %dma_start3A_149 = tpu.memref_slice %arg5[%add3A_142, %dma_start3A_148] : memref<20480x128xf32, #tpu.memory_space<hbm>> -> memref<128x128xf32, #tpu.memory_space<hbm>>
    %dma_start3A_150 = arith.constant 0 : i32
    %dma_start3A_151 = tpu.memref_slice %arg5[%add3A_142, %dma_start3A_150] : memref<20480x128xf32, #tpu.memory_space<hbm>> -> memref<128x128xf32, #tpu.memory_space<hbm>>
    %dma_start3A_152 = arith.constant 0 : i32
    %dma_start3A_153 = arith.constant 0 : i32
    %dma_start3A_154 = tpu.memref_slice %arg8[%dma_start3A_143, %dma_start3A_152, %dma_start3A_153] : memref<2x128x128xf32, #tpu.memory_space<vmem>> -> memref<1x128x128xf32, #tpu.memory_space<vmem>>
    %dma_start3A_155 = tpu.memref_squeeze %dma_start3A_154 : memref<1x128x128xf32, #tpu.memory_space<vmem>> -> memref<128x128xf32, #tpu.memory_space<vmem>>
    tpu.enqueue_dma source(%dma_start3A_155 : memref<128x128xf32, #tpu.memory_space<vmem>>) target(%dma_start3A_151 : memref<128x128xf32, #tpu.memory_space<hbm>>) target_semaphore(%arg10 : memref<!tpu.dma_semaphore, #tpu.memory_space<semaphore_mem>>)
    %mul3A_156 = arith.constant 640 : i32
    %mul3A_157 = arith.muli %arg1, %mul3A_156 : i32
    %add3A_158 = arith.constant 384 : i32
    %add3A_159 = arith.addi %mul3A_157, %add3A_158 : i32
    %mul3A_160 = arith.constant 640 : i32
    %mul3A_161 = arith.muli %arg1, %mul3A_160 : i32
    %add3A_162 = arith.constant 128 : i32
    %add3A_163 = arith.addi %mul3A_161, %add3A_162 : i32
    %mul3A_164 = arith.constant 10240 : i32
    %mul3A_165 = arith.muli %arg0, %mul3A_164 : i32
    %add3A_166 = arith.addi %mul3A_165, %add3A_163 : i32
    %dma_wait3A_167 = arith.constant 1 : i32
    %dma_wait3A_168 = arith.constant 0 : i32
    %dma_wait3A_169 = arith.constant 0 : i32
    %dma_wait3A_170 = tpu.memref_slice %arg8[%dma_wait3A_167, %dma_wait3A_168, %dma_wait3A_169] : memref<2x128x128xf32, #tpu.memory_space<vmem>> -> memref<1x128x128xf32, #tpu.memory_space<vmem>>
    %dma_wait3A_171 = tpu.memref_squeeze %dma_wait3A_170 : memref<1x128x128xf32, #tpu.memory_space<vmem>> -> memref<128x128xf32, #tpu.memory_space<vmem>>
    %dma_wait3A_172 = arith.constant 0 : i32
    %dma_wait3A_173 = tpu.memref_slice %arg5[%add3A_166, %dma_wait3A_172] : memref<20480x128xf32, #tpu.memory_space<hbm>> -> memref<128x128xf32, #tpu.memory_space<hbm>>
    %dma_wait3A_174 = arith.constant 0 : i32
    %dma_wait3A_175 = tpu.memref_slice %arg5[%add3A_166, %dma_wait3A_174] : memref<20480x128xf32, #tpu.memory_space<hbm>> -> memref<128x128xf32, #tpu.memory_space<hbm>>
    %dma_wait3A_176 = arith.constant 0 : i32
    %dma_wait3A_177 = arith.constant 0 : i32
    %dma_wait3A_178 = tpu.memref_slice %arg8[%dma_wait3A_167, %dma_wait3A_176, %dma_wait3A_177] : memref<2x128x128xf32, #tpu.memory_space<vmem>> -> memref<1x128x128xf32, #tpu.memory_space<vmem>>
    %dma_wait3A_179 = tpu.memref_squeeze %dma_wait3A_178 : memref<1x128x128xf32, #tpu.memory_space<vmem>> -> memref<128x128xf32, #tpu.memory_space<vmem>>
    tpu.wait_dma2 semaphore(%arg11 : memref<!tpu.dma_semaphore, #tpu.memory_space<semaphore_mem>>) src(%dma_wait3A_179 : memref<128x128xf32, #tpu.memory_space<vmem>>) dst(%dma_wait3A_175 : memref<128x128xf32, #tpu.memory_space<hbm>>)
    %run_scoped3A_180 = arith.constant 1 : i32
    "tpu.region"() ({
      %run_scoped3A_278 = tpu.sem_alloc : memref<!tpu.dma_semaphore, #tpu.memory_space<semaphore_mem>>
      %dma_start3A_279 = arith.constant 0 : i32
      %dma_start3A_280 = arith.constant 0 : i32
      %dma_start3A_281 = tpu.memref_slice %arg8[%run_scoped3A_180, %dma_start3A_279, %dma_start3A_280] : memref<2x128x128xf32, #tpu.memory_space<vmem>> -> memref<1x128x128xf32, #tpu.memory_space<vmem>>
      %dma_start3A_282 = tpu.memref_squeeze %dma_start3A_281 : memref<1x128x128xf32, #tpu.memory_space<vmem>> -> memref<128x128xf32, #tpu.memory_space<vmem>>
      %dma_start3A_283 = arith.constant 0 : i32
      %dma_start3A_284 = tpu.memref_slice %arg9[%add3A_159, %dma_start3A_283] : memref<10240x128xf32, #tpu.memory_space<vmem_shared>> -> memref<128x128xf32, #tpu.memory_space<vmem_shared>>
      %dma_start3A_285 = arith.constant 0 : i32
      %dma_start3A_286 = arith.constant 0 : i32
      %dma_start3A_287 = tpu.memref_slice %arg8[%run_scoped3A_180, %dma_start3A_285, %dma_start3A_286] : memref<2x128x128xf32, #tpu.memory_space<vmem>> -> memref<1x128x128xf32, #tpu.memory_space<vmem>>
      %dma_start3A_288 = tpu.memref_squeeze %dma_start3A_287 : memref<1x128x128xf32, #tpu.memory_space<vmem>> -> memref<128x128xf32, #tpu.memory_space<vmem>>
      %dma_start3A_289 = arith.constant 0 : i32
      %dma_start3A_290 = tpu.memref_slice %arg9[%add3A_159, %dma_start3A_289] : memref<10240x128xf32, #tpu.memory_space<vmem_shared>> -> memref<128x128xf32, #tpu.memory_space<vmem_shared>>
      tpu.enqueue_dma source(%dma_start3A_290 : memref<128x128xf32, #tpu.memory_space<vmem_shared>>) target(%dma_start3A_288 : memref<128x128xf32, #tpu.memory_space<vmem>>) target_semaphore(%run_scoped3A_278 : memref<!tpu.dma_semaphore, #tpu.memory_space<semaphore_mem>>)
      %dma_wait3A_291 = arith.constant 0 : i32
      %dma_wait3A_292 = arith.constant 0 : i32
      %dma_wait3A_293 = tpu.memref_slice %arg8[%run_scoped3A_180, %dma_wait3A_291, %dma_wait3A_292] : memref<2x128x128xf32, #tpu.memory_space<vmem>> -> memref<1x128x128xf32, #tpu.memory_space<vmem>>
      %dma_wait3A_294 = tpu.memref_squeeze %dma_wait3A_293 : memref<1x128x128xf32, #tpu.memory_space<vmem>> -> memref<128x128xf32, #tpu.memory_space<vmem>>
      %dma_wait3A_295 = arith.constant 0 : i32
      %dma_wait3A_296 = tpu.memref_slice %arg9[%add3A_159, %dma_wait3A_295] : memref<10240x128xf32, #tpu.memory_space<vmem_shared>> -> memref<128x128xf32, #tpu.memory_space<vmem_shared>>
      %dma_wait3A_297 = arith.constant 0 : i32
      %dma_wait3A_298 = arith.constant 0 : i32
      %dma_wait3A_299 = tpu.memref_slice %arg8[%run_scoped3A_180, %dma_wait3A_297, %dma_wait3A_298] : memref<2x128x128xf32, #tpu.memory_space<vmem>> -> memref<1x128x128xf32, #tpu.memory_space<vmem>>
      %dma_wait3A_300 = tpu.memref_squeeze %dma_wait3A_299 : memref<1x128x128xf32, #tpu.memory_space<vmem>> -> memref<128x128xf32, #tpu.memory_space<vmem>>
      %dma_wait3A_301 = arith.constant 0 : i32
      %dma_wait3A_302 = tpu.memref_slice %arg9[%add3A_159, %dma_wait3A_301] : memref<10240x128xf32, #tpu.memory_space<vmem_shared>> -> memref<128x128xf32, #tpu.memory_space<vmem_shared>>
      tpu.wait_dma2 semaphore(%run_scoped3A_278 : memref<!tpu.dma_semaphore, #tpu.memory_space<semaphore_mem>>) src(%dma_wait3A_302 : memref<128x128xf32, #tpu.memory_space<vmem_shared>>) dst(%dma_wait3A_300 : memref<128x128xf32, #tpu.memory_space<vmem>>)
      tpu.yield
    }) : () -> ()
    %mul3A_181 = arith.constant 10240 : i32
    %mul3A_182 = arith.muli %arg0, %mul3A_181 : i32
    %add3A_183 = arith.addi %mul3A_182, %add3A_159 : i32
    %dma_start3A_184 = arith.constant 1 : i32
    %dma_start3A_185 = arith.constant 0 : i32
    %dma_start3A_186 = arith.constant 0 : i32
    %dma_start3A_187 = tpu.memref_slice %arg8[%dma_start3A_184, %dma_start3A_185, %dma_start3A_186] : memref<2x128x128xf32, #tpu.memory_space<vmem>> -> memref<1x128x128xf32, #tpu.memory_space<vmem>>
    %dma_start3A_188 = tpu.memref_squeeze %dma_start3A_187 : memref<1x128x128xf32, #tpu.memory_space<vmem>> -> memref<128x128xf32, #tpu.memory_space<vmem>>
    %dma_start3A_189 = arith.constant 0 : i32
    %dma_start3A_190 = tpu.memref_slice %arg5[%add3A_183, %dma_start3A_189] : memref<20480x128xf32, #tpu.memory_space<hbm>> -> memref<128x128xf32, #tpu.memory_space<hbm>>
    %dma_start3A_191 = arith.constant 0 : i32
    %dma_start3A_192 = tpu.memref_slice %arg5[%add3A_183, %dma_start3A_191] : memref<20480x128xf32, #tpu.memory_space<hbm>> -> memref<128x128xf32, #tpu.memory_space<hbm>>
    %dma_start3A_193 = arith.constant 0 : i32
    %dma_start3A_194 = arith.constant 0 : i32
    %dma_start3A_195 = tpu.memref_slice %arg8[%dma_start3A_184, %dma_start3A_193, %dma_start3A_194] : memref<2x128x128xf32, #tpu.memory_space<vmem>> -> memref<1x128x128xf32, #tpu.memory_space<vmem>>
    %dma_start3A_196 = tpu.memref_squeeze %dma_start3A_195 : memref<1x128x128xf32, #tpu.memory_space<vmem>> -> memref<128x128xf32, #tpu.memory_space<vmem>>
    tpu.enqueue_dma source(%dma_start3A_196 : memref<128x128xf32, #tpu.memory_space<vmem>>) target(%dma_start3A_192 : memref<128x128xf32, #tpu.memory_space<hbm>>) target_semaphore(%arg11 : memref<!tpu.dma_semaphore, #tpu.memory_space<semaphore_mem>>)
    %mul3A_197 = arith.constant 640 : i32
    %mul3A_198 = arith.muli %arg1, %mul3A_197 : i32
    %add3A_199 = arith.constant 512 : i32
    %add3A_200 = arith.addi %mul3A_198, %add3A_199 : i32
    %mul3A_201 = arith.constant 640 : i32
    %mul3A_202 = arith.muli %arg1, %mul3A_201 : i32
    %add3A_203 = arith.constant 256 : i32
    %add3A_204 = arith.addi %mul3A_202, %add3A_203 : i32
    %mul3A_205 = arith.constant 10240 : i32
    %mul3A_206 = arith.muli %arg0, %mul3A_205 : i32
    %add3A_207 = arith.addi %mul3A_206, %add3A_204 : i32
    %dma_wait3A_208 = arith.constant 0 : i32
    %dma_wait3A_209 = arith.constant 0 : i32
    %dma_wait3A_210 = arith.constant 0 : i32
    %dma_wait3A_211 = tpu.memref_slice %arg8[%dma_wait3A_208, %dma_wait3A_209, %dma_wait3A_210] : memref<2x128x128xf32, #tpu.memory_space<vmem>> -> memref<1x128x128xf32, #tpu.memory_space<vmem>>
    %dma_wait3A_212 = tpu.memref_squeeze %dma_wait3A_211 : memref<1x128x128xf32, #tpu.memory_space<vmem>> -> memref<128x128xf32, #tpu.memory_space<vmem>>
    %dma_wait3A_213 = arith.constant 0 : i32
    %dma_wait3A_214 = tpu.memref_slice %arg5[%add3A_207, %dma_wait3A_213] : memref<20480x128xf32, #tpu.memory_space<hbm>> -> memref<128x128xf32, #tpu.memory_space<hbm>>
    %dma_wait3A_215 = arith.constant 0 : i32
    %dma_wait3A_216 = tpu.memref_slice %arg5[%add3A_207, %dma_wait3A_215] : memref<20480x128xf32, #tpu.memory_space<hbm>> -> memref<128x128xf32, #tpu.memory_space<hbm>>
    %dma_wait3A_217 = arith.constant 0 : i32
    %dma_wait3A_218 = arith.constant 0 : i32
    %dma_wait3A_219 = tpu.memref_slice %arg8[%dma_wait3A_208, %dma_wait3A_217, %dma_wait3A_218] : memref<2x128x128xf32, #tpu.memory_space<vmem>> -> memref<1x128x128xf32, #tpu.memory_space<vmem>>
    %dma_wait3A_220 = tpu.memref_squeeze %dma_wait3A_219 : memref<1x128x128xf32, #tpu.memory_space<vmem>> -> memref<128x128xf32, #tpu.memory_space<vmem>>
    tpu.wait_dma2 semaphore(%arg10 : memref<!tpu.dma_semaphore, #tpu.memory_space<semaphore_mem>>) src(%dma_wait3A_220 : memref<128x128xf32, #tpu.memory_space<vmem>>) dst(%dma_wait3A_216 : memref<128x128xf32, #tpu.memory_space<hbm>>)
    %run_scoped3A_221 = arith.constant 0 : i32
    "tpu.region"() ({
      %run_scoped3A_278 = tpu.sem_alloc : memref<!tpu.dma_semaphore, #tpu.memory_space<semaphore_mem>>
      %dma_start3A_279 = arith.constant 0 : i32
      %dma_start3A_280 = arith.constant 0 : i32
      %dma_start3A_281 = tpu.memref_slice %arg8[%run_scoped3A_221, %dma_start3A_279, %dma_start3A_280] : memref<2x128x128xf32, #tpu.memory_space<vmem>> -> memref<1x128x128xf32, #tpu.memory_space<vmem>>
      %dma_start3A_282 = tpu.memref_squeeze %dma_start3A_281 : memref<1x128x128xf32, #tpu.memory_space<vmem>> -> memref<128x128xf32, #tpu.memory_space<vmem>>
      %dma_start3A_283 = arith.constant 0 : i32
      %dma_start3A_284 = tpu.memref_slice %arg9[%add3A_200, %dma_start3A_283] : memref<10240x128xf32, #tpu.memory_space<vmem_shared>> -> memref<128x128xf32, #tpu.memory_space<vmem_shared>>
      %dma_start3A_285 = arith.constant 0 : i32
      %dma_start3A_286 = arith.constant 0 : i32
      %dma_start3A_287 = tpu.memref_slice %arg8[%run_scoped3A_221, %dma_start3A_285, %dma_start3A_286] : memref<2x128x128xf32, #tpu.memory_space<vmem>> -> memref<1x128x128xf32, #tpu.memory_space<vmem>>
      %dma_start3A_288 = tpu.memref_squeeze %dma_start3A_287 : memref<1x128x128xf32, #tpu.memory_space<vmem>> -> memref<128x128xf32, #tpu.memory_space<vmem>>
      %dma_start3A_289 = arith.constant 0 : i32
      %dma_start3A_290 = tpu.memref_slice %arg9[%add3A_200, %dma_start3A_289] : memref<10240x128xf32, #tpu.memory_space<vmem_shared>> -> memref<128x128xf32, #tpu.memory_space<vmem_shared>>
      tpu.enqueue_dma source(%dma_start3A_290 : memref<128x128xf32, #tpu.memory_space<vmem_shared>>) target(%dma_start3A_288 : memref<128x128xf32, #tpu.memory_space<vmem>>) target_semaphore(%run_scoped3A_278 : memref<!tpu.dma_semaphore, #tpu.memory_space<semaphore_mem>>)
      %dma_wait3A_291 = arith.constant 0 : i32
      %dma_wait3A_292 = arith.constant 0 : i32
      %dma_wait3A_293 = tpu.memref_slice %arg8[%run_scoped3A_221, %dma_wait3A_291, %dma_wait3A_292] : memref<2x128x128xf32, #tpu.memory_space<vmem>> -> memref<1x128x128xf32, #tpu.memory_space<vmem>>
      %dma_wait3A_294 = tpu.memref_squeeze %dma_wait3A_293 : memref<1x128x128xf32, #tpu.memory_space<vmem>> -> memref<128x128xf32, #tpu.memory_space<vmem>>
      %dma_wait3A_295 = arith.constant 0 : i32
      %dma_wait3A_296 = tpu.memref_slice %arg9[%add3A_200, %dma_wait3A_295] : memref<10240x128xf32, #tpu.memory_space<vmem_shared>> -> memref<128x128xf32, #tpu.memory_space<vmem_shared>>
      %dma_wait3A_297 = arith.constant 0 : i32
      %dma_wait3A_298 = arith.constant 0 : i32
      %dma_wait3A_299 = tpu.memref_slice %arg8[%run_scoped3A_221, %dma_wait3A_297, %dma_wait3A_298] : memref<2x128x128xf32, #tpu.memory_space<vmem>> -> memref<1x128x128xf32, #tpu.memory_space<vmem>>
      %dma_wait3A_300 = tpu.memref_squeeze %dma_wait3A_299 : memref<1x128x128xf32, #tpu.memory_space<vmem>> -> memref<128x128xf32, #tpu.memory_space<vmem>>
      %dma_wait3A_301 = arith.constant 0 : i32
      %dma_wait3A_302 = tpu.memref_slice %arg9[%add3A_200, %dma_wait3A_301] : memref<10240x128xf32, #tpu.memory_space<vmem_shared>> -> memref<128x128xf32, #tpu.memory_space<vmem_shared>>
      tpu.wait_dma2 semaphore(%run_scoped3A_278 : memref<!tpu.dma_semaphore, #tpu.memory_space<semaphore_mem>>) src(%dma_wait3A_302 : memref<128x128xf32, #tpu.memory_space<vmem_shared>>) dst(%dma_wait3A_300 : memref<128x128xf32, #tpu.memory_space<vmem>>)
      tpu.yield
    }) : () -> ()
    %mul3A_222 = arith.constant 10240 : i32
    %mul3A_223 = arith.muli %arg0, %mul3A_222 : i32
    %add3A_224 = arith.addi %mul3A_223, %add3A_200 : i32
    %dma_start3A_225 = arith.constant 0 : i32
    %dma_start3A_226 = arith.constant 0 : i32
    %dma_start3A_227 = arith.constant 0 : i32
    %dma_start3A_228 = tpu.memref_slice %arg8[%dma_start3A_225, %dma_start3A_226, %dma_start3A_227] : memref<2x128x128xf32, #tpu.memory_space<vmem>> -> memref<1x128x128xf32, #tpu.memory_space<vmem>>
    %dma_start3A_229 = tpu.memref_squeeze %dma_start3A_228 : memref<1x128x128xf32, #tpu.memory_space<vmem>> -> memref<128x128xf32, #tpu.memory_space<vmem>>
    %dma_start3A_230 = arith.constant 0 : i32
    %dma_start3A_231 = tpu.memref_slice %arg5[%add3A_224, %dma_start3A_230] : memref<20480x128xf32, #tpu.memory_space<hbm>> -> memref<128x128xf32, #tpu.memory_space<hbm>>
    %dma_start3A_232 = arith.constant 0 : i32
    %dma_start3A_233 = tpu.memref_slice %arg5[%add3A_224, %dma_start3A_232] : memref<20480x128xf32, #tpu.memory_space<hbm>> -> memref<128x128xf32, #tpu.memory_space<hbm>>
    %dma_start3A_234 = arith.constant 0 : i32
    %dma_start3A_235 = arith.constant 0 : i32
    %dma_start3A_236 = tpu.memref_slice %arg8[%dma_start3A_225, %dma_start3A_234, %dma_start3A_235] : memref<2x128x128xf32, #tpu.memory_space<vmem>> -> memref<1x128x128xf32, #tpu.memory_space<vmem>>
    %dma_start3A_237 = tpu.memref_squeeze %dma_start3A_236 : memref<1x128x128xf32, #tpu.memory_space<vmem>> -> memref<128x128xf32, #tpu.memory_space<vmem>>
    tpu.enqueue_dma source(%dma_start3A_237 : memref<128x128xf32, #tpu.memory_space<vmem>>) target(%dma_start3A_233 : memref<128x128xf32, #tpu.memory_space<hbm>>) target_semaphore(%arg10 : memref<!tpu.dma_semaphore, #tpu.memory_space<semaphore_mem>>)
    %mul3A_238 = arith.constant 640 : i32
    %mul3A_239 = arith.muli %arg1, %mul3A_238 : i32
    %add3A_240 = arith.constant 384 : i32
    %add3A_241 = arith.addi %mul3A_239, %add3A_240 : i32
    %mul3A_242 = arith.constant 10240 : i32
    %mul3A_243 = arith.muli %arg0, %mul3A_242 : i32
    %add3A_244 = arith.addi %mul3A_243, %add3A_241 : i32
    %dma_wait3A_245 = arith.constant 1 : i32
    %dma_wait3A_246 = arith.constant 0 : i32
    %dma_wait3A_247 = arith.constant 0 : i32
    %dma_wait3A_248 = tpu.memref_slice %arg8[%dma_wait3A_245, %dma_wait3A_246, %dma_wait3A_247] : memref<2x128x128xf32, #tpu.memory_space<vmem>> -> memref<1x128x128xf32, #tpu.memory_space<vmem>>
    %dma_wait3A_249 = tpu.memref_squeeze %dma_wait3A_248 : memref<1x128x128xf32, #tpu.memory_space<vmem>> -> memref<128x128xf32, #tpu.memory_space<vmem>>
    %dma_wait3A_250 = arith.constant 0 : i32
    %dma_wait3A_251 = tpu.memref_slice %arg5[%add3A_244, %dma_wait3A_250] : memref<20480x128xf32, #tpu.memory_space<hbm>> -> memref<128x128xf32, #tpu.memory_space<hbm>>
    %dma_wait3A_252 = arith.constant 0 : i32
    %dma_wait3A_253 = tpu.memref_slice %arg5[%add3A_244, %dma_wait3A_252] : memref<20480x128xf32, #tpu.memory_space<hbm>> -> memref<128x128xf32, #tpu.memory_space<hbm>>
    %dma_wait3A_254 = arith.constant 0 : i32
    %dma_wait3A_255 = arith.constant 0 : i32
    %dma_wait3A_256 = tpu.memref_slice %arg8[%dma_wait3A_245, %dma_wait3A_254, %dma_wait3A_255] : memref<2x128x128xf32, #tpu.memory_space<vmem>> -> memref<1x128x128xf32, #tpu.memory_space<vmem>>
    %dma_wait3A_257 = tpu.memref_squeeze %dma_wait3A_256 : memref<1x128x128xf32, #tpu.memory_space<vmem>> -> memref<128x128xf32, #tpu.memory_space<vmem>>
    tpu.wait_dma2 semaphore(%arg11 : memref<!tpu.dma_semaphore, #tpu.memory_space<semaphore_mem>>) src(%dma_wait3A_257 : memref<128x128xf32, #tpu.memory_space<vmem>>) dst(%dma_wait3A_253 : memref<128x128xf32, #tpu.memory_space<hbm>>)
    %mul3A_258 = arith.constant 640 : i32
    %mul3A_259 = arith.muli %arg1, %mul3A_258 : i32
    %add3A_260 = arith.constant 512 : i32
    %add3A_261 = arith.addi %mul3A_259, %add3A_260 : i32
    %mul3A_262 = arith.constant 10240 : i32
    %mul3A_263 = arith.muli %arg0, %mul3A_262 : i32
    %add3A_264 = arith.addi %mul3A_263, %add3A_261 : i32
    %dma_wait3A_265 = arith.constant 0 : i32
    %dma_wait3A_266 = arith.constant 0 : i32
    %dma_wait3A_267 = arith.constant 0 : i32
    %dma_wait3A_268 = tpu.memref_slice %arg8[%dma_wait3A_265, %dma_wait3A_266, %dma_wait3A_267] : memref<2x128x128xf32, #tpu.memory_space<vmem>> -> memref<1x128x128xf32, #tpu.memory_space<vmem>>
    %dma_wait3A_269 = tpu.memref_squeeze %dma_wait3A_268 : memref<1x128x128xf32, #tpu.memory_space<vmem>> -> memref<128x128xf32, #tpu.memory_space<vmem>>
    %dma_wait3A_270 = arith.constant 0 : i32
    %dma_wait3A_271 = tpu.memref_slice %arg5[%add3A_264, %dma_wait3A_270] : memref<20480x128xf32, #tpu.memory_space<hbm>> -> memref<128x128xf32, #tpu.memory_space<hbm>>
    %dma_wait3A_272 = arith.constant 0 : i32
    %dma_wait3A_273 = tpu.memref_slice %arg5[%add3A_264, %dma_wait3A_272] : memref<20480x128xf32, #tpu.memory_space<hbm>> -> memref<128x128xf32, #tpu.memory_space<hbm>>
    %dma_wait3A_274 = arith.constant 0 : i32
    %dma_wait3A_275 = arith.constant 0 : i32
    %dma_wait3A_276 = tpu.memref_slice %arg8[%dma_wait3A_265, %dma_wait3A_274, %dma_wait3A_275] : memref<2x128x128xf32, #tpu.memory_space<vmem>> -> memref<1x128x128xf32, #tpu.memory_space<vmem>>
    %dma_wait3A_277 = tpu.memref_squeeze %dma_wait3A_276 : memref<1x128x128xf32, #tpu.memory_space<vmem>> -> memref<128x128xf32, #tpu.memory_space<vmem>>
    tpu.wait_dma2 semaphore(%arg10 : memref<!tpu.dma_semaphore, #tpu.memory_space<semaphore_mem>>) src(%dma_wait3A_277 : memref<128x128xf32, #tpu.memory_space<vmem>>) dst(%dma_wait3A_273 : memref<128x128xf32, #tpu.memory_space<hbm>>)
    return
  }
}

module attributes {stable_mosaic.version = 14 : i64} {
  func.func @_tc1_body(%arg0: i32, %arg1: memref<32x1024xf32, #tpu.memory_space<vmem>>, %arg2: memref<1024x256xf32, #tpu.memory_space<vmem>>, %arg3: memref<1x256xf32, #tpu.memory_space<vmem>>, %arg4: memref<1x256xf32, #tpu.memory_space<vmem>>, %arg5: memref<2x1024x128xf32, #tpu.memory_space<vmem>>, %arg6: memref<1x1024xf32, #tpu.memory_space<vmem>>) attributes {dimension_semantics = [#tpu.dimension_semantics<arbitrary>], iteration_bounds = array<i64: 10>, scalar_prefetch = 0 : i64, scratch_operands = 0 : i64, tpu.core_type = #tpu.core_type<tc>, window_params = [{transform_indices = @transform_0, window_bounds = array<i64: 32, 1024>}, {transform_indices = @transform_1, window_bounds = array<i64: 1024, 256>}, {pipeline_mode = #tpu.pipeline_mode<synchronous>, transform_indices = @transform_2, window_bounds = array<i64: 1, 256>}, {pipeline_mode = #tpu.pipeline_mode<synchronous>, transform_indices = @transform_3, window_bounds = array<i64: 1, 256>}, {transform_indices = @transform_4, window_bounds = array<i64: 2, 1024, 128>}, {transform_indices = @transform_5, window_bounds = array<i64: 1, 1024>}]} {
    %get3A = arith.constant 0 : index
    %get3A_0 = arith.constant 0 : index
    %get3A_1 = vector.load %arg1[%get3A, %get3A_0] : memref<32x1024xf32, #tpu.memory_space<vmem>>, vector<32x1024xf32>
    %reduce_sum3A = arith.constant dense<0.000000e+00> : vector<1024xf32>
    %reduce_sum3A_2 = vector.multi_reduction <add>, %get3A_1, %reduce_sum3A [0] : vector<32x1024xf32> to vector<1024xf32>
    %add3A = arith.constant 1.000000e+00 : f32
    %add3A_3 = vector.broadcast %add3A : f32 to vector<1024xf32>
    %add3A_4 = arith.addf %reduce_sum3A_2, %add3A_3 : vector<1024xf32>
    %sqrt3A = math.sqrt %add3A_4 : vector<1024xf32>
    %div3A = arith.constant 1.000000e+00 : f32
    %div3A_5 = vector.broadcast %div3A : f32 to vector<1024xf32>
    %div3A_6 = arith.divf %div3A_5, %sqrt3A : vector<1024xf32>
    %broadcast_in_dim3A = vector.shape_cast %div3A_6 : vector<1024xf32> to vector<1x1024xf32>
    %swap3A = arith.constant 0 : index
    %swap3A_7 = arith.constant 0 : index
    %swap3A_8 = vector.load %arg6[%swap3A, %swap3A_7] : memref<1x1024xf32, #tpu.memory_space<vmem>>, vector<1x1024xf32>
    tpu.vector_store %arg6[%swap3A, %swap3A_7], %broadcast_in_dim3A {strides = array<i32>} : memref<1x1024xf32, #tpu.memory_space<vmem>>, vector<1x1024xf32>,
    %get3A_9 = arith.constant 0 : index
    %get3A_10 = arith.constant 0 : index
    %get3A_11 = vector.load %arg2[%get3A_9, %get3A_10] : memref<1024x256xf32, #tpu.memory_space<vmem>>, vector<1024x256xf32>
    %get3A_12 = arith.constant 0 : index
    %get3A_13 = arith.constant 0 : index
    %get3A_14 = vector.load %arg3[%get3A_12, %get3A_13] : memref<1x256xf32, #tpu.memory_space<vmem>>, vector<1x256xf32>
    %get3A_15 = arith.constant 0 : index
    %get3A_16 = arith.constant 0 : index
    %get3A_17 = vector.load %arg4[%get3A_15, %get3A_16] : memref<1x256xf32, #tpu.memory_space<vmem>>, vector<1x256xf32>
    %reduce_sum3A_18 = arith.constant dense<0.000000e+00> : vector<1024xf32>
    %reduce_sum3A_19 = vector.multi_reduction <add>, %get3A_11, %reduce_sum3A_18 [1] : vector<1024x256xf32> to vector<1024xf32>
    %broadcast_in_dim3A_20 = vector.shape_cast %reduce_sum3A_19 : vector<1024xf32> to vector<1024x1xf32>
    %div3A_21 = arith.constant 2.560000e+02 : f32
    %div3A_22 = vector.broadcast %div3A_21 : f32 to vector<1024x1xf32>
    %div3A_23 = arith.divf %broadcast_in_dim3A_20, %div3A_22 : vector<1024x1xf32>
    %sub3A = vector.broadcast %div3A_23 : vector<1024x1xf32> to vector<1024x256xf32>
    %sub3A_24 = arith.subf %get3A_11, %sub3A : vector<1024x256xf32>
    %integer_pow3A = arith.mulf %sub3A_24, %sub3A_24 : vector<1024x256xf32>
    %reduce_sum3A_25 = arith.constant dense<0.000000e+00> : vector<1024xf32>
    %reduce_sum3A_26 = vector.multi_reduction <add>, %integer_pow3A, %reduce_sum3A_25 [1] : vector<1024x256xf32> to vector<1024xf32>
    %broadcast_in_dim3A_27 = vector.shape_cast %reduce_sum3A_26 : vector<1024xf32> to vector<1024x1xf32>
    %div3A_28 = arith.constant 2.560000e+02 : f32
    %div3A_29 = vector.broadcast %div3A_28 : f32 to vector<1024x1xf32>
    %div3A_30 = arith.divf %broadcast_in_dim3A_27, %div3A_29 : vector<1024x1xf32>
    %sub3A_31 = vector.broadcast %div3A_23 : vector<1024x1xf32> to vector<1024x256xf32>
    %sub3A_32 = arith.subf %get3A_11, %sub3A_31 : vector<1024x256xf32>
    %add3A_33 = arith.constant 9.99999974E-6 : f32
    %add3A_34 = vector.broadcast %add3A_33 : f32 to vector<1024x1xf32>
    %add3A_35 = arith.addf %div3A_30, %add3A_34 : vector<1024x1xf32>
    %sqrt3A_36 = math.sqrt %add3A_35 : vector<1024x1xf32>
    %div3A_37 = vector.broadcast %sqrt3A_36 : vector<1024x1xf32> to vector<1024x256xf32>
    %div3A_38 = arith.divf %sub3A_32, %div3A_37 : vector<1024x256xf32>
    %mul3A = vector.broadcast %get3A_14 : vector<1x256xf32> to vector<1024x256xf32>
    %mul3A_39 = arith.mulf %div3A_38, %mul3A : vector<1024x256xf32>
    %add3A_40 = vector.broadcast %get3A_17 : vector<1x256xf32> to vector<1024x256xf32>
    %add3A_41 = arith.addf %mul3A_39, %add3A_40 : vector<1024x256xf32>
    %broadcast_in_dim3A_42 = vector.shape_cast %div3A_6 : vector<1024xf32> to vector<1024x1xf32>
    %mul3A_43 = vector.broadcast %broadcast_in_dim3A_42 : vector<1024x1xf32> to vector<1024x256xf32>
    %mul3A_44 = arith.mulf %add3A_41, %mul3A_43 : vector<1024x256xf32>
    %slice3A = vector.extract_strided_slice %mul3A_44 {offsets = [0, 0], sizes = [1024, 128], strides = [1, 1]} : vector<1024x256xf32> to vector<1024x128xf32>
    %slice3A_45 = vector.extract_strided_slice %mul3A_44 {offsets = [0, 128], sizes = [1024, 128], strides = [1, 1]} : vector<1024x256xf32> to vector<1024x128xf32>
    %stack3A = vector.shape_cast %slice3A : vector<1024x128xf32> to vector<1x1024x128xf32>
    %stack3A_46 = vector.shape_cast %slice3A_45 : vector<1024x128xf32> to vector<1x1024x128xf32>
    %stack3A_47 = tpu.concatenate %stack3A, %stack3A_46 in 0 : vector<1x1024x128xf32>, vector<1x1024x128xf32> -> vector<2x1024x128xf32>
    %swap3A_48 = arith.constant 0 : index
    %swap3A_49 = arith.constant 0 : index
    %swap3A_50 = arith.constant 0 : index
    %swap3A_51 = vector.load %arg5[%swap3A_48, %swap3A_49, %swap3A_50] : memref<2x1024x128xf32, #tpu.memory_space<vmem>>, vector<2x1024x128xf32>
    tpu.vector_store %arg5[%swap3A_48, %swap3A_49, %swap3A_50], %stack3A_47 {strides = array<i32>} : memref<2x1024x128xf32, #tpu.memory_space<vmem>>, vector<2x1024x128xf32>,
    return
  }
  func.func @transform_0(%arg0: i32) -> (i32, i32) {
    %c0_i32 = arith.constant 0 : i32
    %c0_i32_0 = arith.constant 0 : i32
    return %c0_i32, %arg0 : i32, i32
  }
  func.func @transform_1(%arg0: i32) -> (i32, i32) {
    %c0_i32 = arith.constant 0 : i32
    %c0_i32_0 = arith.constant 0 : i32
    return %arg0, %c0_i32 : i32, i32
  }
  func.func @transform_2(%arg0: i32) -> (i32, i32) {
    %c0_i32 = arith.constant 0 : i32
    %c0_i32_0 = arith.constant 0 : i32
    %c0_i32_1 = arith.constant 0 : i32
    return %c0_i32, %c0_i32_0 : i32, i32
  }
  func.func @transform_3(%arg0: i32) -> (i32, i32) {
    %c0_i32 = arith.constant 0 : i32
    %c0_i32_0 = arith.constant 0 : i32
    %c0_i32_1 = arith.constant 0 : i32
    return %c0_i32, %c0_i32_0 : i32, i32
  }
  func.func @transform_4(%arg0: i32) -> (i32, i32, i32) {
    %c0_i32 = arith.constant 0 : i32
    %c0_i32_0 = arith.constant 0 : i32
    %c0_i32_1 = arith.constant 0 : i32
    return %c0_i32, %arg0, %c0_i32_0 : i32, i32, i32
  }
  func.func @transform_5(%arg0: i32) -> (i32, i32) {
    %c0_i32 = arith.constant 0 : i32
    %c0_i32_0 = arith.constant 0 : i32
    return %c0_i32, %arg0 : i32, i32
  }
}

module attributes {stable_mosaic.version = 14 : i64} {
  func.func @_tc2_body(%arg0: i32, %arg1: memref<1x1024xf32, #tpu.memory_space<vmem>>, %arg2: memref<2x1024x128xf32, #tpu.memory_space<vmem>>, %arg3: memref<2x1024x128xf32, #tpu.memory_space<vmem>>, %arg4: memref<256x256xf32, #tpu.memory_space<vmem>>, %arg5: memref<1x256xf32, #tpu.memory_space<vmem>>, %arg6: memref<1x256xf32, #tpu.memory_space<vmem>>, %arg7: memref<1x256xf32, #tpu.memory_space<vmem>>, %arg8: memref<2x1024x128xf32, #tpu.memory_space<vmem>>) attributes {dimension_semantics = [#tpu.dimension_semantics<arbitrary>], iteration_bounds = array<i64: 10>, scalar_prefetch = 0 : i64, scratch_operands = 0 : i64, tpu.core_type = #tpu.core_type<tc>, window_params = [{transform_indices = @transform_0, window_bounds = array<i64: 1, 1024>}, {transform_indices = @transform_1, window_bounds = array<i64: 2, 1024, 128>}, {transform_indices = @transform_2, window_bounds = array<i64: 2, 1024, 128>}, {pipeline_mode = #tpu.pipeline_mode<synchronous>, transform_indices = @transform_3, window_bounds = array<i64: 256, 256>}, {pipeline_mode = #tpu.pipeline_mode<synchronous>, transform_indices = @transform_4, window_bounds = array<i64: 1, 256>}, {pipeline_mode = #tpu.pipeline_mode<synchronous>, transform_indices = @transform_5, window_bounds = array<i64: 1, 256>}, {pipeline_mode = #tpu.pipeline_mode<synchronous>, transform_indices = @transform_6, window_bounds = array<i64: 1, 256>}, {transform_indices = @transform_7, window_bounds = array<i64: 2, 1024, 128>}]} {
    %get3A = arith.constant 0 : index
    %get3A_0 = arith.constant 0 : index
    %get3A_1 = vector.load %arg1[%get3A, %get3A_0] : memref<1x1024xf32, #tpu.memory_space<vmem>>, vector<1x1024xf32>
    %get3A_2 = vector.shape_cast %get3A_1 : vector<1x1024xf32> to vector<1024xf32>
    %get3A_3 = arith.constant 0 : index
    %get3A_4 = arith.constant 0 : index
    %get3A_5 = arith.constant 0 : index
    %get3A_6 = vector.load %arg2[%get3A_3, %get3A_4, %get3A_5] : memref<2x1024x128xf32, #tpu.memory_space<vmem>>, vector<2x1024x128xf32>
    %get3A_7 = arith.constant 0 : index
    %get3A_8 = arith.constant 0 : index
    %get3A_9 = arith.constant 0 : index
    %get3A_10 = vector.load %arg3[%get3A_7, %get3A_8, %get3A_9] : memref<2x1024x128xf32, #tpu.memory_space<vmem>>, vector<2x1024x128xf32>
    %slice3A = vector.extract_strided_slice %get3A_6 {offsets = [0, 0, 0], sizes = [1, 1024, 128], strides = [1, 1, 1]} : vector<2x1024x128xf32> to vector<1x1024x128xf32>
    %squeeze3A = vector.shape_cast %slice3A : vector<1x1024x128xf32> to vector<1024x128xf32>
    %slice3A_11 = vector.extract_strided_slice %get3A_10 {offsets = [0, 0, 0], sizes = [1, 1024, 128], strides = [1, 1, 1]} : vector<2x1024x128xf32> to vector<1x1024x128xf32>
    %squeeze3A_12 = vector.shape_cast %slice3A_11 : vector<1x1024x128xf32> to vector<1024x128xf32>
    %add3A = arith.addf %squeeze3A, %squeeze3A_12 : vector<1024x128xf32>
    %slice3A_13 = vector.extract_strided_slice %get3A_6 {offsets = [1, 0, 0], sizes = [1, 1024, 128], strides = [1, 1, 1]} : vector<2x1024x128xf32> to vector<1x1024x128xf32>
    %squeeze3A_14 = vector.shape_cast %slice3A_13 : vector<1x1024x128xf32> to vector<1024x128xf32>
    %slice3A_15 = vector.extract_strided_slice %get3A_10 {offsets = [1, 0, 0], sizes = [1, 1024, 128], strides = [1, 1, 1]} : vector<2x1024x128xf32> to vector<1x1024x128xf32>
    %squeeze3A_16 = vector.shape_cast %slice3A_15 : vector<1x1024x128xf32> to vector<1024x128xf32>
    %add3A_17 = arith.addf %squeeze3A_14, %squeeze3A_16 : vector<1024x128xf32>
    %concatenate3A = tpu.concatenate %add3A, %add3A_17 in 1 : vector<1024x128xf32>, vector<1024x128xf32> -> vector<1024x256xf32>
    %broadcast_in_dim3A = vector.shape_cast %get3A_2 : vector<1024xf32> to vector<1024x1xf32>
    %mul3A = vector.broadcast %broadcast_in_dim3A : vector<1024x1xf32> to vector<1024x256xf32>
    %mul3A_18 = arith.mulf %concatenate3A, %mul3A : vector<1024x256xf32>
    %get3A_19 = arith.constant 0 : index
    %get3A_20 = arith.constant 0 : index
    %get3A_21 = vector.load %arg4[%get3A_19, %get3A_20] : memref<256x256xf32, #tpu.memory_space<vmem>>, vector<256x256xf32>
    %dot_general3A = arith.constant dense<0.000000e+00> : vector<1024x256xf32>
    %dot_general3A_22 = tpu.matmul %mul3A_18, %get3A_21, %dot_general3A {dimension_numbers = #tpu.dot_dimension_numbers<[1], [0], [0], [1], [0, 0, 1, 1], [], []>, transpose_lhs_hint = false} : vector<1024x256xf32>, vector<256x256xf32>, vector<1024x256xf32> -> vector<1024x256xf32>
    %get3A_23 = arith.constant 0 : index
    %get3A_24 = arith.constant 0 : index
    %get3A_25 = vector.load %arg5[%get3A_23, %get3A_24] : memref<1x256xf32, #tpu.memory_space<vmem>>, vector<1x256xf32>
    %add3A_26 = vector.broadcast %get3A_25 : vector<1x256xf32> to vector<1024x256xf32>
    %add3A_27 = arith.addf %dot_general3A_22, %add3A_26 : vector<1024x256xf32>
    %get3A_28 = arith.constant 0 : index
    %get3A_29 = arith.constant 0 : index
    %get3A_30 = vector.load %arg6[%get3A_28, %get3A_29] : memref<1x256xf32, #tpu.memory_space<vmem>>, vector<1x256xf32>
    %get3A_31 = arith.constant 0 : index
    %get3A_32 = arith.constant 0 : index
    %get3A_33 = vector.load %arg7[%get3A_31, %get3A_32] : memref<1x256xf32, #tpu.memory_space<vmem>>, vector<1x256xf32>
    %reduce_sum3A = arith.constant dense<0.000000e+00> : vector<1024xf32>
    %reduce_sum3A_34 = vector.multi_reduction <add>, %add3A_27, %reduce_sum3A [1] : vector<1024x256xf32> to vector<1024xf32>
    %broadcast_in_dim3A_35 = vector.shape_cast %reduce_sum3A_34 : vector<1024xf32> to vector<1024x1xf32>
    %div3A = arith.constant 2.560000e+02 : f32
    %div3A_36 = vector.broadcast %div3A : f32 to vector<1024x1xf32>
    %div3A_37 = arith.divf %broadcast_in_dim3A_35, %div3A_36 : vector<1024x1xf32>
    %sub3A = vector.broadcast %div3A_37 : vector<1024x1xf32> to vector<1024x256xf32>
    %sub3A_38 = arith.subf %add3A_27, %sub3A : vector<1024x256xf32>
    %integer_pow3A = arith.mulf %sub3A_38, %sub3A_38 : vector<1024x256xf32>
    %reduce_sum3A_39 = arith.constant dense<0.000000e+00> : vector<1024xf32>
    %reduce_sum3A_40 = vector.multi_reduction <add>, %integer_pow3A, %reduce_sum3A_39 [1] : vector<1024x256xf32> to vector<1024xf32>
    %broadcast_in_dim3A_41 = vector.shape_cast %reduce_sum3A_40 : vector<1024xf32> to vector<1024x1xf32>
    %div3A_42 = arith.constant 2.560000e+02 : f32
    %div3A_43 = vector.broadcast %div3A_42 : f32 to vector<1024x1xf32>
    %div3A_44 = arith.divf %broadcast_in_dim3A_41, %div3A_43 : vector<1024x1xf32>
    %sub3A_45 = vector.broadcast %div3A_37 : vector<1024x1xf32> to vector<1024x256xf32>
    %sub3A_46 = arith.subf %add3A_27, %sub3A_45 : vector<1024x256xf32>
    %add3A_47 = arith.constant 9.99999974E-6 : f32
    %add3A_48 = vector.broadcast %add3A_47 : f32 to vector<1024x1xf32>
    %add3A_49 = arith.addf %div3A_44, %add3A_48 : vector<1024x1xf32>
    %sqrt3A = math.sqrt %add3A_49 : vector<1024x1xf32>
    %div3A_50 = vector.broadcast %sqrt3A : vector<1024x1xf32> to vector<1024x256xf32>
    %div3A_51 = arith.divf %sub3A_46, %div3A_50 : vector<1024x256xf32>
    %mul3A_52 = vector.broadcast %get3A_30 : vector<1x256xf32> to vector<1024x256xf32>
    %mul3A_53 = arith.mulf %div3A_51, %mul3A_52 : vector<1024x256xf32>
    %add3A_54 = vector.broadcast %get3A_33 : vector<1x256xf32> to vector<1024x256xf32>
    %add3A_55 = arith.addf %mul3A_53, %add3A_54 : vector<1024x256xf32>
    %broadcast_in_dim3A_56 = vector.shape_cast %get3A_2 : vector<1024xf32> to vector<1024x1xf32>
    %mul3A_57 = vector.broadcast %broadcast_in_dim3A_56 : vector<1024x1xf32> to vector<1024x256xf32>
    %mul3A_58 = arith.mulf %add3A_55, %mul3A_57 : vector<1024x256xf32>
    %slice3A_59 = vector.extract_strided_slice %mul3A_58 {offsets = [0, 0], sizes = [1024, 128], strides = [1, 1]} : vector<1024x256xf32> to vector<1024x128xf32>
    %slice3A_60 = vector.extract_strided_slice %mul3A_58 {offsets = [0, 128], sizes = [1024, 128], strides = [1, 1]} : vector<1024x256xf32> to vector<1024x128xf32>
    %stack3A = vector.shape_cast %slice3A_59 : vector<1024x128xf32> to vector<1x1024x128xf32>
    %stack3A_61 = vector.shape_cast %slice3A_60 : vector<1024x128xf32> to vector<1x1024x128xf32>
    %stack3A_62 = tpu.concatenate %stack3A, %stack3A_61 in 0 : vector<1x1024x128xf32>, vector<1x1024x128xf32> -> vector<2x1024x128xf32>
    %swap3A = arith.constant 0 : index
    %swap3A_63 = arith.constant 0 : index
    %swap3A_64 = arith.constant 0 : index
    %swap3A_65 = vector.load %arg8[%swap3A, %swap3A_63, %swap3A_64] : memref<2x1024x128xf32, #tpu.memory_space<vmem>>, vector<2x1024x128xf32>
    tpu.vector_store %arg8[%swap3A, %swap3A_63, %swap3A_64], %stack3A_62 {strides = array<i32>} : memref<2x1024x128xf32, #tpu.memory_space<vmem>>, vector<2x1024x128xf32>,
    return
  }
  func.func @transform_0(%arg0: i32) -> (i32, i32) {
    %c0_i32 = arith.constant 0 : i32
    %c0_i32_0 = arith.constant 0 : i32
    return %c0_i32, %arg0 : i32, i32
  }
  func.func @transform_1(%arg0: i32) -> (i32, i32, i32) {
    %c0_i32 = arith.constant 0 : i32
    %c0_i32_0 = arith.constant 0 : i32
    %c0_i32_1 = arith.constant 0 : i32
    return %c0_i32, %arg0, %c0_i32_0 : i32, i32, i32
  }
  func.func @transform_2(%arg0: i32) -> (i32, i32, i32) {
    %c0_i32 = arith.constant 0 : i32
    %c0_i32_0 = arith.constant 0 : i32
    %c0_i32_1 = arith.constant 0 : i32
    return %c0_i32, %arg0, %c0_i32_0 : i32, i32, i32
  }
  func.func @transform_3(%arg0: i32) -> (i32, i32) {
    %c0_i32 = arith.constant 0 : i32
    %c0_i32_0 = arith.constant 0 : i32
    %c0_i32_1 = arith.constant 0 : i32
    return %c0_i32, %c0_i32_0 : i32, i32
  }
  func.func @transform_4(%arg0: i32) -> (i32, i32) {
    %c0_i32 = arith.constant 0 : i32
    %c0_i32_0 = arith.constant 0 : i32
    %c0_i32_1 = arith.constant 0 : i32
    return %c0_i32, %c0_i32_0 : i32, i32
  }
  func.func @transform_5(%arg0: i32) -> (i32, i32) {
    %c0_i32 = arith.constant 0 : i32
    %c0_i32_0 = arith.constant 0 : i32
    %c0_i32_1 = arith.constant 0 : i32
    return %c0_i32, %c0_i32_0 : i32, i32
  }
  func.func @transform_6(%arg0: i32) -> (i32, i32) {
    %c0_i32 = arith.constant 0 : i32
    %c0_i32_0 = arith.constant 0 : i32
    %c0_i32_1 = arith.constant 0 : i32
    return %c0_i32, %c0_i32_0 : i32, i32
  }
  func.func @transform_7(%arg0: i32) -> (i32, i32, i32) {
    %c0_i32 = arith.constant 0 : i32
    %c0_i32_0 = arith.constant 0 : i32
    %c0_i32_1 = arith.constant 0 : i32
    return %c0_i32, %arg0, %c0_i32_0 : i32, i32, i32
  }
}

module attributes {stable_mosaic.version = 14 : i64} {
  func.func @_tc3_body(%arg0: i32, %arg1: memref<1x1024xf32, #tpu.memory_space<vmem>>, %arg2: memref<2x1024x128xf32, #tpu.memory_space<vmem>>, %arg3: memref<2x1024x128xf32, #tpu.memory_space<vmem>>, %arg4: memref<256x256xf32, #tpu.memory_space<vmem>>, %arg5: memref<1x256xf32, #tpu.memory_space<vmem>>, %arg6: memref<1024x256xf32, #tpu.memory_space<vmem>>) attributes {dimension_semantics = [#tpu.dimension_semantics<arbitrary>], iteration_bounds = array<i64: 10>, scalar_prefetch = 0 : i64, scratch_operands = 0 : i64, tpu.core_type = #tpu.core_type<tc>, window_params = [{transform_indices = @transform_0, window_bounds = array<i64: 1, 1024>}, {transform_indices = @transform_1, window_bounds = array<i64: 2, 1024, 128>}, {transform_indices = @transform_2, window_bounds = array<i64: 2, 1024, 128>}, {pipeline_mode = #tpu.pipeline_mode<synchronous>, transform_indices = @transform_3, window_bounds = array<i64: 256, 256>}, {pipeline_mode = #tpu.pipeline_mode<synchronous>, transform_indices = @transform_4, window_bounds = array<i64: 1, 256>}, {transform_indices = @transform_5, window_bounds = array<i64: 1024, 256>}]} {
    %get3A = arith.constant 0 : index
    %get3A_0 = arith.constant 0 : index
    %get3A_1 = vector.load %arg1[%get3A, %get3A_0] : memref<1x1024xf32, #tpu.memory_space<vmem>>, vector<1x1024xf32>
    %get3A_2 = vector.shape_cast %get3A_1 : vector<1x1024xf32> to vector<1024xf32>
    %get3A_3 = arith.constant 0 : index
    %get3A_4 = arith.constant 0 : index
    %get3A_5 = arith.constant 0 : index
    %get3A_6 = vector.load %arg2[%get3A_3, %get3A_4, %get3A_5] : memref<2x1024x128xf32, #tpu.memory_space<vmem>>, vector<2x1024x128xf32>
    %get3A_7 = arith.constant 0 : index
    %get3A_8 = arith.constant 0 : index
    %get3A_9 = arith.constant 0 : index
    %get3A_10 = vector.load %arg3[%get3A_7, %get3A_8, %get3A_9] : memref<2x1024x128xf32, #tpu.memory_space<vmem>>, vector<2x1024x128xf32>
    %slice3A = vector.extract_strided_slice %get3A_6 {offsets = [0, 0, 0], sizes = [1, 1024, 128], strides = [1, 1, 1]} : vector<2x1024x128xf32> to vector<1x1024x128xf32>
    %squeeze3A = vector.shape_cast %slice3A : vector<1x1024x128xf32> to vector<1024x128xf32>
    %slice3A_11 = vector.extract_strided_slice %get3A_10 {offsets = [0, 0, 0], sizes = [1, 1024, 128], strides = [1, 1, 1]} : vector<2x1024x128xf32> to vector<1x1024x128xf32>
    %squeeze3A_12 = vector.shape_cast %slice3A_11 : vector<1x1024x128xf32> to vector<1024x128xf32>
    %add3A = arith.addf %squeeze3A, %squeeze3A_12 : vector<1024x128xf32>
    %slice3A_13 = vector.extract_strided_slice %get3A_6 {offsets = [1, 0, 0], sizes = [1, 1024, 128], strides = [1, 1, 1]} : vector<2x1024x128xf32> to vector<1x1024x128xf32>
    %squeeze3A_14 = vector.shape_cast %slice3A_13 : vector<1x1024x128xf32> to vector<1024x128xf32>
    %slice3A_15 = vector.extract_strided_slice %get3A_10 {offsets = [1, 0, 0], sizes = [1, 1024, 128], strides = [1, 1, 1]} : vector<2x1024x128xf32> to vector<1x1024x128xf32>
    %squeeze3A_16 = vector.shape_cast %slice3A_15 : vector<1x1024x128xf32> to vector<1024x128xf32>
    %add3A_17 = arith.addf %squeeze3A_14, %squeeze3A_16 : vector<1024x128xf32>
    %concatenate3A = tpu.concatenate %add3A, %add3A_17 in 1 : vector<1024x128xf32>, vector<1024x128xf32> -> vector<1024x256xf32>
    %broadcast_in_dim3A = vector.shape_cast %get3A_2 : vector<1024xf32> to vector<1024x1xf32>
    %mul3A = vector.broadcast %broadcast_in_dim3A : vector<1024x1xf32> to vector<1024x256xf32>
    %mul3A_18 = arith.mulf %concatenate3A, %mul3A : vector<1024x256xf32>
    %get3A_19 = arith.constant 0 : index
    %get3A_20 = arith.constant 0 : index
    %get3A_21 = vector.load %arg4[%get3A_19, %get3A_20] : memref<256x256xf32, #tpu.memory_space<vmem>>, vector<256x256xf32>
    %dot_general3A = arith.constant dense<0.000000e+00> : vector<1024x256xf32>
    %dot_general3A_22 = tpu.matmul %mul3A_18, %get3A_21, %dot_general3A {dimension_numbers = #tpu.dot_dimension_numbers<[1], [0], [0], [1], [0, 0, 1, 1], [], []>, transpose_lhs_hint = false} : vector<1024x256xf32>, vector<256x256xf32>, vector<1024x256xf32> -> vector<1024x256xf32>
    %get3A_23 = arith.constant 0 : index
    %get3A_24 = arith.constant 0 : index
    %get3A_25 = vector.load %arg5[%get3A_23, %get3A_24] : memref<1x256xf32, #tpu.memory_space<vmem>>, vector<1x256xf32>
    %add3A_26 = vector.broadcast %get3A_25 : vector<1x256xf32> to vector<1024x256xf32>
    %add3A_27 = arith.addf %dot_general3A_22, %add3A_26 : vector<1024x256xf32>
    %swap3A = arith.constant 0 : index
    %swap3A_28 = arith.constant 0 : index
    %swap3A_29 = vector.load %arg6[%swap3A, %swap3A_28] : memref<1024x256xf32, #tpu.memory_space<vmem>>, vector<1024x256xf32>
    tpu.vector_store %arg6[%swap3A, %swap3A_28], %add3A_27 {strides = array<i32>} : memref<1024x256xf32, #tpu.memory_space<vmem>>, vector<1024x256xf32>,
    return
  }
  func.func @transform_0(%arg0: i32) -> (i32, i32) {
    %c0_i32 = arith.constant 0 : i32
    %c0_i32_0 = arith.constant 0 : i32
    return %c0_i32, %arg0 : i32, i32
  }
  func.func @transform_1(%arg0: i32) -> (i32, i32, i32) {
    %c0_i32 = arith.constant 0 : i32
    %c0_i32_0 = arith.constant 0 : i32
    %c0_i32_1 = arith.constant 0 : i32
    return %c0_i32, %arg0, %c0_i32_0 : i32, i32, i32
  }
  func.func @transform_2(%arg0: i32) -> (i32, i32, i32) {
    %c0_i32 = arith.constant 0 : i32
    %c0_i32_0 = arith.constant 0 : i32
    %c0_i32_1 = arith.constant 0 : i32
    return %c0_i32, %arg0, %c0_i32_0 : i32, i32, i32
  }
  func.func @transform_3(%arg0: i32) -> (i32, i32) {
    %c0_i32 = arith.constant 0 : i32
    %c0_i32_0 = arith.constant 0 : i32
    %c0_i32_1 = arith.constant 0 : i32
    return %c0_i32, %c0_i32_0 : i32, i32
  }
  func.func @transform_4(%arg0: i32) -> (i32, i32) {
    %c0_i32 = arith.constant 0 : i32
    %c0_i32_0 = arith.constant 0 : i32
    %c0_i32_1 = arith.constant 0 : i32
    return %c0_i32, %c0_i32_0 : i32, i32
  }
  func.func @transform_5(%arg0: i32) -> (i32, i32) {
    %c0_i32 = arith.constant 0 : i32
    %c0_i32_0 = arith.constant 0 : i32
    return %arg0, %c0_i32 : i32, i32
  }
}

</mosaic_0001>

<sc_bundles>
// kernel: _run.11.cloned.1.call-start
scs
__scs_entry_jumppad:
0x0: {  	(pc) =	sbr.rel $0x88, $3  }
0x1: {  	(tag) =	ssettag $0x0;
	lr =	simm.s32 $0x1  }
0x2: {  	[smem:$0x3F97] =	sst lr;
	_ =	strace $0xD0000000  }
0x3: {  	_ = 	snop  }
0x4: {  	_ = 	snop  }
0x5: {  	_ = 	snop  }
0x6: {  	_ = 	snop  }
0x7: {  	_ = 	snop  }
__scs_overlays_trampoline_lowered:
0x8: {  	[smem:$0x3FA6] =	sst s0  }
0x9: {  	[smem:$0x3FA7] =	sst s1  }
0xa: {  	[smem:$0x3FA8] =	sst s2  }
0xb: {  	[smem:$0x3FA9] =	sst s3  }
0xc: {  	[smem:$0x3FAA] =	sst s4  }
0xd: {  	[smem:$0x3FAB] =	sst s5  }
0xe: {  	[smem:$0x3FAC] =	sst s6  }
0xf: {  	[smem:$0x3FAD] =	sst s7  }
0x10: {  	[smem:$0x3FAE] =	sst s8  }
0x11: {  	[smem:$0x3FAF] =	sst s9;
	s0 =	simm.s32 @!p0 $0x0  }
0x12: {  	s1 =	sld [smem:$0x3F95];
	s0 =	simm.s32 @p0 $0x1  }
0x13: {  	[smem:$0x3FB0] =	sst s0;
	s0 =	simm.s32 @!p1 $0x0  }
0x14: {  	s2 =	sld [smem:$0x3F94];
	s0 =	simm.s32 @p1 $0x1  }
0x15: {  	[smem:$0x3FB1] =	sst s0;
	s0 =	simm.s32 @!p2 $0x0  }
0x16: {  	s3 =	sld [smem:$0x3FDB];
	s0 =	simm.s32 @p2 $0x1  }
0x17: {  	s4 =	simm.s32 $0x1BF5;
	[smem:$0x3FB3] =	sst s0  }
0x18: {  	s0 =	sld [smem:$0x3F96];
	_ =	swait.ge [sflag:s4], $0x0  }
0x19: {  	s7 =	sld [smem:$0x3F97]  }
0x1a: {  	s8 =	sadd.s32 $0xFFFFE003, lr  }
0x1b: {  	s9 =	sadd.s32 $0xFFFFFEF7, lr;
	s5 =	simm.s32 $0xFFFFFFFF;
	p2 =	slt.u32 s8, $0xFFFFF086  }
0x1c: {  	p1 =	slt.u32 s9, $0xF7A;
	s5 =	simm.s32 @!p2 $0x0  }
0x1d: {  	s5 =	simm.s32 @p1 $0x1;
	p0 =	seq.s32 s7, s2  }
0x1e: {  	s7 =	smul.u32 @!p0 $0xF7A, s2;
	p2 =	seq.s32 @!p0 s5, $0x0  }
0x1f: {  	s9 =	smul.u32 $0xF7A, s1;
	s8 =	simm.s32 @!p0 $0x1BF5;
	p2 =	por !p2, p0  }
0x20: {  	[sflag:s8] =	ssyncset.s32 @!p0 $0xFFFFF086;
	s6 =	sadd.s32 @!p0 s3, s7;
	s7 =	simm.s32 @!p0 $0x108  }
0x21: {  	s3 =	sadd.s32 s3, s9;
	s6 =	sadd.s32 @!p0 $0x88, s6;
	s7 =	simm.s32 @p2 $0x1082  }
0x22: {  	[simem:s7], [sflag:s8] =	dma.local @!p0 [hbm:s6], $0xF7A  }
0x23: {  	s9 =	sor.u32 $0xD0000000, s2;
	s6 =	simm.s32 $0x108;
	_ =	swait.ge @!p0 [sflag:s8], $0x0  }
0x24: {  	s3 =	sadd.s32 $0x88, s3;
	s6 =	simm.s32 @!p1 $0x1082;
	[sflag:s4] =	ssyncset.s32 $0xFFFFF086  }
0x25: {  	[simem:s6], [sflag:s4] =	dma.local [hbm:s3], $0xF7A  }
0x26: {  	[smem:$0x3F97] =	sst s1;
	(tag) =	ssettag s2;
	_ =	strace s9  }
0x27: {  	s1 =	sld [smem:$0x3FA7]  }
0x28: {  	s2 =	sld [smem:$0x3FA8]  }
0x29: {  	s4 =	sld [smem:$0x3FAA]  }
0x2a: {  	p0 =	seq.s32 s5, $0x0;
	s5 =	sld [smem:$0x3FAB]  }
0x2b: {  	s6 =	sld [smem:$0x3FAC]  }
0x2c: {  	s7 =	sld [smem:$0x3FAD]  }
0x2d: {  	s3 =	simm.s32 $0x108;
	s8 =	sld [smem:$0x3FAE]  }
0x2e: {  	s3 =	simm.s32 @!p0 $0x1082;
	s9 =	sld [smem:$0x3FAF]  }
0x2f: {  	lr =	sadd.s32 s0, s3;
	s0 =	sld [smem:$0x3FA6]  }
0x30: {  	s3 =	sld [smem:$0x3FA9]  }
0x31: {  	[smem:$0x3FB2] =	sst s10  }
0x32: {  	s10 =	sld [smem:$0x3FB0];
	_ =	sdelay $0x3  }
0x33: {  	p0 =	seq.s32 s10, $0x1;
	s10 =	sld [smem:$0x3FB2];
	_ =	sdelay $0x3  }
0x34: {  	[smem:$0x3FB2] =	sst s10  }
0x35: {  	s10 =	sld [smem:$0x3FB1];
	_ =	sdelay $0x3  }
0x36: {  	p1 =	seq.s32 s10, $0x1;
	s10 =	sld [smem:$0x3FB2];
	_ =	sdelay $0x3  }
0x37: {  	[smem:$0x3FB2] =	sst s10  }
0x38: {  	s10 =	sld [smem:$0x3FB3]  }
0x39: {  	_ = 	snop;
	(pc) =	sbr.ind lr, $3  }
0x3a: {  	_ = 	snop  }
0x3b: {  	_ = 	snop  }
0x3c: {  	p2 =	seq.s32 s10, $0x1;
	s10 =	sld [smem:$0x3FB2]  }
0x3d: {  	_ =	shalt  }
0x3e: {  	_ =	shalt  }
0x3f: {  	_ =	shalt  }
0x40: {  	_ =	shalt  }
0x41: {  	_ =	shalt  }
0x42: {  	_ =	shalt  }
0x43: {  	_ =	shalt  }
0x44: {  	_ =	shalt  }
0x45: {  	_ =	shalt  }
0x46: {  	_ =	shalt  }
0x47: {  	_ =	shalt  }
0x48: {  	_ =	shalt  }
0x49: {  	_ =	shalt  }
0x4a: {  	_ =	shalt  }
0x4b: {  	_ =	shalt  }
0x4c: {  	_ =	shalt  }
0x4d: {  	_ =	shalt  }
0x4e: {  	_ =	shalt  }
0x4f: {  	_ =	shalt  }
0x50: {  	_ =	shalt  }
0x51: {  	_ =	shalt  }
0x52: {  	_ =	shalt  }
0x53: {  	_ =	shalt  }
0x54: {  	_ =	shalt  }
0x55: {  	_ =	shalt  }
0x56: {  	_ =	shalt  }
0x57: {  	_ =	shalt  }
0x58: {  	_ =	shalt  }
0x59: {  	_ =	shalt  }
0x5a: {  	_ =	shalt  }
0x5b: {  	_ =	shalt  }
0x5c: {  	_ =	shalt  }
0x5d: {  	_ =	shalt  }
0x5e: {  	_ =	shalt  }
0x5f: {  	_ =	shalt  }
0x60: {  	_ =	shalt  }
0x61: {  	_ =	shalt  }
0x62: {  	_ =	shalt  }
0x63: {  	_ =	shalt  }
0x64: {  	_ =	shalt  }
0x65: {  	_ =	shalt  }
0x66: {  	_ =	shalt  }
0x67: {  	_ =	shalt  }
0x68: {  	_ =	shalt  }
0x69: {  	_ =	shalt  }
0x6a: {  	_ =	shalt  }
0x6b: {  	_ =	shalt  }
0x6c: {  	_ =	shalt  }
0x6d: {  	_ =	shalt  }
0x6e: {  	_ =	shalt  }
0x6f: {  	_ =	shalt  }
0x70: {  	_ =	shalt  }
0x71: {  	_ =	shalt  }
0x72: {  	_ =	shalt  }
0x73: {  	_ =	shalt  }
0x74: {  	_ =	shalt  }
0x75: {  	_ =	shalt  }
0x76: {  	_ =	shalt  }
0x77: {  	_ =	shalt  }
0x78: {  	_ =	shalt  }
0x79: {  	_ =	shalt  }
0x7a: {  	_ =	shalt  }
0x7b: {  	_ =	shalt  }
0x7c: {  	_ =	shalt  }
0x7d: {  	_ =	shalt  }
0x7e: {  	_ =	shalt  }
0x7f: {  	_ =	shalt  }
0x80: {  	_ =	shalt  }
0x81: {  	_ =	shalt  }
0x82: {  	_ =	shalt  }
0x83: {  	_ =	shalt  }
0x84: {  	_ =	shalt  }
0x85: {  	_ =	shalt  }
0x86: {  	_ =	shalt  }
0x87: {  	_ =	shalt  }
.Lfunc_end0:
.L_simem_size_0:
called_computation.1_lowered:
.L_overlay_start_0:
0x88: {  	s2 =	sld [smem:$0x3FD9]  }
0x89: {  	s3 =	sld [smem:$0x3FFE];
	_ =	sdelay $0x1  }
0x8a: {  	s1 =	srdreg.scid  }
0x8b: {  	s0 =	sand.u32 $0x1, s1  }
0x8c: {  	s17 =	sshll.u32 s0, $0xA;
	s2 =	sadd.s32 s3, s2  }
0x8d: {  	s2 =	sadd.s32 s2, s17  }
0x8e: {  	[smem:$0x3FBE] =	sst s2  }
0x8f: {  	_ = 	snop  }
0x90: {  	s2 =	sld [smem:$0x3FD0];
	(tm) =	ssettm $0x1  }
0x91: {  	s18 =	sld [smem:$0x3FFB];
	_ =	sdelay $0x3  }
0x92: {  	_ =	strace s18  }
0x93: {  	s3 =	sld [smem:$0x3FFC];
	_ =	sdelay $0x3  }
0x94: {  	_ =	strace s3  }
0x95: {  	s3 =	sld [smem:$0x3FFD];
	_ =	sdelay $0x3  }
0x96: {  	_ =	strace s3  }
0x97: {  	_ =	strace $0x8FFFFFFF  }
0x98: {  	s19 =	sld [smem:$0x3FDB];
	_ =	sdelay $0x1  }
0x99: {  	s4 =	simm.s32 $_scs_section_size  }
0x9a: {  	s5 =	simm.s32 $_size__tile_overlayer_lowered;
	s6 =	simm.s32 $_tile_overlayer_lowered  }
0x9b: {  	s22 =	simm.s32 $0x1BFF;
	s21 =	sshll.u32 s6, $0x1;
	s3 =	sadd.s32 s4, s19  }
0x9c: {  	s7 =	simm.s32 $0x0;
	s20 =	sshll.u32 s5, $0x1;
	s5 =	sadd.s32 s21, s3  }
0x9d: {  	[timem:s7], [sflag:s22] =	dma.local [hbm:s5], s20  }
0x9e: {  	_ =	swait.ge [sflag:s22], s20  }
0x9f: {  	s4 =	ssub.s32 $0x0, s20;
	[sflag:s22] =	ssyncset.done $0x0  }
0xa0: {  	[sflag:s22] =	ssyncadd.s32 s4;
	_ =	sdelay $0x1  }
0xa1: {  	s23 =	simm.s32 $0x1B8B  }
0xa2: {  	_ =	swait.ge [sflag:s23], $0x1  }
0xa3: {  	[sflag:s23] =	ssyncset.done $0x0  }
0xa4: {  	s25 =	simm.s32 $0x1B8E;
	s24 =	sld [smem:$0x3FFE];
	[sflag:s23] =	ssyncadd.s32 $0xFFFFFFFF  }
0xa5: {  	s26 =	simm.s32 $execute0_lowered;
	[smem:$0x3FD2] =	sst s25  }
0xa6: {  	s5 =	sshll.u32 s26, $0x1;
	_ =	strace $0x80000049;
	[dreg:$0x1] =	wrdreg $0xFFFFFFFF  }
0xa7: {  	s28 =	simm.s32 $_size_execute0_lowered;
	s3 =	sadd.s32 s3, s5;
	[dreg:$0x0] =	wrdreg $0x0  }
0xa8: {  	s5 =	sshll.u32 s28, $0x1;
	[dreg:$0x2] =	wrdreg s3  }
0xa9: {  	[dreg:$0x3] =	wrdreg s5  }
0xaa: {  	[dreg:$0x4] =	wrdreg $0xC0  }
0xab: {  	_ =	task [dreg:s7], $0x5FFFF  }
0xac: {  	[dreg:$0x1] =	wrdreg $0xFFFFFFFF  }
0xad: {  	[dreg:$0x0] =	wrdreg $0x60  }
0xae: {  	[dreg:$0x2] =	wrdreg s24  }
0xaf: {  	[dreg:$0x3] =	wrdreg s2  }
0xb0: {  	[dreg:$0x4] =	wrdreg $0xA8000  }
0xb1: {  	[dreg:$0x5] =	wrdreg $0x9  }
0xb2: {  	_ =	task.clear_ibuf [dreg:s7], $0x6FFFF;
	_ =	strace $0x90000049  }
0xb3: {  	s29 =	simm.s32 $0x9;
	_ =	strace $0x8000004B  }
0xb4: {  	_ =	swait.ge [sflag:s29], $0x1  }
0xb5: {  	[sflag:s29] =	ssyncadd.s32 $0xFFFFFFFF  }
0xb6: {  	_ =	strace $0x9000004B  }
0xb7: {  	_ =	sfence  }
0xb8: {  	s30 =	sld [smem:$0x0];
	_ =	sdelay $0x2  }
0xb9: {  	s31 =	sshll.u32 s1, $0xD;
	s1 =	sshrl.u32 s1, $0x2  }
0xba: {  	s3 =	sand.u32 $0x4000, s31;
	s1 =	sadd.s32 s1, s30  }
0xbb: {  	s0 =	sor.u32 s3, s0;
	s1 =	sshll.u32 s1, $0x11  }
0xbc: {  	s0 =	sor.u32 s1, s0  }
0xbd: {  	s0 =	sadd.s32 $0x8F2B, s0  }
0xbe: {  	[sflag:s0] =	ssyncadd.remote.s32 $0x1  }
0xbf: {  	_ =	sfence.sel $0xFFFF  }
0xc0: {  	[dreg:$0x0] =	wrdreg $0xFFFFFFFF;
	(pc) =	sbr.abs _section_cstart, $3  }
0xc1: {  	[dreg:$0x1] =	wrdreg $0xFFFFFFFF  }
0xc2: {  	_ =	task.clear_ibuf [dreg:s7], $0x2FFFF;
	_ =	strace $0x9FFFFFFF  }
0xc3: {  	(tm) =	ssettm $0x7FFFFFFF  }
tec
execute0_lowered:
.L_overlay_start_1:
0x0: {  	(tag) =	ssettag $0x1  }
0x1: {  	s0 =	rddreg [dreg:$0x0]  }
0x2: {  	s1 =	rddreg [dreg:$0x1]  }
0x3: {  	s2 =	rddreg [dreg:$0x2]  }
0x4: {  	s3 =	simm.s32 $0x0;
	s8 =	stileid.u32;
	s5 =	srdreg.scid  }
0x5: {  	s28 =	simm.s32 $0x1380;
	s29 =	simm.s32 $0x2700;
	s30 =	simm.s32 $0x2780  }
0x6: {  	s31 =	simm.s32 $0x0;
	[smem:$0x7FF] =	sst s3;
	s13 =	smul.u32 $0x280, s8  }
0x7: {  	s4 =	sadd.s32 $0x7400, s0;
	s10 =	sand.u32 $0x1, s5;
	s24 =	smul.u32 $0x50000, s8  }
0x8: {  	s14 =	sadd.s32 $0x2400, s0;
	s0 =	sadd.s32 $0x57400, s0;
	s12 =	smul.u32 $0x2800, s8  }
0x9: {  	_ =	strace $0x8000004A;
	s6 =	ssub.s32 $0x2, s10;
	s11 =	smul.u32 $0x28000, s10  }
0xa: {  	s23 =	smul.u32 $0x2800, s10;
	s7 =	sshrl.u32 s6, $0x1;
	s5 =	sshrl.u32 s24, $0x2  }
0xb: {  	s15 =	sadd.s32 $0x80, s13;
	s16 =	sadd.s32 $0x100, s13;
	s17 =	sadd.s32 $0x180, s13  }
0xc: {  	s18 =	sadd.s32 $0x200, s13;
	s21 =	sadd.s32 $0x1400, s12;
	s19 =	ssub.s32 s6, s7  }
0xd: {  	s5 =	sadd.s32 s5, s2;
	s25 =	sshll.u32 s15, $0x7;
	s26 =	sshll.u32 s16, $0x7  }
0xe: {  	s9 =	sshll.u32 s17, $0x7;
	s20 =	sadd.s32 s12, s11;
	s12 =	sshrl.u32 s12, $0x3  }
0xf: {  	s22 =	sadd.s32 s11, s21;
	s10 =	sadd.s32 s23, s15;
	s11 =	sshrl.u32 s21, $0x3  }
0x10: {  	s21 =	sadd.s32 s23, s16;
	s6 =	sadd.s32 s25, s2;
	s7 =	sadd.s32 s26, s2  }
0x11: {  	s8 =	sadd.s32 s9, s2;
	s9 =	sshll.u32 s18, $0x7;
	s20 =	sshrl.u32 s20, $0x3  }
0x12: {  	s24 =	sadd.s32 s14, s12;
	s25 =	sshrl.u32 s22, $0x3;
	s26 =	sadd.s32 s13, s23  }
0x13: {  	s12 =	sshll.u32 s10, $0x4;
	s13 =	sadd.s32 s14, s11;
	s22 =	sadd.s32 s23, s17  }
0x14: {  	s19 =	smax.u32 s19, $0x1;
	s9 =	sadd.s32 s9, s2;
	s20 =	sadd.s32 s1, s20  }
0x15: {  	[dreg:$0x5] =	wrdreg s24;
	s1 =	sadd.s32 s1, s25;
	s15 =	sadd.s32 s0, s12  }
0x16: {  	s24 =	sadd.s32 s23, s18;
	s25 =	sshll.u32 s22, $0x4;
	[dreg:$0x4] =	wrdreg s20  }
0x17: {  	s22 =	simm.s32 $0x1400;
	s23 =	simm.s32 $0x80;
	[dreg:$0x6] =	wrdreg s1  }
0x18: {  	s1 =	sshll.u32 s26, $0x4;
	s26 =	sshll.u32 s24, $0x4;
	s17 =	sadd.s32 s0, s25  }
0x19: {  	s20 =	simm.s32 $0x2800;
	s24 =	simm.s32 $0x6800;
	s25 =	simm.s32 $0x1  }
0x1a: {  	s14 =	sadd.s32 s0, s1;
	s1 =	sshll.u32 s21, $0x4;
	s18 =	sadd.s32 s0, s26  }
0x1b: {  	v0 =	vimm.f32 $0.0e+00;
	s21 =	simm.s32 $0x3;
	s26 =	simm.s32 $0x2;
	s16 =	sadd.s32 s0, s1  }
.LBB2_1:
0x1c: {  	s0 =	simm.s32 $0x0;
	s1 =	simm.s32 $0x200  }
.LBB2_2:
0x1d: {  	p0 =	sne.s32 s1, $0xFE00;
	[tilespmem:s0+$0x2870] =	vst v0  }
0x1e: {  	[tilespmem:s0+$0x2800] =	vst v0  }
0x1f: {  	[tilespmem:s0+$0x2810] =	vst v0  }
.Ltmp0:
0x20: {  	[tilespmem:s0+$0x2820] =	vst v0;
	(pc) =	sbr.rel @p0 .LBB2_2-.Ltmp0, $4  }
0x21: {  	[tilespmem:s0+$0x2830] =	vst v0  }
0x22: {  	[tilespmem:s0+$0x2840] =	vst v0  }
0x23: {  	[tilespmem:s0+$0x2850] =	vst v0  }
0x24: {  	[tilespmem:s0+$0x2860] =	vst v0;
	s0 =	sshra.s32 s1, $0x2;
	s1 =	sadd.s32 $0x200, s1  }
0x25: {  	[tilespmem:s0+$0x2870] =	vst v0  }
0x26: {  	[tilespmem:s0+$0x2800] =	vst v0  }
0x27: {  	[tilespmem:s0+$0x2810] =	vst v0  }
0x28: {  	[tilespmem:s0+$0x2820] =	vst v0  }
0x29: {  	[tilespmem:s0+$0x2830] =	vst v0  }
0x2a: {  	[tilespmem:s0+$0x2840] =	vst v0  }
0x2b: {  	[tilespmem:s0+$0x2850] =	vst v0  }
0x2c: {  	[tilespmem:s0+$0x2860] =	vst v0  }
0x2d: {  	[spmem:s5] =	stream.linear.scatter [tilespmem:s20], [sflag:$0x3], $0x4000, $0x38;
	[tilespmem:$0x1E800] =	vst v63  }
0x2e: {  	_ =	swait.ge [sflag:s21], $0x4000  }
0x2f: {  	[sflag:s21] =	ssyncset.done $0x0  }
0x30: {  	[sflag:s21] =	ssyncadd.s32 $0xFFFFC000  }
0x31: {  	[spmem:s6] =	stream.linear.scatter [tilespmem:s20], [sflag:$0x3], $0x4000, $0x38;
	[tilespmem:$0x1E800] =	vst v63  }
0x32: {  	_ =	swait.ge [sflag:s21], $0x4000  }
0x33: {  	[sflag:s21] =	ssyncset.done $0x0  }
0x34: {  	[sflag:s21] =	ssyncadd.s32 $0xFFFFC000  }
0x35: {  	[spmem:s7] =	stream.linear.scatter [tilespmem:s20], [sflag:$0x3], $0x4000, $0x38;
	[tilespmem:$0x1E800] =	vst v63  }
0x36: {  	_ =	swait.ge [sflag:s21], $0x4000  }
0x37: {  	[sflag:s21] =	ssyncset.done $0x0  }
0x38: {  	[sflag:s21] =	ssyncadd.s32 $0xFFFFC000  }
0x39: {  	[spmem:s8] =	stream.linear.scatter [tilespmem:s20], [sflag:$0x3], $0x4000, $0x38;
	[tilespmem:$0x1E800] =	vst v63  }
0x3a: {  	_ =	swait.ge [sflag:s21], $0x4000  }
0x3b: {  	[sflag:s21] =	ssyncset.done $0x0  }
0x3c: {  	[sflag:s21] =	ssyncadd.s32 $0xFFFFC000  }
0x3d: {  	[spmem:s9] =	stream.linear.scatter [tilespmem:s20], [sflag:$0x3], $0x4000, $0x38;
	[tilespmem:$0x1E800] =	vst v63  }
0x3e: {  	_ =	swait.ge [sflag:s21], $0x4000  }
0x3f: {  	[sflag:s21] =	ssyncset.done $0x0  }
0x40: {  	[sflag:s21] =	ssyncadd.s32 $0xFFFFC000  }
0x41: {  	[bflag:$0x0] =	sbarrier.arrive $0xFFFF  }
0x42: {  	s11 =	simm.s32 $0x0;
	s1 =	rddreg [dreg:$0x4]  }
0x43: {  	[tilespmem:s11], [sflag:$0x3] =	stream.linear.gather [hbm4b:s1+s11], $0x1400, $0x38;
	[tilespmem:$0x1E800] =	vst v63  }
0x44: {  	_ =	swait.ge [sflag:s21], $0x1400  }
0x45: {  	[sflag:s21] =	ssyncset.done $0x0  }
0x46: {  	s12 =	rddreg [dreg:$0x5];
	[sflag:s21] =	ssyncadd.s32 $0xFFFFEC00  }
0x47: {  	[tilespmem:s22], [sflag:$0x3] =	stream.linear.gather [hbm4b:s12+s11], $0x1400, $0x38;
	[tilespmem:$0x1E800] =	vst v63  }
0x48: {  	_ =	swait.ge [sflag:s21], $0x1400  }
0x49: {  	[sflag:s21] =	ssyncset.done $0x0  }
0x4a: {  	[sflag:s21] =	ssyncadd.s32 $0xFFFFEC00  }
0x4b: {  	[tilespmem:s20], [sflag:$0x1] =	stream.indirect.gather [hbm4b:s4+s23], $0x80, s11, s23, $0xb8;
	[tilespmem:$0x1E800] =	vst v63  }
0x4c: {  	s1 =	simm.s32 $0x80  }
0x4d: {  	[tilespmem:s24], [sflag:$0x2] =	stream.indirect.gather [hbm4b:s4+s23], $0x80, s1, s23, $0xb8;
	[tilespmem:$0x1E800] =	vst v63  }
0x4e: {  	_ =	swait.ge [sflag:s25], $0x4000  }
0x4f: {  	[sflag:s25] =	ssyncset.done $0x0  }
0x50: {  	s10 =	simm.s32 $0x1400;
	[sflag:s25] =	ssyncadd.s32 $0xFFFFC000  }
0x51: {  	[spmem:s2] =	stream.indirect.scatter.add.f32 [tilespmem:s20], [sflag:$0x3], $0x80, s10, s23, $0xb8;
	[tilespmem:$0x1E800] =	vst v63  }
0x52: {  	_ =	swait.ge [sflag:s21], $0x4000  }
0x53: {  	[sflag:s21] =	ssyncset.done $0x0  }
0x54: {  	s11 =	simm.s32 $0x100;
	[sflag:s21] =	ssyncadd.s32 $0xFFFFC000  }
0x55: {  	[tilespmem:s20], [sflag:$0x1] =	stream.indirect.gather [hbm4b:s4+s23], $0x80, s11, s23, $0xb8;
	[tilespmem:$0x1E800] =	vst v63  }
0x56: {  	_ =	swait.ge [sflag:s26], $0x4000  }
0x57: {  	[sflag:s26] =	ssyncset.done $0x0  }
0x58: {  	s12 =	simm.s32 $0x1480;
	[sflag:s26] =	ssyncadd.s32 $0xFFFFC000  }
0x59: {  	[spmem:s2] =	stream.indirect.scatter.add.f32 [tilespmem:s24], [sflag:$0x3], $0x80, s12, s23, $0xb8;
	[tilespmem:$0x1E800] =	vst v63  }
0x5a: {  	_ =	swait.ge [sflag:s21], $0x4000  }
0x5b: {  	s0 =	simm.s32 $0x100;
	s1 =	simm.s32 $0x800;
	[sflag:s21] =	ssyncset.done $0x0  }
.LBB2_4:
0x5c: {  	s10 =	sadd.s32 $0x80, s0  }
0x5d: {  	[sflag:s21] =	ssyncadd.s32 $0xFFFFC000;
	s11 =	smov.u32 s1;
	s12 =	sadd.s32 $0x400, s1  }
0x5e: {  	[tilespmem:s24], [sflag:$0x2] =	stream.indirect.gather [hbm4b:s4+s23], $0x80, s10, s23, $0xb8;
	[tilespmem:$0x1E800] =	vst v63  }
0x5f: {  	p0 =	sne.s32 s1, $0x4800;
	_ =	swait.ge [sflag:s25], $0x4000  }
0x60: {  	[sflag:s25] =	ssyncset.done $0x0  }
0x61: {  	s1 =	sadd.s32 $0x1400, s0;
	[sflag:s25] =	ssyncadd.s32 $0xFFFFC000  }
0x62: {  	[spmem:s2] =	stream.indirect.scatter.add.f32 [tilespmem:s20], [sflag:$0x3], $0x80, s1, s23, $0xb8;
	[tilespmem:$0x1E800] =	vst v63  }
0x63: {  	_ =	swait.ge [sflag:s21], $0x4000  }
0x64: {  	[sflag:s21] =	ssyncset.done $0x0  }
0x65: {  	s1 =	sadd.s32 $0x100, s0;
	[sflag:s21] =	ssyncadd.s32 $0xFFFFC000  }
0x66: {  	[tilespmem:s20], [sflag:$0x1] =	stream.indirect.gather [hbm4b:s4+s23], $0x80, s1, s23, $0xb8;
	[tilespmem:$0x1E800] =	vst v63  }
0x67: {  	_ =	swait.ge [sflag:s26], $0x4000  }
.Ltmp1:
0x68: {  	[sflag:s26] =	ssyncset.done $0x0;
	(pc) =	sbr.rel @p0 .LBB2_4-.Ltmp1, $4  }
0x69: {  	s0 =	sadd.s32 $0x1480, s0;
	[sflag:s26] =	ssyncadd.s32 $0xFFFFC000  }
0x6a: {  	[spmem:s2] =	stream.indirect.scatter.add.f32 [tilespmem:s24], [sflag:$0x3], $0x80, s0, s23, $0xb8;
	[tilespmem:$0x1E800] =	vst v63  }
0x6b: {  	_ =	swait.ge [sflag:s21], $0x4000  }
0x6c: {  	s1 =	smov.u32 s12;
	s0 =	sshra.s32 s11, $0x2;
	[sflag:s21] =	ssyncset.done $0x0  }
0x6d: {  	s1 =	sadd.s32 $0x80, s0;
	[sflag:s21] =	ssyncadd.s32 $0xFFFFC000  }
0x6e: {  	[tilespmem:s24], [sflag:$0x2] =	stream.indirect.gather [hbm4b:s4+s23], $0x80, s1, s23, $0xb8;
	[tilespmem:$0x1E800] =	vst v63  }
0x6f: {  	_ =	swait.ge [sflag:s25], $0x4000  }
0x70: {  	[sflag:s25] =	ssyncset.done $0x0  }
0x71: {  	s11 =	sadd.s32 $0x1400, s0;
	[sflag:s25] =	ssyncadd.s32 $0xFFFFC000  }
0x72: {  	[spmem:s2] =	stream.indirect.scatter.add.f32 [tilespmem:s20], [sflag:$0x3], $0x80, s11, s23, $0xb8;
	[tilespmem:$0x1E800] =	vst v63  }
0x73: {  	_ =	swait.ge [sflag:s21], $0x4000  }
0x74: {  	[sflag:s21] =	ssyncset.done $0x0  }
0x75: {  	s12 =	sadd.s32 $0x100, s0;
	[sflag:s21] =	ssyncadd.s32 $0xFFFFC000  }
0x76: {  	[tilespmem:s20], [sflag:$0x1] =	stream.indirect.gather [hbm4b:s4+s23], $0x80, s12, s23, $0xb8;
	[tilespmem:$0x1E800] =	vst v63  }
0x77: {  	_ =	swait.ge [sflag:s26], $0x4000  }
0x78: {  	[sflag:s26] =	ssyncset.done $0x0  }
0x79: {  	s10 =	sadd.s32 $0x1480, s0;
	[sflag:s26] =	ssyncadd.s32 $0xFFFFC000  }
0x7a: {  	[spmem:s2] =	stream.indirect.scatter.add.f32 [tilespmem:s24], [sflag:$0x3], $0x80, s10, s23, $0xb8;
	[tilespmem:$0x1E800] =	vst v63  }
0x7b: {  	_ =	swait.ge [sflag:s21], $0x4000  }
0x7c: {  	[sflag:s21] =	ssyncset.done $0x0  }
0x7d: {  	[sflag:s21] =	ssyncadd.s32 $0xFFFFC000  }
0x7e: {  	[tilespmem:s24], [sflag:$0x2] =	stream.indirect.gather [hbm4b:s4+s23], $0x80, s28, s23, $0xb8;
	[tilespmem:$0x1E800] =	vst v63  }
0x7f: {  	_ =	swait.ge [sflag:s25], $0x4000  }
0x80: {  	[sflag:s25] =	ssyncset.done $0x0  }
0x81: {  	[sflag:s25] =	ssyncadd.s32 $0xFFFFC000  }
0x82: {  	[spmem:s2] =	stream.indirect.scatter.add.f32 [tilespmem:s20], [sflag:$0x3], $0x80, s29, s23, $0xb8;
	[tilespmem:$0x1E800] =	vst v63  }
0x83: {  	_ =	swait.ge [sflag:s21], $0x4000  }
0x84: {  	[sflag:s21] =	ssyncset.done $0x0  }
0x85: {  	[sflag:s21] =	ssyncadd.s32 $0xFFFFC000  }
0x86: {  	_ =	swait.ge [sflag:s26], $0x4000  }
0x87: {  	[sflag:s26] =	ssyncset.done $0x0  }
0x88: {  	[sflag:s26] =	ssyncadd.s32 $0xFFFFC000  }
0x89: {  	[spmem:s2] =	stream.indirect.scatter.add.f32 [tilespmem:s24], [sflag:$0x3], $0x80, s30, s23, $0xb8;
	[tilespmem:$0x1E800] =	vst v63  }
0x8a: {  	_ =	swait.ge [sflag:s21], $0x4000  }
0x8b: {  	[sflag:s21] =	ssyncset.done $0x0  }
0x8c: {  	s11 =	simm.s32 $0x0;
	s12 =	rddreg [dreg:$0x6];
	[sflag:s21] =	ssyncadd.s32 $0xFFFFC000  }
0x8d: {  	[tilespmem:s11], [sflag:$0x3] =	stream.linear.gather [hbm4b:s12+s11], $0x1400, $0x38;
	[tilespmem:$0x1E800] =	vst v63  }
0x8e: {  	_ =	swait.ge [sflag:s21], $0x1400  }
0x8f: {  	[sflag:s21] =	ssyncset.done $0x0  }
0x90: {  	[sflag:s21] =	ssyncadd.s32 $0xFFFFEC00  }
0x91: {  	[tilespmem:s22], [sflag:$0x3] =	stream.linear.gather [hbm4b:s13+s11], $0x1400, $0x38;
	[tilespmem:$0x1E800] =	vst v63  }
0x92: {  	_ =	swait.ge [sflag:s21], $0x1400  }
0x93: {  	[sflag:s21] =	ssyncset.done $0x0  }
0x94: {  	[sflag:s21] =	ssyncadd.s32 $0xFFFFEC00  }
0x95: {  	[tilespmem:s20], [sflag:$0x1] =	stream.indirect.gather [hbm4b:s4+s23], $0x80, s11, s23, $0xb8;
	[tilespmem:$0x1E800] =	vst v63  }
0x96: {  	s1 =	simm.s32 $0x80  }
0x97: {  	[tilespmem:s24], [sflag:$0x2] =	stream.indirect.gather [hbm4b:s4+s23], $0x80, s1, s23, $0xb8;
	[tilespmem:$0x1E800] =	vst v63  }
0x98: {  	_ =	swait.ge [sflag:s25], $0x4000  }
0x99: {  	[sflag:s25] =	ssyncset.done $0x0  }
0x9a: {  	s10 =	simm.s32 $0x1400;
	[sflag:s25] =	ssyncadd.s32 $0xFFFFC000  }
0x9b: {  	[spmem:s2] =	stream.indirect.scatter.add.f32 [tilespmem:s20], [sflag:$0x3], $0x80, s10, s23, $0xb8;
	[tilespmem:$0x1E800] =	vst v63  }
0x9c: {  	_ =	swait.ge [sflag:s21], $0x4000  }
0x9d: {  	[sflag:s21] =	ssyncset.done $0x0  }
0x9e: {  	s11 =	simm.s32 $0x100;
	[sflag:s21] =	ssyncadd.s32 $0xFFFFC000  }
0x9f: {  	[tilespmem:s20], [sflag:$0x1] =	stream.indirect.gather [hbm4b:s4+s23], $0x80, s11, s23, $0xb8;
	[tilespmem:$0x1E800] =	vst v63  }
0xa0: {  	_ =	swait.ge [sflag:s26], $0x4000  }
0xa1: {  	[sflag:s26] =	ssyncset.done $0x0  }
0xa2: {  	s12 =	simm.s32 $0x1480;
	[sflag:s26] =	ssyncadd.s32 $0xFFFFC000  }
0xa3: {  	[spmem:s2] =	stream.indirect.scatter.add.f32 [tilespmem:s24], [sflag:$0x3], $0x80, s12, s23, $0xb8;
	[tilespmem:$0x1E800] =	vst v63  }
0xa4: {  	_ =	swait.ge [sflag:s21], $0x4000  }
0xa5: {  	s0 =	simm.s32 $0x100;
	s1 =	simm.s32 $0x800;
	[sflag:s21] =	ssyncset.done $0x0  }
.LBB2_6:
0xa6: {  	s10 =	sadd.s32 $0x80, s0  }
0xa7: {  	[sflag:s21] =	ssyncadd.s32 $0xFFFFC000;
	s11 =	smov.u32 s1;
	s12 =	sadd.s32 $0x400, s1  }
0xa8: {  	[tilespmem:s24], [sflag:$0x2] =	stream.indirect.gather [hbm4b:s4+s23], $0x80, s10, s23, $0xb8;
	[tilespmem:$0x1E800] =	vst v63  }
0xa9: {  	p0 =	sne.s32 s1, $0x4800;
	_ =	swait.ge [sflag:s25], $0x4000  }
0xaa: {  	[sflag:s25] =	ssyncset.done $0x0  }
0xab: {  	s1 =	sadd.s32 $0x1400, s0;
	[sflag:s25] =	ssyncadd.s32 $0xFFFFC000  }
0xac: {  	[spmem:s2] =	stream.indirect.scatter.add.f32 [tilespmem:s20], [sflag:$0x3], $0x80, s1, s23, $0xb8;
	[tilespmem:$0x1E800] =	vst v63  }
0xad: {  	_ =	swait.ge [sflag:s21], $0x4000  }
0xae: {  	[sflag:s21] =	ssyncset.done $0x0  }
0xaf: {  	s1 =	sadd.s32 $0x100, s0;
	[sflag:s21] =	ssyncadd.s32 $0xFFFFC000  }
0xb0: {  	[tilespmem:s20], [sflag:$0x1] =	stream.indirect.gather [hbm4b:s4+s23], $0x80, s1, s23, $0xb8;
	[tilespmem:$0x1E800] =	vst v63  }
0xb1: {  	_ =	swait.ge [sflag:s26], $0x4000  }
.Ltmp2:
0xb2: {  	[sflag:s26] =	ssyncset.done $0x0;
	(pc) =	sbr.rel @p0 .LBB2_6-.Ltmp2, $4  }
0xb3: {  	s0 =	sadd.s32 $0x1480, s0;
	[sflag:s26] =	ssyncadd.s32 $0xFFFFC000  }
0xb4: {  	[spmem:s2] =	stream.indirect.scatter.add.f32 [tilespmem:s24], [sflag:$0x3], $0x80, s0, s23, $0xb8;
	[tilespmem:$0x1E800] =	vst v63  }
0xb5: {  	_ =	swait.ge [sflag:s21], $0x4000  }
0xb6: {  	s1 =	smov.u32 s12;
	s0 =	sshra.s32 s11, $0x2;
	[sflag:s21] =	ssyncset.done $0x0  }
0xb7: {  	s1 =	sadd.s32 $0x80, s0;
	[sflag:s21] =	ssyncadd.s32 $0xFFFFC000  }
0xb8: {  	[tilespmem:s24], [sflag:$0x2] =	stream.indirect.gather [hbm4b:s4+s23], $0x80, s1, s23, $0xb8;
	[tilespmem:$0x1E800] =	vst v63  }
0xb9: {  	_ =	swait.ge [sflag:s25], $0x4000  }
0xba: {  	[sflag:s25] =	ssyncset.done $0x0  }
0xbb: {  	s10 =	sadd.s32 $0x1400, s0;
	[sflag:s25] =	ssyncadd.s32 $0xFFFFC000  }
0xbc: {  	[spmem:s2] =	stream.indirect.scatter.add.f32 [tilespmem:s20], [sflag:$0x3], $0x80, s10, s23, $0xb8;
	[tilespmem:$0x1E800] =	vst v63  }
0xbd: {  	_ =	swait.ge [sflag:s21], $0x4000  }
0xbe: {  	[sflag:s21] =	ssyncset.done $0x0  }
0xbf: {  	s11 =	sadd.s32 $0x100, s0;
	[sflag:s21] =	ssyncadd.s32 $0xFFFFC000  }
0xc0: {  	[tilespmem:s20], [sflag:$0x1] =	stream.indirect.gather [hbm4b:s4+s23], $0x80, s11, s23, $0xb8;
	[tilespmem:$0x1E800] =	vst v63  }
0xc1: {  	_ =	swait.ge [sflag:s26], $0x4000  }
0xc2: {  	[sflag:s26] =	ssyncset.done $0x0  }
0xc3: {  	s12 =	sadd.s32 $0x1480, s0;
	[sflag:s26] =	ssyncadd.s32 $0xFFFFC000  }
0xc4: {  	[spmem:s2] =	stream.indirect.scatter.add.f32 [tilespmem:s24], [sflag:$0x3], $0x80, s12, s23, $0xb8;
	[tilespmem:$0x1E800] =	vst v63  }
0xc5: {  	_ =	swait.ge [sflag:s21], $0x4000  }
0xc6: {  	[sflag:s21] =	ssyncset.done $0x0  }
0xc7: {  	[sflag:s21] =	ssyncadd.s32 $0xFFFFC000  }
0xc8: {  	[tilespmem:s24], [sflag:$0x2] =	stream.indirect.gather [hbm4b:s4+s23], $0x80, s28, s23, $0xb8;
	[tilespmem:$0x1E800] =	vst v63  }
0xc9: {  	_ =	swait.ge [sflag:s25], $0x4000  }
0xca: {  	[sflag:s25] =	ssyncset.done $0x0  }
0xcb: {  	[sflag:s25] =	ssyncadd.s32 $0xFFFFC000  }
0xcc: {  	[spmem:s2] =	stream.indirect.scatter.add.f32 [tilespmem:s20], [sflag:$0x3], $0x80, s29, s23, $0xb8;
	[tilespmem:$0x1E800] =	vst v63  }
0xcd: {  	_ =	swait.ge [sflag:s21], $0x4000  }
0xce: {  	[sflag:s21] =	ssyncset.done $0x0  }
0xcf: {  	[sflag:s21] =	ssyncadd.s32 $0xFFFFC000  }
0xd0: {  	_ =	swait.ge [sflag:s26], $0x4000  }
0xd1: {  	[sflag:s26] =	ssyncset.done $0x0  }
0xd2: {  	[sflag:s26] =	ssyncadd.s32 $0xFFFFC000  }
0xd3: {  	[spmem:s2] =	stream.indirect.scatter.add.f32 [tilespmem:s24], [sflag:$0x3], $0x80, s30, s23, $0xb8;
	[tilespmem:$0x1E800] =	vst v63  }
0xd4: {  	_ =	swait.ge [sflag:s21], $0x4000  }
0xd5: {  	[sflag:s21] =	ssyncset.done $0x0  }
0xd6: {  	[sflag:s21] =	ssyncadd.s32 $0xFFFFC000  }
0xd7: {  	[bflag:$0x0] =	sbarrier.arrive $0xFFFF  }
0xd8: {  	[tilespmem:s20], [sflag:$0x3] =	stream.linear.gather [spmem:s5], $0x4000, $0x38;
	[tilespmem:$0x1E800] =	vst v63  }
0xd9: {  	_ =	swait.ge [sflag:s21], $0x4000  }
0xda: {  	[sflag:s21] =	ssyncset.done $0x0  }
0xdb: {  	[sflag:s21] =	ssyncadd.s32 $0xFFFFC000  }
0xdc: {  	[hbm4b:s14+s3] =	stream.linear.scatter [tilespmem:s20], [sflag:$0x1], $0x4000, $0x38;
	[tilespmem:$0x1E800] =	vst v63  }
0xdd: {  	_ = 	snop  }
0xde: {  	[tilespmem:s24], [sflag:$0x3] =	stream.linear.gather [spmem:s6], $0x4000, $0x38;
	[tilespmem:$0x1E800] =	vst v63  }
0xdf: {  	_ =	swait.ge [sflag:s21], $0x4000  }
0xe0: {  	[sflag:s21] =	ssyncset.done $0x0  }
0xe1: {  	[sflag:s21] =	ssyncadd.s32 $0xFFFFC000  }
0xe2: {  	[hbm4b:s15+s3] =	stream.linear.scatter [tilespmem:s24], [sflag:$0x2], $0x4000, $0x38;
	[tilespmem:$0x1E800] =	vst v63  }
0xe3: {  	_ =	swait.ge [sflag:s25], $0x4000  }
0xe4: {  	[sflag:s25] =	ssyncset.done $0x0  }
0xe5: {  	[sflag:s25] =	ssyncadd.s32 $0xFFFFC000  }
0xe6: {  	[tilespmem:s20], [sflag:$0x3] =	stream.linear.gather [spmem:s7], $0x4000, $0x38;
	[tilespmem:$0x1E800] =	vst v63  }
0xe7: {  	_ =	swait.ge [sflag:s21], $0x4000  }
0xe8: {  	[sflag:s21] =	ssyncset.done $0x0  }
0xe9: {  	[sflag:s21] =	ssyncadd.s32 $0xFFFFC000  }
0xea: {  	[hbm4b:s16+s3] =	stream.linear.scatter [tilespmem:s20], [sflag:$0x1], $0x4000, $0x38;
	[tilespmem:$0x1E800] =	vst v63  }
0xeb: {  	_ =	swait.ge [sflag:s26], $0x4000  }
0xec: {  	[sflag:s26] =	ssyncset.done $0x0  }
0xed: {  	[sflag:s26] =	ssyncadd.s32 $0xFFFFC000  }
0xee: {  	[tilespmem:s24], [sflag:$0x3] =	stream.linear.gather [spmem:s8], $0x4000, $0x38;
	[tilespmem:$0x1E800] =	vst v63  }
0xef: {  	_ =	swait.ge [sflag:s21], $0x4000  }
0xf0: {  	[sflag:s21] =	ssyncset.done $0x0  }
0xf1: {  	[sflag:s21] =	ssyncadd.s32 $0xFFFFC000  }
0xf2: {  	[hbm4b:s17+s3] =	stream.linear.scatter [tilespmem:s24], [sflag:$0x2], $0x4000, $0x38;
	[tilespmem:$0x1E800] =	vst v63  }
0xf3: {  	_ =	swait.ge [sflag:s25], $0x4000  }
0xf4: {  	[sflag:s25] =	ssyncset.done $0x0  }
0xf5: {  	[sflag:s25] =	ssyncadd.s32 $0xFFFFC000  }
0xf6: {  	[tilespmem:s20], [sflag:$0x3] =	stream.linear.gather [spmem:s9], $0x4000, $0x38;
	[tilespmem:$0x1E800] =	vst v63  }
0xf7: {  	_ =	swait.ge [sflag:s21], $0x4000  }
0xf8: {  	[sflag:s21] =	ssyncset.done $0x0  }
0xf9: {  	s31 =	sadd.s32 $0x1, s31;
	[sflag:s21] =	ssyncadd.s32 $0xFFFFC000  }
0xfa: {  	[hbm4b:s18+s3] =	stream.linear.scatter [tilespmem:s20], [sflag:$0x1], $0x4000, $0x38;
	[tilespmem:$0x1E800] =	vst v63  }
0xfb: {  	p0 =	sne.s32 s31, s19;
	_ =	swait.ge [sflag:s26], $0x4000  }
.Ltmp3:
0xfc: {  	[sflag:s26] =	ssyncset.done $0x0;
	(pc) =	sbr.rel @p0 .LBB2_1-.Ltmp3, $4  }
0xfd: {  	[sflag:s26] =	ssyncadd.s32 $0xFFFFC000  }
0xfe: {  	_ =	swait.ge [sflag:s25], $0x4000  }
0xff: {  	[sflag:s25] =	ssyncset.done $0x0  }
0x100: {  	[sflag:s25] =	ssyncadd.s32 $0xFFFFC000  }
0x101: {  	_ =	sfence.sel $0x180000  }
0x102: {  	[bflag:$0x0] =	sbarrier.arrive $0xFFFF  }
0x103: {  	_ =	strace $0x9000004A  }
0x104: {  	s0 =	stileid.u32;
	[bflag:$0x2] =	sbarrier.arrive $0xFFFF  }
0x105: {  	p0 =	sne.s32 s0, $0x0;
	s0 =	rddreg [dreg:$0x3]  }
0x106: {  	s0 =	sadd.s32 @!p0 $0x100000, s0  }
0x107: {  	[sflag:s0] =	ssyncadd.tile.s32 @!p0 $0x1;
	_ =	shalt  }
.Lfunc_end2:
_tile_overlayer_lowered:
.L_overlay_start_2:
0x108: {  	(tag) =	ssettag $0x2  }
0x109: {  	s0 =	rddreg [dreg:$0x0];
	s2 =	stileid.u32  }
0x10a: {  	s1 =	rddreg [dreg:$0x1];
	p0 =	sne.s32 s2, $0x0  }
0x10b: {  	s3 =	rddreg [dreg:$0x2];
	[bflag:$0x3] =	sbarrier.arrive $0xFFFF;
	s2 =	simm.s32 @!p0 $0x1C03  }
0x10c: {  	[timem:s3], [sflag:s2] =	dma.local @!p0 [hbm:s0], s1  }
0x10d: {  	s0 =	simm.s32 @!p0 $0x3  }
0x10e: {  	_ =	swait.ge @!p0 [sflag:s0], s1  }
0x10f: {  	s1 =	ssub.s32 @!p0 $0x0, s1;
	[sflag:s0] =	ssyncset.done @!p0 $0x0  }
0x110: {  	[sflag:s0] =	ssyncadd.s32 @!p0 s1  }
0x111: {  	[bflag:$0x3] =	sbarrier.arrive $0xFFFF  }
0x112: {  	_ =	shalt  }

// kernel: _run.14.cloned.1.call-start
scs
__scs_entry_jumppad:
0x0: {  	(pc) =	sbr.rel $0x88, $3  }
0x1: {  	(tag) =	ssettag $0x0;
	lr =	simm.s32 $0x1  }
0x2: {  	[smem:$0x3F97] =	sst lr;
	_ =	strace $0xD0000000  }
0x3: {  	_ = 	snop  }
0x4: {  	_ = 	snop  }
0x5: {  	_ = 	snop  }
0x6: {  	_ = 	snop  }
0x7: {  	_ = 	snop  }
__scs_overlays_trampoline_lowered:
0x8: {  	[smem:$0x3FA6] =	sst s0  }
0x9: {  	[smem:$0x3FA7] =	sst s1  }
0xa: {  	[smem:$0x3FA8] =	sst s2  }
0xb: {  	[smem:$0x3FA9] =	sst s3  }
0xc: {  	[smem:$0x3FAA] =	sst s4  }
0xd: {  	[smem:$0x3FAB] =	sst s5  }
0xe: {  	[smem:$0x3FAC] =	sst s6  }
0xf: {  	[smem:$0x3FAD] =	sst s7  }
0x10: {  	[smem:$0x3FAE] =	sst s8  }
0x11: {  	[smem:$0x3FAF] =	sst s9;
	s0 =	simm.s32 @!p0 $0x0  }
0x12: {  	s1 =	sld [smem:$0x3F95];
	s0 =	simm.s32 @p0 $0x1  }
0x13: {  	[smem:$0x3FB0] =	sst s0;
	s0 =	simm.s32 @!p1 $0x0  }
0x14: {  	s2 =	sld [smem:$0x3F94];
	s0 =	simm.s32 @p1 $0x1  }
0x15: {  	[smem:$0x3FB1] =	sst s0;
	s0 =	simm.s32 @!p2 $0x0  }
0x16: {  	s3 =	sld [smem:$0x3FDB];
	s0 =	simm.s32 @p2 $0x1  }
0x17: {  	s4 =	simm.s32 $0x1BF5;
	[smem:$0x3FB3] =	sst s0  }
0x18: {  	s0 =	sld [smem:$0x3F96];
	_ =	swait.ge [sflag:s4], $0x0  }
0x19: {  	s7 =	sld [smem:$0x3F97]  }
0x1a: {  	s8 =	sadd.s32 $0xFFFFE003, lr  }
0x1b: {  	s9 =	sadd.s32 $0xFFFFFEF7, lr;
	s5 =	simm.s32 $0xFFFFFFFF;
	p2 =	slt.u32 s8, $0xFFFFF086  }
0x1c: {  	p1 =	slt.u32 s9, $0xF7A;
	s5 =	simm.s32 @!p2 $0x0  }
0x1d: {  	s5 =	simm.s32 @p1 $0x1;
	p0 =	seq.s32 s7, s2  }
0x1e: {  	s7 =	smul.u32 @!p0 $0xF7A, s2;
	p2 =	seq.s32 @!p0 s5, $0x0  }
0x1f: {  	s9 =	smul.u32 $0xF7A, s1;
	s8 =	simm.s32 @!p0 $0x1BF5;
	p2 =	por !p2, p0  }
0x20: {  	[sflag:s8] =	ssyncset.s32 @!p0 $0xFFFFF086;
	s6 =	sadd.s32 @!p0 s3, s7;
	s7 =	simm.s32 @!p0 $0x108  }
0x21: {  	s3 =	sadd.s32 s3, s9;
	s6 =	sadd.s32 @!p0 $0x88, s6;
	s7 =	simm.s32 @p2 $0x1082  }
0x22: {  	[simem:s7], [sflag:s8] =	dma.local @!p0 [hbm:s6], $0xF7A  }
0x23: {  	s9 =	sor.u32 $0xD0000000, s2;
	s6 =	simm.s32 $0x108;
	_ =	swait.ge @!p0 [sflag:s8], $0x0  }
0x24: {  	s3 =	sadd.s32 $0x88, s3;
	s6 =	simm.s32 @!p1 $0x1082;
	[sflag:s4] =	ssyncset.s32 $0xFFFFF086  }
0x25: {  	[simem:s6], [sflag:s4] =	dma.local [hbm:s3], $0xF7A  }
0x26: {  	[smem:$0x3F97] =	sst s1;
	(tag) =	ssettag s2;
	_ =	strace s9  }
0x27: {  	s1 =	sld [smem:$0x3FA7]  }
0x28: {  	s2 =	sld [smem:$0x3FA8]  }
0x29: {  	s4 =	sld [smem:$0x3FAA]  }
0x2a: {  	p0 =	seq.s32 s5, $0x0;
	s5 =	sld [smem:$0x3FAB]  }
0x2b: {  	s6 =	sld [smem:$0x3FAC]  }
0x2c: {  	s7 =	sld [smem:$0x3FAD]  }
0x2d: {  	s3 =	simm.s32 $0x108;
	s8 =	sld [smem:$0x3FAE]  }
0x2e: {  	s3 =	simm.s32 @!p0 $0x1082;
	s9 =	sld [smem:$0x3FAF]  }
0x2f: {  	lr =	sadd.s32 s0, s3;
	s0 =	sld [smem:$0x3FA6]  }
0x30: {  	s3 =	sld [smem:$0x3FA9]  }
0x31: {  	[smem:$0x3FB2] =	sst s10  }
0x32: {  	s10 =	sld [smem:$0x3FB0];
	_ =	sdelay $0x3  }
0x33: {  	p0 =	seq.s32 s10, $0x1;
	s10 =	sld [smem:$0x3FB2];
	_ =	sdelay $0x3  }
0x34: {  	[smem:$0x3FB2] =	sst s10  }
0x35: {  	s10 =	sld [smem:$0x3FB1];
	_ =	sdelay $0x3  }
0x36: {  	p1 =	seq.s32 s10, $0x1;
	s10 =	sld [smem:$0x3FB2];
	_ =	sdelay $0x3  }
0x37: {  	[smem:$0x3FB2] =	sst s10  }
0x38: {  	s10 =	sld [smem:$0x3FB3]  }
0x39: {  	_ = 	snop;
	(pc) =	sbr.ind lr, $3  }
0x3a: {  	_ = 	snop  }
0x3b: {  	_ = 	snop  }
0x3c: {  	p2 =	seq.s32 s10, $0x1;
	s10 =	sld [smem:$0x3FB2]  }
0x3d: {  	_ =	shalt  }
0x3e: {  	_ =	shalt  }
0x3f: {  	_ =	shalt  }
0x40: {  	_ =	shalt  }
0x41: {  	_ =	shalt  }
0x42: {  	_ =	shalt  }
0x43: {  	_ =	shalt  }
0x44: {  	_ =	shalt  }
0x45: {  	_ =	shalt  }
0x46: {  	_ =	shalt  }
0x47: {  	_ =	shalt  }
0x48: {  	_ =	shalt  }
0x49: {  	_ =	shalt  }
0x4a: {  	_ =	shalt  }
0x4b: {  	_ =	shalt  }
0x4c: {  	_ =	shalt  }
0x4d: {  	_ =	shalt  }
0x4e: {  	_ =	shalt  }
0x4f: {  	_ =	shalt  }
0x50: {  	_ =	shalt  }
0x51: {  	_ =	shalt  }
0x52: {  	_ =	shalt  }
0x53: {  	_ =	shalt  }
0x54: {  	_ =	shalt  }
0x55: {  	_ =	shalt  }
0x56: {  	_ =	shalt  }
0x57: {  	_ =	shalt  }
0x58: {  	_ =	shalt  }
0x59: {  	_ =	shalt  }
0x5a: {  	_ =	shalt  }
0x5b: {  	_ =	shalt  }
0x5c: {  	_ =	shalt  }
0x5d: {  	_ =	shalt  }
0x5e: {  	_ =	shalt  }
0x5f: {  	_ =	shalt  }
0x60: {  	_ =	shalt  }
0x61: {  	_ =	shalt  }
0x62: {  	_ =	shalt  }
0x63: {  	_ =	shalt  }
0x64: {  	_ =	shalt  }
0x65: {  	_ =	shalt  }
0x66: {  	_ =	shalt  }
0x67: {  	_ =	shalt  }
0x68: {  	_ =	shalt  }
0x69: {  	_ =	shalt  }
0x6a: {  	_ =	shalt  }
0x6b: {  	_ =	shalt  }
0x6c: {  	_ =	shalt  }
0x6d: {  	_ =	shalt  }
0x6e: {  	_ =	shalt  }
0x6f: {  	_ =	shalt  }
0x70: {  	_ =	shalt  }
0x71: {  	_ =	shalt  }
0x72: {  	_ =	shalt  }
0x73: {  	_ =	shalt  }
0x74: {  	_ =	shalt  }
0x75: {  	_ =	shalt  }
0x76: {  	_ =	shalt  }
0x77: {  	_ =	shalt  }
0x78: {  	_ =	shalt  }
0x79: {  	_ =	shalt  }
0x7a: {  	_ =	shalt  }
0x7b: {  	_ =	shalt  }
0x7c: {  	_ =	shalt  }
0x7d: {  	_ =	shalt  }
0x7e: {  	_ =	shalt  }
0x7f: {  	_ =	shalt  }
0x80: {  	_ =	shalt  }
0x81: {  	_ =	shalt  }
0x82: {  	_ =	shalt  }
0x83: {  	_ =	shalt  }
0x84: {  	_ =	shalt  }
0x85: {  	_ =	shalt  }
0x86: {  	_ =	shalt  }
0x87: {  	_ =	shalt  }
.Lfunc_end0:
.L_simem_size_0:
called_computation.2_lowered:
.L_overlay_start_0:
0x88: {  	s2 =	sld [smem:$0x3FD9]  }
0x89: {  	s3 =	sld [smem:$0x3FFE];
	_ =	sdelay $0x1  }
0x8a: {  	s1 =	srdreg.scid  }
0x8b: {  	s0 =	sand.u32 $0x1, s1  }
0x8c: {  	s17 =	sshll.u32 s0, $0xA;
	s2 =	sadd.s32 s3, s2  }
0x8d: {  	s2 =	sadd.s32 s2, s17  }
0x8e: {  	[smem:$0x3FBE] =	sst s2  }
0x8f: {  	_ = 	snop  }
0x90: {  	s2 =	sld [smem:$0x3FD0];
	(tm) =	ssettm $0x1  }
0x91: {  	s18 =	sld [smem:$0x3FFB];
	_ =	sdelay $0x3  }
0x92: {  	_ =	strace s18  }
0x93: {  	s3 =	sld [smem:$0x3FFC];
	_ =	sdelay $0x3  }
0x94: {  	_ =	strace s3  }
0x95: {  	s3 =	sld [smem:$0x3FFD];
	_ =	sdelay $0x3  }
0x96: {  	_ =	strace s3  }
0x97: {  	_ =	strace $0x8FFFFFFF  }
0x98: {  	s19 =	sld [smem:$0x3FDB];
	_ =	sdelay $0x1  }
0x99: {  	s4 =	simm.s32 $_scs_section_size  }
0x9a: {  	s5 =	simm.s32 $_size__tile_overlayer_lowered;
	s6 =	simm.s32 $_tile_overlayer_lowered  }
0x9b: {  	s22 =	simm.s32 $0x1BFF;
	s21 =	sshll.u32 s6, $0x1;
	s3 =	sadd.s32 s4, s19  }
0x9c: {  	s7 =	simm.s32 $0x0;
	s20 =	sshll.u32 s5, $0x1;
	s5 =	sadd.s32 s21, s3  }
0x9d: {  	[timem:s7], [sflag:s22] =	dma.local [hbm:s5], s20  }
0x9e: {  	_ =	swait.ge [sflag:s22], s20  }
0x9f: {  	s4 =	ssub.s32 $0x0, s20;
	[sflag:s22] =	ssyncset.done $0x0  }
0xa0: {  	[sflag:s22] =	ssyncadd.s32 s4;
	_ =	sdelay $0x1  }
0xa1: {  	s23 =	simm.s32 $0x1B8B  }
0xa2: {  	_ =	swait.ge [sflag:s23], $0x1  }
0xa3: {  	[sflag:s23] =	ssyncset.done $0x0  }
0xa4: {  	s25 =	simm.s32 $0x1B8E;
	s24 =	sld [smem:$0x3FFE];
	[sflag:s23] =	ssyncadd.s32 $0xFFFFFFFF  }
0xa5: {  	s26 =	simm.s32 $execute0_lowered;
	[smem:$0x3FD2] =	sst s25  }
0xa6: {  	s5 =	sshll.u32 s26, $0x1;
	_ =	strace $0x8000004C;
	[dreg:$0x1] =	wrdreg $0xFFFFFFFF  }
0xa7: {  	s28 =	simm.s32 $_size_execute0_lowered;
	s3 =	sadd.s32 s3, s5;
	[dreg:$0x0] =	wrdreg $0x0  }
0xa8: {  	s5 =	sshll.u32 s28, $0x1;
	[dreg:$0x2] =	wrdreg s3  }
0xa9: {  	[dreg:$0x3] =	wrdreg s5  }
0xaa: {  	[dreg:$0x4] =	wrdreg $0xC0  }
0xab: {  	_ =	task [dreg:s7], $0x5FFFF  }
0xac: {  	[dreg:$0x1] =	wrdreg $0xFFFFFFFF  }
0xad: {  	[dreg:$0x0] =	wrdreg $0x60  }
0xae: {  	[dreg:$0x2] =	wrdreg s24  }
0xaf: {  	[dreg:$0x3] =	wrdreg s2  }
0xb0: {  	[dreg:$0x4] =	wrdreg $0xA8000  }
0xb1: {  	[dreg:$0x5] =	wrdreg $0x9  }
0xb2: {  	_ =	task.clear_ibuf [dreg:s7], $0x6FFFF;
	_ =	strace $0x9000004C  }
0xb3: {  	s29 =	simm.s32 $0x9;
	_ =	strace $0x8000004E  }
0xb4: {  	_ =	swait.ge [sflag:s29], $0x1  }
0xb5: {  	[sflag:s29] =	ssyncadd.s32 $0xFFFFFFFF  }
0xb6: {  	_ =	strace $0x9000004E  }
0xb7: {  	_ =	sfence  }
0xb8: {  	s30 =	sld [smem:$0x0];
	_ =	sdelay $0x2  }
0xb9: {  	s31 =	sshll.u32 s1, $0xD;
	s1 =	sshrl.u32 s1, $0x2  }
0xba: {  	s3 =	sand.u32 $0x4000, s31;
	s1 =	sadd.s32 s1, s30  }
0xbb: {  	s0 =	sor.u32 s3, s0;
	s1 =	sshll.u32 s1, $0x11  }
0xbc: {  	s0 =	sor.u32 s1, s0  }
0xbd: {  	s0 =	sadd.s32 $0x8F2B, s0  }
0xbe: {  	[sflag:s0] =	ssyncadd.remote.s32 $0x1  }
0xbf: {  	_ =	sfence.sel $0xFFFF  }
0xc0: {  	[dreg:$0x0] =	wrdreg $0xFFFFFFFF;
	(pc) =	sbr.abs _section_cstart, $3  }
0xc1: {  	[dreg:$0x1] =	wrdreg $0xFFFFFFFF  }
0xc2: {  	_ =	task.clear_ibuf [dreg:s7], $0x2FFFF;
	_ =	strace $0x9FFFFFFF  }
0xc3: {  	(tm) =	ssettm $0x7FFFFFFF  }
tec
execute0_lowered:
.L_overlay_start_1:
0x0: {  	(tag) =	ssettag $0x1  }
0x1: {  	s0 =	rddreg [dreg:$0x0]  }
0x2: {  	s1 =	rddreg [dreg:$0x1]  }
0x3: {  	s2 =	rddreg [dreg:$0x2]  }
0x4: {  	s3 =	simm.s32 $0x0;
	s8 =	stileid.u32;
	s5 =	srdreg.scid  }
0x5: {  	s28 =	simm.s32 $0x1380;
	s29 =	simm.s32 $0x2700;
	s30 =	simm.s32 $0x2780  }
0x6: {  	s31 =	simm.s32 $0x0;
	[smem:$0x7FF] =	sst s3;
	s13 =	smul.u32 $0x280, s8  }
0x7: {  	s4 =	sadd.s32 $0x7400, s0;
	s10 =	sand.u32 $0x1, s5;
	s24 =	smul.u32 $0x50000, s8  }
0x8: {  	s14 =	sadd.s32 $0x2400, s0;
	s0 =	sadd.s32 $0x57400, s0;
	s12 =	smul.u32 $0x2800, s8  }
0x9: {  	_ =	strace $0x8000004D;
	s6 =	ssub.s32 $0x2, s10;
	s11 =	smul.u32 $0x28000, s10  }
0xa: {  	s23 =	smul.u32 $0x2800, s10;
	s7 =	sshrl.u32 s6, $0x1;
	s5 =	sshrl.u32 s24, $0x2  }
0xb: {  	s15 =	sadd.s32 $0x80, s13;
	s16 =	sadd.s32 $0x100, s13;
	s17 =	sadd.s32 $0x180, s13  }
0xc: {  	s18 =	sadd.s32 $0x200, s13;
	s21 =	sadd.s32 $0x1400, s12;
	s19 =	ssub.s32 s6, s7  }
0xd: {  	s5 =	sadd.s32 s5, s2;
	s25 =	sshll.u32 s15, $0x7;
	s26 =	sshll.u32 s16, $0x7  }
0xe: {  	s9 =	sshll.u32 s17, $0x7;
	s20 =	sadd.s32 s12, s11;
	s12 =	sshrl.u32 s12, $0x3  }
0xf: {  	s22 =	sadd.s32 s11, s21;
	s10 =	sadd.s32 s23, s15;
	s11 =	sshrl.u32 s21, $0x3  }
0x10: {  	s21 =	sadd.s32 s23, s16;
	s6 =	sadd.s32 s25, s2;
	s7 =	sadd.s32 s26, s2  }
0x11: {  	s8 =	sadd.s32 s9, s2;
	s9 =	sshll.u32 s18, $0x7;
	s20 =	sshrl.u32 s20, $0x3  }
0x12: {  	s24 =	sadd.s32 s14, s12;
	s25 =	sshrl.u32 s22, $0x3;
	s26 =	sadd.s32 s13, s23  }
0x13: {  	s12 =	sshll.u32 s10, $0x4;
	s13 =	sadd.s32 s14, s11;
	s22 =	sadd.s32 s23, s17  }
0x14: {  	s19 =	smax.u32 s19, $0x1;
	s9 =	sadd.s32 s9, s2;
	s20 =	sadd.s32 s1, s20  }
0x15: {  	[dreg:$0x5] =	wrdreg s24;
	s1 =	sadd.s32 s1, s25;
	s15 =	sadd.s32 s0, s12  }
0x16: {  	s24 =	sadd.s32 s23, s18;
	s25 =	sshll.u32 s22, $0x4;
	[dreg:$0x4] =	wrdreg s20  }
0x17: {  	s22 =	simm.s32 $0x1400;
	s23 =	simm.s32 $0x80;
	[dreg:$0x6] =	wrdreg s1  }
0x18: {  	s1 =	sshll.u32 s26, $0x4;
	s26 =	sshll.u32 s24, $0x4;
	s17 =	sadd.s32 s0, s25  }
0x19: {  	s20 =	simm.s32 $0x2800;
	s24 =	simm.s32 $0x6800;
	s25 =	simm.s32 $0x1  }
0x1a: {  	s14 =	sadd.s32 s0, s1;
	s1 =	sshll.u32 s21, $0x4;
	s18 =	sadd.s32 s0, s26  }
0x1b: {  	v0 =	vimm.f32 $0.0e+00;
	s21 =	simm.s32 $0x3;
	s26 =	simm.s32 $0x2;
	s16 =	sadd.s32 s0, s1  }
.LBB2_1:
0x1c: {  	s0 =	simm.s32 $0x0;
	s1 =	simm.s32 $0x200  }
.LBB2_2:
0x1d: {  	p0 =	sne.s32 s1, $0xFE00;
	[tilespmem:s0+$0x2870] =	vst v0  }
0x1e: {  	[tilespmem:s0+$0x2800] =	vst v0  }
0x1f: {  	[tilespmem:s0+$0x2810] =	vst v0  }
.Ltmp0:
0x20: {  	[tilespmem:s0+$0x2820] =	vst v0;
	(pc) =	sbr.rel @p0 .LBB2_2-.Ltmp0, $4  }
0x21: {  	[tilespmem:s0+$0x2830] =	vst v0  }
0x22: {  	[tilespmem:s0+$0x2840] =	vst v0  }
0x23: {  	[tilespmem:s0+$0x2850] =	vst v0  }
0x24: {  	[tilespmem:s0+$0x2860] =	vst v0;
	s0 =	sshra.s32 s1, $0x2;
	s1 =	sadd.s32 $0x200, s1  }
0x25: {  	[tilespmem:s0+$0x2870] =	vst v0  }
0x26: {  	[tilespmem:s0+$0x2800] =	vst v0  }
0x27: {  	[tilespmem:s0+$0x2810] =	vst v0  }
0x28: {  	[tilespmem:s0+$0x2820] =	vst v0  }
0x29: {  	[tilespmem:s0+$0x2830] =	vst v0  }
0x2a: {  	[tilespmem:s0+$0x2840] =	vst v0  }
0x2b: {  	[tilespmem:s0+$0x2850] =	vst v0  }
0x2c: {  	[tilespmem:s0+$0x2860] =	vst v0  }
0x2d: {  	[spmem:s5] =	stream.linear.scatter [tilespmem:s20], [sflag:$0x3], $0x4000, $0x38;
	[tilespmem:$0x1E800] =	vst v63  }
0x2e: {  	_ =	swait.ge [sflag:s21], $0x4000  }
0x2f: {  	[sflag:s21] =	ssyncset.done $0x0  }
0x30: {  	[sflag:s21] =	ssyncadd.s32 $0xFFFFC000  }
0x31: {  	[spmem:s6] =	stream.linear.scatter [tilespmem:s20], [sflag:$0x3], $0x4000, $0x38;
	[tilespmem:$0x1E800] =	vst v63  }
0x32: {  	_ =	swait.ge [sflag:s21], $0x4000  }
0x33: {  	[sflag:s21] =	ssyncset.done $0x0  }
0x34: {  	[sflag:s21] =	ssyncadd.s32 $0xFFFFC000  }
0x35: {  	[spmem:s7] =	stream.linear.scatter [tilespmem:s20], [sflag:$0x3], $0x4000, $0x38;
	[tilespmem:$0x1E800] =	vst v63  }
0x36: {  	_ =	swait.ge [sflag:s21], $0x4000  }
0x37: {  	[sflag:s21] =	ssyncset.done $0x0  }
0x38: {  	[sflag:s21] =	ssyncadd.s32 $0xFFFFC000  }
0x39: {  	[spmem:s8] =	stream.linear.scatter [tilespmem:s20], [sflag:$0x3], $0x4000, $0x38;
	[tilespmem:$0x1E800] =	vst v63  }
0x3a: {  	_ =	swait.ge [sflag:s21], $0x4000  }
0x3b: {  	[sflag:s21] =	ssyncset.done $0x0  }
0x3c: {  	[sflag:s21] =	ssyncadd.s32 $0xFFFFC000  }
0x3d: {  	[spmem:s9] =	stream.linear.scatter [tilespmem:s20], [sflag:$0x3], $0x4000, $0x38;
	[tilespmem:$0x1E800] =	vst v63  }
0x3e: {  	_ =	swait.ge [sflag:s21], $0x4000  }
0x3f: {  	[sflag:s21] =	ssyncset.done $0x0  }
0x40: {  	[sflag:s21] =	ssyncadd.s32 $0xFFFFC000  }
0x41: {  	[bflag:$0x0] =	sbarrier.arrive $0xFFFF  }
0x42: {  	s11 =	simm.s32 $0x0;
	s1 =	rddreg [dreg:$0x4]  }
0x43: {  	[tilespmem:s11], [sflag:$0x3] =	stream.linear.gather [hbm4b:s1+s11], $0x1400, $0x38;
	[tilespmem:$0x1E800] =	vst v63  }
0x44: {  	_ =	swait.ge [sflag:s21], $0x1400  }
0x45: {  	[sflag:s21] =	ssyncset.done $0x0  }
0x46: {  	s12 =	rddreg [dreg:$0x5];
	[sflag:s21] =	ssyncadd.s32 $0xFFFFEC00  }
0x47: {  	[tilespmem:s22], [sflag:$0x3] =	stream.linear.gather [hbm4b:s12+s11], $0x1400, $0x38;
	[tilespmem:$0x1E800] =	vst v63  }
0x48: {  	_ =	swait.ge [sflag:s21], $0x1400  }
0x49: {  	[sflag:s21] =	ssyncset.done $0x0  }
0x4a: {  	[sflag:s21] =	ssyncadd.s32 $0xFFFFEC00  }
0x4b: {  	[tilespmem:s20], [sflag:$0x1] =	stream.indirect.gather [hbm4b:s4+s23], $0x80, s11, s23, $0xb8;
	[tilespmem:$0x1E800] =	vst v63  }
0x4c: {  	s1 =	simm.s32 $0x80  }
0x4d: {  	[tilespmem:s24], [sflag:$0x2] =	stream.indirect.gather [hbm4b:s4+s23], $0x80, s1, s23, $0xb8;
	[tilespmem:$0x1E800] =	vst v63  }
0x4e: {  	_ =	swait.ge [sflag:s25], $0x4000  }
0x4f: {  	[sflag:s25] =	ssyncset.done $0x0  }
0x50: {  	s10 =	simm.s32 $0x1400;
	[sflag:s25] =	ssyncadd.s32 $0xFFFFC000  }
0x51: {  	[spmem:s2] =	stream.indirect.scatter.add.f32 [tilespmem:s20], [sflag:$0x3], $0x80, s10, s23, $0xb8;
	[tilespmem:$0x1E800] =	vst v63  }
0x52: {  	_ =	swait.ge [sflag:s21], $0x4000  }
0x53: {  	[sflag:s21] =	ssyncset.done $0x0  }
0x54: {  	s11 =	simm.s32 $0x100;
	[sflag:s21] =	ssyncadd.s32 $0xFFFFC000  }
0x55: {  	[tilespmem:s20], [sflag:$0x1] =	stream.indirect.gather [hbm4b:s4+s23], $0x80, s11, s23, $0xb8;
	[tilespmem:$0x1E800] =	vst v63  }
0x56: {  	_ =	swait.ge [sflag:s26], $0x4000  }
0x57: {  	[sflag:s26] =	ssyncset.done $0x0  }
0x58: {  	s12 =	simm.s32 $0x1480;
	[sflag:s26] =	ssyncadd.s32 $0xFFFFC000  }
0x59: {  	[spmem:s2] =	stream.indirect.scatter.add.f32 [tilespmem:s24], [sflag:$0x3], $0x80, s12, s23, $0xb8;
	[tilespmem:$0x1E800] =	vst v63  }
0x5a: {  	_ =	swait.ge [sflag:s21], $0x4000  }
0x5b: {  	s0 =	simm.s32 $0x100;
	s1 =	simm.s32 $0x800;
	[sflag:s21] =	ssyncset.done $0x0  }
.LBB2_4:
0x5c: {  	s10 =	sadd.s32 $0x80, s0  }
0x5d: {  	[sflag:s21] =	ssyncadd.s32 $0xFFFFC000;
	s11 =	smov.u32 s1;
	s12 =	sadd.s32 $0x400, s1  }
0x5e: {  	[tilespmem:s24], [sflag:$0x2] =	stream.indirect.gather [hbm4b:s4+s23], $0x80, s10, s23, $0xb8;
	[tilespmem:$0x1E800] =	vst v63  }
0x5f: {  	p0 =	sne.s32 s1, $0x4800;
	_ =	swait.ge [sflag:s25], $0x4000  }
0x60: {  	[sflag:s25] =	ssyncset.done $0x0  }
0x61: {  	s1 =	sadd.s32 $0x1400, s0;
	[sflag:s25] =	ssyncadd.s32 $0xFFFFC000  }
0x62: {  	[spmem:s2] =	stream.indirect.scatter.add.f32 [tilespmem:s20], [sflag:$0x3], $0x80, s1, s23, $0xb8;
	[tilespmem:$0x1E800] =	vst v63  }
0x63: {  	_ =	swait.ge [sflag:s21], $0x4000  }
0x64: {  	[sflag:s21] =	ssyncset.done $0x0  }
0x65: {  	s1 =	sadd.s32 $0x100, s0;
	[sflag:s21] =	ssyncadd.s32 $0xFFFFC000  }
0x66: {  	[tilespmem:s20], [sflag:$0x1] =	stream.indirect.gather [hbm4b:s4+s23], $0x80, s1, s23, $0xb8;
	[tilespmem:$0x1E800] =	vst v63  }
0x67: {  	_ =	swait.ge [sflag:s26], $0x4000  }
.Ltmp1:
0x68: {  	[sflag:s26] =	ssyncset.done $0x0;
	(pc) =	sbr.rel @p0 .LBB2_4-.Ltmp1, $4  }
0x69: {  	s0 =	sadd.s32 $0x1480, s0;
	[sflag:s26] =	ssyncadd.s32 $0xFFFFC000  }
0x6a: {  	[spmem:s2] =	stream.indirect.scatter.add.f32 [tilespmem:s24], [sflag:$0x3], $0x80, s0, s23, $0xb8;
	[tilespmem:$0x1E800] =	vst v63  }
0x6b: {  	_ =	swait.ge [sflag:s21], $0x4000  }
0x6c: {  	s1 =	smov.u32 s12;
	s0 =	sshra.s32 s11, $0x2;
	[sflag:s21] =	ssyncset.done $0x0  }
0x6d: {  	s1 =	sadd.s32 $0x80, s0;
	[sflag:s21] =	ssyncadd.s32 $0xFFFFC000  }
0x6e: {  	[tilespmem:s24], [sflag:$0x2] =	stream.indirect.gather [hbm4b:s4+s23], $0x80, s1, s23, $0xb8;
	[tilespmem:$0x1E800] =	vst v63  }
0x6f: {  	_ =	swait.ge [sflag:s25], $0x4000  }
0x70: {  	[sflag:s25] =	ssyncset.done $0x0  }
0x71: {  	s11 =	sadd.s32 $0x1400, s0;
	[sflag:s25] =	ssyncadd.s32 $0xFFFFC000  }
0x72: {  	[spmem:s2] =	stream.indirect.scatter.add.f32 [tilespmem:s20], [sflag:$0x3], $0x80, s11, s23, $0xb8;
	[tilespmem:$0x1E800] =	vst v63  }
0x73: {  	_ =	swait.ge [sflag:s21], $0x4000  }
0x74: {  	[sflag:s21] =	ssyncset.done $0x0  }
0x75: {  	s12 =	sadd.s32 $0x100, s0;
	[sflag:s21] =	ssyncadd.s32 $0xFFFFC000  }
0x76: {  	[tilespmem:s20], [sflag:$0x1] =	stream.indirect.gather [hbm4b:s4+s23], $0x80, s12, s23, $0xb8;
	[tilespmem:$0x1E800] =	vst v63  }
0x77: {  	_ =	swait.ge [sflag:s26], $0x4000  }
0x78: {  	[sflag:s26] =	ssyncset.done $0x0  }
0x79: {  	s10 =	sadd.s32 $0x1480, s0;
	[sflag:s26] =	ssyncadd.s32 $0xFFFFC000  }
0x7a: {  	[spmem:s2] =	stream.indirect.scatter.add.f32 [tilespmem:s24], [sflag:$0x3], $0x80, s10, s23, $0xb8;
	[tilespmem:$0x1E800] =	vst v63  }
0x7b: {  	_ =	swait.ge [sflag:s21], $0x4000  }
0x7c: {  	[sflag:s21] =	ssyncset.done $0x0  }
0x7d: {  	[sflag:s21] =	ssyncadd.s32 $0xFFFFC000  }
0x7e: {  	[tilespmem:s24], [sflag:$0x2] =	stream.indirect.gather [hbm4b:s4+s23], $0x80, s28, s23, $0xb8;
	[tilespmem:$0x1E800] =	vst v63  }
0x7f: {  	_ =	swait.ge [sflag:s25], $0x4000  }
0x80: {  	[sflag:s25] =	ssyncset.done $0x0  }
0x81: {  	[sflag:s25] =	ssyncadd.s32 $0xFFFFC000  }
0x82: {  	[spmem:s2] =	stream.indirect.scatter.add.f32 [tilespmem:s20], [sflag:$0x3], $0x80, s29, s23, $0xb8;
	[tilespmem:$0x1E800] =	vst v63  }
0x83: {  	_ =	swait.ge [sflag:s21], $0x4000  }
0x84: {  	[sflag:s21] =	ssyncset.done $0x0  }
0x85: {  	[sflag:s21] =	ssyncadd.s32 $0xFFFFC000  }
0x86: {  	_ =	swait.ge [sflag:s26], $0x4000  }
0x87: {  	[sflag:s26] =	ssyncset.done $0x0  }
0x88: {  	[sflag:s26] =	ssyncadd.s32 $0xFFFFC000  }
0x89: {  	[spmem:s2] =	stream.indirect.scatter.add.f32 [tilespmem:s24], [sflag:$0x3], $0x80, s30, s23, $0xb8;
	[tilespmem:$0x1E800] =	vst v63  }
0x8a: {  	_ =	swait.ge [sflag:s21], $0x4000  }
0x8b: {  	[sflag:s21] =	ssyncset.done $0x0  }
0x8c: {  	s11 =	simm.s32 $0x0;
	s12 =	rddreg [dreg:$0x6];
	[sflag:s21] =	ssyncadd.s32 $0xFFFFC000  }
0x8d: {  	[tilespmem:s11], [sflag:$0x3] =	stream.linear.gather [hbm4b:s12+s11], $0x1400, $0x38;
	[tilespmem:$0x1E800] =	vst v63  }
0x8e: {  	_ =	swait.ge [sflag:s21], $0x1400  }
0x8f: {  	[sflag:s21] =	ssyncset.done $0x0  }
0x90: {  	[sflag:s21] =	ssyncadd.s32 $0xFFFFEC00  }
0x91: {  	[tilespmem:s22], [sflag:$0x3] =	stream.linear.gather [hbm4b:s13+s11], $0x1400, $0x38;
	[tilespmem:$0x1E800] =	vst v63  }
0x92: {  	_ =	swait.ge [sflag:s21], $0x1400  }
0x93: {  	[sflag:s21] =	ssyncset.done $0x0  }
0x94: {  	[sflag:s21] =	ssyncadd.s32 $0xFFFFEC00  }
0x95: {  	[tilespmem:s20], [sflag:$0x1] =	stream.indirect.gather [hbm4b:s4+s23], $0x80, s11, s23, $0xb8;
	[tilespmem:$0x1E800] =	vst v63  }
0x96: {  	s1 =	simm.s32 $0x80  }
0x97: {  	[tilespmem:s24], [sflag:$0x2] =	stream.indirect.gather [hbm4b:s4+s23], $0x80, s1, s23, $0xb8;
	[tilespmem:$0x1E800] =	vst v63  }
0x98: {  	_ =	swait.ge [sflag:s25], $0x4000  }
0x99: {  	[sflag:s25] =	ssyncset.done $0x0  }
0x9a: {  	s10 =	simm.s32 $0x1400;
	[sflag:s25] =	ssyncadd.s32 $0xFFFFC000  }
0x9b: {  	[spmem:s2] =	stream.indirect.scatter.add.f32 [tilespmem:s20], [sflag:$0x3], $0x80, s10, s23, $0xb8;
	[tilespmem:$0x1E800] =	vst v63  }
0x9c: {  	_ =	swait.ge [sflag:s21], $0x4000  }
0x9d: {  	[sflag:s21] =	ssyncset.done $0x0  }
0x9e: {  	s11 =	simm.s32 $0x100;
	[sflag:s21] =	ssyncadd.s32 $0xFFFFC000  }
0x9f: {  	[tilespmem:s20], [sflag:$0x1] =	stream.indirect.gather [hbm4b:s4+s23], $0x80, s11, s23, $0xb8;
	[tilespmem:$0x1E800] =	vst v63  }
0xa0: {  	_ =	swait.ge [sflag:s26], $0x4000  }
0xa1: {  	[sflag:s26] =	ssyncset.done $0x0  }
0xa2: {  	s12 =	simm.s32 $0x1480;
	[sflag:s26] =	ssyncadd.s32 $0xFFFFC000  }
0xa3: {  	[spmem:s2] =	stream.indirect.scatter.add.f32 [tilespmem:s24], [sflag:$0x3], $0x80, s12, s23, $0xb8;
	[tilespmem:$0x1E800] =	vst v63  }
0xa4: {  	_ =	swait.ge [sflag:s21], $0x4000  }
0xa5: {  	s0 =	simm.s32 $0x100;
	s1 =	simm.s32 $0x800;
	[sflag:s21] =	ssyncset.done $0x0  }
.LBB2_6:
0xa6: {  	s10 =	sadd.s32 $0x80, s0  }
0xa7: {  	[sflag:s21] =	ssyncadd.s32 $0xFFFFC000;
	s11 =	smov.u32 s1;
	s12 =	sadd.s32 $0x400, s1  }
0xa8: {  	[tilespmem:s24], [sflag:$0x2] =	stream.indirect.gather [hbm4b:s4+s23], $0x80, s10, s23, $0xb8;
	[tilespmem:$0x1E800] =	vst v63  }
0xa9: {  	p0 =	sne.s32 s1, $0x4800;
	_ =	swait.ge [sflag:s25], $0x4000  }
0xaa: {  	[sflag:s25] =	ssyncset.done $0x0  }
0xab: {  	s1 =	sadd.s32 $0x1400, s0;
	[sflag:s25] =	ssyncadd.s32 $0xFFFFC000  }
0xac: {  	[spmem:s2] =	stream.indirect.scatter.add.f32 [tilespmem:s20], [sflag:$0x3], $0x80, s1, s23, $0xb8;
	[tilespmem:$0x1E800] =	vst v63  }
0xad: {  	_ =	swait.ge [sflag:s21], $0x4000  }
0xae: {  	[sflag:s21] =	ssyncset.done $0x0  }
0xaf: {  	s1 =	sadd.s32 $0x100, s0;
	[sflag:s21] =	ssyncadd.s32 $0xFFFFC000  }
0xb0: {  	[tilespmem:s20], [sflag:$0x1] =	stream.indirect.gather [hbm4b:s4+s23], $0x80, s1, s23, $0xb8;
	[tilespmem:$0x1E800] =	vst v63  }
0xb1: {  	_ =	swait.ge [sflag:s26], $0x4000  }
.Ltmp2:
0xb2: {  	[sflag:s26] =	ssyncset.done $0x0;
	(pc) =	sbr.rel @p0 .LBB2_6-.Ltmp2, $4  }
0xb3: {  	s0 =	sadd.s32 $0x1480, s0;
	[sflag:s26] =	ssyncadd.s32 $0xFFFFC000  }
0xb4: {  	[spmem:s2] =	stream.indirect.scatter.add.f32 [tilespmem:s24], [sflag:$0x3], $0x80, s0, s23, $0xb8;
	[tilespmem:$0x1E800] =	vst v63  }
0xb5: {  	_ =	swait.ge [sflag:s21], $0x4000  }
0xb6: {  	s1 =	smov.u32 s12;
	s0 =	sshra.s32 s11, $0x2;
	[sflag:s21] =	ssyncset.done $0x0  }
0xb7: {  	s1 =	sadd.s32 $0x80, s0;
	[sflag:s21] =	ssyncadd.s32 $0xFFFFC000  }
0xb8: {  	[tilespmem:s24], [sflag:$0x2] =	stream.indirect.gather [hbm4b:s4+s23], $0x80, s1, s23, $0xb8;
	[tilespmem:$0x1E800] =	vst v63  }
0xb9: {  	_ =	swait.ge [sflag:s25], $0x4000  }
0xba: {  	[sflag:s25] =	ssyncset.done $0x0  }
0xbb: {  	s10 =	sadd.s32 $0x1400, s0;
	[sflag:s25] =	ssyncadd.s32 $0xFFFFC000  }
0xbc: {  	[spmem:s2] =	stream.indirect.scatter.add.f32 [tilespmem:s20], [sflag:$0x3], $0x80, s10, s23, $0xb8;
	[tilespmem:$0x1E800] =	vst v63  }
0xbd: {  	_ =	swait.ge [sflag:s21], $0x4000  }
0xbe: {  	[sflag:s21] =	ssyncset.done $0x0  }
0xbf: {  	s11 =	sadd.s32 $0x100, s0;
	[sflag:s21] =	ssyncadd.s32 $0xFFFFC000  }
0xc0: {  	[tilespmem:s20], [sflag:$0x1] =	stream.indirect.gather [hbm4b:s4+s23], $0x80, s11, s23, $0xb8;
	[tilespmem:$0x1E800] =	vst v63  }
0xc1: {  	_ =	swait.ge [sflag:s26], $0x4000  }
0xc2: {  	[sflag:s26] =	ssyncset.done $0x0  }
0xc3: {  	s12 =	sadd.s32 $0x1480, s0;
	[sflag:s26] =	ssyncadd.s32 $0xFFFFC000  }
0xc4: {  	[spmem:s2] =	stream.indirect.scatter.add.f32 [tilespmem:s24], [sflag:$0x3], $0x80, s12, s23, $0xb8;
	[tilespmem:$0x1E800] =	vst v63  }
0xc5: {  	_ =	swait.ge [sflag:s21], $0x4000  }
0xc6: {  	[sflag:s21] =	ssyncset.done $0x0  }
0xc7: {  	[sflag:s21] =	ssyncadd.s32 $0xFFFFC000  }
0xc8: {  	[tilespmem:s24], [sflag:$0x2] =	stream.indirect.gather [hbm4b:s4+s23], $0x80, s28, s23, $0xb8;
	[tilespmem:$0x1E800] =	vst v63  }
0xc9: {  	_ =	swait.ge [sflag:s25], $0x4000  }
0xca: {  	[sflag:s25] =	ssyncset.done $0x0  }
0xcb: {  	[sflag:s25] =	ssyncadd.s32 $0xFFFFC000  }
0xcc: {  	[spmem:s2] =	stream.indirect.scatter.add.f32 [tilespmem:s20], [sflag:$0x3], $0x80, s29, s23, $0xb8;
	[tilespmem:$0x1E800] =	vst v63  }
0xcd: {  	_ =	swait.ge [sflag:s21], $0x4000  }
0xce: {  	[sflag:s21] =	ssyncset.done $0x0  }
0xcf: {  	[sflag:s21] =	ssyncadd.s32 $0xFFFFC000  }
0xd0: {  	_ =	swait.ge [sflag:s26], $0x4000  }
0xd1: {  	[sflag:s26] =	ssyncset.done $0x0  }
0xd2: {  	[sflag:s26] =	ssyncadd.s32 $0xFFFFC000  }
0xd3: {  	[spmem:s2] =	stream.indirect.scatter.add.f32 [tilespmem:s24], [sflag:$0x3], $0x80, s30, s23, $0xb8;
	[tilespmem:$0x1E800] =	vst v63  }
0xd4: {  	_ =	swait.ge [sflag:s21], $0x4000  }
0xd5: {  	[sflag:s21] =	ssyncset.done $0x0  }
0xd6: {  	[sflag:s21] =	ssyncadd.s32 $0xFFFFC000  }
0xd7: {  	[bflag:$0x0] =	sbarrier.arrive $0xFFFF  }
0xd8: {  	[tilespmem:s20], [sflag:$0x3] =	stream.linear.gather [spmem:s5], $0x4000, $0x38;
	[tilespmem:$0x1E800] =	vst v63  }
0xd9: {  	_ =	swait.ge [sflag:s21], $0x4000  }
0xda: {  	[sflag:s21] =	ssyncset.done $0x0  }
0xdb: {  	[sflag:s21] =	ssyncadd.s32 $0xFFFFC000  }
0xdc: {  	[hbm4b:s14+s3] =	stream.linear.scatter [tilespmem:s20], [sflag:$0x1], $0x4000, $0x38;
	[tilespmem:$0x1E800] =	vst v63  }
0xdd: {  	_ = 	snop  }
0xde: {  	[tilespmem:s24], [sflag:$0x3] =	stream.linear.gather [spmem:s6], $0x4000, $0x38;
	[tilespmem:$0x1E800] =	vst v63  }
0xdf: {  	_ =	swait.ge [sflag:s21], $0x4000  }
0xe0: {  	[sflag:s21] =	ssyncset.done $0x0  }
0xe1: {  	[sflag:s21] =	ssyncadd.s32 $0xFFFFC000  }
0xe2: {  	[hbm4b:s15+s3] =	stream.linear.scatter [tilespmem:s24], [sflag:$0x2], $0x4000, $0x38;
	[tilespmem:$0x1E800] =	vst v63  }
0xe3: {  	_ =	swait.ge [sflag:s25], $0x4000  }
0xe4: {  	[sflag:s25] =	ssyncset.done $0x0  }
0xe5: {  	[sflag:s25] =	ssyncadd.s32 $0xFFFFC000  }
0xe6: {  	[tilespmem:s20], [sflag:$0x3] =	stream.linear.gather [spmem:s7], $0x4000, $0x38;
	[tilespmem:$0x1E800] =	vst v63  }
0xe7: {  	_ =	swait.ge [sflag:s21], $0x4000  }
0xe8: {  	[sflag:s21] =	ssyncset.done $0x0  }
0xe9: {  	[sflag:s21] =	ssyncadd.s32 $0xFFFFC000  }
0xea: {  	[hbm4b:s16+s3] =	stream.linear.scatter [tilespmem:s20], [sflag:$0x1], $0x4000, $0x38;
	[tilespmem:$0x1E800] =	vst v63  }
0xeb: {  	_ =	swait.ge [sflag:s26], $0x4000  }
0xec: {  	[sflag:s26] =	ssyncset.done $0x0  }
0xed: {  	[sflag:s26] =	ssyncadd.s32 $0xFFFFC000  }
0xee: {  	[tilespmem:s24], [sflag:$0x3] =	stream.linear.gather [spmem:s8], $0x4000, $0x38;
	[tilespmem:$0x1E800] =	vst v63  }
0xef: {  	_ =	swait.ge [sflag:s21], $0x4000  }
0xf0: {  	[sflag:s21] =	ssyncset.done $0x0  }
0xf1: {  	[sflag:s21] =	ssyncadd.s32 $0xFFFFC000  }
0xf2: {  	[hbm4b:s17+s3] =	stream.linear.scatter [tilespmem:s24], [sflag:$0x2], $0x4000, $0x38;
	[tilespmem:$0x1E800] =	vst v63  }
0xf3: {  	_ =	swait.ge [sflag:s25], $0x4000  }
0xf4: {  	[sflag:s25] =	ssyncset.done $0x0  }
0xf5: {  	[sflag:s25] =	ssyncadd.s32 $0xFFFFC000  }
0xf6: {  	[tilespmem:s20], [sflag:$0x3] =	stream.linear.gather [spmem:s9], $0x4000, $0x38;
	[tilespmem:$0x1E800] =	vst v63  }
0xf7: {  	_ =	swait.ge [sflag:s21], $0x4000  }
0xf8: {  	[sflag:s21] =	ssyncset.done $0x0  }
0xf9: {  	s31 =	sadd.s32 $0x1, s31;
	[sflag:s21] =	ssyncadd.s32 $0xFFFFC000  }
0xfa: {  	[hbm4b:s18+s3] =	stream.linear.scatter [tilespmem:s20], [sflag:$0x1], $0x4000, $0x38;
	[tilespmem:$0x1E800] =	vst v63  }
0xfb: {  	p0 =	sne.s32 s31, s19;
	_ =	swait.ge [sflag:s26], $0x4000  }
.Ltmp3:
0xfc: {  	[sflag:s26] =	ssyncset.done $0x0;
	(pc) =	sbr.rel @p0 .LBB2_1-.Ltmp3, $4  }
0xfd: {  	[sflag:s26] =	ssyncadd.s32 $0xFFFFC000  }
0xfe: {  	_ =	swait.ge [sflag:s25], $0x4000  }
0xff: {  	[sflag:s25] =	ssyncset.done $0x0  }
0x100: {  	[sflag:s25] =	ssyncadd.s32 $0xFFFFC000  }
0x101: {  	_ =	sfence.sel $0x180000  }
0x102: {  	[bflag:$0x0] =	sbarrier.arrive $0xFFFF  }
0x103: {  	_ =	strace $0x9000004D  }
0x104: {  	s0 =	stileid.u32;
	[bflag:$0x2] =	sbarrier.arrive $0xFFFF  }
0x105: {  	p0 =	sne.s32 s0, $0x0;
	s0 =	rddreg [dreg:$0x3]  }
0x106: {  	s0 =	sadd.s32 @!p0 $0x100000, s0  }
0x107: {  	[sflag:s0] =	ssyncadd.tile.s32 @!p0 $0x1;
	_ =	shalt  }
.Lfunc_end2:
_tile_overlayer_lowered:
.L_overlay_start_2:
0x108: {  	(tag) =	ssettag $0x2  }
0x109: {  	s0 =	rddreg [dreg:$0x0];
	s2 =	stileid.u32  }
0x10a: {  	s1 =	rddreg [dreg:$0x1];
	p0 =	sne.s32 s2, $0x0  }
0x10b: {  	s3 =	rddreg [dreg:$0x2];
	[bflag:$0x3] =	sbarrier.arrive $0xFFFF;
	s2 =	simm.s32 @!p0 $0x1C03  }
0x10c: {  	[timem:s3], [sflag:s2] =	dma.local @!p0 [hbm:s0], s1  }
0x10d: {  	s0 =	simm.s32 @!p0 $0x3  }
0x10e: {  	_ =	swait.ge @!p0 [sflag:s0], s1  }
0x10f: {  	s1 =	ssub.s32 @!p0 $0x0, s1;
	[sflag:s0] =	ssyncset.done @!p0 $0x0  }
0x110: {  	[sflag:s0] =	ssyncadd.s32 @!p0 s1  }
0x111: {  	[bflag:$0x3] =	sbarrier.arrive $0xFFFF  }
0x112: {  	_ =	shalt  }

// kernel: _run.8.cloned.1.call-start
scs
__scs_entry_jumppad:
0x0: {  	(pc) =	sbr.rel $0x88, $3  }
0x1: {  	(tag) =	ssettag $0x0;
	lr =	simm.s32 $0x1  }
0x2: {  	[smem:$0x3F97] =	sst lr;
	_ =	strace $0xD0000000  }
0x3: {  	_ = 	snop  }
0x4: {  	_ = 	snop  }
0x5: {  	_ = 	snop  }
0x6: {  	_ = 	snop  }
0x7: {  	_ = 	snop  }
__scs_overlays_trampoline_lowered:
0x8: {  	[smem:$0x3FA6] =	sst s0  }
0x9: {  	[smem:$0x3FA7] =	sst s1  }
0xa: {  	[smem:$0x3FA8] =	sst s2  }
0xb: {  	[smem:$0x3FA9] =	sst s3  }
0xc: {  	[smem:$0x3FAA] =	sst s4  }
0xd: {  	[smem:$0x3FAB] =	sst s5  }
0xe: {  	[smem:$0x3FAC] =	sst s6  }
0xf: {  	[smem:$0x3FAD] =	sst s7  }
0x10: {  	[smem:$0x3FAE] =	sst s8  }
0x11: {  	[smem:$0x3FAF] =	sst s9;
	s0 =	simm.s32 @!p0 $0x0  }
0x12: {  	s1 =	sld [smem:$0x3F95];
	s0 =	simm.s32 @p0 $0x1  }
0x13: {  	[smem:$0x3FB0] =	sst s0;
	s0 =	simm.s32 @!p1 $0x0  }
0x14: {  	s2 =	sld [smem:$0x3F94];
	s0 =	simm.s32 @p1 $0x1  }
0x15: {  	[smem:$0x3FB1] =	sst s0;
	s0 =	simm.s32 @!p2 $0x0  }
0x16: {  	s3 =	sld [smem:$0x3FDB];
	s0 =	simm.s32 @p2 $0x1  }
0x17: {  	s4 =	simm.s32 $0x1BF5;
	[smem:$0x3FB3] =	sst s0  }
0x18: {  	s0 =	sld [smem:$0x3F96];
	_ =	swait.ge [sflag:s4], $0x0  }
0x19: {  	s7 =	sld [smem:$0x3F97]  }
0x1a: {  	s8 =	sadd.s32 $0xFFFFE003, lr  }
0x1b: {  	s9 =	sadd.s32 $0xFFFFFEF7, lr;
	s5 =	simm.s32 $0xFFFFFFFF;
	p2 =	slt.u32 s8, $0xFFFFF086  }
0x1c: {  	p1 =	slt.u32 s9, $0xF7A;
	s5 =	simm.s32 @!p2 $0x0  }
0x1d: {  	s5 =	simm.s32 @p1 $0x1;
	p0 =	seq.s32 s7, s2  }
0x1e: {  	s7 =	smul.u32 @!p0 $0xF7A, s2;
	p2 =	seq.s32 @!p0 s5, $0x0  }
0x1f: {  	s9 =	smul.u32 $0xF7A, s1;
	s8 =	simm.s32 @!p0 $0x1BF5;
	p2 =	por !p2, p0  }
0x20: {  	[sflag:s8] =	ssyncset.s32 @!p0 $0xFFFFF086;
	s6 =	sadd.s32 @!p0 s3, s7;
	s7 =	simm.s32 @!p0 $0x108  }
0x21: {  	s3 =	sadd.s32 s3, s9;
	s6 =	sadd.s32 @!p0 $0x88, s6;
	s7 =	simm.s32 @p2 $0x1082  }
0x22: {  	[simem:s7], [sflag:s8] =	dma.local @!p0 [hbm:s6], $0xF7A  }
0x23: {  	s9 =	sor.u32 $0xD0000000, s2;
	s6 =	simm.s32 $0x108;
	_ =	swait.ge @!p0 [sflag:s8], $0x0  }
0x24: {  	s3 =	sadd.s32 $0x88, s3;
	s6 =	simm.s32 @!p1 $0x1082;
	[sflag:s4] =	ssyncset.s32 $0xFFFFF086  }
0x25: {  	[simem:s6], [sflag:s4] =	dma.local [hbm:s3], $0xF7A  }
0x26: {  	[smem:$0x3F97] =	sst s1;
	(tag) =	ssettag s2;
	_ =	strace s9  }
0x27: {  	s1 =	sld [smem:$0x3FA7]  }
0x28: {  	s2 =	sld [smem:$0x3FA8]  }
0x29: {  	s4 =	sld [smem:$0x3FAA]  }
0x2a: {  	p0 =	seq.s32 s5, $0x0;
	s5 =	sld [smem:$0x3FAB]  }
0x2b: {  	s6 =	sld [smem:$0x3FAC]  }
0x2c: {  	s7 =	sld [smem:$0x3FAD]  }
0x2d: {  	s3 =	simm.s32 $0x108;
	s8 =	sld [smem:$0x3FAE]  }
0x2e: {  	s3 =	simm.s32 @!p0 $0x1082;
	s9 =	sld [smem:$0x3FAF]  }
0x2f: {  	lr =	sadd.s32 s0, s3;
	s0 =	sld [smem:$0x3FA6]  }
0x30: {  	s3 =	sld [smem:$0x3FA9]  }
0x31: {  	[smem:$0x3FB2] =	sst s10  }
0x32: {  	s10 =	sld [smem:$0x3FB0];
	_ =	sdelay $0x3  }
0x33: {  	p0 =	seq.s32 s10, $0x1;
	s10 =	sld [smem:$0x3FB2];
	_ =	sdelay $0x3  }
0x34: {  	[smem:$0x3FB2] =	sst s10  }
0x35: {  	s10 =	sld [smem:$0x3FB1];
	_ =	sdelay $0x3  }
0x36: {  	p1 =	seq.s32 s10, $0x1;
	s10 =	sld [smem:$0x3FB2];
	_ =	sdelay $0x3  }
0x37: {  	[smem:$0x3FB2] =	sst s10  }
0x38: {  	s10 =	sld [smem:$0x3FB3]  }
0x39: {  	_ = 	snop;
	(pc) =	sbr.ind lr, $3  }
0x3a: {  	_ = 	snop  }
0x3b: {  	_ = 	snop  }
0x3c: {  	p2 =	seq.s32 s10, $0x1;
	s10 =	sld [smem:$0x3FB2]  }
0x3d: {  	_ =	shalt  }
0x3e: {  	_ =	shalt  }
0x3f: {  	_ =	shalt  }
0x40: {  	_ =	shalt  }
0x41: {  	_ =	shalt  }
0x42: {  	_ =	shalt  }
0x43: {  	_ =	shalt  }
0x44: {  	_ =	shalt  }
0x45: {  	_ =	shalt  }
0x46: {  	_ =	shalt  }
0x47: {  	_ =	shalt  }
0x48: {  	_ =	shalt  }
0x49: {  	_ =	shalt  }
0x4a: {  	_ =	shalt  }
0x4b: {  	_ =	shalt  }
0x4c: {  	_ =	shalt  }
0x4d: {  	_ =	shalt  }
0x4e: {  	_ =	shalt  }
0x4f: {  	_ =	shalt  }
0x50: {  	_ =	shalt  }
0x51: {  	_ =	shalt  }
0x52: {  	_ =	shalt  }
0x53: {  	_ =	shalt  }
0x54: {  	_ =	shalt  }
0x55: {  	_ =	shalt  }
0x56: {  	_ =	shalt  }
0x57: {  	_ =	shalt  }
0x58: {  	_ =	shalt  }
0x59: {  	_ =	shalt  }
0x5a: {  	_ =	shalt  }
0x5b: {  	_ =	shalt  }
0x5c: {  	_ =	shalt  }
0x5d: {  	_ =	shalt  }
0x5e: {  	_ =	shalt  }
0x5f: {  	_ =	shalt  }
0x60: {  	_ =	shalt  }
0x61: {  	_ =	shalt  }
0x62: {  	_ =	shalt  }
0x63: {  	_ =	shalt  }
0x64: {  	_ =	shalt  }
0x65: {  	_ =	shalt  }
0x66: {  	_ =	shalt  }
0x67: {  	_ =	shalt  }
0x68: {  	_ =	shalt  }
0x69: {  	_ =	shalt  }
0x6a: {  	_ =	shalt  }
0x6b: {  	_ =	shalt  }
0x6c: {  	_ =	shalt  }
0x6d: {  	_ =	shalt  }
0x6e: {  	_ =	shalt  }
0x6f: {  	_ =	shalt  }
0x70: {  	_ =	shalt  }
0x71: {  	_ =	shalt  }
0x72: {  	_ =	shalt  }
0x73: {  	_ =	shalt  }
0x74: {  	_ =	shalt  }
0x75: {  	_ =	shalt  }
0x76: {  	_ =	shalt  }
0x77: {  	_ =	shalt  }
0x78: {  	_ =	shalt  }
0x79: {  	_ =	shalt  }
0x7a: {  	_ =	shalt  }
0x7b: {  	_ =	shalt  }
0x7c: {  	_ =	shalt  }
0x7d: {  	_ =	shalt  }
0x7e: {  	_ =	shalt  }
0x7f: {  	_ =	shalt  }
0x80: {  	_ =	shalt  }
0x81: {  	_ =	shalt  }
0x82: {  	_ =	shalt  }
0x83: {  	_ =	shalt  }
0x84: {  	_ =	shalt  }
0x85: {  	_ =	shalt  }
0x86: {  	_ =	shalt  }
0x87: {  	_ =	shalt  }
.Lfunc_end0:
.L_simem_size_0:
called_computation_lowered:
.L_overlay_start_0:
0x88: {  	s2 =	sld [smem:$0x3FD9]  }
0x89: {  	s3 =	sld [smem:$0x3FFE];
	_ =	sdelay $0x1  }
0x8a: {  	s1 =	srdreg.scid  }
0x8b: {  	s0 =	sand.u32 $0x1, s1  }
0x8c: {  	s16 =	sshll.u32 s0, $0xA;
	s2 =	sadd.s32 s3, s2  }
0x8d: {  	s2 =	sadd.s32 s2, s16  }
0x8e: {  	[smem:$0x3FBE] =	sst s2  }
0x8f: {  	_ = 	snop  }
0x90: {  	(tm) =	ssettm $0x1  }
0x91: {  	s17 =	sld [smem:$0x3FFB];
	_ =	sdelay $0x3  }
0x92: {  	_ =	strace s17  }
0x93: {  	s2 =	sld [smem:$0x3FFC];
	_ =	sdelay $0x3  }
0x94: {  	_ =	strace s2  }
0x95: {  	s2 =	sld [smem:$0x3FFD];
	_ =	sdelay $0x3  }
0x96: {  	_ =	strace s2  }
0x97: {  	_ =	strace $0x8FFFFFFF  }
0x98: {  	s18 =	sld [smem:$0x3FDB];
	_ =	sdelay $0x1  }
0x99: {  	s19 =	simm.s32 $_scs_section_size  }
0x9a: {  	s4 =	simm.s32 $_size__tile_overlayer_lowered;
	s5 =	simm.s32 $_tile_overlayer_lowered  }
0x9b: {  	s22 =	simm.s32 $0x1BFF;
	s21 =	sshll.u32 s5, $0x1;
	s2 =	sadd.s32 s19, s18  }
0x9c: {  	s6 =	simm.s32 $0x0;
	s20 =	sshll.u32 s4, $0x1;
	s4 =	sadd.s32 s21, s2  }
0x9d: {  	[timem:s6], [sflag:s22] =	dma.local [hbm:s4], s20  }
0x9e: {  	_ =	swait.ge [sflag:s22], s20  }
0x9f: {  	s3 =	ssub.s32 $0x0, s20;
	[sflag:s22] =	ssyncset.done $0x0  }
0xa0: {  	[sflag:s22] =	ssyncadd.s32 s3;
	_ =	sdelay $0x1  }
0xa1: {  	s23 =	simm.s32 $0x1B8B  }
0xa2: {  	_ =	swait.ge [sflag:s23], $0x1  }
0xa3: {  	[sflag:s23] =	ssyncset.done $0x0  }
0xa4: {  	s25 =	simm.s32 $0x1B8E;
	s24 =	sld [smem:$0x3FFE];
	[sflag:s23] =	ssyncadd.s32 $0xFFFFFFFF  }
0xa5: {  	s26 =	simm.s32 $execute0_lowered;
	[smem:$0x3FD2] =	sst s25  }
0xa6: {  	s4 =	sshll.u32 s26, $0x1;
	_ =	strace $0x80000046;
	[dreg:$0x1] =	wrdreg $0xFFFFFFFF  }
0xa7: {  	s28 =	simm.s32 $_size_execute0_lowered;
	s2 =	sadd.s32 s2, s4;
	[dreg:$0x0] =	wrdreg $0x0  }
0xa8: {  	s4 =	sshll.u32 s28, $0x1;
	[dreg:$0x2] =	wrdreg s2  }
0xa9: {  	[dreg:$0x3] =	wrdreg s4  }
0xaa: {  	[dreg:$0x4] =	wrdreg $0xC0  }
0xab: {  	_ =	task [dreg:s6], $0x5FFFF  }
0xac: {  	[dreg:$0x1] =	wrdreg $0xFFFFFFFF  }
0xad: {  	[dreg:$0x0] =	wrdreg $0x60  }
0xae: {  	[dreg:$0x2] =	wrdreg s24  }
0xaf: {  	[dreg:$0x3] =	wrdreg $0x9  }
0xb0: {  	_ =	task.clear_ibuf [dreg:s6], $0x4FFFF;
	_ =	strace $0x90000046  }
0xb1: {  	s29 =	simm.s32 $0x9;
	_ =	strace $0x80000048  }
0xb2: {  	_ =	swait.ge [sflag:s29], $0x1  }
0xb3: {  	[sflag:s29] =	ssyncadd.s32 $0xFFFFFFFF  }
0xb4: {  	_ =	strace $0x90000048  }
0xb5: {  	_ =	sfence  }
0xb6: {  	s30 =	sld [smem:$0x0];
	_ =	sdelay $0x2  }
0xb7: {  	s31 =	sshll.u32 s1, $0xD;
	s1 =	sshrl.u32 s1, $0x2  }
0xb8: {  	s3 =	sand.u32 $0x4000, s31;
	s1 =	sadd.s32 s1, s30  }
0xb9: {  	s0 =	sor.u32 s3, s0;
	s1 =	sshll.u32 s1, $0x11  }
0xba: {  	s0 =	sor.u32 s1, s0  }
0xbb: {  	s0 =	sadd.s32 $0x8F2B, s0  }
0xbc: {  	[sflag:s0] =	ssyncadd.remote.s32 $0x1  }
0xbd: {  	_ =	sfence.sel $0xFFFF  }
0xbe: {  	[dreg:$0x0] =	wrdreg $0xFFFFFFFF;
	(pc) =	sbr.abs _section_cstart, $3  }
0xbf: {  	[dreg:$0x1] =	wrdreg $0xFFFFFFFF  }
0xc0: {  	_ =	task.clear_ibuf [dreg:s6], $0x2FFFF;
	_ =	strace $0x9FFFFFFF  }
0xc1: {  	(tm) =	ssettm $0x7FFFFFFF  }
tec
execute0_lowered:
.L_overlay_start_1:
0x0: {  	(tag) =	ssettag $0x1  }
0x1: {  	s0 =	srdreg.scid  }
0x2: {  	s5 =	rddreg [dreg:$0x0];
	s3 =	sand.u32 $0x1, s0  }
0x3: {  	s2 =	simm.s32 $0x0;
	s0 =	stileid.u32;
	s1 =	sshll.u32 s3, $0x4  }
0x4: {  	s8 =	simm.s32 $0x80;
	s9 =	simm.s32 $0x400;
	s4 =	sor.u32 s0, s1  }
0x5: {  	s10 =	simm.s32 $0x0;
	[smem:$0x7FF] =	sst s2;
	s1 =	sshrl.u32 s4, $0x3  }
0x6: {  	s7 =	sshll.u32 s0, $0x7;
	s3 =	ssub.s32 $0x2, s3;
	s6 =	smul.u32 $0x14000, s1  }
0x7: {  	s7 =	sand.u32 $0x380, s7;
	s31 =	sshrl.u32 s3, $0x1;
	s4 =	smul.u32 $0x280, s4  }
0x8: {  	s1 =	rddreg [dreg:$0x1];
	_ =	strace $0x80000047;
	s6 =	sor.u32 s7, s6  }
0x9: {  	s4 =	sadd.s32 s4, s5;
	s7 =	simm.s32 $0x1400;
	s6 =	sshrl.u32 s6, $0x3  }
0xa: {  	s5 =	sadd.s32 s6, s5;
	s6 =	ssub.s32 s3, s31;
	s3 =	sadd.s32 $0x2400, s4  }
0xb: {  	v0 =	vimm.f32 $0.0e+00;
	v1 =	vimm.f32 $1.000000000e+00;
	s4 =	sadd.s32 $0x7400, s5;
	s5 =	smax.u32 s6, $0x1;
	s6 =	simm.s32 $0x1  }
.LBB2_1:
0xc: {  	[tilespmem:s2], [sflag:$0x1] =	stream.linear.gather [hbm4b:s3+s2], $0x1400, $0x38;
	[tilespmem:$0x3C00] =	vst v63  }
0xd: {  	_ =	swait.ge [sflag:s6], $0x1400  }
0xe: {  	[sflag:s6] =	ssyncset.done $0x0  }
0xf: {  	s11 =	simm.s32 $0x0;
	s12 =	simm.s32 $0x200;
	[sflag:s6] =	ssyncadd.s32 $0xFFFFEC00  }
.LBB2_2:
0x10: {  	p0 =	sne.s32 s12, $0x9E00;
	[tilespmem:s11+$0x1470] =	vst v0  }
0x11: {  	[tilespmem:s11+$0x1400] =	vst v0  }
0x12: {  	[tilespmem:s11+$0x1410] =	vst v0  }
.Ltmp0:
0x13: {  	[tilespmem:s11+$0x1420] =	vst v0;
	(pc) =	sbr.rel @p0 .LBB2_2-.Ltmp0, $4  }
0x14: {  	[tilespmem:s11+$0x1430] =	vst v0  }
0x15: {  	[tilespmem:s11+$0x1440] =	vst v0  }
0x16: {  	[tilespmem:s11+$0x1450] =	vst v0  }
0x17: {  	[tilespmem:s11+$0x1460] =	vst v0;
	s11 =	sshra.s32 s12, $0x2;
	s12 =	sadd.s32 $0x200, s12  }
0x18: {  	[tilespmem:s11+$0x1470] =	vst v0  }
0x19: {  	[tilespmem:s11+$0x1400] =	vst v0  }
0x1a: {  	[tilespmem:s11+$0x1410] =	vst v0  }
0x1b: {  	[tilespmem:s11+$0x1420] =	vst v0  }
0x1c: {  	[tilespmem:s11+$0x1430] =	vst v0  }
0x1d: {  	[tilespmem:s11+$0x1440] =	vst v0  }
0x1e: {  	[tilespmem:s11+$0x1450] =	vst v0  }
0x1f: {  	[tilespmem:s11+$0x1460] =	vst v0;
	s11 =	simm.s32 $0x0  }
.LBB2_4:
0x20: {  	s12 =	sshra.s32 s11, $0x2  }
0x21: {  	v2 =	vld [tilespmem:s12+$0x0];
	_ =	sdelay $0x7  }
0x22: {  	[tilespmem:v2+s7+$0x0] =	vst.idx.add.f32.msk $0xffff, v1  }
0x23: {  	v2 =	vld [tilespmem:s12+$0x10];
	_ =	sdelay $0x7  }
0x24: {  	[tilespmem:v2+s7+$0x0] =	vst.idx.add.f32.msk $0xffff, v1  }
0x25: {  	v2 =	vld [tilespmem:s12+$0x20];
	_ =	sdelay $0x7  }
0x26: {  	[tilespmem:v2+s7+$0x0] =	vst.idx.add.f32.msk $0xffff, v1  }
0x27: {  	v2 =	vld [tilespmem:s12+$0x30];
	_ =	sdelay $0x7  }
0x28: {  	[tilespmem:v2+s7+$0x0] =	vst.idx.add.f32.msk $0xffff, v1  }
0x29: {  	v2 =	vld [tilespmem:s12+$0x40];
	_ =	sdelay $0x7  }
0x2a: {  	[tilespmem:v2+s7+$0x0] =	vst.idx.add.f32.msk $0xffff, v1  }
0x2b: {  	v2 =	vld [tilespmem:s12+$0x50];
	_ =	sdelay $0x7  }
0x2c: {  	[tilespmem:v2+s7+$0x0] =	vst.idx.add.f32.msk $0xffff, v1  }
0x2d: {  	v2 =	vld [tilespmem:s12+$0x60];
	_ =	sdelay $0x7  }
0x2e: {  	[tilespmem:v2+s7+$0x0] =	vst.idx.add.f32.msk $0xffff, v1  }
0x2f: {  	v2 =	vld [tilespmem:s12+$0x70];
	_ =	sdelay $0x2  }
0x30: {  	p0 =	sne.s32 s11, $0x4E00  }
.Ltmp1:
0x31: {  	_ = 	snop;
	(pc) =	sbr.rel @p0 .LBB2_4-.Ltmp1, $2  }
0x32: {  	_ =	sdelay $0x2  }
0x33: {  	s11 =	sadd.s32 $0x200, s11;
	[tilespmem:v2+s7+$0x0] =	vst.idx.add.f32.msk $0xffff, v1  }
0x34: {  	s10 =	sadd.s32 $0x1, s10  }
0x35: {  	p0 =	sne.s32 s10, s5  }
.Ltmp2:
0x36: {  	_ = 	snop;
	(pc) =	sbr.rel @p0 .LBB2_1-.Ltmp2, $4  }
0x37: {  	[hbm4b:s4+s8] =	stream.strided.scatter [tilespmem:s7], [sflag:$0x1], $0x2800, s9, s8, $0x38;
	[tilespmem:$0x3C00] =	vst v63  }
0x38: {  	_ =	swait.ge [sflag:s6], $0x2800  }
0x39: {  	[sflag:s6] =	ssyncset.done $0x0  }
0x3a: {  	[sflag:s6] =	ssyncadd.s32 $0xFFFFD800  }
0x3b: {  	_ =	sfence.sel $0x180000  }
0x3c: {  	[bflag:$0x0] =	sbarrier.arrive $0xFFFF  }
0x3d: {  	p0 =	sne.s32 s0, $0x0;
	_ =	strace $0x90000047  }
0x3e: {  	s0 =	sadd.s32 @!p0 $0x100000, s1;
	[bflag:$0x2] =	sbarrier.arrive $0xFFFF  }
0x3f: {  	[sflag:s0] =	ssyncadd.tile.s32 @!p0 $0x1;
	_ =	shalt  }
.Lfunc_end2:
_tile_overlayer_lowered:
.L_overlay_start_2:
0x40: {  	(tag) =	ssettag $0x2  }
0x41: {  	s0 =	rddreg [dreg:$0x0];
	s2 =	stileid.u32  }
0x42: {  	s1 =	rddreg [dreg:$0x1];
	p0 =	sne.s32 s2, $0x0  }
0x43: {  	s3 =	rddreg [dreg:$0x2];
	[bflag:$0x3] =	sbarrier.arrive $0xFFFF;
	s2 =	simm.s32 @!p0 $0x1C01  }
0x44: {  	[timem:s3], [sflag:s2] =	dma.local @!p0 [hbm:s0], s1  }
0x45: {  	s0 =	simm.s32 @!p0 $0x1  }
0x46: {  	_ =	swait.ge @!p0 [sflag:s0], s1  }
0x47: {  	s1 =	ssub.s32 @!p0 $0x0, s1;
	[sflag:s0] =	ssyncset.done @!p0 $0x0  }
0x48: {  	[sflag:s0] =	ssyncadd.s32 @!p0 s1  }
0x49: {  	[bflag:$0x3] =	sbarrier.arrive $0xFFFF  }
0x4a: {  	_ =	shalt  }

</sc_bundles>
